<compile_context>
chip_gen: v7x
topology: tpu7x:2x2x1
jax: 0.10.2.dev20260603
libtpu: 0.0.44.dev20260713+nightly
codegen_flags: <defaults>
</compile_context>

<pallas_src>
import functools

import jax
import jax.numpy as jnp
from jax import lax
from jax.experimental import pallas as pl
from jax.experimental.pallas import tpu as pltpu
from jax.experimental.pallas import tpu_sc as plsc

B = 4096
L = 200
D = 64
H = 50
S = 4
NW = 32
BPW = B // NW
NBUF = 4
NC = 2

_mesh = plsc.VectorSubcoreMesh(core_axis_name="c", subcore_axis_name="s")


@functools.partial(
    pl.kernel,
    mesh=_mesh,
    out_type=jax.ShapeDtypeStruct((B, D), jnp.float32),
    compiler_params=pltpu.CompilerParams(use_tc_tiling_on_sc=False),
    scratch_types=[
        pltpu.VMEM((S * BPW, H), jnp.int32),
        pltpu.VMEM((BPW, 16), jnp.float32),
        pltpu.VMEM((NBUF, S * H, D), jnp.float32),
        pltpu.VMEM((BPW, D), jnp.float32),
        pltpu.SemaphoreType.DMA,
        pltpu.SemaphoreType.DMA,
        pltpu.SemaphoreType.DMA,
        pltpu.SemaphoreType.DMA,
    ],
)
def _bow_sc(table, idx_hbm, recip_hbm, out_hbm, idx_v, recip_v, bufs, out_v,
            sem0, sem1, sem2, sem3):
    sems = (sem0, sem1, sem2, sem3)
    wid = lax.axis_index("s") * NC + lax.axis_index("c")
    pltpu.sync_copy(idx_hbm.at[pl.ds(wid * (S * BPW), S * BPW)], idx_v)
    pltpu.sync_copy(recip_hbm.at[pl.ds(wid * BPW, BPW)], recip_v)

    def fire(bag, k):
        for j in range(S):
            pltpu.make_async_copy(
                table.at[idx_v.at[S * bag + j]],
                bufs.at[k, pl.ds(j * H, H)], sems[k]).start()

    def wait(k):
        for j in range(S):
            pltpu.make_async_copy(
                table.at[idx_v.at[0]], bufs.at[k, pl.ds(j * H, H)],
                sems[k]).wait()

    def reduce_bag(bag, k):
        def body(r, acc):
            a0, a1, a2, a3 = acc
            a0 = a0 + bufs[k, r, pl.ds(0, 16)]
            a1 = a1 + bufs[k, r, pl.ds(16, 16)]
            a2 = a2 + bufs[k, r, pl.ds(32, 16)]
            a3 = a3 + bufs[k, r, pl.ds(48, 16)]
            return a0, a1, a2, a3

        z = jnp.zeros((16,), jnp.float32)
        a0, a1, a2, a3 = lax.fori_loop(0, S * H, body, (z, z, z, z),
                                       unroll=25)
        rc = recip_v[bag, pl.ds(0, 16)]
        out_v[bag, pl.ds(0, 16)] = a0 * rc
        out_v[bag, pl.ds(16, 16)] = a1 * rc
        out_v[bag, pl.ds(32, 16)] = a2 * rc
        out_v[bag, pl.ds(48, 16)] = a3 * rc

    for k in range(NBUF - 1):
        fire(jnp.int32(k), k)

    def outer(g, carry):
        base = g * NBUF
        for k in range(NBUF):
            bag = base + k
            wait(k)
            nxt = bag + (NBUF - 1)

            @pl.when(nxt < BPW)
            def _():
                fire(nxt, (k + NBUF - 1) % NBUF)

            reduce_bag(bag, k)
        return carry

    lax.fori_loop(0, BPW // NBUF, outer, 0)
    pltpu.sync_copy(out_v, out_hbm.at[pl.ds(wid * BPW, BPW)])


def kernel(x, length, emb_weight):
    idx = x.astype(jnp.int32).reshape(S * B, H)
    recip = jnp.broadcast_to((1.0 / length.astype(jnp.float32))[:, None],
                             (B, 16))
    return _bow_sc(emb_weight, idx, recip)

# --- scband reference (transcript-rebuilt; emitter-appended) ---
"""Pipeline reference for scband-bag-of-words-20779051778128 (READ-ONLY COPY).

The authoritative reference and input builder live on the scoring server;
editing this copy changes nothing except your own understanding.
"""

import jax, jax.numpy as jnp
import numpy as np

VOCAB = 1000000
DIM = 64
B = 4096
L = 200
PAD = 0


def setup_inputs(seed: int = 0) -> dict:
    key = jax.random.key(seed)
    k1, k2, k3 = jax.random.split(key, 3)
    x = jax.random.randint(k1, (B, L), 0, VOCAB)
    # lengths must be >= 1 to avoid division by zero
    length = jax.random.randint(k2, (B,), 1, L + 1)
    # xavier_uniform_ init: bound = sqrt(6 / (fan_in + fan_out))
    bound = float(np.sqrt(6.0 / (VOCAB + DIM)))
    emb_weight = jax.random.uniform(k3, (VOCAB, DIM), minval=-bound, maxval=bound, dtype=jnp.float32)
    # padding_idx row is zero in nn.Embedding
    emb_weight = emb_weight.at[PAD].set(0.0)
    return {"x": x, "length": length, "emb_weight": emb_weight}


def reference(x, length, emb_weight):
    # self.emb(x) -> gather rows: [B, L, D]
    e = jnp.take(emb_weight, x, axis=0)
    # .sum(1) / length.unsqueeze(1).float()
    return e.sum(axis=1) / length[:, None].astype(jnp.float32)

if __name__ == "__main__":
    import jax
    _d = setup_inputs()
    print(jax.jit(kernel)(*tuple(_d.values())))

</pallas_src>

<mosaic_0001>
#map = affine_map<(d0, d1) -> (0, 0)>
module attributes {stable_mosaic.version = 14 : i64} {
  func.func @_bow_sc(%arg0: i32, %arg1: i32, %arg2: memref<1000000x64xf32, #tpu.memory_space<hbm>>, %arg3: memref<16384x50xi32, #tpu.memory_space<hbm>>, %arg4: memref<4096x16xf32, #tpu.memory_space<hbm>>, %arg5: memref<4096x64xf32, #tpu.memory_space<hbm>>, %arg6: memref<512x50xi32, #tpu.memory_space<vmem>>, %arg7: memref<128x16xf32, #tpu.memory_space<vmem>>, %arg8: memref<4x200x64xf32, #tpu.memory_space<vmem>>, %arg9: memref<128x64xf32, #tpu.memory_space<vmem>>, %arg10: memref<!tpu.dma_semaphore, #tpu.memory_space<semaphore_mem>>, %arg11: memref<!tpu.dma_semaphore, #tpu.memory_space<semaphore_mem>>, %arg12: memref<!tpu.dma_semaphore, #tpu.memory_space<semaphore_mem>>, %arg13: memref<!tpu.dma_semaphore, #tpu.memory_space<semaphore_mem>>) attributes {dimension_semantics = [#tpu.dimension_semantics<core_parallel>, #tpu.dimension_semantics<subcore_parallel>], iteration_bounds = array<i64: 2, 16>, scalar_prefetch = 0 : i64, scratch_operands = 8 : i64, tpu.core_type = #tpu.core_type<sc_vector_subcore>, window_params = [{transform_indices = #map}, {transform_indices = #map}, {transform_indices = #map}, {transform_indices = #map}]} {
    %mul3A = arith.constant 2 : i32
    %mul3A_0 = arith.muli %arg1, %mul3A : i32
    %add3A = arith.addi %mul3A_0, %arg0 : i32
    %mul3A_1 = arith.constant 512 : i32
    %mul3A_2 = arith.muli %add3A, %mul3A_1 : i32
    "tpu.region"() ({
      %run_scoped3A = tpu.sem_alloc : memref<!tpu.dma_semaphore, #tpu.memory_space<semaphore_mem>>
      %dma_start3A_203 = arith.constant 0 : i32
      %dma_start3A_204 = tpu.memref_slice %arg3[%mul3A_2, %dma_start3A_203] : memref<16384x50xi32, #tpu.memory_space<hbm>> -> memref<512x50xi32, #tpu.memory_space<hbm>>
      %dma_start3A_205 = arith.constant 0 : i32
      %dma_start3A_206 = tpu.memref_slice %arg3[%mul3A_2, %dma_start3A_205] : memref<16384x50xi32, #tpu.memory_space<hbm>> -> memref<512x50xi32, #tpu.memory_space<hbm>>
      tpu.enqueue_dma source(%dma_start3A_206 : memref<512x50xi32, #tpu.memory_space<hbm>>) target(%arg6 : memref<512x50xi32, #tpu.memory_space<vmem>>) target_semaphore(%run_scoped3A : memref<!tpu.dma_semaphore, #tpu.memory_space<semaphore_mem>>)
      %dma_wait3A = arith.constant 0 : i32
      %dma_wait3A_207 = tpu.memref_slice %arg3[%mul3A_2, %dma_wait3A] : memref<16384x50xi32, #tpu.memory_space<hbm>> -> memref<512x50xi32, #tpu.memory_space<hbm>>
      %dma_wait3A_208 = arith.constant 0 : i32
      %dma_wait3A_209 = tpu.memref_slice %arg3[%mul3A_2, %dma_wait3A_208] : memref<16384x50xi32, #tpu.memory_space<hbm>> -> memref<512x50xi32, #tpu.memory_space<hbm>>
      tpu.wait_dma2 semaphore(%run_scoped3A : memref<!tpu.dma_semaphore, #tpu.memory_space<semaphore_mem>>) src(%dma_wait3A_209 : memref<512x50xi32, #tpu.memory_space<hbm>>) dst(%arg6 : memref<512x50xi32, #tpu.memory_space<vmem>>)
      tpu.yield
    }) : () -> ()
    %mul3A_3 = arith.constant 128 : i32
    %mul3A_4 = arith.muli %add3A, %mul3A_3 : i32
    "tpu.region"() ({
      %run_scoped3A = tpu.sem_alloc : memref<!tpu.dma_semaphore, #tpu.memory_space<semaphore_mem>>
      %dma_start3A_203 = arith.constant 0 : i32
      %dma_start3A_204 = tpu.memref_slice %arg4[%mul3A_4, %dma_start3A_203] : memref<4096x16xf32, #tpu.memory_space<hbm>> -> memref<128x16xf32, #tpu.memory_space<hbm>>
      %dma_start3A_205 = arith.constant 0 : i32
      %dma_start3A_206 = tpu.memref_slice %arg4[%mul3A_4, %dma_start3A_205] : memref<4096x16xf32, #tpu.memory_space<hbm>> -> memref<128x16xf32, #tpu.memory_space<hbm>>
      tpu.enqueue_dma source(%dma_start3A_206 : memref<128x16xf32, #tpu.memory_space<hbm>>) target(%arg7 : memref<128x16xf32, #tpu.memory_space<vmem>>) target_semaphore(%run_scoped3A : memref<!tpu.dma_semaphore, #tpu.memory_space<semaphore_mem>>)
      %dma_wait3A = arith.constant 0 : i32
      %dma_wait3A_207 = tpu.memref_slice %arg4[%mul3A_4, %dma_wait3A] : memref<4096x16xf32, #tpu.memory_space<hbm>> -> memref<128x16xf32, #tpu.memory_space<hbm>>
      %dma_wait3A_208 = arith.constant 0 : i32
      %dma_wait3A_209 = tpu.memref_slice %arg4[%mul3A_4, %dma_wait3A_208] : memref<4096x16xf32, #tpu.memory_space<hbm>> -> memref<128x16xf32, #tpu.memory_space<hbm>>
      tpu.wait_dma2 semaphore(%run_scoped3A : memref<!tpu.dma_semaphore, #tpu.memory_space<semaphore_mem>>) src(%dma_wait3A_209 : memref<128x16xf32, #tpu.memory_space<hbm>>) dst(%arg7 : memref<128x16xf32, #tpu.memory_space<vmem>>)
      tpu.yield
    }) : () -> ()
    %mul3A_5 = arith.constant 4 : i32
    %mul3A_6 = arith.constant 0 : i32
    %mul3A_7 = arith.muli %mul3A_5, %mul3A_6 : i32
    %add3A_8 = arith.constant 0 : i32
    %add3A_9 = arith.addi %mul3A_7, %add3A_8 : i32
    %dma_start3A = arith.constant 0 : i32
    %dma_start3A_10 = arith.constant 0 : i32
    %dma_start3A_11 = arith.constant 0 : i32
    %dma_start3A_12 = tpu.memref_slice %arg8[%dma_start3A, %dma_start3A_10, %dma_start3A_11] : memref<4x200x64xf32, #tpu.memory_space<vmem>> -> memref<1x50x64xf32, #tpu.memory_space<vmem>>
    %dma_start3A_13 = tpu.memref_squeeze %dma_start3A_12 : memref<1x50x64xf32, #tpu.memory_space<vmem>> -> memref<50x64xf32, #tpu.memory_space<vmem>>
    %dma_start3A_14 = arith.constant 0 : i32
    %dma_start3A_15 = tpu.memref_slice %arg6[%add3A_9, %dma_start3A_14] : memref<512x50xi32, #tpu.memory_space<vmem>> -> memref<1x50xi32, #tpu.memory_space<vmem>>
    %dma_start3A_16 = tpu.memref_squeeze %dma_start3A_15 : memref<1x50xi32, #tpu.memory_space<vmem>> -> memref<50xi32, #tpu.memory_space<vmem>>
    %dma_start3A_17 = arith.constant 0 : i32
    %dma_start3A_18 = arith.constant 0 : i32
    %dma_start3A_19 = tpu.memref_slice %arg2[%dma_start3A_17, %dma_start3A_18] : memref<1000000x64xf32, #tpu.memory_space<hbm>> -> memref<1000000x64xf32, #tpu.memory_space<hbm>>
    tpu.enqueue_indirect_dma source(%dma_start3A_19 : memref<1000000x64xf32, #tpu.memory_space<hbm>>) target(%dma_start3A_13 : memref<50x64xf32, #tpu.memory_space<vmem>>) offsets(%dma_start3A_16 : memref<50xi32, #tpu.memory_space<vmem>>) semaphore(%arg10 : memref<!tpu.dma_semaphore, #tpu.memory_space<semaphore_mem>>)
    %mul3A_20 = arith.constant 4 : i32
    %mul3A_21 = arith.constant 0 : i32
    %mul3A_22 = arith.muli %mul3A_20, %mul3A_21 : i32
    %add3A_23 = arith.constant 1 : i32
    %add3A_24 = arith.addi %mul3A_22, %add3A_23 : i32
    %dma_start3A_25 = arith.constant 0 : i32
    %dma_start3A_26 = arith.constant 50 : i32
    %dma_start3A_27 = arith.constant 0 : i32
    %dma_start3A_28 = tpu.memref_slice %arg8[%dma_start3A_25, %dma_start3A_26, %dma_start3A_27] : memref<4x200x64xf32, #tpu.memory_space<vmem>> -> memref<1x50x64xf32, #tpu.memory_space<vmem>>
    %dma_start3A_29 = tpu.memref_squeeze %dma_start3A_28 : memref<1x50x64xf32, #tpu.memory_space<vmem>> -> memref<50x64xf32, #tpu.memory_space<vmem>>
    %dma_start3A_30 = arith.constant 0 : i32
    %dma_start3A_31 = tpu.memref_slice %arg6[%add3A_24, %dma_start3A_30] : memref<512x50xi32, #tpu.memory_space<vmem>> -> memref<1x50xi32, #tpu.memory_space<vmem>>
    %dma_start3A_32 = tpu.memref_squeeze %dma_start3A_31 : memref<1x50xi32, #tpu.memory_space<vmem>> -> memref<50xi32, #tpu.memory_space<vmem>>
    %dma_start3A_33 = arith.constant 0 : i32
    %dma_start3A_34 = arith.constant 0 : i32
    %dma_start3A_35 = tpu.memref_slice %arg2[%dma_start3A_33, %dma_start3A_34] : memref<1000000x64xf32, #tpu.memory_space<hbm>> -> memref<1000000x64xf32, #tpu.memory_space<hbm>>
    tpu.enqueue_indirect_dma source(%dma_start3A_35 : memref<1000000x64xf32, #tpu.memory_space<hbm>>) target(%dma_start3A_29 : memref<50x64xf32, #tpu.memory_space<vmem>>) offsets(%dma_start3A_32 : memref<50xi32, #tpu.memory_space<vmem>>) semaphore(%arg10 : memref<!tpu.dma_semaphore, #tpu.memory_space<semaphore_mem>>)
    %mul3A_36 = arith.constant 4 : i32
    %mul3A_37 = arith.constant 0 : i32
    %mul3A_38 = arith.muli %mul3A_36, %mul3A_37 : i32
    %add3A_39 = arith.constant 2 : i32
    %add3A_40 = arith.addi %mul3A_38, %add3A_39 : i32
    %dma_start3A_41 = arith.constant 0 : i32
    %dma_start3A_42 = arith.constant 100 : i32
    %dma_start3A_43 = arith.constant 0 : i32
    %dma_start3A_44 = tpu.memref_slice %arg8[%dma_start3A_41, %dma_start3A_42, %dma_start3A_43] : memref<4x200x64xf32, #tpu.memory_space<vmem>> -> memref<1x50x64xf32, #tpu.memory_space<vmem>>
    %dma_start3A_45 = tpu.memref_squeeze %dma_start3A_44 : memref<1x50x64xf32, #tpu.memory_space<vmem>> -> memref<50x64xf32, #tpu.memory_space<vmem>>
    %dma_start3A_46 = arith.constant 0 : i32
    %dma_start3A_47 = tpu.memref_slice %arg6[%add3A_40, %dma_start3A_46] : memref<512x50xi32, #tpu.memory_space<vmem>> -> memref<1x50xi32, #tpu.memory_space<vmem>>
    %dma_start3A_48 = tpu.memref_squeeze %dma_start3A_47 : memref<1x50xi32, #tpu.memory_space<vmem>> -> memref<50xi32, #tpu.memory_space<vmem>>
    %dma_start3A_49 = arith.constant 0 : i32
    %dma_start3A_50 = arith.constant 0 : i32
    %dma_start3A_51 = tpu.memref_slice %arg2[%dma_start3A_49, %dma_start3A_50] : memref<1000000x64xf32, #tpu.memory_space<hbm>> -> memref<1000000x64xf32, #tpu.memory_space<hbm>>
    tpu.enqueue_indirect_dma source(%dma_start3A_51 : memref<1000000x64xf32, #tpu.memory_space<hbm>>) target(%dma_start3A_45 : memref<50x64xf32, #tpu.memory_space<vmem>>) offsets(%dma_start3A_48 : memref<50xi32, #tpu.memory_space<vmem>>) semaphore(%arg10 : memref<!tpu.dma_semaphore, #tpu.memory_space<semaphore_mem>>)
    %mul3A_52 = arith.constant 4 : i32
    %mul3A_53 = arith.constant 0 : i32
    %mul3A_54 = arith.muli %mul3A_52, %mul3A_53 : i32
    %add3A_55 = arith.constant 3 : i32
    %add3A_56 = arith.addi %mul3A_54, %add3A_55 : i32
    %dma_start3A_57 = arith.constant 0 : i32
    %dma_start3A_58 = arith.constant 150 : i32
    %dma_start3A_59 = arith.constant 0 : i32
    %dma_start3A_60 = tpu.memref_slice %arg8[%dma_start3A_57, %dma_start3A_58, %dma_start3A_59] : memref<4x200x64xf32, #tpu.memory_space<vmem>> -> memref<1x50x64xf32, #tpu.memory_space<vmem>>
    %dma_start3A_61 = tpu.memref_squeeze %dma_start3A_60 : memref<1x50x64xf32, #tpu.memory_space<vmem>> -> memref<50x64xf32, #tpu.memory_space<vmem>>
    %dma_start3A_62 = arith.constant 0 : i32
    %dma_start3A_63 = tpu.memref_slice %arg6[%add3A_56, %dma_start3A_62] : memref<512x50xi32, #tpu.memory_space<vmem>> -> memref<1x50xi32, #tpu.memory_space<vmem>>
    %dma_start3A_64 = tpu.memref_squeeze %dma_start3A_63 : memref<1x50xi32, #tpu.memory_space<vmem>> -> memref<50xi32, #tpu.memory_space<vmem>>
    %dma_start3A_65 = arith.constant 0 : i32
    %dma_start3A_66 = arith.constant 0 : i32
    %dma_start3A_67 = tpu.memref_slice %arg2[%dma_start3A_65, %dma_start3A_66] : memref<1000000x64xf32, #tpu.memory_space<hbm>> -> memref<1000000x64xf32, #tpu.memory_space<hbm>>
    tpu.enqueue_indirect_dma source(%dma_start3A_67 : memref<1000000x64xf32, #tpu.memory_space<hbm>>) target(%dma_start3A_61 : memref<50x64xf32, #tpu.memory_space<vmem>>) offsets(%dma_start3A_64 : memref<50xi32, #tpu.memory_space<vmem>>) semaphore(%arg10 : memref<!tpu.dma_semaphore, #tpu.memory_space<semaphore_mem>>)
    %mul3A_68 = arith.constant 4 : i32
    %mul3A_69 = arith.constant 1 : i32
    %mul3A_70 = arith.muli %mul3A_68, %mul3A_69 : i32
    %add3A_71 = arith.constant 0 : i32
    %add3A_72 = arith.addi %mul3A_70, %add3A_71 : i32
    %dma_start3A_73 = arith.constant 1 : i32
    %dma_start3A_74 = arith.constant 0 : i32
    %dma_start3A_75 = arith.constant 0 : i32
    %dma_start3A_76 = tpu.memref_slice %arg8[%dma_start3A_73, %dma_start3A_74, %dma_start3A_75] : memref<4x200x64xf32, #tpu.memory_space<vmem>> -> memref<1x50x64xf32, #tpu.memory_space<vmem>>
    %dma_start3A_77 = tpu.memref_squeeze %dma_start3A_76 : memref<1x50x64xf32, #tpu.memory_space<vmem>> -> memref<50x64xf32, #tpu.memory_space<vmem>>
    %dma_start3A_78 = arith.constant 0 : i32
    %dma_start3A_79 = tpu.memref_slice %arg6[%add3A_72, %dma_start3A_78] : memref<512x50xi32, #tpu.memory_space<vmem>> -> memref<1x50xi32, #tpu.memory_space<vmem>>
    %dma_start3A_80 = tpu.memref_squeeze %dma_start3A_79 : memref<1x50xi32, #tpu.memory_space<vmem>> -> memref<50xi32, #tpu.memory_space<vmem>>
    %dma_start3A_81 = arith.constant 0 : i32
    %dma_start3A_82 = arith.constant 0 : i32
    %dma_start3A_83 = tpu.memref_slice %arg2[%dma_start3A_81, %dma_start3A_82] : memref<1000000x64xf32, #tpu.memory_space<hbm>> -> memref<1000000x64xf32, #tpu.memory_space<hbm>>
    tpu.enqueue_indirect_dma source(%dma_start3A_83 : memref<1000000x64xf32, #tpu.memory_space<hbm>>) target(%dma_start3A_77 : memref<50x64xf32, #tpu.memory_space<vmem>>) offsets(%dma_start3A_80 : memref<50xi32, #tpu.memory_space<vmem>>) semaphore(%arg11 : memref<!tpu.dma_semaphore, #tpu.memory_space<semaphore_mem>>)
    %mul3A_84 = arith.constant 4 : i32
    %mul3A_85 = arith.constant 1 : i32
    %mul3A_86 = arith.muli %mul3A_84, %mul3A_85 : i32
    %add3A_87 = arith.constant 1 : i32
    %add3A_88 = arith.addi %mul3A_86, %add3A_87 : i32
    %dma_start3A_89 = arith.constant 1 : i32
    %dma_start3A_90 = arith.constant 50 : i32
    %dma_start3A_91 = arith.constant 0 : i32
    %dma_start3A_92 = tpu.memref_slice %arg8[%dma_start3A_89, %dma_start3A_90, %dma_start3A_91] : memref<4x200x64xf32, #tpu.memory_space<vmem>> -> memref<1x50x64xf32, #tpu.memory_space<vmem>>
    %dma_start3A_93 = tpu.memref_squeeze %dma_start3A_92 : memref<1x50x64xf32, #tpu.memory_space<vmem>> -> memref<50x64xf32, #tpu.memory_space<vmem>>
    %dma_start3A_94 = arith.constant 0 : i32
    %dma_start3A_95 = tpu.memref_slice %arg6[%add3A_88, %dma_start3A_94] : memref<512x50xi32, #tpu.memory_space<vmem>> -> memref<1x50xi32, #tpu.memory_space<vmem>>
    %dma_start3A_96 = tpu.memref_squeeze %dma_start3A_95 : memref<1x50xi32, #tpu.memory_space<vmem>> -> memref<50xi32, #tpu.memory_space<vmem>>
    %dma_start3A_97 = arith.constant 0 : i32
    %dma_start3A_98 = arith.constant 0 : i32
    %dma_start3A_99 = tpu.memref_slice %arg2[%dma_start3A_97, %dma_start3A_98] : memref<1000000x64xf32, #tpu.memory_space<hbm>> -> memref<1000000x64xf32, #tpu.memory_space<hbm>>
    tpu.enqueue_indirect_dma source(%dma_start3A_99 : memref<1000000x64xf32, #tpu.memory_space<hbm>>) target(%dma_start3A_93 : memref<50x64xf32, #tpu.memory_space<vmem>>) offsets(%dma_start3A_96 : memref<50xi32, #tpu.memory_space<vmem>>) semaphore(%arg11 : memref<!tpu.dma_semaphore, #tpu.memory_space<semaphore_mem>>)
    %mul3A_100 = arith.constant 4 : i32
    %mul3A_101 = arith.constant 1 : i32
    %mul3A_102 = arith.muli %mul3A_100, %mul3A_101 : i32
    %add3A_103 = arith.constant 2 : i32
    %add3A_104 = arith.addi %mul3A_102, %add3A_103 : i32
    %dma_start3A_105 = arith.constant 1 : i32
    %dma_start3A_106 = arith.constant 100 : i32
    %dma_start3A_107 = arith.constant 0 : i32
    %dma_start3A_108 = tpu.memref_slice %arg8[%dma_start3A_105, %dma_start3A_106, %dma_start3A_107] : memref<4x200x64xf32, #tpu.memory_space<vmem>> -> memref<1x50x64xf32, #tpu.memory_space<vmem>>
    %dma_start3A_109 = tpu.memref_squeeze %dma_start3A_108 : memref<1x50x64xf32, #tpu.memory_space<vmem>> -> memref<50x64xf32, #tpu.memory_space<vmem>>
    %dma_start3A_110 = arith.constant 0 : i32
    %dma_start3A_111 = tpu.memref_slice %arg6[%add3A_104, %dma_start3A_110] : memref<512x50xi32, #tpu.memory_space<vmem>> -> memref<1x50xi32, #tpu.memory_space<vmem>>
    %dma_start3A_112 = tpu.memref_squeeze %dma_start3A_111 : memref<1x50xi32, #tpu.memory_space<vmem>> -> memref<50xi32, #tpu.memory_space<vmem>>
    %dma_start3A_113 = arith.constant 0 : i32
    %dma_start3A_114 = arith.constant 0 : i32
    %dma_start3A_115 = tpu.memref_slice %arg2[%dma_start3A_113, %dma_start3A_114] : memref<1000000x64xf32, #tpu.memory_space<hbm>> -> memref<1000000x64xf32, #tpu.memory_space<hbm>>
    tpu.enqueue_indirect_dma source(%dma_start3A_115 : memref<1000000x64xf32, #tpu.memory_space<hbm>>) target(%dma_start3A_109 : memref<50x64xf32, #tpu.memory_space<vmem>>) offsets(%dma_start3A_112 : memref<50xi32, #tpu.memory_space<vmem>>) semaphore(%arg11 : memref<!tpu.dma_semaphore, #tpu.memory_space<semaphore_mem>>)
    %mul3A_116 = arith.constant 4 : i32
    %mul3A_117 = arith.constant 1 : i32
    %mul3A_118 = arith.muli %mul3A_116, %mul3A_117 : i32
    %add3A_119 = arith.constant 3 : i32
    %add3A_120 = arith.addi %mul3A_118, %add3A_119 : i32
    %dma_start3A_121 = arith.constant 1 : i32
    %dma_start3A_122 = arith.constant 150 : i32
    %dma_start3A_123 = arith.constant 0 : i32
    %dma_start3A_124 = tpu.memref_slice %arg8[%dma_start3A_121, %dma_start3A_122, %dma_start3A_123] : memref<4x200x64xf32, #tpu.memory_space<vmem>> -> memref<1x50x64xf32, #tpu.memory_space<vmem>>
    %dma_start3A_125 = tpu.memref_squeeze %dma_start3A_124 : memref<1x50x64xf32, #tpu.memory_space<vmem>> -> memref<50x64xf32, #tpu.memory_space<vmem>>
    %dma_start3A_126 = arith.constant 0 : i32
    %dma_start3A_127 = tpu.memref_slice %arg6[%add3A_120, %dma_start3A_126] : memref<512x50xi32, #tpu.memory_space<vmem>> -> memref<1x50xi32, #tpu.memory_space<vmem>>
    %dma_start3A_128 = tpu.memref_squeeze %dma_start3A_127 : memref<1x50xi32, #tpu.memory_space<vmem>> -> memref<50xi32, #tpu.memory_space<vmem>>
    %dma_start3A_129 = arith.constant 0 : i32
    %dma_start3A_130 = arith.constant 0 : i32
    %dma_start3A_131 = tpu.memref_slice %arg2[%dma_start3A_129, %dma_start3A_130] : memref<1000000x64xf32, #tpu.memory_space<hbm>> -> memref<1000000x64xf32, #tpu.memory_space<hbm>>
    tpu.enqueue_indirect_dma source(%dma_start3A_131 : memref<1000000x64xf32, #tpu.memory_space<hbm>>) target(%dma_start3A_125 : memref<50x64xf32, #tpu.memory_space<vmem>>) offsets(%dma_start3A_128 : memref<50xi32, #tpu.memory_space<vmem>>) semaphore(%arg11 : memref<!tpu.dma_semaphore, #tpu.memory_space<semaphore_mem>>)
    %mul3A_132 = arith.constant 4 : i32
    %mul3A_133 = arith.constant 2 : i32
    %mul3A_134 = arith.muli %mul3A_132, %mul3A_133 : i32
    %add3A_135 = arith.constant 0 : i32
    %add3A_136 = arith.addi %mul3A_134, %add3A_135 : i32
    %dma_start3A_137 = arith.constant 2 : i32
    %dma_start3A_138 = arith.constant 0 : i32
    %dma_start3A_139 = arith.constant 0 : i32
    %dma_start3A_140 = tpu.memref_slice %arg8[%dma_start3A_137, %dma_start3A_138, %dma_start3A_139] : memref<4x200x64xf32, #tpu.memory_space<vmem>> -> memref<1x50x64xf32, #tpu.memory_space<vmem>>
    %dma_start3A_141 = tpu.memref_squeeze %dma_start3A_140 : memref<1x50x64xf32, #tpu.memory_space<vmem>> -> memref<50x64xf32, #tpu.memory_space<vmem>>
    %dma_start3A_142 = arith.constant 0 : i32
    %dma_start3A_143 = tpu.memref_slice %arg6[%add3A_136, %dma_start3A_142] : memref<512x50xi32, #tpu.memory_space<vmem>> -> memref<1x50xi32, #tpu.memory_space<vmem>>
    %dma_start3A_144 = tpu.memref_squeeze %dma_start3A_143 : memref<1x50xi32, #tpu.memory_space<vmem>> -> memref<50xi32, #tpu.memory_space<vmem>>
    %dma_start3A_145 = arith.constant 0 : i32
    %dma_start3A_146 = arith.constant 0 : i32
    %dma_start3A_147 = tpu.memref_slice %arg2[%dma_start3A_145, %dma_start3A_146] : memref<1000000x64xf32, #tpu.memory_space<hbm>> -> memref<1000000x64xf32, #tpu.memory_space<hbm>>
    tpu.enqueue_indirect_dma source(%dma_start3A_147 : memref<1000000x64xf32, #tpu.memory_space<hbm>>) target(%dma_start3A_141 : memref<50x64xf32, #tpu.memory_space<vmem>>) offsets(%dma_start3A_144 : memref<50xi32, #tpu.memory_space<vmem>>) semaphore(%arg12 : memref<!tpu.dma_semaphore, #tpu.memory_space<semaphore_mem>>)
    %mul3A_148 = arith.constant 4 : i32
    %mul3A_149 = arith.constant 2 : i32
    %mul3A_150 = arith.muli %mul3A_148, %mul3A_149 : i32
    %add3A_151 = arith.constant 1 : i32
    %add3A_152 = arith.addi %mul3A_150, %add3A_151 : i32
    %dma_start3A_153 = arith.constant 2 : i32
    %dma_start3A_154 = arith.constant 50 : i32
    %dma_start3A_155 = arith.constant 0 : i32
    %dma_start3A_156 = tpu.memref_slice %arg8[%dma_start3A_153, %dma_start3A_154, %dma_start3A_155] : memref<4x200x64xf32, #tpu.memory_space<vmem>> -> memref<1x50x64xf32, #tpu.memory_space<vmem>>
    %dma_start3A_157 = tpu.memref_squeeze %dma_start3A_156 : memref<1x50x64xf32, #tpu.memory_space<vmem>> -> memref<50x64xf32, #tpu.memory_space<vmem>>
    %dma_start3A_158 = arith.constant 0 : i32
    %dma_start3A_159 = tpu.memref_slice %arg6[%add3A_152, %dma_start3A_158] : memref<512x50xi32, #tpu.memory_space<vmem>> -> memref<1x50xi32, #tpu.memory_space<vmem>>
    %dma_start3A_160 = tpu.memref_squeeze %dma_start3A_159 : memref<1x50xi32, #tpu.memory_space<vmem>> -> memref<50xi32, #tpu.memory_space<vmem>>
    %dma_start3A_161 = arith.constant 0 : i32
    %dma_start3A_162 = arith.constant 0 : i32
    %dma_start3A_163 = tpu.memref_slice %arg2[%dma_start3A_161, %dma_start3A_162] : memref<1000000x64xf32, #tpu.memory_space<hbm>> -> memref<1000000x64xf32, #tpu.memory_space<hbm>>
    tpu.enqueue_indirect_dma source(%dma_start3A_163 : memref<1000000x64xf32, #tpu.memory_space<hbm>>) target(%dma_start3A_157 : memref<50x64xf32, #tpu.memory_space<vmem>>) offsets(%dma_start3A_160 : memref<50xi32, #tpu.memory_space<vmem>>) semaphore(%arg12 : memref<!tpu.dma_semaphore, #tpu.memory_space<semaphore_mem>>)
    %mul3A_164 = arith.constant 4 : i32
    %mul3A_165 = arith.constant 2 : i32
    %mul3A_166 = arith.muli %mul3A_164, %mul3A_165 : i32
    %add3A_167 = arith.constant 2 : i32
    %add3A_168 = arith.addi %mul3A_166, %add3A_167 : i32
    %dma_start3A_169 = arith.constant 2 : i32
    %dma_start3A_170 = arith.constant 100 : i32
    %dma_start3A_171 = arith.constant 0 : i32
    %dma_start3A_172 = tpu.memref_slice %arg8[%dma_start3A_169, %dma_start3A_170, %dma_start3A_171] : memref<4x200x64xf32, #tpu.memory_space<vmem>> -> memref<1x50x64xf32, #tpu.memory_space<vmem>>
    %dma_start3A_173 = tpu.memref_squeeze %dma_start3A_172 : memref<1x50x64xf32, #tpu.memory_space<vmem>> -> memref<50x64xf32, #tpu.memory_space<vmem>>
    %dma_start3A_174 = arith.constant 0 : i32
    %dma_start3A_175 = tpu.memref_slice %arg6[%add3A_168, %dma_start3A_174] : memref<512x50xi32, #tpu.memory_space<vmem>> -> memref<1x50xi32, #tpu.memory_space<vmem>>
    %dma_start3A_176 = tpu.memref_squeeze %dma_start3A_175 : memref<1x50xi32, #tpu.memory_space<vmem>> -> memref<50xi32, #tpu.memory_space<vmem>>
    %dma_start3A_177 = arith.constant 0 : i32
    %dma_start3A_178 = arith.constant 0 : i32
    %dma_start3A_179 = tpu.memref_slice %arg2[%dma_start3A_177, %dma_start3A_178] : memref<1000000x64xf32, #tpu.memory_space<hbm>> -> memref<1000000x64xf32, #tpu.memory_space<hbm>>
    tpu.enqueue_indirect_dma source(%dma_start3A_179 : memref<1000000x64xf32, #tpu.memory_space<hbm>>) target(%dma_start3A_173 : memref<50x64xf32, #tpu.memory_space<vmem>>) offsets(%dma_start3A_176 : memref<50xi32, #tpu.memory_space<vmem>>) semaphore(%arg12 : memref<!tpu.dma_semaphore, #tpu.memory_space<semaphore_mem>>)
    %mul3A_180 = arith.constant 4 : i32
    %mul3A_181 = arith.constant 2 : i32
    %mul3A_182 = arith.muli %mul3A_180, %mul3A_181 : i32
    %add3A_183 = arith.constant 3 : i32
    %add3A_184 = arith.addi %mul3A_182, %add3A_183 : i32
    %dma_start3A_185 = arith.constant 2 : i32
    %dma_start3A_186 = arith.constant 150 : i32
    %dma_start3A_187 = arith.constant 0 : i32
    %dma_start3A_188 = tpu.memref_slice %arg8[%dma_start3A_185, %dma_start3A_186, %dma_start3A_187] : memref<4x200x64xf32, #tpu.memory_space<vmem>> -> memref<1x50x64xf32, #tpu.memory_space<vmem>>
    %dma_start3A_189 = tpu.memref_squeeze %dma_start3A_188 : memref<1x50x64xf32, #tpu.memory_space<vmem>> -> memref<50x64xf32, #tpu.memory_space<vmem>>
    %dma_start3A_190 = arith.constant 0 : i32
    %dma_start3A_191 = tpu.memref_slice %arg6[%add3A_184, %dma_start3A_190] : memref<512x50xi32, #tpu.memory_space<vmem>> -> memref<1x50xi32, #tpu.memory_space<vmem>>
    %dma_start3A_192 = tpu.memref_squeeze %dma_start3A_191 : memref<1x50xi32, #tpu.memory_space<vmem>> -> memref<50xi32, #tpu.memory_space<vmem>>
    %dma_start3A_193 = arith.constant 0 : i32
    %dma_start3A_194 = arith.constant 0 : i32
    %dma_start3A_195 = tpu.memref_slice %arg2[%dma_start3A_193, %dma_start3A_194] : memref<1000000x64xf32, #tpu.memory_space<hbm>> -> memref<1000000x64xf32, #tpu.memory_space<hbm>>
    tpu.enqueue_indirect_dma source(%dma_start3A_195 : memref<1000000x64xf32, #tpu.memory_space<hbm>>) target(%dma_start3A_189 : memref<50x64xf32, #tpu.memory_space<vmem>>) offsets(%dma_start3A_192 : memref<50xi32, #tpu.memory_space<vmem>>) semaphore(%arg12 : memref<!tpu.dma_semaphore, #tpu.memory_space<semaphore_mem>>)
    %scan3A = arith.constant 0 : i32
    %scan3A_196 = arith.constant 0 : i32
    %scan3A_197 = arith.constant 32 : i32
    %scan3A_198 = arith.addi %scan3A_196, %scan3A_197 : i32
    %scan3A_199 = arith.constant 1 : i32
    scf.for %scan3A_203 = %scan3A_196 to %scan3A_198 step %scan3A_199  : i32 {
      %mul3A_204 = arith.constant 4 : i32
      %mul3A_205 = arith.muli %scan3A_203, %mul3A_204 : i32
      %add3A_206 = arith.constant 0 : i32
      %add3A_207 = arith.addi %mul3A_205, %add3A_206 : i32
      %dma_wait3A = arith.constant 0 : i32
      %dma_wait3A_208 = arith.constant 0 : i32
      %dma_wait3A_209 = arith.constant 0 : i32
      %dma_wait3A_210 = arith.constant 0 : i32
      %dma_wait3A_211 = tpu.memref_slice %arg8[%dma_wait3A_208, %dma_wait3A_209, %dma_wait3A_210] : memref<4x200x64xf32, #tpu.memory_space<vmem>> -> memref<1x50x64xf32, #tpu.memory_space<vmem>>
      %dma_wait3A_212 = tpu.memref_squeeze %dma_wait3A_211 : memref<1x50x64xf32, #tpu.memory_space<vmem>> -> memref<50x64xf32, #tpu.memory_space<vmem>>
      %dma_wait3A_213 = arith.constant 0 : i32
      %dma_wait3A_214 = tpu.memref_slice %arg6[%dma_wait3A, %dma_wait3A_213] : memref<512x50xi32, #tpu.memory_space<vmem>> -> memref<1x50xi32, #tpu.memory_space<vmem>>
      %dma_wait3A_215 = tpu.memref_squeeze %dma_wait3A_214 : memref<1x50xi32, #tpu.memory_space<vmem>> -> memref<50xi32, #tpu.memory_space<vmem>>
      %dma_wait3A_216 = arith.constant 0 : i32
      %dma_wait3A_217 = arith.constant 0 : i32
      %dma_wait3A_218 = tpu.memref_slice %arg2[%dma_wait3A_216, %dma_wait3A_217] : memref<1000000x64xf32, #tpu.memory_space<hbm>> -> memref<1000000x64xf32, #tpu.memory_space<hbm>>
      tpu.wait_indirect_dma semaphore(%arg10 : memref<!tpu.dma_semaphore, #tpu.memory_space<semaphore_mem>>) src(%dma_wait3A_218 : memref<1000000x64xf32, #tpu.memory_space<hbm>>) dst(%dma_wait3A_212 : memref<50x64xf32, #tpu.memory_space<vmem>>)
      %dma_wait3A_219 = arith.constant 0 : i32
      %dma_wait3A_220 = arith.constant 0 : i32
      %dma_wait3A_221 = arith.constant 50 : i32
      %dma_wait3A_222 = arith.constant 0 : i32
      %dma_wait3A_223 = tpu.memref_slice %arg8[%dma_wait3A_220, %dma_wait3A_221, %dma_wait3A_222] : memref<4x200x64xf32, #tpu.memory_space<vmem>> -> memref<1x50x64xf32, #tpu.memory_space<vmem>>
      %dma_wait3A_224 = tpu.memref_squeeze %dma_wait3A_223 : memref<1x50x64xf32, #tpu.memory_space<vmem>> -> memref<50x64xf32, #tpu.memory_space<vmem>>
      %dma_wait3A_225 = arith.constant 0 : i32
      %dma_wait3A_226 = tpu.memref_slice %arg6[%dma_wait3A_219, %dma_wait3A_225] : memref<512x50xi32, #tpu.memory_space<vmem>> -> memref<1x50xi32, #tpu.memory_space<vmem>>
      %dma_wait3A_227 = tpu.memref_squeeze %dma_wait3A_226 : memref<1x50xi32, #tpu.memory_space<vmem>> -> memref<50xi32, #tpu.memory_space<vmem>>
      %dma_wait3A_228 = arith.constant 0 : i32
      %dma_wait3A_229 = arith.constant 0 : i32
      %dma_wait3A_230 = tpu.memref_slice %arg2[%dma_wait3A_228, %dma_wait3A_229] : memref<1000000x64xf32, #tpu.memory_space<hbm>> -> memref<1000000x64xf32, #tpu.memory_space<hbm>>
      tpu.wait_indirect_dma semaphore(%arg10 : memref<!tpu.dma_semaphore, #tpu.memory_space<semaphore_mem>>) src(%dma_wait3A_230 : memref<1000000x64xf32, #tpu.memory_space<hbm>>) dst(%dma_wait3A_224 : memref<50x64xf32, #tpu.memory_space<vmem>>)
      %dma_wait3A_231 = arith.constant 0 : i32
      %dma_wait3A_232 = arith.constant 0 : i32
      %dma_wait3A_233 = arith.constant 100 : i32
      %dma_wait3A_234 = arith.constant 0 : i32
      %dma_wait3A_235 = tpu.memref_slice %arg8[%dma_wait3A_232, %dma_wait3A_233, %dma_wait3A_234] : memref<4x200x64xf32, #tpu.memory_space<vmem>> -> memref<1x50x64xf32, #tpu.memory_space<vmem>>
      %dma_wait3A_236 = tpu.memref_squeeze %dma_wait3A_235 : memref<1x50x64xf32, #tpu.memory_space<vmem>> -> memref<50x64xf32, #tpu.memory_space<vmem>>
      %dma_wait3A_237 = arith.constant 0 : i32
      %dma_wait3A_238 = tpu.memref_slice %arg6[%dma_wait3A_231, %dma_wait3A_237] : memref<512x50xi32, #tpu.memory_space<vmem>> -> memref<1x50xi32, #tpu.memory_space<vmem>>
      %dma_wait3A_239 = tpu.memref_squeeze %dma_wait3A_238 : memref<1x50xi32, #tpu.memory_space<vmem>> -> memref<50xi32, #tpu.memory_space<vmem>>
      %dma_wait3A_240 = arith.constant 0 : i32
      %dma_wait3A_241 = arith.constant 0 : i32
      %dma_wait3A_242 = tpu.memref_slice %arg2[%dma_wait3A_240, %dma_wait3A_241] : memref<1000000x64xf32, #tpu.memory_space<hbm>> -> memref<1000000x64xf32, #tpu.memory_space<hbm>>
      tpu.wait_indirect_dma semaphore(%arg10 : memref<!tpu.dma_semaphore, #tpu.memory_space<semaphore_mem>>) src(%dma_wait3A_242 : memref<1000000x64xf32, #tpu.memory_space<hbm>>) dst(%dma_wait3A_236 : memref<50x64xf32, #tpu.memory_space<vmem>>)
      %dma_wait3A_243 = arith.constant 0 : i32
      %dma_wait3A_244 = arith.constant 0 : i32
      %dma_wait3A_245 = arith.constant 150 : i32
      %dma_wait3A_246 = arith.constant 0 : i32
      %dma_wait3A_247 = tpu.memref_slice %arg8[%dma_wait3A_244, %dma_wait3A_245, %dma_wait3A_246] : memref<4x200x64xf32, #tpu.memory_space<vmem>> -> memref<1x50x64xf32, #tpu.memory_space<vmem>>
      %dma_wait3A_248 = tpu.memref_squeeze %dma_wait3A_247 : memref<1x50x64xf32, #tpu.memory_space<vmem>> -> memref<50x64xf32, #tpu.memory_space<vmem>>
      %dma_wait3A_249 = arith.constant 0 : i32
      %dma_wait3A_250 = tpu.memref_slice %arg6[%dma_wait3A_243, %dma_wait3A_249] : memref<512x50xi32, #tpu.memory_space<vmem>> -> memref<1x50xi32, #tpu.memory_space<vmem>>
      %dma_wait3A_251 = tpu.memref_squeeze %dma_wait3A_250 : memref<1x50xi32, #tpu.memory_space<vmem>> -> memref<50xi32, #tpu.memory_space<vmem>>
      %dma_wait3A_252 = arith.constant 0 : i32
      %dma_wait3A_253 = arith.constant 0 : i32
      %dma_wait3A_254 = tpu.memref_slice %arg2[%dma_wait3A_252, %dma_wait3A_253] : memref<1000000x64xf32, #tpu.memory_space<hbm>> -> memref<1000000x64xf32, #tpu.memory_space<hbm>>
      tpu.wait_indirect_dma semaphore(%arg10 : memref<!tpu.dma_semaphore, #tpu.memory_space<semaphore_mem>>) src(%dma_wait3A_254 : memref<1000000x64xf32, #tpu.memory_space<hbm>>) dst(%dma_wait3A_248 : memref<50x64xf32, #tpu.memory_space<vmem>>)
      %add3A_255 = arith.constant 3 : i32
      %add3A_256 = arith.addi %add3A_207, %add3A_255 : i32
      %lt3A = arith.constant 128 : i32
      %lt3A_257 = arith.cmpi slt, %add3A_256, %lt3A : i32
      %convert_element_type3A = arith.extui %lt3A_257 : i1 to i32
      %cond3A = arith.constant 0 : i32
      %cond3A_258 = arith.cmpi ne, %convert_element_type3A, %cond3A : i32
      scf.if %cond3A_258 {
        %mul3A_571 = arith.constant 4 : i32
        %mul3A_572 = arith.muli %mul3A_571, %add3A_256 : i32
        %add3A_573 = arith.constant 0 : i32
        %add3A_574 = arith.addi %mul3A_572, %add3A_573 : i32
        %dma_start3A_575 = arith.constant 3 : i32
        %dma_start3A_576 = arith.constant 0 : i32
        %dma_start3A_577 = arith.constant 0 : i32
        %dma_start3A_578 = tpu.memref_slice %arg8[%dma_start3A_575, %dma_start3A_576, %dma_start3A_577] : memref<4x200x64xf32, #tpu.memory_space<vmem>> -> memref<1x50x64xf32, #tpu.memory_space<vmem>>
        %dma_start3A_579 = tpu.memref_squeeze %dma_start3A_578 : memref<1x50x64xf32, #tpu.memory_space<vmem>> -> memref<50x64xf32, #tpu.memory_space<vmem>>
        %dma_start3A_580 = arith.constant 0 : i32
        %dma_start3A_581 = tpu.memref_slice %arg6[%add3A_574, %dma_start3A_580] : memref<512x50xi32, #tpu.memory_space<vmem>> -> memref<1x50xi32, #tpu.memory_space<vmem>>
        %dma_start3A_582 = tpu.memref_squeeze %dma_start3A_581 : memref<1x50xi32, #tpu.memory_space<vmem>> -> memref<50xi32, #tpu.memory_space<vmem>>
        %dma_start3A_583 = arith.constant 0 : i32
        %dma_start3A_584 = arith.constant 0 : i32
        %dma_start3A_585 = tpu.memref_slice %arg2[%dma_start3A_583, %dma_start3A_584] : memref<1000000x64xf32, #tpu.memory_space<hbm>> -> memref<1000000x64xf32, #tpu.memory_space<hbm>>
        tpu.enqueue_indirect_dma source(%dma_start3A_585 : memref<1000000x64xf32, #tpu.memory_space<hbm>>) target(%dma_start3A_579 : memref<50x64xf32, #tpu.memory_space<vmem>>) offsets(%dma_start3A_582 : memref<50xi32, #tpu.memory_space<vmem>>) semaphore(%arg13 : memref<!tpu.dma_semaphore, #tpu.memory_space<semaphore_mem>>)
        %mul3A_586 = arith.constant 4 : i32
        %mul3A_587 = arith.muli %mul3A_586, %add3A_256 : i32
        %add3A_588 = arith.constant 1 : i32
        %add3A_589 = arith.addi %mul3A_587, %add3A_588 : i32
        %dma_start3A_590 = arith.constant 3 : i32
        %dma_start3A_591 = arith.constant 50 : i32
        %dma_start3A_592 = arith.constant 0 : i32
        %dma_start3A_593 = tpu.memref_slice %arg8[%dma_start3A_590, %dma_start3A_591, %dma_start3A_592] : memref<4x200x64xf32, #tpu.memory_space<vmem>> -> memref<1x50x64xf32, #tpu.memory_space<vmem>>
        %dma_start3A_594 = tpu.memref_squeeze %dma_start3A_593 : memref<1x50x64xf32, #tpu.memory_space<vmem>> -> memref<50x64xf32, #tpu.memory_space<vmem>>
        %dma_start3A_595 = arith.constant 0 : i32
        %dma_start3A_596 = tpu.memref_slice %arg6[%add3A_589, %dma_start3A_595] : memref<512x50xi32, #tpu.memory_space<vmem>> -> memref<1x50xi32, #tpu.memory_space<vmem>>
        %dma_start3A_597 = tpu.memref_squeeze %dma_start3A_596 : memref<1x50xi32, #tpu.memory_space<vmem>> -> memref<50xi32, #tpu.memory_space<vmem>>
        %dma_start3A_598 = arith.constant 0 : i32
        %dma_start3A_599 = arith.constant 0 : i32
        %dma_start3A_600 = tpu.memref_slice %arg2[%dma_start3A_598, %dma_start3A_599] : memref<1000000x64xf32, #tpu.memory_space<hbm>> -> memref<1000000x64xf32, #tpu.memory_space<hbm>>
        tpu.enqueue_indirect_dma source(%dma_start3A_600 : memref<1000000x64xf32, #tpu.memory_space<hbm>>) target(%dma_start3A_594 : memref<50x64xf32, #tpu.memory_space<vmem>>) offsets(%dma_start3A_597 : memref<50xi32, #tpu.memory_space<vmem>>) semaphore(%arg13 : memref<!tpu.dma_semaphore, #tpu.memory_space<semaphore_mem>>)
        %mul3A_601 = arith.constant 4 : i32
        %mul3A_602 = arith.muli %mul3A_601, %add3A_256 : i32
        %add3A_603 = arith.constant 2 : i32
        %add3A_604 = arith.addi %mul3A_602, %add3A_603 : i32
        %dma_start3A_605 = arith.constant 3 : i32
        %dma_start3A_606 = arith.constant 100 : i32
        %dma_start3A_607 = arith.constant 0 : i32
        %dma_start3A_608 = tpu.memref_slice %arg8[%dma_start3A_605, %dma_start3A_606, %dma_start3A_607] : memref<4x200x64xf32, #tpu.memory_space<vmem>> -> memref<1x50x64xf32, #tpu.memory_space<vmem>>
        %dma_start3A_609 = tpu.memref_squeeze %dma_start3A_608 : memref<1x50x64xf32, #tpu.memory_space<vmem>> -> memref<50x64xf32, #tpu.memory_space<vmem>>
        %dma_start3A_610 = arith.constant 0 : i32
        %dma_start3A_611 = tpu.memref_slice %arg6[%add3A_604, %dma_start3A_610] : memref<512x50xi32, #tpu.memory_space<vmem>> -> memref<1x50xi32, #tpu.memory_space<vmem>>
        %dma_start3A_612 = tpu.memref_squeeze %dma_start3A_611 : memref<1x50xi32, #tpu.memory_space<vmem>> -> memref<50xi32, #tpu.memory_space<vmem>>
        %dma_start3A_613 = arith.constant 0 : i32
        %dma_start3A_614 = arith.constant 0 : i32
        %dma_start3A_615 = tpu.memref_slice %arg2[%dma_start3A_613, %dma_start3A_614] : memref<1000000x64xf32, #tpu.memory_space<hbm>> -> memref<1000000x64xf32, #tpu.memory_space<hbm>>
        tpu.enqueue_indirect_dma source(%dma_start3A_615 : memref<1000000x64xf32, #tpu.memory_space<hbm>>) target(%dma_start3A_609 : memref<50x64xf32, #tpu.memory_space<vmem>>) offsets(%dma_start3A_612 : memref<50xi32, #tpu.memory_space<vmem>>) semaphore(%arg13 : memref<!tpu.dma_semaphore, #tpu.memory_space<semaphore_mem>>)
        %mul3A_616 = arith.constant 4 : i32
        %mul3A_617 = arith.muli %mul3A_616, %add3A_256 : i32
        %add3A_618 = arith.constant 3 : i32
        %add3A_619 = arith.addi %mul3A_617, %add3A_618 : i32
        %dma_start3A_620 = arith.constant 3 : i32
        %dma_start3A_621 = arith.constant 150 : i32
        %dma_start3A_622 = arith.constant 0 : i32
        %dma_start3A_623 = tpu.memref_slice %arg8[%dma_start3A_620, %dma_start3A_621, %dma_start3A_622] : memref<4x200x64xf32, #tpu.memory_space<vmem>> -> memref<1x50x64xf32, #tpu.memory_space<vmem>>
        %dma_start3A_624 = tpu.memref_squeeze %dma_start3A_623 : memref<1x50x64xf32, #tpu.memory_space<vmem>> -> memref<50x64xf32, #tpu.memory_space<vmem>>
        %dma_start3A_625 = arith.constant 0 : i32
        %dma_start3A_626 = tpu.memref_slice %arg6[%add3A_619, %dma_start3A_625] : memref<512x50xi32, #tpu.memory_space<vmem>> -> memref<1x50xi32, #tpu.memory_space<vmem>>
        %dma_start3A_627 = tpu.memref_squeeze %dma_start3A_626 : memref<1x50xi32, #tpu.memory_space<vmem>> -> memref<50xi32, #tpu.memory_space<vmem>>
        %dma_start3A_628 = arith.constant 0 : i32
        %dma_start3A_629 = arith.constant 0 : i32
        %dma_start3A_630 = tpu.memref_slice %arg2[%dma_start3A_628, %dma_start3A_629] : memref<1000000x64xf32, #tpu.memory_space<hbm>> -> memref<1000000x64xf32, #tpu.memory_space<hbm>>
        tpu.enqueue_indirect_dma source(%dma_start3A_630 : memref<1000000x64xf32, #tpu.memory_space<hbm>>) target(%dma_start3A_624 : memref<50x64xf32, #tpu.memory_space<vmem>>) offsets(%dma_start3A_627 : memref<50xi32, #tpu.memory_space<vmem>>) semaphore(%arg13 : memref<!tpu.dma_semaphore, #tpu.memory_space<semaphore_mem>>)
      } else {
      }
      %broadcast_in_dim3A = arith.constant 0.000000e+00 : f32
      %broadcast_in_dim3A_259 = vector.broadcast %broadcast_in_dim3A : f32 to vector<16xf32>
      %scan3A_260 = arith.constant 0 : i32
      %scan3A_261 = arith.constant 200 : i32
      %scan3A_262 = arith.addi %scan3A_260, %scan3A_261 : i32
      %scan3A_263 = arith.constant 25 : i32
      %scan3A_264:4 = scf.for %scan3A_571 = %scan3A_260 to %scan3A_262 step %scan3A_263 iter_args(%scan3A_572 = %broadcast_in_dim3A_259, %scan3A_573 = %broadcast_in_dim3A_259, %scan3A_574 = %broadcast_in_dim3A_259, %scan3A_575 = %broadcast_in_dim3A_259) -> (vector<16xf32>, vector<16xf32>, vector<16xf32>, vector<16xf32>)  : i32 {
        %get3A_576 = arith.constant 0 : i32
        %get3A_577 = arith.index_cast %get3A_576 : i32 to index
        %get3A_578 = arith.index_cast %scan3A_571 : i32 to index
        %get3A_579 = arith.constant 0 : index
        %get3A_580 = tpu.vector_load %arg8[%get3A_577, %get3A_578, %get3A_579] {strides = array<i32>} : memref<4x200x64xf32, #tpu.memory_space<vmem>>, vector<1x1x16xf32>,
        %get3A_581 = vector.shape_cast %get3A_580 : vector<1x1x16xf32> to vector<16xf32>
        %add3A_582 = arith.addf %scan3A_572, %get3A_581 : vector<16xf32>
        %get3A_583 = arith.constant 0 : i32
        %get3A_584 = arith.index_cast %get3A_583 : i32 to index
        %get3A_585 = arith.index_cast %scan3A_571 : i32 to index
        %get3A_586 = arith.constant 16 : index
        %get3A_587 = tpu.vector_load %arg8[%get3A_584, %get3A_585, %get3A_586] {strides = array<i32>} : memref<4x200x64xf32, #tpu.memory_space<vmem>>, vector<1x1x16xf32>,
        %get3A_588 = vector.shape_cast %get3A_587 : vector<1x1x16xf32> to vector<16xf32>
        %add3A_589 = arith.addf %scan3A_573, %get3A_588 : vector<16xf32>
        %get3A_590 = arith.constant 0 : i32
        %get3A_591 = arith.index_cast %get3A_590 : i32 to index
        %get3A_592 = arith.index_cast %scan3A_571 : i32 to index
        %get3A_593 = arith.constant 32 : index
        %get3A_594 = tpu.vector_load %arg8[%get3A_591, %get3A_592, %get3A_593] {strides = array<i32>} : memref<4x200x64xf32, #tpu.memory_space<vmem>>, vector<1x1x16xf32>,
        %get3A_595 = vector.shape_cast %get3A_594 : vector<1x1x16xf32> to vector<16xf32>
        %add3A_596 = arith.addf %scan3A_574, %get3A_595 : vector<16xf32>
        %get3A_597 = arith.constant 0 : i32
        %get3A_598 = arith.index_cast %get3A_597 : i32 to index
        %get3A_599 = arith.index_cast %scan3A_571 : i32 to index
        %get3A_600 = arith.constant 48 : index
        %get3A_601 = tpu.vector_load %arg8[%get3A_598, %get3A_599, %get3A_600] {strides = array<i32>} : memref<4x200x64xf32, #tpu.memory_space<vmem>>, vector<1x1x16xf32>,
        %get3A_602 = vector.shape_cast %get3A_601 : vector<1x1x16xf32> to vector<16xf32>
        %add3A_603 = arith.addf %scan3A_575, %get3A_602 : vector<16xf32>
        %scan3A_604 = arith.constant 1 : i32
        %scan3A_605 = arith.addi %scan3A_571, %scan3A_604 : i32
        %get3A_606 = arith.constant 0 : i32
        %get3A_607 = arith.index_cast %get3A_606 : i32 to index
        %get3A_608 = arith.index_cast %scan3A_605 : i32 to index
        %get3A_609 = arith.constant 0 : index
        %get3A_610 = tpu.vector_load %arg8[%get3A_607, %get3A_608, %get3A_609] {strides = array<i32>} : memref<4x200x64xf32, #tpu.memory_space<vmem>>, vector<1x1x16xf32>,
        %get3A_611 = vector.shape_cast %get3A_610 : vector<1x1x16xf32> to vector<16xf32>
        %add3A_612 = arith.addf %add3A_582, %get3A_611 : vector<16xf32>
        %get3A_613 = arith.constant 0 : i32
        %get3A_614 = arith.index_cast %get3A_613 : i32 to index
        %get3A_615 = arith.index_cast %scan3A_605 : i32 to index
        %get3A_616 = arith.constant 16 : index
        %get3A_617 = tpu.vector_load %arg8[%get3A_614, %get3A_615, %get3A_616] {strides = array<i32>} : memref<4x200x64xf32, #tpu.memory_space<vmem>>, vector<1x1x16xf32>,
        %get3A_618 = vector.shape_cast %get3A_617 : vector<1x1x16xf32> to vector<16xf32>
        %add3A_619 = arith.addf %add3A_589, %get3A_618 : vector<16xf32>
        %get3A_620 = arith.constant 0 : i32
        %get3A_621 = arith.index_cast %get3A_620 : i32 to index
        %get3A_622 = arith.index_cast %scan3A_605 : i32 to index
        %get3A_623 = arith.constant 32 : index
        %get3A_624 = tpu.vector_load %arg8[%get3A_621, %get3A_622, %get3A_623] {strides = array<i32>} : memref<4x200x64xf32, #tpu.memory_space<vmem>>, vector<1x1x16xf32>,
        %get3A_625 = vector.shape_cast %get3A_624 : vector<1x1x16xf32> to vector<16xf32>
        %add3A_626 = arith.addf %add3A_596, %get3A_625 : vector<16xf32>
        %get3A_627 = arith.constant 0 : i32
        %get3A_628 = arith.index_cast %get3A_627 : i32 to index
        %get3A_629 = arith.index_cast %scan3A_605 : i32 to index
        %get3A_630 = arith.constant 48 : index
        %get3A_631 = tpu.vector_load %arg8[%get3A_628, %get3A_629, %get3A_630] {strides = array<i32>} : memref<4x200x64xf32, #tpu.memory_space<vmem>>, vector<1x1x16xf32>,
        %get3A_632 = vector.shape_cast %get3A_631 : vector<1x1x16xf32> to vector<16xf32>
        %add3A_633 = arith.addf %add3A_603, %get3A_632 : vector<16xf32>
        %scan3A_634 = arith.constant 2 : i32
        %scan3A_635 = arith.addi %scan3A_571, %scan3A_634 : i32
        %get3A_636 = arith.constant 0 : i32
        %get3A_637 = arith.index_cast %get3A_636 : i32 to index
        %get3A_638 = arith.index_cast %scan3A_635 : i32 to index
        %get3A_639 = arith.constant 0 : index
        %get3A_640 = tpu.vector_load %arg8[%get3A_637, %get3A_638, %get3A_639] {strides = array<i32>} : memref<4x200x64xf32, #tpu.memory_space<vmem>>, vector<1x1x16xf32>,
        %get3A_641 = vector.shape_cast %get3A_640 : vector<1x1x16xf32> to vector<16xf32>
        %add3A_642 = arith.addf %add3A_612, %get3A_641 : vector<16xf32>
        %get3A_643 = arith.constant 0 : i32
        %get3A_644 = arith.index_cast %get3A_643 : i32 to index
        %get3A_645 = arith.index_cast %scan3A_635 : i32 to index
        %get3A_646 = arith.constant 16 : index
        %get3A_647 = tpu.vector_load %arg8[%get3A_644, %get3A_645, %get3A_646] {strides = array<i32>} : memref<4x200x64xf32, #tpu.memory_space<vmem>>, vector<1x1x16xf32>,
        %get3A_648 = vector.shape_cast %get3A_647 : vector<1x1x16xf32> to vector<16xf32>
        %add3A_649 = arith.addf %add3A_619, %get3A_648 : vector<16xf32>
        %get3A_650 = arith.constant 0 : i32
        %get3A_651 = arith.index_cast %get3A_650 : i32 to index
        %get3A_652 = arith.index_cast %scan3A_635 : i32 to index
        %get3A_653 = arith.constant 32 : index
        %get3A_654 = tpu.vector_load %arg8[%get3A_651, %get3A_652, %get3A_653] {strides = array<i32>} : memref<4x200x64xf32, #tpu.memory_space<vmem>>, vector<1x1x16xf32>,
        %get3A_655 = vector.shape_cast %get3A_654 : vector<1x1x16xf32> to vector<16xf32>
        %add3A_656 = arith.addf %add3A_626, %get3A_655 : vector<16xf32>
        %get3A_657 = arith.constant 0 : i32
        %get3A_658 = arith.index_cast %get3A_657 : i32 to index
        %get3A_659 = arith.index_cast %scan3A_635 : i32 to index
        %get3A_660 = arith.constant 48 : index
        %get3A_661 = tpu.vector_load %arg8[%get3A_658, %get3A_659, %get3A_660] {strides = array<i32>} : memref<4x200x64xf32, #tpu.memory_space<vmem>>, vector<1x1x16xf32>,
        %get3A_662 = vector.shape_cast %get3A_661 : vector<1x1x16xf32> to vector<16xf32>
        %add3A_663 = arith.addf %add3A_633, %get3A_662 : vector<16xf32>
        %scan3A_664 = arith.constant 3 : i32
        %scan3A_665 = arith.addi %scan3A_571, %scan3A_664 : i32
        %get3A_666 = arith.constant 0 : i32
        %get3A_667 = arith.index_cast %get3A_666 : i32 to index
        %get3A_668 = arith.index_cast %scan3A_665 : i32 to index
        %get3A_669 = arith.constant 0 : index
        %get3A_670 = tpu.vector_load %arg8[%get3A_667, %get3A_668, %get3A_669] {strides = array<i32>} : memref<4x200x64xf32, #tpu.memory_space<vmem>>, vector<1x1x16xf32>,
        %get3A_671 = vector.shape_cast %get3A_670 : vector<1x1x16xf32> to vector<16xf32>
        %add3A_672 = arith.addf %add3A_642, %get3A_671 : vector<16xf32>
        %get3A_673 = arith.constant 0 : i32
        %get3A_674 = arith.index_cast %get3A_673 : i32 to index
        %get3A_675 = arith.index_cast %scan3A_665 : i32 to index
        %get3A_676 = arith.constant 16 : index
        %get3A_677 = tpu.vector_load %arg8[%get3A_674, %get3A_675, %get3A_676] {strides = array<i32>} : memref<4x200x64xf32, #tpu.memory_space<vmem>>, vector<1x1x16xf32>,
        %get3A_678 = vector.shape_cast %get3A_677 : vector<1x1x16xf32> to vector<16xf32>
        %add3A_679 = arith.addf %add3A_649, %get3A_678 : vector<16xf32>
        %get3A_680 = arith.constant 0 : i32
        %get3A_681 = arith.index_cast %get3A_680 : i32 to index
        %get3A_682 = arith.index_cast %scan3A_665 : i32 to index
        %get3A_683 = arith.constant 32 : index
        %get3A_684 = tpu.vector_load %arg8[%get3A_681, %get3A_682, %get3A_683] {strides = array<i32>} : memref<4x200x64xf32, #tpu.memory_space<vmem>>, vector<1x1x16xf32>,
        %get3A_685 = vector.shape_cast %get3A_684 : vector<1x1x16xf32> to vector<16xf32>
        %add3A_686 = arith.addf %add3A_656, %get3A_685 : vector<16xf32>
        %get3A_687 = arith.constant 0 : i32
        %get3A_688 = arith.index_cast %get3A_687 : i32 to index
        %get3A_689 = arith.index_cast %scan3A_665 : i32 to index
        %get3A_690 = arith.constant 48 : index
        %get3A_691 = tpu.vector_load %arg8[%get3A_688, %get3A_689, %get3A_690] {strides = array<i32>} : memref<4x200x64xf32, #tpu.memory_space<vmem>>, vector<1x1x16xf32>,
        %get3A_692 = vector.shape_cast %get3A_691 : vector<1x1x16xf32> to vector<16xf32>
        %add3A_693 = arith.addf %add3A_663, %get3A_692 : vector<16xf32>
        %scan3A_694 = arith.constant 4 : i32
        %scan3A_695 = arith.addi %scan3A_571, %scan3A_694 : i32
        %get3A_696 = arith.constant 0 : i32
        %get3A_697 = arith.index_cast %get3A_696 : i32 to index
        %get3A_698 = arith.index_cast %scan3A_695 : i32 to index
        %get3A_699 = arith.constant 0 : index
        %get3A_700 = tpu.vector_load %arg8[%get3A_697, %get3A_698, %get3A_699] {strides = array<i32>} : memref<4x200x64xf32, #tpu.memory_space<vmem>>, vector<1x1x16xf32>,
        %get3A_701 = vector.shape_cast %get3A_700 : vector<1x1x16xf32> to vector<16xf32>
        %add3A_702 = arith.addf %add3A_672, %get3A_701 : vector<16xf32>
        %get3A_703 = arith.constant 0 : i32
        %get3A_704 = arith.index_cast %get3A_703 : i32 to index
        %get3A_705 = arith.index_cast %scan3A_695 : i32 to index
        %get3A_706 = arith.constant 16 : index
        %get3A_707 = tpu.vector_load %arg8[%get3A_704, %get3A_705, %get3A_706] {strides = array<i32>} : memref<4x200x64xf32, #tpu.memory_space<vmem>>, vector<1x1x16xf32>,
        %get3A_708 = vector.shape_cast %get3A_707 : vector<1x1x16xf32> to vector<16xf32>
        %add3A_709 = arith.addf %add3A_679, %get3A_708 : vector<16xf32>
        %get3A_710 = arith.constant 0 : i32
        %get3A_711 = arith.index_cast %get3A_710 : i32 to index
        %get3A_712 = arith.index_cast %scan3A_695 : i32 to index
        %get3A_713 = arith.constant 32 : index
        %get3A_714 = tpu.vector_load %arg8[%get3A_711, %get3A_712, %get3A_713] {strides = array<i32>} : memref<4x200x64xf32, #tpu.memory_space<vmem>>, vector<1x1x16xf32>,
        %get3A_715 = vector.shape_cast %get3A_714 : vector<1x1x16xf32> to vector<16xf32>
        %add3A_716 = arith.addf %add3A_686, %get3A_715 : vector<16xf32>
        %get3A_717 = arith.constant 0 : i32
        %get3A_718 = arith.index_cast %get3A_717 : i32 to index
        %get3A_719 = arith.index_cast %scan3A_695 : i32 to index
        %get3A_720 = arith.constant 48 : index
        %get3A_721 = tpu.vector_load %arg8[%get3A_718, %get3A_719, %get3A_720] {strides = array<i32>} : memref<4x200x64xf32, #tpu.memory_space<vmem>>, vector<1x1x16xf32>,
        %get3A_722 = vector.shape_cast %get3A_721 : vector<1x1x16xf32> to vector<16xf32>
        %add3A_723 = arith.addf %add3A_693, %get3A_722 : vector<16xf32>
        %scan3A_724 = arith.constant 5 : i32
        %scan3A_725 = arith.addi %scan3A_571, %scan3A_724 : i32
        %get3A_726 = arith.constant 0 : i32
        %get3A_727 = arith.index_cast %get3A_726 : i32 to index
        %get3A_728 = arith.index_cast %scan3A_725 : i32 to index
        %get3A_729 = arith.constant 0 : index
        %get3A_730 = tpu.vector_load %arg8[%get3A_727, %get3A_728, %get3A_729] {strides = array<i32>} : memref<4x200x64xf32, #tpu.memory_space<vmem>>, vector<1x1x16xf32>,
        %get3A_731 = vector.shape_cast %get3A_730 : vector<1x1x16xf32> to vector<16xf32>
        %add3A_732 = arith.addf %add3A_702, %get3A_731 : vector<16xf32>
        %get3A_733 = arith.constant 0 : i32
        %get3A_734 = arith.index_cast %get3A_733 : i32 to index
        %get3A_735 = arith.index_cast %scan3A_725 : i32 to index
        %get3A_736 = arith.constant 16 : index
        %get3A_737 = tpu.vector_load %arg8[%get3A_734, %get3A_735, %get3A_736] {strides = array<i32>} : memref<4x200x64xf32, #tpu.memory_space<vmem>>, vector<1x1x16xf32>,
        %get3A_738 = vector.shape_cast %get3A_737 : vector<1x1x16xf32> to vector<16xf32>
        %add3A_739 = arith.addf %add3A_709, %get3A_738 : vector<16xf32>
        %get3A_740 = arith.constant 0 : i32
        %get3A_741 = arith.index_cast %get3A_740 : i32 to index
        %get3A_742 = arith.index_cast %scan3A_725 : i32 to index
        %get3A_743 = arith.constant 32 : index
        %get3A_744 = tpu.vector_load %arg8[%get3A_741, %get3A_742, %get3A_743] {strides = array<i32>} : memref<4x200x64xf32, #tpu.memory_space<vmem>>, vector<1x1x16xf32>,
        %get3A_745 = vector.shape_cast %get3A_744 : vector<1x1x16xf32> to vector<16xf32>
        %add3A_746 = arith.addf %add3A_716, %get3A_745 : vector<16xf32>
        %get3A_747 = arith.constant 0 : i32
        %get3A_748 = arith.index_cast %get3A_747 : i32 to index
        %get3A_749 = arith.index_cast %scan3A_725 : i32 to index
        %get3A_750 = arith.constant 48 : index
        %get3A_751 = tpu.vector_load %arg8[%get3A_748, %get3A_749, %get3A_750] {strides = array<i32>} : memref<4x200x64xf32, #tpu.memory_space<vmem>>, vector<1x1x16xf32>,
        %get3A_752 = vector.shape_cast %get3A_751 : vector<1x1x16xf32> to vector<16xf32>
        %add3A_753 = arith.addf %add3A_723, %get3A_752 : vector<16xf32>
        %scan3A_754 = arith.constant 6 : i32
        %scan3A_755 = arith.addi %scan3A_571, %scan3A_754 : i32
        %get3A_756 = arith.constant 0 : i32
        %get3A_757 = arith.index_cast %get3A_756 : i32 to index
        %get3A_758 = arith.index_cast %scan3A_755 : i32 to index
        %get3A_759 = arith.constant 0 : index
        %get3A_760 = tpu.vector_load %arg8[%get3A_757, %get3A_758, %get3A_759] {strides = array<i32>} : memref<4x200x64xf32, #tpu.memory_space<vmem>>, vector<1x1x16xf32>,
        %get3A_761 = vector.shape_cast %get3A_760 : vector<1x1x16xf32> to vector<16xf32>
        %add3A_762 = arith.addf %add3A_732, %get3A_761 : vector<16xf32>
        %get3A_763 = arith.constant 0 : i32
        %get3A_764 = arith.index_cast %get3A_763 : i32 to index
        %get3A_765 = arith.index_cast %scan3A_755 : i32 to index
        %get3A_766 = arith.constant 16 : index
        %get3A_767 = tpu.vector_load %arg8[%get3A_764, %get3A_765, %get3A_766] {strides = array<i32>} : memref<4x200x64xf32, #tpu.memory_space<vmem>>, vector<1x1x16xf32>,
        %get3A_768 = vector.shape_cast %get3A_767 : vector<1x1x16xf32> to vector<16xf32>
        %add3A_769 = arith.addf %add3A_739, %get3A_768 : vector<16xf32>
        %get3A_770 = arith.constant 0 : i32
        %get3A_771 = arith.index_cast %get3A_770 : i32 to index
        %get3A_772 = arith.index_cast %scan3A_755 : i32 to index
        %get3A_773 = arith.constant 32 : index
        %get3A_774 = tpu.vector_load %arg8[%get3A_771, %get3A_772, %get3A_773] {strides = array<i32>} : memref<4x200x64xf32, #tpu.memory_space<vmem>>, vector<1x1x16xf32>,
        %get3A_775 = vector.shape_cast %get3A_774 : vector<1x1x16xf32> to vector<16xf32>
        %add3A_776 = arith.addf %add3A_746, %get3A_775 : vector<16xf32>
        %get3A_777 = arith.constant 0 : i32
        %get3A_778 = arith.index_cast %get3A_777 : i32 to index
        %get3A_779 = arith.index_cast %scan3A_755 : i32 to index
        %get3A_780 = arith.constant 48 : index
        %get3A_781 = tpu.vector_load %arg8[%get3A_778, %get3A_779, %get3A_780] {strides = array<i32>} : memref<4x200x64xf32, #tpu.memory_space<vmem>>, vector<1x1x16xf32>,
        %get3A_782 = vector.shape_cast %get3A_781 : vector<1x1x16xf32> to vector<16xf32>
        %add3A_783 = arith.addf %add3A_753, %get3A_782 : vector<16xf32>
        %scan3A_784 = arith.constant 7 : i32
        %scan3A_785 = arith.addi %scan3A_571, %scan3A_784 : i32
        %get3A_786 = arith.constant 0 : i32
        %get3A_787 = arith.index_cast %get3A_786 : i32 to index
        %get3A_788 = arith.index_cast %scan3A_785 : i32 to index
        %get3A_789 = arith.constant 0 : index
        %get3A_790 = tpu.vector_load %arg8[%get3A_787, %get3A_788, %get3A_789] {strides = array<i32>} : memref<4x200x64xf32, #tpu.memory_space<vmem>>, vector<1x1x16xf32>,
        %get3A_791 = vector.shape_cast %get3A_790 : vector<1x1x16xf32> to vector<16xf32>
        %add3A_792 = arith.addf %add3A_762, %get3A_791 : vector<16xf32>
        %get3A_793 = arith.constant 0 : i32
        %get3A_794 = arith.index_cast %get3A_793 : i32 to index
        %get3A_795 = arith.index_cast %scan3A_785 : i32 to index
        %get3A_796 = arith.constant 16 : index
        %get3A_797 = tpu.vector_load %arg8[%get3A_794, %get3A_795, %get3A_796] {strides = array<i32>} : memref<4x200x64xf32, #tpu.memory_space<vmem>>, vector<1x1x16xf32>,
        %get3A_798 = vector.shape_cast %get3A_797 : vector<1x1x16xf32> to vector<16xf32>
        %add3A_799 = arith.addf %add3A_769, %get3A_798 : vector<16xf32>
        %get3A_800 = arith.constant 0 : i32
        %get3A_801 = arith.index_cast %get3A_800 : i32 to index
        %get3A_802 = arith.index_cast %scan3A_785 : i32 to index
        %get3A_803 = arith.constant 32 : index
        %get3A_804 = tpu.vector_load %arg8[%get3A_801, %get3A_802, %get3A_803] {strides = array<i32>} : memref<4x200x64xf32, #tpu.memory_space<vmem>>, vector<1x1x16xf32>,
        %get3A_805 = vector.shape_cast %get3A_804 : vector<1x1x16xf32> to vector<16xf32>
        %add3A_806 = arith.addf %add3A_776, %get3A_805 : vector<16xf32>
        %get3A_807 = arith.constant 0 : i32
        %get3A_808 = arith.index_cast %get3A_807 : i32 to index
        %get3A_809 = arith.index_cast %scan3A_785 : i32 to index
        %get3A_810 = arith.constant 48 : index
        %get3A_811 = tpu.vector_load %arg8[%get3A_808, %get3A_809, %get3A_810] {strides = array<i32>} : memref<4x200x64xf32, #tpu.memory_space<vmem>>, vector<1x1x16xf32>,
        %get3A_812 = vector.shape_cast %get3A_811 : vector<1x1x16xf32> to vector<16xf32>
        %add3A_813 = arith.addf %add3A_783, %get3A_812 : vector<16xf32>
        %scan3A_814 = arith.constant 8 : i32
        %scan3A_815 = arith.addi %scan3A_571, %scan3A_814 : i32
        %get3A_816 = arith.constant 0 : i32
        %get3A_817 = arith.index_cast %get3A_816 : i32 to index
        %get3A_818 = arith.index_cast %scan3A_815 : i32 to index
        %get3A_819 = arith.constant 0 : index
        %get3A_820 = tpu.vector_load %arg8[%get3A_817, %get3A_818, %get3A_819] {strides = array<i32>} : memref<4x200x64xf32, #tpu.memory_space<vmem>>, vector<1x1x16xf32>,
        %get3A_821 = vector.shape_cast %get3A_820 : vector<1x1x16xf32> to vector<16xf32>
        %add3A_822 = arith.addf %add3A_792, %get3A_821 : vector<16xf32>
        %get3A_823 = arith.constant 0 : i32
        %get3A_824 = arith.index_cast %get3A_823 : i32 to index
        %get3A_825 = arith.index_cast %scan3A_815 : i32 to index
        %get3A_826 = arith.constant 16 : index
        %get3A_827 = tpu.vector_load %arg8[%get3A_824, %get3A_825, %get3A_826] {strides = array<i32>} : memref<4x200x64xf32, #tpu.memory_space<vmem>>, vector<1x1x16xf32>,
        %get3A_828 = vector.shape_cast %get3A_827 : vector<1x1x16xf32> to vector<16xf32>
        %add3A_829 = arith.addf %add3A_799, %get3A_828 : vector<16xf32>
        %get3A_830 = arith.constant 0 : i32
        %get3A_831 = arith.index_cast %get3A_830 : i32 to index
        %get3A_832 = arith.index_cast %scan3A_815 : i32 to index
        %get3A_833 = arith.constant 32 : index
        %get3A_834 = tpu.vector_load %arg8[%get3A_831, %get3A_832, %get3A_833] {strides = array<i32>} : memref<4x200x64xf32, #tpu.memory_space<vmem>>, vector<1x1x16xf32>,
        %get3A_835 = vector.shape_cast %get3A_834 : vector<1x1x16xf32> to vector<16xf32>
        %add3A_836 = arith.addf %add3A_806, %get3A_835 : vector<16xf32>
        %get3A_837 = arith.constant 0 : i32
        %get3A_838 = arith.index_cast %get3A_837 : i32 to index
        %get3A_839 = arith.index_cast %scan3A_815 : i32 to index
        %get3A_840 = arith.constant 48 : index
        %get3A_841 = tpu.vector_load %arg8[%get3A_838, %get3A_839, %get3A_840] {strides = array<i32>} : memref<4x200x64xf32, #tpu.memory_space<vmem>>, vector<1x1x16xf32>,
        %get3A_842 = vector.shape_cast %get3A_841 : vector<1x1x16xf32> to vector<16xf32>
        %add3A_843 = arith.addf %add3A_813, %get3A_842 : vector<16xf32>
        %scan3A_844 = arith.constant 9 : i32
        %scan3A_845 = arith.addi %scan3A_571, %scan3A_844 : i32
        %get3A_846 = arith.constant 0 : i32
        %get3A_847 = arith.index_cast %get3A_846 : i32 to index
        %get3A_848 = arith.index_cast %scan3A_845 : i32 to index
        %get3A_849 = arith.constant 0 : index
        %get3A_850 = tpu.vector_load %arg8[%get3A_847, %get3A_848, %get3A_849] {strides = array<i32>} : memref<4x200x64xf32, #tpu.memory_space<vmem>>, vector<1x1x16xf32>,
        %get3A_851 = vector.shape_cast %get3A_850 : vector<1x1x16xf32> to vector<16xf32>
        %add3A_852 = arith.addf %add3A_822, %get3A_851 : vector<16xf32>
        %get3A_853 = arith.constant 0 : i32
        %get3A_854 = arith.index_cast %get3A_853 : i32 to index
        %get3A_855 = arith.index_cast %scan3A_845 : i32 to index
        %get3A_856 = arith.constant 16 : index
        %get3A_857 = tpu.vector_load %arg8[%get3A_854, %get3A_855, %get3A_856] {strides = array<i32>} : memref<4x200x64xf32, #tpu.memory_space<vmem>>, vector<1x1x16xf32>,
        %get3A_858 = vector.shape_cast %get3A_857 : vector<1x1x16xf32> to vector<16xf32>
        %add3A_859 = arith.addf %add3A_829, %get3A_858 : vector<16xf32>
        %get3A_860 = arith.constant 0 : i32
        %get3A_861 = arith.index_cast %get3A_860 : i32 to index
        %get3A_862 = arith.index_cast %scan3A_845 : i32 to index
        %get3A_863 = arith.constant 32 : index
        %get3A_864 = tpu.vector_load %arg8[%get3A_861, %get3A_862, %get3A_863] {strides = array<i32>} : memref<4x200x64xf32, #tpu.memory_space<vmem>>, vector<1x1x16xf32>,
        %get3A_865 = vector.shape_cast %get3A_864 : vector<1x1x16xf32> to vector<16xf32>
        %add3A_866 = arith.addf %add3A_836, %get3A_865 : vector<16xf32>
        %get3A_867 = arith.constant 0 : i32
        %get3A_868 = arith.index_cast %get3A_867 : i32 to index
        %get3A_869 = arith.index_cast %scan3A_845 : i32 to index
        %get3A_870 = arith.constant 48 : index
        %get3A_871 = tpu.vector_load %arg8[%get3A_868, %get3A_869, %get3A_870] {strides = array<i32>} : memref<4x200x64xf32, #tpu.memory_space<vmem>>, vector<1x1x16xf32>,
        %get3A_872 = vector.shape_cast %get3A_871 : vector<1x1x16xf32> to vector<16xf32>
        %add3A_873 = arith.addf %add3A_843, %get3A_872 : vector<16xf32>
        %scan3A_874 = arith.constant 10 : i32
        %scan3A_875 = arith.addi %scan3A_571, %scan3A_874 : i32
        %get3A_876 = arith.constant 0 : i32
        %get3A_877 = arith.index_cast %get3A_876 : i32 to index
        %get3A_878 = arith.index_cast %scan3A_875 : i32 to index
        %get3A_879 = arith.constant 0 : index
        %get3A_880 = tpu.vector_load %arg8[%get3A_877, %get3A_878, %get3A_879] {strides = array<i32>} : memref<4x200x64xf32, #tpu.memory_space<vmem>>, vector<1x1x16xf32>,
        %get3A_881 = vector.shape_cast %get3A_880 : vector<1x1x16xf32> to vector<16xf32>
        %add3A_882 = arith.addf %add3A_852, %get3A_881 : vector<16xf32>
        %get3A_883 = arith.constant 0 : i32
        %get3A_884 = arith.index_cast %get3A_883 : i32 to index
        %get3A_885 = arith.index_cast %scan3A_875 : i32 to index
        %get3A_886 = arith.constant 16 : index
        %get3A_887 = tpu.vector_load %arg8[%get3A_884, %get3A_885, %get3A_886] {strides = array<i32>} : memref<4x200x64xf32, #tpu.memory_space<vmem>>, vector<1x1x16xf32>,
        %get3A_888 = vector.shape_cast %get3A_887 : vector<1x1x16xf32> to vector<16xf32>
        %add3A_889 = arith.addf %add3A_859, %get3A_888 : vector<16xf32>
        %get3A_890 = arith.constant 0 : i32
        %get3A_891 = arith.index_cast %get3A_890 : i32 to index
        %get3A_892 = arith.index_cast %scan3A_875 : i32 to index
        %get3A_893 = arith.constant 32 : index
        %get3A_894 = tpu.vector_load %arg8[%get3A_891, %get3A_892, %get3A_893] {strides = array<i32>} : memref<4x200x64xf32, #tpu.memory_space<vmem>>, vector<1x1x16xf32>,
        %get3A_895 = vector.shape_cast %get3A_894 : vector<1x1x16xf32> to vector<16xf32>
        %add3A_896 = arith.addf %add3A_866, %get3A_895 : vector<16xf32>
        %get3A_897 = arith.constant 0 : i32
        %get3A_898 = arith.index_cast %get3A_897 : i32 to index
        %get3A_899 = arith.index_cast %scan3A_875 : i32 to index
        %get3A_900 = arith.constant 48 : index
        %get3A_901 = tpu.vector_load %arg8[%get3A_898, %get3A_899, %get3A_900] {strides = array<i32>} : memref<4x200x64xf32, #tpu.memory_space<vmem>>, vector<1x1x16xf32>,
        %get3A_902 = vector.shape_cast %get3A_901 : vector<1x1x16xf32> to vector<16xf32>
        %add3A_903 = arith.addf %add3A_873, %get3A_902 : vector<16xf32>
        %scan3A_904 = arith.constant 11 : i32
        %scan3A_905 = arith.addi %scan3A_571, %scan3A_904 : i32
        %get3A_906 = arith.constant 0 : i32
        %get3A_907 = arith.index_cast %get3A_906 : i32 to index
        %get3A_908 = arith.index_cast %scan3A_905 : i32 to index
        %get3A_909 = arith.constant 0 : index
        %get3A_910 = tpu.vector_load %arg8[%get3A_907, %get3A_908, %get3A_909] {strides = array<i32>} : memref<4x200x64xf32, #tpu.memory_space<vmem>>, vector<1x1x16xf32>,
        %get3A_911 = vector.shape_cast %get3A_910 : vector<1x1x16xf32> to vector<16xf32>
        %add3A_912 = arith.addf %add3A_882, %get3A_911 : vector<16xf32>
        %get3A_913 = arith.constant 0 : i32
        %get3A_914 = arith.index_cast %get3A_913 : i32 to index
        %get3A_915 = arith.index_cast %scan3A_905 : i32 to index
        %get3A_916 = arith.constant 16 : index
        %get3A_917 = tpu.vector_load %arg8[%get3A_914, %get3A_915, %get3A_916] {strides = array<i32>} : memref<4x200x64xf32, #tpu.memory_space<vmem>>, vector<1x1x16xf32>,
        %get3A_918 = vector.shape_cast %get3A_917 : vector<1x1x16xf32> to vector<16xf32>
        %add3A_919 = arith.addf %add3A_889, %get3A_918 : vector<16xf32>
        %get3A_920 = arith.constant 0 : i32
        %get3A_921 = arith.index_cast %get3A_920 : i32 to index
        %get3A_922 = arith.index_cast %scan3A_905 : i32 to index
        %get3A_923 = arith.constant 32 : index
        %get3A_924 = tpu.vector_load %arg8[%get3A_921, %get3A_922, %get3A_923] {strides = array<i32>} : memref<4x200x64xf32, #tpu.memory_space<vmem>>, vector<1x1x16xf32>,
        %get3A_925 = vector.shape_cast %get3A_924 : vector<1x1x16xf32> to vector<16xf32>
        %add3A_926 = arith.addf %add3A_896, %get3A_925 : vector<16xf32>
        %get3A_927 = arith.constant 0 : i32
        %get3A_928 = arith.index_cast %get3A_927 : i32 to index
        %get3A_929 = arith.index_cast %scan3A_905 : i32 to index
        %get3A_930 = arith.constant 48 : index
        %get3A_931 = tpu.vector_load %arg8[%get3A_928, %get3A_929, %get3A_930] {strides = array<i32>} : memref<4x200x64xf32, #tpu.memory_space<vmem>>, vector<1x1x16xf32>,
        %get3A_932 = vector.shape_cast %get3A_931 : vector<1x1x16xf32> to vector<16xf32>
        %add3A_933 = arith.addf %add3A_903, %get3A_932 : vector<16xf32>
        %scan3A_934 = arith.constant 12 : i32
        %scan3A_935 = arith.addi %scan3A_571, %scan3A_934 : i32
        %get3A_936 = arith.constant 0 : i32
        %get3A_937 = arith.index_cast %get3A_936 : i32 to index
        %get3A_938 = arith.index_cast %scan3A_935 : i32 to index
        %get3A_939 = arith.constant 0 : index
        %get3A_940 = tpu.vector_load %arg8[%get3A_937, %get3A_938, %get3A_939] {strides = array<i32>} : memref<4x200x64xf32, #tpu.memory_space<vmem>>, vector<1x1x16xf32>,
        %get3A_941 = vector.shape_cast %get3A_940 : vector<1x1x16xf32> to vector<16xf32>
        %add3A_942 = arith.addf %add3A_912, %get3A_941 : vector<16xf32>
        %get3A_943 = arith.constant 0 : i32
        %get3A_944 = arith.index_cast %get3A_943 : i32 to index
        %get3A_945 = arith.index_cast %scan3A_935 : i32 to index
        %get3A_946 = arith.constant 16 : index
        %get3A_947 = tpu.vector_load %arg8[%get3A_944, %get3A_945, %get3A_946] {strides = array<i32>} : memref<4x200x64xf32, #tpu.memory_space<vmem>>, vector<1x1x16xf32>,
        %get3A_948 = vector.shape_cast %get3A_947 : vector<1x1x16xf32> to vector<16xf32>
        %add3A_949 = arith.addf %add3A_919, %get3A_948 : vector<16xf32>
        %get3A_950 = arith.constant 0 : i32
        %get3A_951 = arith.index_cast %get3A_950 : i32 to index
        %get3A_952 = arith.index_cast %scan3A_935 : i32 to index
        %get3A_953 = arith.constant 32 : index
        %get3A_954 = tpu.vector_load %arg8[%get3A_951, %get3A_952, %get3A_953] {strides = array<i32>} : memref<4x200x64xf32, #tpu.memory_space<vmem>>, vector<1x1x16xf32>,
        %get3A_955 = vector.shape_cast %get3A_954 : vector<1x1x16xf32> to vector<16xf32>
        %add3A_956 = arith.addf %add3A_926, %get3A_955 : vector<16xf32>
        %get3A_957 = arith.constant 0 : i32
        %get3A_958 = arith.index_cast %get3A_957 : i32 to index
        %get3A_959 = arith.index_cast %scan3A_935 : i32 to index
        %get3A_960 = arith.constant 48 : index
        %get3A_961 = tpu.vector_load %arg8[%get3A_958, %get3A_959, %get3A_960] {strides = array<i32>} : memref<4x200x64xf32, #tpu.memory_space<vmem>>, vector<1x1x16xf32>,
        %get3A_962 = vector.shape_cast %get3A_961 : vector<1x1x16xf32> to vector<16xf32>
        %add3A_963 = arith.addf %add3A_933, %get3A_962 : vector<16xf32>
        %scan3A_964 = arith.constant 13 : i32
        %scan3A_965 = arith.addi %scan3A_571, %scan3A_964 : i32
        %get3A_966 = arith.constant 0 : i32
        %get3A_967 = arith.index_cast %get3A_966 : i32 to index
        %get3A_968 = arith.index_cast %scan3A_965 : i32 to index
        %get3A_969 = arith.constant 0 : index
        %get3A_970 = tpu.vector_load %arg8[%get3A_967, %get3A_968, %get3A_969] {strides = array<i32>} : memref<4x200x64xf32, #tpu.memory_space<vmem>>, vector<1x1x16xf32>,
        %get3A_971 = vector.shape_cast %get3A_970 : vector<1x1x16xf32> to vector<16xf32>
        %add3A_972 = arith.addf %add3A_942, %get3A_971 : vector<16xf32>
        %get3A_973 = arith.constant 0 : i32
        %get3A_974 = arith.index_cast %get3A_973 : i32 to index
        %get3A_975 = arith.index_cast %scan3A_965 : i32 to index
        %get3A_976 = arith.constant 16 : index
        %get3A_977 = tpu.vector_load %arg8[%get3A_974, %get3A_975, %get3A_976] {strides = array<i32>} : memref<4x200x64xf32, #tpu.memory_space<vmem>>, vector<1x1x16xf32>,
        %get3A_978 = vector.shape_cast %get3A_977 : vector<1x1x16xf32> to vector<16xf32>
        %add3A_979 = arith.addf %add3A_949, %get3A_978 : vector<16xf32>
        %get3A_980 = arith.constant 0 : i32
        %get3A_981 = arith.index_cast %get3A_980 : i32 to index
        %get3A_982 = arith.index_cast %scan3A_965 : i32 to index
        %get3A_983 = arith.constant 32 : index
        %get3A_984 = tpu.vector_load %arg8[%get3A_981, %get3A_982, %get3A_983] {strides = array<i32>} : memref<4x200x64xf32, #tpu.memory_space<vmem>>, vector<1x1x16xf32>,
        %get3A_985 = vector.shape_cast %get3A_984 : vector<1x1x16xf32> to vector<16xf32>
        %add3A_986 = arith.addf %add3A_956, %get3A_985 : vector<16xf32>
        %get3A_987 = arith.constant 0 : i32
        %get3A_988 = arith.index_cast %get3A_987 : i32 to index
        %get3A_989 = arith.index_cast %scan3A_965 : i32 to index
        %get3A_990 = arith.constant 48 : index
        %get3A_991 = tpu.vector_load %arg8[%get3A_988, %get3A_989, %get3A_990] {strides = array<i32>} : memref<4x200x64xf32, #tpu.memory_space<vmem>>, vector<1x1x16xf32>,
        %get3A_992 = vector.shape_cast %get3A_991 : vector<1x1x16xf32> to vector<16xf32>
        %add3A_993 = arith.addf %add3A_963, %get3A_992 : vector<16xf32>
        %scan3A_994 = arith.constant 14 : i32
        %scan3A_995 = arith.addi %scan3A_571, %scan3A_994 : i32
        %get3A_996 = arith.constant 0 : i32
        %get3A_997 = arith.index_cast %get3A_996 : i32 to index
        %get3A_998 = arith.index_cast %scan3A_995 : i32 to index
        %get3A_999 = arith.constant 0 : index
        %get3A_1000 = tpu.vector_load %arg8[%get3A_997, %get3A_998, %get3A_999] {strides = array<i32>} : memref<4x200x64xf32, #tpu.memory_space<vmem>>, vector<1x1x16xf32>,
        %get3A_1001 = vector.shape_cast %get3A_1000 : vector<1x1x16xf32> to vector<16xf32>
        %add3A_1002 = arith.addf %add3A_972, %get3A_1001 : vector<16xf32>
        %get3A_1003 = arith.constant 0 : i32
        %get3A_1004 = arith.index_cast %get3A_1003 : i32 to index
        %get3A_1005 = arith.index_cast %scan3A_995 : i32 to index
        %get3A_1006 = arith.constant 16 : index
        %get3A_1007 = tpu.vector_load %arg8[%get3A_1004, %get3A_1005, %get3A_1006] {strides = array<i32>} : memref<4x200x64xf32, #tpu.memory_space<vmem>>, vector<1x1x16xf32>,
        %get3A_1008 = vector.shape_cast %get3A_1007 : vector<1x1x16xf32> to vector<16xf32>
        %add3A_1009 = arith.addf %add3A_979, %get3A_1008 : vector<16xf32>
        %get3A_1010 = arith.constant 0 : i32
        %get3A_1011 = arith.index_cast %get3A_1010 : i32 to index
        %get3A_1012 = arith.index_cast %scan3A_995 : i32 to index
        %get3A_1013 = arith.constant 32 : index
        %get3A_1014 = tpu.vector_load %arg8[%get3A_1011, %get3A_1012, %get3A_1013] {strides = array<i32>} : memref<4x200x64xf32, #tpu.memory_space<vmem>>, vector<1x1x16xf32>,
        %get3A_1015 = vector.shape_cast %get3A_1014 : vector<1x1x16xf32> to vector<16xf32>
        %add3A_1016 = arith.addf %add3A_986, %get3A_1015 : vector<16xf32>
        %get3A_1017 = arith.constant 0 : i32
        %get3A_1018 = arith.index_cast %get3A_1017 : i32 to index
        %get3A_1019 = arith.index_cast %scan3A_995 : i32 to index
        %get3A_1020 = arith.constant 48 : index
        %get3A_1021 = tpu.vector_load %arg8[%get3A_1018, %get3A_1019, %get3A_1020] {strides = array<i32>} : memref<4x200x64xf32, #tpu.memory_space<vmem>>, vector<1x1x16xf32>,
        %get3A_1022 = vector.shape_cast %get3A_1021 : vector<1x1x16xf32> to vector<16xf32>
        %add3A_1023 = arith.addf %add3A_993, %get3A_1022 : vector<16xf32>
        %scan3A_1024 = arith.constant 15 : i32
        %scan3A_1025 = arith.addi %scan3A_571, %scan3A_1024 : i32
        %get3A_1026 = arith.constant 0 : i32
        %get3A_1027 = arith.index_cast %get3A_1026 : i32 to index
        %get3A_1028 = arith.index_cast %scan3A_1025 : i32 to index
        %get3A_1029 = arith.constant 0 : index
        %get3A_1030 = tpu.vector_load %arg8[%get3A_1027, %get3A_1028, %get3A_1029] {strides = array<i32>} : memref<4x200x64xf32, #tpu.memory_space<vmem>>, vector<1x1x16xf32>,
        %get3A_1031 = vector.shape_cast %get3A_1030 : vector<1x1x16xf32> to vector<16xf32>
        %add3A_1032 = arith.addf %add3A_1002, %get3A_1031 : vector<16xf32>
        %get3A_1033 = arith.constant 0 : i32
        %get3A_1034 = arith.index_cast %get3A_1033 : i32 to index
        %get3A_1035 = arith.index_cast %scan3A_1025 : i32 to index
        %get3A_1036 = arith.constant 16 : index
        %get3A_1037 = tpu.vector_load %arg8[%get3A_1034, %get3A_1035, %get3A_1036] {strides = array<i32>} : memref<4x200x64xf32, #tpu.memory_space<vmem>>, vector<1x1x16xf32>,
        %get3A_1038 = vector.shape_cast %get3A_1037 : vector<1x1x16xf32> to vector<16xf32>
        %add3A_1039 = arith.addf %add3A_1009, %get3A_1038 : vector<16xf32>
        %get3A_1040 = arith.constant 0 : i32
        %get3A_1041 = arith.index_cast %get3A_1040 : i32 to index
        %get3A_1042 = arith.index_cast %scan3A_1025 : i32 to index
        %get3A_1043 = arith.constant 32 : index
        %get3A_1044 = tpu.vector_load %arg8[%get3A_1041, %get3A_1042, %get3A_1043] {strides = array<i32>} : memref<4x200x64xf32, #tpu.memory_space<vmem>>, vector<1x1x16xf32>,
        %get3A_1045 = vector.shape_cast %get3A_1044 : vector<1x1x16xf32> to vector<16xf32>
        %add3A_1046 = arith.addf %add3A_1016, %get3A_1045 : vector<16xf32>
        %get3A_1047 = arith.constant 0 : i32
        %get3A_1048 = arith.index_cast %get3A_1047 : i32 to index
        %get3A_1049 = arith.index_cast %scan3A_1025 : i32 to index
        %get3A_1050 = arith.constant 48 : index
        %get3A_1051 = tpu.vector_load %arg8[%get3A_1048, %get3A_1049, %get3A_1050] {strides = array<i32>} : memref<4x200x64xf32, #tpu.memory_space<vmem>>, vector<1x1x16xf32>,
        %get3A_1052 = vector.shape_cast %get3A_1051 : vector<1x1x16xf32> to vector<16xf32>
        %add3A_1053 = arith.addf %add3A_1023, %get3A_1052 : vector<16xf32>
        %scan3A_1054 = arith.constant 16 : i32
        %scan3A_1055 = arith.addi %scan3A_571, %scan3A_1054 : i32
        %get3A_1056 = arith.constant 0 : i32
        %get3A_1057 = arith.index_cast %get3A_1056 : i32 to index
        %get3A_1058 = arith.index_cast %scan3A_1055 : i32 to index
        %get3A_1059 = arith.constant 0 : index
        %get3A_1060 = tpu.vector_load %arg8[%get3A_1057, %get3A_1058, %get3A_1059] {strides = array<i32>} : memref<4x200x64xf32, #tpu.memory_space<vmem>>, vector<1x1x16xf32>,
        %get3A_1061 = vector.shape_cast %get3A_1060 : vector<1x1x16xf32> to vector<16xf32>
        %add3A_1062 = arith.addf %add3A_1032, %get3A_1061 : vector<16xf32>
        %get3A_1063 = arith.constant 0 : i32
        %get3A_1064 = arith.index_cast %get3A_1063 : i32 to index
        %get3A_1065 = arith.index_cast %scan3A_1055 : i32 to index
        %get3A_1066 = arith.constant 16 : index
        %get3A_1067 = tpu.vector_load %arg8[%get3A_1064, %get3A_1065, %get3A_1066] {strides = array<i32>} : memref<4x200x64xf32, #tpu.memory_space<vmem>>, vector<1x1x16xf32>,
        %get3A_1068 = vector.shape_cast %get3A_1067 : vector<1x1x16xf32> to vector<16xf32>
        %add3A_1069 = arith.addf %add3A_1039, %get3A_1068 : vector<16xf32>
        %get3A_1070 = arith.constant 0 : i32
        %get3A_1071 = arith.index_cast %get3A_1070 : i32 to index
        %get3A_1072 = arith.index_cast %scan3A_1055 : i32 to index
        %get3A_1073 = arith.constant 32 : index
        %get3A_1074 = tpu.vector_load %arg8[%get3A_1071, %get3A_1072, %get3A_1073] {strides = array<i32>} : memref<4x200x64xf32, #tpu.memory_space<vmem>>, vector<1x1x16xf32>,
        %get3A_1075 = vector.shape_cast %get3A_1074 : vector<1x1x16xf32> to vector<16xf32>
        %add3A_1076 = arith.addf %add3A_1046, %get3A_1075 : vector<16xf32>
        %get3A_1077 = arith.constant 0 : i32
        %get3A_1078 = arith.index_cast %get3A_1077 : i32 to index
        %get3A_1079 = arith.index_cast %scan3A_1055 : i32 to index
        %get3A_1080 = arith.constant 48 : index
        %get3A_1081 = tpu.vector_load %arg8[%get3A_1078, %get3A_1079, %get3A_1080] {strides = array<i32>} : memref<4x200x64xf32, #tpu.memory_space<vmem>>, vector<1x1x16xf32>,
        %get3A_1082 = vector.shape_cast %get3A_1081 : vector<1x1x16xf32> to vector<16xf32>
        %add3A_1083 = arith.addf %add3A_1053, %get3A_1082 : vector<16xf32>
        %scan3A_1084 = arith.constant 17 : i32
        %scan3A_1085 = arith.addi %scan3A_571, %scan3A_1084 : i32
        %get3A_1086 = arith.constant 0 : i32
        %get3A_1087 = arith.index_cast %get3A_1086 : i32 to index
        %get3A_1088 = arith.index_cast %scan3A_1085 : i32 to index
        %get3A_1089 = arith.constant 0 : index
        %get3A_1090 = tpu.vector_load %arg8[%get3A_1087, %get3A_1088, %get3A_1089] {strides = array<i32>} : memref<4x200x64xf32, #tpu.memory_space<vmem>>, vector<1x1x16xf32>,
        %get3A_1091 = vector.shape_cast %get3A_1090 : vector<1x1x16xf32> to vector<16xf32>
        %add3A_1092 = arith.addf %add3A_1062, %get3A_1091 : vector<16xf32>
        %get3A_1093 = arith.constant 0 : i32
        %get3A_1094 = arith.index_cast %get3A_1093 : i32 to index
        %get3A_1095 = arith.index_cast %scan3A_1085 : i32 to index
        %get3A_1096 = arith.constant 16 : index
        %get3A_1097 = tpu.vector_load %arg8[%get3A_1094, %get3A_1095, %get3A_1096] {strides = array<i32>} : memref<4x200x64xf32, #tpu.memory_space<vmem>>, vector<1x1x16xf32>,
        %get3A_1098 = vector.shape_cast %get3A_1097 : vector<1x1x16xf32> to vector<16xf32>
        %add3A_1099 = arith.addf %add3A_1069, %get3A_1098 : vector<16xf32>
        %get3A_1100 = arith.constant 0 : i32
        %get3A_1101 = arith.index_cast %get3A_1100 : i32 to index
        %get3A_1102 = arith.index_cast %scan3A_1085 : i32 to index
        %get3A_1103 = arith.constant 32 : index
        %get3A_1104 = tpu.vector_load %arg8[%get3A_1101, %get3A_1102, %get3A_1103] {strides = array<i32>} : memref<4x200x64xf32, #tpu.memory_space<vmem>>, vector<1x1x16xf32>,
        %get3A_1105 = vector.shape_cast %get3A_1104 : vector<1x1x16xf32> to vector<16xf32>
        %add3A_1106 = arith.addf %add3A_1076, %get3A_1105 : vector<16xf32>
        %get3A_1107 = arith.constant 0 : i32
        %get3A_1108 = arith.index_cast %get3A_1107 : i32 to index
        %get3A_1109 = arith.index_cast %scan3A_1085 : i32 to index
        %get3A_1110 = arith.constant 48 : index
        %get3A_1111 = tpu.vector_load %arg8[%get3A_1108, %get3A_1109, %get3A_1110] {strides = array<i32>} : memref<4x200x64xf32, #tpu.memory_space<vmem>>, vector<1x1x16xf32>,
        %get3A_1112 = vector.shape_cast %get3A_1111 : vector<1x1x16xf32> to vector<16xf32>
        %add3A_1113 = arith.addf %add3A_1083, %get3A_1112 : vector<16xf32>
        %scan3A_1114 = arith.constant 18 : i32
        %scan3A_1115 = arith.addi %scan3A_571, %scan3A_1114 : i32
        %get3A_1116 = arith.constant 0 : i32
        %get3A_1117 = arith.index_cast %get3A_1116 : i32 to index
        %get3A_1118 = arith.index_cast %scan3A_1115 : i32 to index
        %get3A_1119 = arith.constant 0 : index
        %get3A_1120 = tpu.vector_load %arg8[%get3A_1117, %get3A_1118, %get3A_1119] {strides = array<i32>} : memref<4x200x64xf32, #tpu.memory_space<vmem>>, vector<1x1x16xf32>,
        %get3A_1121 = vector.shape_cast %get3A_1120 : vector<1x1x16xf32> to vector<16xf32>
        %add3A_1122 = arith.addf %add3A_1092, %get3A_1121 : vector<16xf32>
        %get3A_1123 = arith.constant 0 : i32
        %get3A_1124 = arith.index_cast %get3A_1123 : i32 to index
        %get3A_1125 = arith.index_cast %scan3A_1115 : i32 to index
        %get3A_1126 = arith.constant 16 : index
        %get3A_1127 = tpu.vector_load %arg8[%get3A_1124, %get3A_1125, %get3A_1126] {strides = array<i32>} : memref<4x200x64xf32, #tpu.memory_space<vmem>>, vector<1x1x16xf32>,
        %get3A_1128 = vector.shape_cast %get3A_1127 : vector<1x1x16xf32> to vector<16xf32>
        %add3A_1129 = arith.addf %add3A_1099, %get3A_1128 : vector<16xf32>
        %get3A_1130 = arith.constant 0 : i32
        %get3A_1131 = arith.index_cast %get3A_1130 : i32 to index
        %get3A_1132 = arith.index_cast %scan3A_1115 : i32 to index
        %get3A_1133 = arith.constant 32 : index
        %get3A_1134 = tpu.vector_load %arg8[%get3A_1131, %get3A_1132, %get3A_1133] {strides = array<i32>} : memref<4x200x64xf32, #tpu.memory_space<vmem>>, vector<1x1x16xf32>,
        %get3A_1135 = vector.shape_cast %get3A_1134 : vector<1x1x16xf32> to vector<16xf32>
        %add3A_1136 = arith.addf %add3A_1106, %get3A_1135 : vector<16xf32>
        %get3A_1137 = arith.constant 0 : i32
        %get3A_1138 = arith.index_cast %get3A_1137 : i32 to index
        %get3A_1139 = arith.index_cast %scan3A_1115 : i32 to index
        %get3A_1140 = arith.constant 48 : index
        %get3A_1141 = tpu.vector_load %arg8[%get3A_1138, %get3A_1139, %get3A_1140] {strides = array<i32>} : memref<4x200x64xf32, #tpu.memory_space<vmem>>, vector<1x1x16xf32>,
        %get3A_1142 = vector.shape_cast %get3A_1141 : vector<1x1x16xf32> to vector<16xf32>
        %add3A_1143 = arith.addf %add3A_1113, %get3A_1142 : vector<16xf32>
        %scan3A_1144 = arith.constant 19 : i32
        %scan3A_1145 = arith.addi %scan3A_571, %scan3A_1144 : i32
        %get3A_1146 = arith.constant 0 : i32
        %get3A_1147 = arith.index_cast %get3A_1146 : i32 to index
        %get3A_1148 = arith.index_cast %scan3A_1145 : i32 to index
        %get3A_1149 = arith.constant 0 : index
        %get3A_1150 = tpu.vector_load %arg8[%get3A_1147, %get3A_1148, %get3A_1149] {strides = array<i32>} : memref<4x200x64xf32, #tpu.memory_space<vmem>>, vector<1x1x16xf32>,
        %get3A_1151 = vector.shape_cast %get3A_1150 : vector<1x1x16xf32> to vector<16xf32>
        %add3A_1152 = arith.addf %add3A_1122, %get3A_1151 : vector<16xf32>
        %get3A_1153 = arith.constant 0 : i32
        %get3A_1154 = arith.index_cast %get3A_1153 : i32 to index
        %get3A_1155 = arith.index_cast %scan3A_1145 : i32 to index
        %get3A_1156 = arith.constant 16 : index
        %get3A_1157 = tpu.vector_load %arg8[%get3A_1154, %get3A_1155, %get3A_1156] {strides = array<i32>} : memref<4x200x64xf32, #tpu.memory_space<vmem>>, vector<1x1x16xf32>,
        %get3A_1158 = vector.shape_cast %get3A_1157 : vector<1x1x16xf32> to vector<16xf32>
        %add3A_1159 = arith.addf %add3A_1129, %get3A_1158 : vector<16xf32>
        %get3A_1160 = arith.constant 0 : i32
        %get3A_1161 = arith.index_cast %get3A_1160 : i32 to index
        %get3A_1162 = arith.index_cast %scan3A_1145 : i32 to index
        %get3A_1163 = arith.constant 32 : index
        %get3A_1164 = tpu.vector_load %arg8[%get3A_1161, %get3A_1162, %get3A_1163] {strides = array<i32>} : memref<4x200x64xf32, #tpu.memory_space<vmem>>, vector<1x1x16xf32>,
        %get3A_1165 = vector.shape_cast %get3A_1164 : vector<1x1x16xf32> to vector<16xf32>
        %add3A_1166 = arith.addf %add3A_1136, %get3A_1165 : vector<16xf32>
        %get3A_1167 = arith.constant 0 : i32
        %get3A_1168 = arith.index_cast %get3A_1167 : i32 to index
        %get3A_1169 = arith.index_cast %scan3A_1145 : i32 to index
        %get3A_1170 = arith.constant 48 : index
        %get3A_1171 = tpu.vector_load %arg8[%get3A_1168, %get3A_1169, %get3A_1170] {strides = array<i32>} : memref<4x200x64xf32, #tpu.memory_space<vmem>>, vector<1x1x16xf32>,
        %get3A_1172 = vector.shape_cast %get3A_1171 : vector<1x1x16xf32> to vector<16xf32>
        %add3A_1173 = arith.addf %add3A_1143, %get3A_1172 : vector<16xf32>
        %scan3A_1174 = arith.constant 20 : i32
        %scan3A_1175 = arith.addi %scan3A_571, %scan3A_1174 : i32
        %get3A_1176 = arith.constant 0 : i32
        %get3A_1177 = arith.index_cast %get3A_1176 : i32 to index
        %get3A_1178 = arith.index_cast %scan3A_1175 : i32 to index
        %get3A_1179 = arith.constant 0 : index
        %get3A_1180 = tpu.vector_load %arg8[%get3A_1177, %get3A_1178, %get3A_1179] {strides = array<i32>} : memref<4x200x64xf32, #tpu.memory_space<vmem>>, vector<1x1x16xf32>,
        %get3A_1181 = vector.shape_cast %get3A_1180 : vector<1x1x16xf32> to vector<16xf32>
        %add3A_1182 = arith.addf %add3A_1152, %get3A_1181 : vector<16xf32>
        %get3A_1183 = arith.constant 0 : i32
        %get3A_1184 = arith.index_cast %get3A_1183 : i32 to index
        %get3A_1185 = arith.index_cast %scan3A_1175 : i32 to index
        %get3A_1186 = arith.constant 16 : index
        %get3A_1187 = tpu.vector_load %arg8[%get3A_1184, %get3A_1185, %get3A_1186] {strides = array<i32>} : memref<4x200x64xf32, #tpu.memory_space<vmem>>, vector<1x1x16xf32>,
        %get3A_1188 = vector.shape_cast %get3A_1187 : vector<1x1x16xf32> to vector<16xf32>
        %add3A_1189 = arith.addf %add3A_1159, %get3A_1188 : vector<16xf32>
        %get3A_1190 = arith.constant 0 : i32
        %get3A_1191 = arith.index_cast %get3A_1190 : i32 to index
        %get3A_1192 = arith.index_cast %scan3A_1175 : i32 to index
        %get3A_1193 = arith.constant 32 : index
        %get3A_1194 = tpu.vector_load %arg8[%get3A_1191, %get3A_1192, %get3A_1193] {strides = array<i32>} : memref<4x200x64xf32, #tpu.memory_space<vmem>>, vector<1x1x16xf32>,
        %get3A_1195 = vector.shape_cast %get3A_1194 : vector<1x1x16xf32> to vector<16xf32>
        %add3A_1196 = arith.addf %add3A_1166, %get3A_1195 : vector<16xf32>
        %get3A_1197 = arith.constant 0 : i32
        %get3A_1198 = arith.index_cast %get3A_1197 : i32 to index
        %get3A_1199 = arith.index_cast %scan3A_1175 : i32 to index
        %get3A_1200 = arith.constant 48 : index
        %get3A_1201 = tpu.vector_load %arg8[%get3A_1198, %get3A_1199, %get3A_1200] {strides = array<i32>} : memref<4x200x64xf32, #tpu.memory_space<vmem>>, vector<1x1x16xf32>,
        %get3A_1202 = vector.shape_cast %get3A_1201 : vector<1x1x16xf32> to vector<16xf32>
        %add3A_1203 = arith.addf %add3A_1173, %get3A_1202 : vector<16xf32>
        %scan3A_1204 = arith.constant 21 : i32
        %scan3A_1205 = arith.addi %scan3A_571, %scan3A_1204 : i32
        %get3A_1206 = arith.constant 0 : i32
        %get3A_1207 = arith.index_cast %get3A_1206 : i32 to index
        %get3A_1208 = arith.index_cast %scan3A_1205 : i32 to index
        %get3A_1209 = arith.constant 0 : index
        %get3A_1210 = tpu.vector_load %arg8[%get3A_1207, %get3A_1208, %get3A_1209] {strides = array<i32>} : memref<4x200x64xf32, #tpu.memory_space<vmem>>, vector<1x1x16xf32>,
        %get3A_1211 = vector.shape_cast %get3A_1210 : vector<1x1x16xf32> to vector<16xf32>
        %add3A_1212 = arith.addf %add3A_1182, %get3A_1211 : vector<16xf32>
        %get3A_1213 = arith.constant 0 : i32
        %get3A_1214 = arith.index_cast %get3A_1213 : i32 to index
        %get3A_1215 = arith.index_cast %scan3A_1205 : i32 to index
        %get3A_1216 = arith.constant 16 : index
        %get3A_1217 = tpu.vector_load %arg8[%get3A_1214, %get3A_1215, %get3A_1216] {strides = array<i32>} : memref<4x200x64xf32, #tpu.memory_space<vmem>>, vector<1x1x16xf32>,
        %get3A_1218 = vector.shape_cast %get3A_1217 : vector<1x1x16xf32> to vector<16xf32>
        %add3A_1219 = arith.addf %add3A_1189, %get3A_1218 : vector<16xf32>
        %get3A_1220 = arith.constant 0 : i32
        %get3A_1221 = arith.index_cast %get3A_1220 : i32 to index
        %get3A_1222 = arith.index_cast %scan3A_1205 : i32 to index
        %get3A_1223 = arith.constant 32 : index
        %get3A_1224 = tpu.vector_load %arg8[%get3A_1221, %get3A_1222, %get3A_1223] {strides = array<i32>} : memref<4x200x64xf32, #tpu.memory_space<vmem>>, vector<1x1x16xf32>,
        %get3A_1225 = vector.shape_cast %get3A_1224 : vector<1x1x16xf32> to vector<16xf32>
        %add3A_1226 = arith.addf %add3A_1196, %get3A_1225 : vector<16xf32>
        %get3A_1227 = arith.constant 0 : i32
        %get3A_1228 = arith.index_cast %get3A_1227 : i32 to index
        %get3A_1229 = arith.index_cast %scan3A_1205 : i32 to index
        %get3A_1230 = arith.constant 48 : index
        %get3A_1231 = tpu.vector_load %arg8[%get3A_1228, %get3A_1229, %get3A_1230] {strides = array<i32>} : memref<4x200x64xf32, #tpu.memory_space<vmem>>, vector<1x1x16xf32>,
        %get3A_1232 = vector.shape_cast %get3A_1231 : vector<1x1x16xf32> to vector<16xf32>
        %add3A_1233 = arith.addf %add3A_1203, %get3A_1232 : vector<16xf32>
        %scan3A_1234 = arith.constant 22 : i32
        %scan3A_1235 = arith.addi %scan3A_571, %scan3A_1234 : i32
        %get3A_1236 = arith.constant 0 : i32
        %get3A_1237 = arith.index_cast %get3A_1236 : i32 to index
        %get3A_1238 = arith.index_cast %scan3A_1235 : i32 to index
        %get3A_1239 = arith.constant 0 : index
        %get3A_1240 = tpu.vector_load %arg8[%get3A_1237, %get3A_1238, %get3A_1239] {strides = array<i32>} : memref<4x200x64xf32, #tpu.memory_space<vmem>>, vector<1x1x16xf32>,
        %get3A_1241 = vector.shape_cast %get3A_1240 : vector<1x1x16xf32> to vector<16xf32>
        %add3A_1242 = arith.addf %add3A_1212, %get3A_1241 : vector<16xf32>
        %get3A_1243 = arith.constant 0 : i32
        %get3A_1244 = arith.index_cast %get3A_1243 : i32 to index
        %get3A_1245 = arith.index_cast %scan3A_1235 : i32 to index
        %get3A_1246 = arith.constant 16 : index
        %get3A_1247 = tpu.vector_load %arg8[%get3A_1244, %get3A_1245, %get3A_1246] {strides = array<i32>} : memref<4x200x64xf32, #tpu.memory_space<vmem>>, vector<1x1x16xf32>,
        %get3A_1248 = vector.shape_cast %get3A_1247 : vector<1x1x16xf32> to vector<16xf32>
        %add3A_1249 = arith.addf %add3A_1219, %get3A_1248 : vector<16xf32>
        %get3A_1250 = arith.constant 0 : i32
        %get3A_1251 = arith.index_cast %get3A_1250 : i32 to index
        %get3A_1252 = arith.index_cast %scan3A_1235 : i32 to index
        %get3A_1253 = arith.constant 32 : index
        %get3A_1254 = tpu.vector_load %arg8[%get3A_1251, %get3A_1252, %get3A_1253] {strides = array<i32>} : memref<4x200x64xf32, #tpu.memory_space<vmem>>, vector<1x1x16xf32>,
        %get3A_1255 = vector.shape_cast %get3A_1254 : vector<1x1x16xf32> to vector<16xf32>
        %add3A_1256 = arith.addf %add3A_1226, %get3A_1255 : vector<16xf32>
        %get3A_1257 = arith.constant 0 : i32
        %get3A_1258 = arith.index_cast %get3A_1257 : i32 to index
        %get3A_1259 = arith.index_cast %scan3A_1235 : i32 to index
        %get3A_1260 = arith.constant 48 : index
        %get3A_1261 = tpu.vector_load %arg8[%get3A_1258, %get3A_1259, %get3A_1260] {strides = array<i32>} : memref<4x200x64xf32, #tpu.memory_space<vmem>>, vector<1x1x16xf32>,
        %get3A_1262 = vector.shape_cast %get3A_1261 : vector<1x1x16xf32> to vector<16xf32>
        %add3A_1263 = arith.addf %add3A_1233, %get3A_1262 : vector<16xf32>
        %scan3A_1264 = arith.constant 23 : i32
        %scan3A_1265 = arith.addi %scan3A_571, %scan3A_1264 : i32
        %get3A_1266 = arith.constant 0 : i32
        %get3A_1267 = arith.index_cast %get3A_1266 : i32 to index
        %get3A_1268 = arith.index_cast %scan3A_1265 : i32 to index
        %get3A_1269 = arith.constant 0 : index
        %get3A_1270 = tpu.vector_load %arg8[%get3A_1267, %get3A_1268, %get3A_1269] {strides = array<i32>} : memref<4x200x64xf32, #tpu.memory_space<vmem>>, vector<1x1x16xf32>,
        %get3A_1271 = vector.shape_cast %get3A_1270 : vector<1x1x16xf32> to vector<16xf32>
        %add3A_1272 = arith.addf %add3A_1242, %get3A_1271 : vector<16xf32>
        %get3A_1273 = arith.constant 0 : i32
        %get3A_1274 = arith.index_cast %get3A_1273 : i32 to index
        %get3A_1275 = arith.index_cast %scan3A_1265 : i32 to index
        %get3A_1276 = arith.constant 16 : index
        %get3A_1277 = tpu.vector_load %arg8[%get3A_1274, %get3A_1275, %get3A_1276] {strides = array<i32>} : memref<4x200x64xf32, #tpu.memory_space<vmem>>, vector<1x1x16xf32>,
        %get3A_1278 = vector.shape_cast %get3A_1277 : vector<1x1x16xf32> to vector<16xf32>
        %add3A_1279 = arith.addf %add3A_1249, %get3A_1278 : vector<16xf32>
        %get3A_1280 = arith.constant 0 : i32
        %get3A_1281 = arith.index_cast %get3A_1280 : i32 to index
        %get3A_1282 = arith.index_cast %scan3A_1265 : i32 to index
        %get3A_1283 = arith.constant 32 : index
        %get3A_1284 = tpu.vector_load %arg8[%get3A_1281, %get3A_1282, %get3A_1283] {strides = array<i32>} : memref<4x200x64xf32, #tpu.memory_space<vmem>>, vector<1x1x16xf32>,
        %get3A_1285 = vector.shape_cast %get3A_1284 : vector<1x1x16xf32> to vector<16xf32>
        %add3A_1286 = arith.addf %add3A_1256, %get3A_1285 : vector<16xf32>
        %get3A_1287 = arith.constant 0 : i32
        %get3A_1288 = arith.index_cast %get3A_1287 : i32 to index
        %get3A_1289 = arith.index_cast %scan3A_1265 : i32 to index
        %get3A_1290 = arith.constant 48 : index
        %get3A_1291 = tpu.vector_load %arg8[%get3A_1288, %get3A_1289, %get3A_1290] {strides = array<i32>} : memref<4x200x64xf32, #tpu.memory_space<vmem>>, vector<1x1x16xf32>,
        %get3A_1292 = vector.shape_cast %get3A_1291 : vector<1x1x16xf32> to vector<16xf32>
        %add3A_1293 = arith.addf %add3A_1263, %get3A_1292 : vector<16xf32>
        %scan3A_1294 = arith.constant 24 : i32
        %scan3A_1295 = arith.addi %scan3A_571, %scan3A_1294 : i32
        %get3A_1296 = arith.constant 0 : i32
        %get3A_1297 = arith.index_cast %get3A_1296 : i32 to index
        %get3A_1298 = arith.index_cast %scan3A_1295 : i32 to index
        %get3A_1299 = arith.constant 0 : index
        %get3A_1300 = tpu.vector_load %arg8[%get3A_1297, %get3A_1298, %get3A_1299] {strides = array<i32>} : memref<4x200x64xf32, #tpu.memory_space<vmem>>, vector<1x1x16xf32>,
        %get3A_1301 = vector.shape_cast %get3A_1300 : vector<1x1x16xf32> to vector<16xf32>
        %add3A_1302 = arith.addf %add3A_1272, %get3A_1301 : vector<16xf32>
        %get3A_1303 = arith.constant 0 : i32
        %get3A_1304 = arith.index_cast %get3A_1303 : i32 to index
        %get3A_1305 = arith.index_cast %scan3A_1295 : i32 to index
        %get3A_1306 = arith.constant 16 : index
        %get3A_1307 = tpu.vector_load %arg8[%get3A_1304, %get3A_1305, %get3A_1306] {strides = array<i32>} : memref<4x200x64xf32, #tpu.memory_space<vmem>>, vector<1x1x16xf32>,
        %get3A_1308 = vector.shape_cast %get3A_1307 : vector<1x1x16xf32> to vector<16xf32>
        %add3A_1309 = arith.addf %add3A_1279, %get3A_1308 : vector<16xf32>
        %get3A_1310 = arith.constant 0 : i32
        %get3A_1311 = arith.index_cast %get3A_1310 : i32 to index
        %get3A_1312 = arith.index_cast %scan3A_1295 : i32 to index
        %get3A_1313 = arith.constant 32 : index
        %get3A_1314 = tpu.vector_load %arg8[%get3A_1311, %get3A_1312, %get3A_1313] {strides = array<i32>} : memref<4x200x64xf32, #tpu.memory_space<vmem>>, vector<1x1x16xf32>,
        %get3A_1315 = vector.shape_cast %get3A_1314 : vector<1x1x16xf32> to vector<16xf32>
        %add3A_1316 = arith.addf %add3A_1286, %get3A_1315 : vector<16xf32>
        %get3A_1317 = arith.constant 0 : i32
        %get3A_1318 = arith.index_cast %get3A_1317 : i32 to index
        %get3A_1319 = arith.index_cast %scan3A_1295 : i32 to index
        %get3A_1320 = arith.constant 48 : index
        %get3A_1321 = tpu.vector_load %arg8[%get3A_1318, %get3A_1319, %get3A_1320] {strides = array<i32>} : memref<4x200x64xf32, #tpu.memory_space<vmem>>, vector<1x1x16xf32>,
        %get3A_1322 = vector.shape_cast %get3A_1321 : vector<1x1x16xf32> to vector<16xf32>
        %add3A_1323 = arith.addf %add3A_1293, %get3A_1322 : vector<16xf32>
        scf.yield %add3A_1302, %add3A_1309, %add3A_1316, %add3A_1323 : vector<16xf32>, vector<16xf32>, vector<16xf32>, vector<16xf32>
      }
      %scan3A_265 = arith.constant 200 : i32
      %get3A = arith.index_cast %add3A_207 : i32 to index
      %get3A_266 = arith.constant 0 : index
      %get3A_267 = tpu.vector_load %arg7[%get3A, %get3A_266] {strides = array<i32>} : memref<128x16xf32, #tpu.memory_space<vmem>>, vector<1x16xf32>,
      %get3A_268 = vector.shape_cast %get3A_267 : vector<1x16xf32> to vector<16xf32>
      %mul3A_269 = arith.mulf %scan3A_264#0, %get3A_268 : vector<16xf32>
      %swap3A = arith.index_cast %add3A_207 : i32 to index
      %swap3A_270 = arith.constant 0 : index
      %swap3A_271 = tpu.vector_load %arg9[%swap3A, %swap3A_270] {strides = array<i32>} : memref<128x64xf32, #tpu.memory_space<vmem>>, vector<1x16xf32>,
      %swap3A_272 = vector.shape_cast %swap3A_271 : vector<1x16xf32> to vector<16xf32>
      %swap3A_273 = vector.shape_cast %mul3A_269 : vector<16xf32> to vector<1x16xf32>
      tpu.vector_store %arg9[%swap3A, %swap3A_270], %swap3A_273 {strides = array<i32>} : memref<128x64xf32, #tpu.memory_space<vmem>>, vector<1x16xf32>,
      %mul3A_274 = arith.mulf %scan3A_264#1, %get3A_268 : vector<16xf32>
      %swap3A_275 = arith.index_cast %add3A_207 : i32 to index
      %swap3A_276 = arith.constant 16 : index
      %swap3A_277 = tpu.vector_load %arg9[%swap3A_275, %swap3A_276] {strides = array<i32>} : memref<128x64xf32, #tpu.memory_space<vmem>>, vector<1x16xf32>,
      %swap3A_278 = vector.shape_cast %swap3A_277 : vector<1x16xf32> to vector<16xf32>
      %swap3A_279 = vector.shape_cast %mul3A_274 : vector<16xf32> to vector<1x16xf32>
      tpu.vector_store %arg9[%swap3A_275, %swap3A_276], %swap3A_279 {strides = array<i32>} : memref<128x64xf32, #tpu.memory_space<vmem>>, vector<1x16xf32>,
      %mul3A_280 = arith.mulf %scan3A_264#2, %get3A_268 : vector<16xf32>
      %swap3A_281 = arith.index_cast %add3A_207 : i32 to index
      %swap3A_282 = arith.constant 32 : index
      %swap3A_283 = tpu.vector_load %arg9[%swap3A_281, %swap3A_282] {strides = array<i32>} : memref<128x64xf32, #tpu.memory_space<vmem>>, vector<1x16xf32>,
      %swap3A_284 = vector.shape_cast %swap3A_283 : vector<1x16xf32> to vector<16xf32>
      %swap3A_285 = vector.shape_cast %mul3A_280 : vector<16xf32> to vector<1x16xf32>
      tpu.vector_store %arg9[%swap3A_281, %swap3A_282], %swap3A_285 {strides = array<i32>} : memref<128x64xf32, #tpu.memory_space<vmem>>, vector<1x16xf32>,
      %mul3A_286 = arith.mulf %scan3A_264#3, %get3A_268 : vector<16xf32>
      %swap3A_287 = arith.index_cast %add3A_207 : i32 to index
      %swap3A_288 = arith.constant 48 : index
      %swap3A_289 = tpu.vector_load %arg9[%swap3A_287, %swap3A_288] {strides = array<i32>} : memref<128x64xf32, #tpu.memory_space<vmem>>, vector<1x16xf32>,
      %swap3A_290 = vector.shape_cast %swap3A_289 : vector<1x16xf32> to vector<16xf32>
      %swap3A_291 = vector.shape_cast %mul3A_286 : vector<16xf32> to vector<1x16xf32>
      tpu.vector_store %arg9[%swap3A_287, %swap3A_288], %swap3A_291 {strides = array<i32>} : memref<128x64xf32, #tpu.memory_space<vmem>>, vector<1x16xf32>,
      %add3A_292 = arith.constant 1 : i32
      %add3A_293 = arith.addi %mul3A_205, %add3A_292 : i32
      %dma_wait3A_294 = arith.constant 0 : i32
      %dma_wait3A_295 = arith.constant 1 : i32
      %dma_wait3A_296 = arith.constant 0 : i32
      %dma_wait3A_297 = arith.constant 0 : i32
      %dma_wait3A_298 = tpu.memref_slice %arg8[%dma_wait3A_295, %dma_wait3A_296, %dma_wait3A_297] : memref<4x200x64xf32, #tpu.memory_space<vmem>> -> memref<1x50x64xf32, #tpu.memory_space<vmem>>
      %dma_wait3A_299 = tpu.memref_squeeze %dma_wait3A_298 : memref<1x50x64xf32, #tpu.memory_space<vmem>> -> memref<50x64xf32, #tpu.memory_space<vmem>>
      %dma_wait3A_300 = arith.constant 0 : i32
      %dma_wait3A_301 = tpu.memref_slice %arg6[%dma_wait3A_294, %dma_wait3A_300] : memref<512x50xi32, #tpu.memory_space<vmem>> -> memref<1x50xi32, #tpu.memory_space<vmem>>
      %dma_wait3A_302 = tpu.memref_squeeze %dma_wait3A_301 : memref<1x50xi32, #tpu.memory_space<vmem>> -> memref<50xi32, #tpu.memory_space<vmem>>
      %dma_wait3A_303 = arith.constant 0 : i32
      %dma_wait3A_304 = arith.constant 0 : i32
      %dma_wait3A_305 = tpu.memref_slice %arg2[%dma_wait3A_303, %dma_wait3A_304] : memref<1000000x64xf32, #tpu.memory_space<hbm>> -> memref<1000000x64xf32, #tpu.memory_space<hbm>>
      tpu.wait_indirect_dma semaphore(%arg11 : memref<!tpu.dma_semaphore, #tpu.memory_space<semaphore_mem>>) src(%dma_wait3A_305 : memref<1000000x64xf32, #tpu.memory_space<hbm>>) dst(%dma_wait3A_299 : memref<50x64xf32, #tpu.memory_space<vmem>>)
      %dma_wait3A_306 = arith.constant 0 : i32
      %dma_wait3A_307 = arith.constant 1 : i32
      %dma_wait3A_308 = arith.constant 50 : i32
      %dma_wait3A_309 = arith.constant 0 : i32
      %dma_wait3A_310 = tpu.memref_slice %arg8[%dma_wait3A_307, %dma_wait3A_308, %dma_wait3A_309] : memref<4x200x64xf32, #tpu.memory_space<vmem>> -> memref<1x50x64xf32, #tpu.memory_space<vmem>>
      %dma_wait3A_311 = tpu.memref_squeeze %dma_wait3A_310 : memref<1x50x64xf32, #tpu.memory_space<vmem>> -> memref<50x64xf32, #tpu.memory_space<vmem>>
      %dma_wait3A_312 = arith.constant 0 : i32
      %dma_wait3A_313 = tpu.memref_slice %arg6[%dma_wait3A_306, %dma_wait3A_312] : memref<512x50xi32, #tpu.memory_space<vmem>> -> memref<1x50xi32, #tpu.memory_space<vmem>>
      %dma_wait3A_314 = tpu.memref_squeeze %dma_wait3A_313 : memref<1x50xi32, #tpu.memory_space<vmem>> -> memref<50xi32, #tpu.memory_space<vmem>>
      %dma_wait3A_315 = arith.constant 0 : i32
      %dma_wait3A_316 = arith.constant 0 : i32
      %dma_wait3A_317 = tpu.memref_slice %arg2[%dma_wait3A_315, %dma_wait3A_316] : memref<1000000x64xf32, #tpu.memory_space<hbm>> -> memref<1000000x64xf32, #tpu.memory_space<hbm>>
      tpu.wait_indirect_dma semaphore(%arg11 : memref<!tpu.dma_semaphore, #tpu.memory_space<semaphore_mem>>) src(%dma_wait3A_317 : memref<1000000x64xf32, #tpu.memory_space<hbm>>) dst(%dma_wait3A_311 : memref<50x64xf32, #tpu.memory_space<vmem>>)
      %dma_wait3A_318 = arith.constant 0 : i32
      %dma_wait3A_319 = arith.constant 1 : i32
      %dma_wait3A_320 = arith.constant 100 : i32
      %dma_wait3A_321 = arith.constant 0 : i32
      %dma_wait3A_322 = tpu.memref_slice %arg8[%dma_wait3A_319, %dma_wait3A_320, %dma_wait3A_321] : memref<4x200x64xf32, #tpu.memory_space<vmem>> -> memref<1x50x64xf32, #tpu.memory_space<vmem>>
      %dma_wait3A_323 = tpu.memref_squeeze %dma_wait3A_322 : memref<1x50x64xf32, #tpu.memory_space<vmem>> -> memref<50x64xf32, #tpu.memory_space<vmem>>
      %dma_wait3A_324 = arith.constant 0 : i32
      %dma_wait3A_325 = tpu.memref_slice %arg6[%dma_wait3A_318, %dma_wait3A_324] : memref<512x50xi32, #tpu.memory_space<vmem>> -> memref<1x50xi32, #tpu.memory_space<vmem>>
      %dma_wait3A_326 = tpu.memref_squeeze %dma_wait3A_325 : memref<1x50xi32, #tpu.memory_space<vmem>> -> memref<50xi32, #tpu.memory_space<vmem>>
      %dma_wait3A_327 = arith.constant 0 : i32
      %dma_wait3A_328 = arith.constant 0 : i32
      %dma_wait3A_329 = tpu.memref_slice %arg2[%dma_wait3A_327, %dma_wait3A_328] : memref<1000000x64xf32, #tpu.memory_space<hbm>> -> memref<1000000x64xf32, #tpu.memory_space<hbm>>
      tpu.wait_indirect_dma semaphore(%arg11 : memref<!tpu.dma_semaphore, #tpu.memory_space<semaphore_mem>>) src(%dma_wait3A_329 : memref<1000000x64xf32, #tpu.memory_space<hbm>>) dst(%dma_wait3A_323 : memref<50x64xf32, #tpu.memory_space<vmem>>)
      %dma_wait3A_330 = arith.constant 0 : i32
      %dma_wait3A_331 = arith.constant 1 : i32
      %dma_wait3A_332 = arith.constant 150 : i32
      %dma_wait3A_333 = arith.constant 0 : i32
      %dma_wait3A_334 = tpu.memref_slice %arg8[%dma_wait3A_331, %dma_wait3A_332, %dma_wait3A_333] : memref<4x200x64xf32, #tpu.memory_space<vmem>> -> memref<1x50x64xf32, #tpu.memory_space<vmem>>
      %dma_wait3A_335 = tpu.memref_squeeze %dma_wait3A_334 : memref<1x50x64xf32, #tpu.memory_space<vmem>> -> memref<50x64xf32, #tpu.memory_space<vmem>>
      %dma_wait3A_336 = arith.constant 0 : i32
      %dma_wait3A_337 = tpu.memref_slice %arg6[%dma_wait3A_330, %dma_wait3A_336] : memref<512x50xi32, #tpu.memory_space<vmem>> -> memref<1x50xi32, #tpu.memory_space<vmem>>
      %dma_wait3A_338 = tpu.memref_squeeze %dma_wait3A_337 : memref<1x50xi32, #tpu.memory_space<vmem>> -> memref<50xi32, #tpu.memory_space<vmem>>
      %dma_wait3A_339 = arith.constant 0 : i32
      %dma_wait3A_340 = arith.constant 0 : i32
      %dma_wait3A_341 = tpu.memref_slice %arg2[%dma_wait3A_339, %dma_wait3A_340] : memref<1000000x64xf32, #tpu.memory_space<hbm>> -> memref<1000000x64xf32, #tpu.memory_space<hbm>>
      tpu.wait_indirect_dma semaphore(%arg11 : memref<!tpu.dma_semaphore, #tpu.memory_space<semaphore_mem>>) src(%dma_wait3A_341 : memref<1000000x64xf32, #tpu.memory_space<hbm>>) dst(%dma_wait3A_335 : memref<50x64xf32, #tpu.memory_space<vmem>>)
      %add3A_342 = arith.constant 3 : i32
      %add3A_343 = arith.addi %add3A_293, %add3A_342 : i32
      %lt3A_344 = arith.constant 128 : i32
      %lt3A_345 = arith.cmpi slt, %add3A_343, %lt3A_344 : i32
      %convert_element_type3A_346 = arith.extui %lt3A_345 : i1 to i32
      %cond3A_347 = arith.constant 0 : i32
      %cond3A_348 = arith.cmpi ne, %convert_element_type3A_346, %cond3A_347 : i32
      scf.if %cond3A_348 {
        %mul3A_571 = arith.constant 4 : i32
        %mul3A_572 = arith.muli %mul3A_571, %add3A_343 : i32
        %add3A_573 = arith.constant 0 : i32
        %add3A_574 = arith.addi %mul3A_572, %add3A_573 : i32
        %dma_start3A_575 = arith.constant 0 : i32
        %dma_start3A_576 = arith.constant 0 : i32
        %dma_start3A_577 = arith.constant 0 : i32
        %dma_start3A_578 = tpu.memref_slice %arg8[%dma_start3A_575, %dma_start3A_576, %dma_start3A_577] : memref<4x200x64xf32, #tpu.memory_space<vmem>> -> memref<1x50x64xf32, #tpu.memory_space<vmem>>
        %dma_start3A_579 = tpu.memref_squeeze %dma_start3A_578 : memref<1x50x64xf32, #tpu.memory_space<vmem>> -> memref<50x64xf32, #tpu.memory_space<vmem>>
        %dma_start3A_580 = arith.constant 0 : i32
        %dma_start3A_581 = tpu.memref_slice %arg6[%add3A_574, %dma_start3A_580] : memref<512x50xi32, #tpu.memory_space<vmem>> -> memref<1x50xi32, #tpu.memory_space<vmem>>
        %dma_start3A_582 = tpu.memref_squeeze %dma_start3A_581 : memref<1x50xi32, #tpu.memory_space<vmem>> -> memref<50xi32, #tpu.memory_space<vmem>>
        %dma_start3A_583 = arith.constant 0 : i32
        %dma_start3A_584 = arith.constant 0 : i32
        %dma_start3A_585 = tpu.memref_slice %arg2[%dma_start3A_583, %dma_start3A_584] : memref<1000000x64xf32, #tpu.memory_space<hbm>> -> memref<1000000x64xf32, #tpu.memory_space<hbm>>
        tpu.enqueue_indirect_dma source(%dma_start3A_585 : memref<1000000x64xf32, #tpu.memory_space<hbm>>) target(%dma_start3A_579 : memref<50x64xf32, #tpu.memory_space<vmem>>) offsets(%dma_start3A_582 : memref<50xi32, #tpu.memory_space<vmem>>) semaphore(%arg10 : memref<!tpu.dma_semaphore, #tpu.memory_space<semaphore_mem>>)
        %mul3A_586 = arith.constant 4 : i32
        %mul3A_587 = arith.muli %mul3A_586, %add3A_343 : i32
        %add3A_588 = arith.constant 1 : i32
        %add3A_589 = arith.addi %mul3A_587, %add3A_588 : i32
        %dma_start3A_590 = arith.constant 0 : i32
        %dma_start3A_591 = arith.constant 50 : i32
        %dma_start3A_592 = arith.constant 0 : i32
        %dma_start3A_593 = tpu.memref_slice %arg8[%dma_start3A_590, %dma_start3A_591, %dma_start3A_592] : memref<4x200x64xf32, #tpu.memory_space<vmem>> -> memref<1x50x64xf32, #tpu.memory_space<vmem>>
        %dma_start3A_594 = tpu.memref_squeeze %dma_start3A_593 : memref<1x50x64xf32, #tpu.memory_space<vmem>> -> memref<50x64xf32, #tpu.memory_space<vmem>>
        %dma_start3A_595 = arith.constant 0 : i32
        %dma_start3A_596 = tpu.memref_slice %arg6[%add3A_589, %dma_start3A_595] : memref<512x50xi32, #tpu.memory_space<vmem>> -> memref<1x50xi32, #tpu.memory_space<vmem>>
        %dma_start3A_597 = tpu.memref_squeeze %dma_start3A_596 : memref<1x50xi32, #tpu.memory_space<vmem>> -> memref<50xi32, #tpu.memory_space<vmem>>
        %dma_start3A_598 = arith.constant 0 : i32
        %dma_start3A_599 = arith.constant 0 : i32
        %dma_start3A_600 = tpu.memref_slice %arg2[%dma_start3A_598, %dma_start3A_599] : memref<1000000x64xf32, #tpu.memory_space<hbm>> -> memref<1000000x64xf32, #tpu.memory_space<hbm>>
        tpu.enqueue_indirect_dma source(%dma_start3A_600 : memref<1000000x64xf32, #tpu.memory_space<hbm>>) target(%dma_start3A_594 : memref<50x64xf32, #tpu.memory_space<vmem>>) offsets(%dma_start3A_597 : memref<50xi32, #tpu.memory_space<vmem>>) semaphore(%arg10 : memref<!tpu.dma_semaphore, #tpu.memory_space<semaphore_mem>>)
        %mul3A_601 = arith.constant 4 : i32
        %mul3A_602 = arith.muli %mul3A_601, %add3A_343 : i32
        %add3A_603 = arith.constant 2 : i32
        %add3A_604 = arith.addi %mul3A_602, %add3A_603 : i32
        %dma_start3A_605 = arith.constant 0 : i32
        %dma_start3A_606 = arith.constant 100 : i32
        %dma_start3A_607 = arith.constant 0 : i32
        %dma_start3A_608 = tpu.memref_slice %arg8[%dma_start3A_605, %dma_start3A_606, %dma_start3A_607] : memref<4x200x64xf32, #tpu.memory_space<vmem>> -> memref<1x50x64xf32, #tpu.memory_space<vmem>>
        %dma_start3A_609 = tpu.memref_squeeze %dma_start3A_608 : memref<1x50x64xf32, #tpu.memory_space<vmem>> -> memref<50x64xf32, #tpu.memory_space<vmem>>
        %dma_start3A_610 = arith.constant 0 : i32
        %dma_start3A_611 = tpu.memref_slice %arg6[%add3A_604, %dma_start3A_610] : memref<512x50xi32, #tpu.memory_space<vmem>> -> memref<1x50xi32, #tpu.memory_space<vmem>>
        %dma_start3A_612 = tpu.memref_squeeze %dma_start3A_611 : memref<1x50xi32, #tpu.memory_space<vmem>> -> memref<50xi32, #tpu.memory_space<vmem>>
        %dma_start3A_613 = arith.constant 0 : i32
        %dma_start3A_614 = arith.constant 0 : i32
        %dma_start3A_615 = tpu.memref_slice %arg2[%dma_start3A_613, %dma_start3A_614] : memref<1000000x64xf32, #tpu.memory_space<hbm>> -> memref<1000000x64xf32, #tpu.memory_space<hbm>>
        tpu.enqueue_indirect_dma source(%dma_start3A_615 : memref<1000000x64xf32, #tpu.memory_space<hbm>>) target(%dma_start3A_609 : memref<50x64xf32, #tpu.memory_space<vmem>>) offsets(%dma_start3A_612 : memref<50xi32, #tpu.memory_space<vmem>>) semaphore(%arg10 : memref<!tpu.dma_semaphore, #tpu.memory_space<semaphore_mem>>)
        %mul3A_616 = arith.constant 4 : i32
        %mul3A_617 = arith.muli %mul3A_616, %add3A_343 : i32
        %add3A_618 = arith.constant 3 : i32
        %add3A_619 = arith.addi %mul3A_617, %add3A_618 : i32
        %dma_start3A_620 = arith.constant 0 : i32
        %dma_start3A_621 = arith.constant 150 : i32
        %dma_start3A_622 = arith.constant 0 : i32
        %dma_start3A_623 = tpu.memref_slice %arg8[%dma_start3A_620, %dma_start3A_621, %dma_start3A_622] : memref<4x200x64xf32, #tpu.memory_space<vmem>> -> memref<1x50x64xf32, #tpu.memory_space<vmem>>
        %dma_start3A_624 = tpu.memref_squeeze %dma_start3A_623 : memref<1x50x64xf32, #tpu.memory_space<vmem>> -> memref<50x64xf32, #tpu.memory_space<vmem>>
        %dma_start3A_625 = arith.constant 0 : i32
        %dma_start3A_626 = tpu.memref_slice %arg6[%add3A_619, %dma_start3A_625] : memref<512x50xi32, #tpu.memory_space<vmem>> -> memref<1x50xi32, #tpu.memory_space<vmem>>
        %dma_start3A_627 = tpu.memref_squeeze %dma_start3A_626 : memref<1x50xi32, #tpu.memory_space<vmem>> -> memref<50xi32, #tpu.memory_space<vmem>>
        %dma_start3A_628 = arith.constant 0 : i32
        %dma_start3A_629 = arith.constant 0 : i32
        %dma_start3A_630 = tpu.memref_slice %arg2[%dma_start3A_628, %dma_start3A_629] : memref<1000000x64xf32, #tpu.memory_space<hbm>> -> memref<1000000x64xf32, #tpu.memory_space<hbm>>
        tpu.enqueue_indirect_dma source(%dma_start3A_630 : memref<1000000x64xf32, #tpu.memory_space<hbm>>) target(%dma_start3A_624 : memref<50x64xf32, #tpu.memory_space<vmem>>) offsets(%dma_start3A_627 : memref<50xi32, #tpu.memory_space<vmem>>) semaphore(%arg10 : memref<!tpu.dma_semaphore, #tpu.memory_space<semaphore_mem>>)
      } else {
      }
      %broadcast_in_dim3A_349 = arith.constant 0.000000e+00 : f32
      %broadcast_in_dim3A_350 = vector.broadcast %broadcast_in_dim3A_349 : f32 to vector<16xf32>
      %scan3A_351 = arith.constant 0 : i32
      %scan3A_352 = arith.constant 200 : i32
      %scan3A_353 = arith.addi %scan3A_351, %scan3A_352 : i32
      %scan3A_354 = arith.constant 25 : i32
      %scan3A_355:4 = scf.for %scan3A_571 = %scan3A_351 to %scan3A_353 step %scan3A_354 iter_args(%scan3A_572 = %broadcast_in_dim3A_350, %scan3A_573 = %broadcast_in_dim3A_350, %scan3A_574 = %broadcast_in_dim3A_350, %scan3A_575 = %broadcast_in_dim3A_350) -> (vector<16xf32>, vector<16xf32>, vector<16xf32>, vector<16xf32>)  : i32 {
        %get3A_576 = arith.constant 1 : i32
        %get3A_577 = arith.index_cast %get3A_576 : i32 to index
        %get3A_578 = arith.index_cast %scan3A_571 : i32 to index
        %get3A_579 = arith.constant 0 : index
        %get3A_580 = tpu.vector_load %arg8[%get3A_577, %get3A_578, %get3A_579] {strides = array<i32>} : memref<4x200x64xf32, #tpu.memory_space<vmem>>, vector<1x1x16xf32>,
        %get3A_581 = vector.shape_cast %get3A_580 : vector<1x1x16xf32> to vector<16xf32>
        %add3A_582 = arith.addf %scan3A_572, %get3A_581 : vector<16xf32>
        %get3A_583 = arith.constant 1 : i32
        %get3A_584 = arith.index_cast %get3A_583 : i32 to index
        %get3A_585 = arith.index_cast %scan3A_571 : i32 to index
        %get3A_586 = arith.constant 16 : index
        %get3A_587 = tpu.vector_load %arg8[%get3A_584, %get3A_585, %get3A_586] {strides = array<i32>} : memref<4x200x64xf32, #tpu.memory_space<vmem>>, vector<1x1x16xf32>,
        %get3A_588 = vector.shape_cast %get3A_587 : vector<1x1x16xf32> to vector<16xf32>
        %add3A_589 = arith.addf %scan3A_573, %get3A_588 : vector<16xf32>
        %get3A_590 = arith.constant 1 : i32
        %get3A_591 = arith.index_cast %get3A_590 : i32 to index
        %get3A_592 = arith.index_cast %scan3A_571 : i32 to index
        %get3A_593 = arith.constant 32 : index
        %get3A_594 = tpu.vector_load %arg8[%get3A_591, %get3A_592, %get3A_593] {strides = array<i32>} : memref<4x200x64xf32, #tpu.memory_space<vmem>>, vector<1x1x16xf32>,
        %get3A_595 = vector.shape_cast %get3A_594 : vector<1x1x16xf32> to vector<16xf32>
        %add3A_596 = arith.addf %scan3A_574, %get3A_595 : vector<16xf32>
        %get3A_597 = arith.constant 1 : i32
        %get3A_598 = arith.index_cast %get3A_597 : i32 to index
        %get3A_599 = arith.index_cast %scan3A_571 : i32 to index
        %get3A_600 = arith.constant 48 : index
        %get3A_601 = tpu.vector_load %arg8[%get3A_598, %get3A_599, %get3A_600] {strides = array<i32>} : memref<4x200x64xf32, #tpu.memory_space<vmem>>, vector<1x1x16xf32>,
        %get3A_602 = vector.shape_cast %get3A_601 : vector<1x1x16xf32> to vector<16xf32>
        %add3A_603 = arith.addf %scan3A_575, %get3A_602 : vector<16xf32>
        %scan3A_604 = arith.constant 1 : i32
        %scan3A_605 = arith.addi %scan3A_571, %scan3A_604 : i32
        %get3A_606 = arith.constant 1 : i32
        %get3A_607 = arith.index_cast %get3A_606 : i32 to index
        %get3A_608 = arith.index_cast %scan3A_605 : i32 to index
        %get3A_609 = arith.constant 0 : index
        %get3A_610 = tpu.vector_load %arg8[%get3A_607, %get3A_608, %get3A_609] {strides = array<i32>} : memref<4x200x64xf32, #tpu.memory_space<vmem>>, vector<1x1x16xf32>,
        %get3A_611 = vector.shape_cast %get3A_610 : vector<1x1x16xf32> to vector<16xf32>
        %add3A_612 = arith.addf %add3A_582, %get3A_611 : vector<16xf32>
        %get3A_613 = arith.constant 1 : i32
        %get3A_614 = arith.index_cast %get3A_613 : i32 to index
        %get3A_615 = arith.index_cast %scan3A_605 : i32 to index
        %get3A_616 = arith.constant 16 : index
        %get3A_617 = tpu.vector_load %arg8[%get3A_614, %get3A_615, %get3A_616] {strides = array<i32>} : memref<4x200x64xf32, #tpu.memory_space<vmem>>, vector<1x1x16xf32>,
        %get3A_618 = vector.shape_cast %get3A_617 : vector<1x1x16xf32> to vector<16xf32>
        %add3A_619 = arith.addf %add3A_589, %get3A_618 : vector<16xf32>
        %get3A_620 = arith.constant 1 : i32
        %get3A_621 = arith.index_cast %get3A_620 : i32 to index
        %get3A_622 = arith.index_cast %scan3A_605 : i32 to index
        %get3A_623 = arith.constant 32 : index
        %get3A_624 = tpu.vector_load %arg8[%get3A_621, %get3A_622, %get3A_623] {strides = array<i32>} : memref<4x200x64xf32, #tpu.memory_space<vmem>>, vector<1x1x16xf32>,
        %get3A_625 = vector.shape_cast %get3A_624 : vector<1x1x16xf32> to vector<16xf32>
        %add3A_626 = arith.addf %add3A_596, %get3A_625 : vector<16xf32>
        %get3A_627 = arith.constant 1 : i32
        %get3A_628 = arith.index_cast %get3A_627 : i32 to index
        %get3A_629 = arith.index_cast %scan3A_605 : i32 to index
        %get3A_630 = arith.constant 48 : index
        %get3A_631 = tpu.vector_load %arg8[%get3A_628, %get3A_629, %get3A_630] {strides = array<i32>} : memref<4x200x64xf32, #tpu.memory_space<vmem>>, vector<1x1x16xf32>,
        %get3A_632 = vector.shape_cast %get3A_631 : vector<1x1x16xf32> to vector<16xf32>
        %add3A_633 = arith.addf %add3A_603, %get3A_632 : vector<16xf32>
        %scan3A_634 = arith.constant 2 : i32
        %scan3A_635 = arith.addi %scan3A_571, %scan3A_634 : i32
        %get3A_636 = arith.constant 1 : i32
        %get3A_637 = arith.index_cast %get3A_636 : i32 to index
        %get3A_638 = arith.index_cast %scan3A_635 : i32 to index
        %get3A_639 = arith.constant 0 : index
        %get3A_640 = tpu.vector_load %arg8[%get3A_637, %get3A_638, %get3A_639] {strides = array<i32>} : memref<4x200x64xf32, #tpu.memory_space<vmem>>, vector<1x1x16xf32>,
        %get3A_641 = vector.shape_cast %get3A_640 : vector<1x1x16xf32> to vector<16xf32>
        %add3A_642 = arith.addf %add3A_612, %get3A_641 : vector<16xf32>
        %get3A_643 = arith.constant 1 : i32
        %get3A_644 = arith.index_cast %get3A_643 : i32 to index
        %get3A_645 = arith.index_cast %scan3A_635 : i32 to index
        %get3A_646 = arith.constant 16 : index
        %get3A_647 = tpu.vector_load %arg8[%get3A_644, %get3A_645, %get3A_646] {strides = array<i32>} : memref<4x200x64xf32, #tpu.memory_space<vmem>>, vector<1x1x16xf32>,
        %get3A_648 = vector.shape_cast %get3A_647 : vector<1x1x16xf32> to vector<16xf32>
        %add3A_649 = arith.addf %add3A_619, %get3A_648 : vector<16xf32>
        %get3A_650 = arith.constant 1 : i32
        %get3A_651 = arith.index_cast %get3A_650 : i32 to index
        %get3A_652 = arith.index_cast %scan3A_635 : i32 to index
        %get3A_653 = arith.constant 32 : index
        %get3A_654 = tpu.vector_load %arg8[%get3A_651, %get3A_652, %get3A_653] {strides = array<i32>} : memref<4x200x64xf32, #tpu.memory_space<vmem>>, vector<1x1x16xf32>,
        %get3A_655 = vector.shape_cast %get3A_654 : vector<1x1x16xf32> to vector<16xf32>
        %add3A_656 = arith.addf %add3A_626, %get3A_655 : vector<16xf32>
        %get3A_657 = arith.constant 1 : i32
        %get3A_658 = arith.index_cast %get3A_657 : i32 to index
        %get3A_659 = arith.index_cast %scan3A_635 : i32 to index
        %get3A_660 = arith.constant 48 : index
        %get3A_661 = tpu.vector_load %arg8[%get3A_658, %get3A_659, %get3A_660] {strides = array<i32>} : memref<4x200x64xf32, #tpu.memory_space<vmem>>, vector<1x1x16xf32>,
        %get3A_662 = vector.shape_cast %get3A_661 : vector<1x1x16xf32> to vector<16xf32>
        %add3A_663 = arith.addf %add3A_633, %get3A_662 : vector<16xf32>
        %scan3A_664 = arith.constant 3 : i32
        %scan3A_665 = arith.addi %scan3A_571, %scan3A_664 : i32
        %get3A_666 = arith.constant 1 : i32
        %get3A_667 = arith.index_cast %get3A_666 : i32 to index
        %get3A_668 = arith.index_cast %scan3A_665 : i32 to index
        %get3A_669 = arith.constant 0 : index
        %get3A_670 = tpu.vector_load %arg8[%get3A_667, %get3A_668, %get3A_669] {strides = array<i32>} : memref<4x200x64xf32, #tpu.memory_space<vmem>>, vector<1x1x16xf32>,
        %get3A_671 = vector.shape_cast %get3A_670 : vector<1x1x16xf32> to vector<16xf32>
        %add3A_672 = arith.addf %add3A_642, %get3A_671 : vector<16xf32>
        %get3A_673 = arith.constant 1 : i32
        %get3A_674 = arith.index_cast %get3A_673 : i32 to index
        %get3A_675 = arith.index_cast %scan3A_665 : i32 to index
        %get3A_676 = arith.constant 16 : index
        %get3A_677 = tpu.vector_load %arg8[%get3A_674, %get3A_675, %get3A_676] {strides = array<i32>} : memref<4x200x64xf32, #tpu.memory_space<vmem>>, vector<1x1x16xf32>,
        %get3A_678 = vector.shape_cast %get3A_677 : vector<1x1x16xf32> to vector<16xf32>
        %add3A_679 = arith.addf %add3A_649, %get3A_678 : vector<16xf32>
        %get3A_680 = arith.constant 1 : i32
        %get3A_681 = arith.index_cast %get3A_680 : i32 to index
        %get3A_682 = arith.index_cast %scan3A_665 : i32 to index
        %get3A_683 = arith.constant 32 : index
        %get3A_684 = tpu.vector_load %arg8[%get3A_681, %get3A_682, %get3A_683] {strides = array<i32>} : memref<4x200x64xf32, #tpu.memory_space<vmem>>, vector<1x1x16xf32>,
        %get3A_685 = vector.shape_cast %get3A_684 : vector<1x1x16xf32> to vector<16xf32>
        %add3A_686 = arith.addf %add3A_656, %get3A_685 : vector<16xf32>
        %get3A_687 = arith.constant 1 : i32
        %get3A_688 = arith.index_cast %get3A_687 : i32 to index
        %get3A_689 = arith.index_cast %scan3A_665 : i32 to index
        %get3A_690 = arith.constant 48 : index
        %get3A_691 = tpu.vector_load %arg8[%get3A_688, %get3A_689, %get3A_690] {strides = array<i32>} : memref<4x200x64xf32, #tpu.memory_space<vmem>>, vector<1x1x16xf32>,
        %get3A_692 = vector.shape_cast %get3A_691 : vector<1x1x16xf32> to vector<16xf32>
        %add3A_693 = arith.addf %add3A_663, %get3A_692 : vector<16xf32>
        %scan3A_694 = arith.constant 4 : i32
        %scan3A_695 = arith.addi %scan3A_571, %scan3A_694 : i32
        %get3A_696 = arith.constant 1 : i32
        %get3A_697 = arith.index_cast %get3A_696 : i32 to index
        %get3A_698 = arith.index_cast %scan3A_695 : i32 to index
        %get3A_699 = arith.constant 0 : index
        %get3A_700 = tpu.vector_load %arg8[%get3A_697, %get3A_698, %get3A_699] {strides = array<i32>} : memref<4x200x64xf32, #tpu.memory_space<vmem>>, vector<1x1x16xf32>,
        %get3A_701 = vector.shape_cast %get3A_700 : vector<1x1x16xf32> to vector<16xf32>
        %add3A_702 = arith.addf %add3A_672, %get3A_701 : vector<16xf32>
        %get3A_703 = arith.constant 1 : i32
        %get3A_704 = arith.index_cast %get3A_703 : i32 to index
        %get3A_705 = arith.index_cast %scan3A_695 : i32 to index
        %get3A_706 = arith.constant 16 : index
        %get3A_707 = tpu.vector_load %arg8[%get3A_704, %get3A_705, %get3A_706] {strides = array<i32>} : memref<4x200x64xf32, #tpu.memory_space<vmem>>, vector<1x1x16xf32>,
        %get3A_708 = vector.shape_cast %get3A_707 : vector<1x1x16xf32> to vector<16xf32>
        %add3A_709 = arith.addf %add3A_679, %get3A_708 : vector<16xf32>
        %get3A_710 = arith.constant 1 : i32
        %get3A_711 = arith.index_cast %get3A_710 : i32 to index
        %get3A_712 = arith.index_cast %scan3A_695 : i32 to index
        %get3A_713 = arith.constant 32 : index
        %get3A_714 = tpu.vector_load %arg8[%get3A_711, %get3A_712, %get3A_713] {strides = array<i32>} : memref<4x200x64xf32, #tpu.memory_space<vmem>>, vector<1x1x16xf32>,
        %get3A_715 = vector.shape_cast %get3A_714 : vector<1x1x16xf32> to vector<16xf32>
        %add3A_716 = arith.addf %add3A_686, %get3A_715 : vector<16xf32>
        %get3A_717 = arith.constant 1 : i32
        %get3A_718 = arith.index_cast %get3A_717 : i32 to index
        %get3A_719 = arith.index_cast %scan3A_695 : i32 to index
        %get3A_720 = arith.constant 48 : index
        %get3A_721 = tpu.vector_load %arg8[%get3A_718, %get3A_719, %get3A_720] {strides = array<i32>} : memref<4x200x64xf32, #tpu.memory_space<vmem>>, vector<1x1x16xf32>,
        %get3A_722 = vector.shape_cast %get3A_721 : vector<1x1x16xf32> to vector<16xf32>
        %add3A_723 = arith.addf %add3A_693, %get3A_722 : vector<16xf32>
        %scan3A_724 = arith.constant 5 : i32
        %scan3A_725 = arith.addi %scan3A_571, %scan3A_724 : i32
        %get3A_726 = arith.constant 1 : i32
        %get3A_727 = arith.index_cast %get3A_726 : i32 to index
        %get3A_728 = arith.index_cast %scan3A_725 : i32 to index
        %get3A_729 = arith.constant 0 : index
        %get3A_730 = tpu.vector_load %arg8[%get3A_727, %get3A_728, %get3A_729] {strides = array<i32>} : memref<4x200x64xf32, #tpu.memory_space<vmem>>, vector<1x1x16xf32>,
        %get3A_731 = vector.shape_cast %get3A_730 : vector<1x1x16xf32> to vector<16xf32>
        %add3A_732 = arith.addf %add3A_702, %get3A_731 : vector<16xf32>
        %get3A_733 = arith.constant 1 : i32
        %get3A_734 = arith.index_cast %get3A_733 : i32 to index
        %get3A_735 = arith.index_cast %scan3A_725 : i32 to index
        %get3A_736 = arith.constant 16 : index
        %get3A_737 = tpu.vector_load %arg8[%get3A_734, %get3A_735, %get3A_736] {strides = array<i32>} : memref<4x200x64xf32, #tpu.memory_space<vmem>>, vector<1x1x16xf32>,
        %get3A_738 = vector.shape_cast %get3A_737 : vector<1x1x16xf32> to vector<16xf32>
        %add3A_739 = arith.addf %add3A_709, %get3A_738 : vector<16xf32>
        %get3A_740 = arith.constant 1 : i32
        %get3A_741 = arith.index_cast %get3A_740 : i32 to index
        %get3A_742 = arith.index_cast %scan3A_725 : i32 to index
        %get3A_743 = arith.constant 32 : index
        %get3A_744 = tpu.vector_load %arg8[%get3A_741, %get3A_742, %get3A_743] {strides = array<i32>} : memref<4x200x64xf32, #tpu.memory_space<vmem>>, vector<1x1x16xf32>,
        %get3A_745 = vector.shape_cast %get3A_744 : vector<1x1x16xf32> to vector<16xf32>
        %add3A_746 = arith.addf %add3A_716, %get3A_745 : vector<16xf32>
        %get3A_747 = arith.constant 1 : i32
        %get3A_748 = arith.index_cast %get3A_747 : i32 to index
        %get3A_749 = arith.index_cast %scan3A_725 : i32 to index
        %get3A_750 = arith.constant 48 : index
        %get3A_751 = tpu.vector_load %arg8[%get3A_748, %get3A_749, %get3A_750] {strides = array<i32>} : memref<4x200x64xf32, #tpu.memory_space<vmem>>, vector<1x1x16xf32>,
        %get3A_752 = vector.shape_cast %get3A_751 : vector<1x1x16xf32> to vector<16xf32>
        %add3A_753 = arith.addf %add3A_723, %get3A_752 : vector<16xf32>
        %scan3A_754 = arith.constant 6 : i32
        %scan3A_755 = arith.addi %scan3A_571, %scan3A_754 : i32
        %get3A_756 = arith.constant 1 : i32
        %get3A_757 = arith.index_cast %get3A_756 : i32 to index
        %get3A_758 = arith.index_cast %scan3A_755 : i32 to index
        %get3A_759 = arith.constant 0 : index
        %get3A_760 = tpu.vector_load %arg8[%get3A_757, %get3A_758, %get3A_759] {strides = array<i32>} : memref<4x200x64xf32, #tpu.memory_space<vmem>>, vector<1x1x16xf32>,
        %get3A_761 = vector.shape_cast %get3A_760 : vector<1x1x16xf32> to vector<16xf32>
        %add3A_762 = arith.addf %add3A_732, %get3A_761 : vector<16xf32>
        %get3A_763 = arith.constant 1 : i32
        %get3A_764 = arith.index_cast %get3A_763 : i32 to index
        %get3A_765 = arith.index_cast %scan3A_755 : i32 to index
        %get3A_766 = arith.constant 16 : index
        %get3A_767 = tpu.vector_load %arg8[%get3A_764, %get3A_765, %get3A_766] {strides = array<i32>} : memref<4x200x64xf32, #tpu.memory_space<vmem>>, vector<1x1x16xf32>,
        %get3A_768 = vector.shape_cast %get3A_767 : vector<1x1x16xf32> to vector<16xf32>
        %add3A_769 = arith.addf %add3A_739, %get3A_768 : vector<16xf32>
        %get3A_770 = arith.constant 1 : i32
        %get3A_771 = arith.index_cast %get3A_770 : i32 to index
        %get3A_772 = arith.index_cast %scan3A_755 : i32 to index
        %get3A_773 = arith.constant 32 : index
        %get3A_774 = tpu.vector_load %arg8[%get3A_771, %get3A_772, %get3A_773] {strides = array<i32>} : memref<4x200x64xf32, #tpu.memory_space<vmem>>, vector<1x1x16xf32>,
        %get3A_775 = vector.shape_cast %get3A_774 : vector<1x1x16xf32> to vector<16xf32>
        %add3A_776 = arith.addf %add3A_746, %get3A_775 : vector<16xf32>
        %get3A_777 = arith.constant 1 : i32
        %get3A_778 = arith.index_cast %get3A_777 : i32 to index
        %get3A_779 = arith.index_cast %scan3A_755 : i32 to index
        %get3A_780 = arith.constant 48 : index
        %get3A_781 = tpu.vector_load %arg8[%get3A_778, %get3A_779, %get3A_780] {strides = array<i32>} : memref<4x200x64xf32, #tpu.memory_space<vmem>>, vector<1x1x16xf32>,
        %get3A_782 = vector.shape_cast %get3A_781 : vector<1x1x16xf32> to vector<16xf32>
        %add3A_783 = arith.addf %add3A_753, %get3A_782 : vector<16xf32>
        %scan3A_784 = arith.constant 7 : i32
        %scan3A_785 = arith.addi %scan3A_571, %scan3A_784 : i32
        %get3A_786 = arith.constant 1 : i32
        %get3A_787 = arith.index_cast %get3A_786 : i32 to index
        %get3A_788 = arith.index_cast %scan3A_785 : i32 to index
        %get3A_789 = arith.constant 0 : index
        %get3A_790 = tpu.vector_load %arg8[%get3A_787, %get3A_788, %get3A_789] {strides = array<i32>} : memref<4x200x64xf32, #tpu.memory_space<vmem>>, vector<1x1x16xf32>,
        %get3A_791 = vector.shape_cast %get3A_790 : vector<1x1x16xf32> to vector<16xf32>
        %add3A_792 = arith.addf %add3A_762, %get3A_791 : vector<16xf32>
        %get3A_793 = arith.constant 1 : i32
        %get3A_794 = arith.index_cast %get3A_793 : i32 to index
        %get3A_795 = arith.index_cast %scan3A_785 : i32 to index
        %get3A_796 = arith.constant 16 : index
        %get3A_797 = tpu.vector_load %arg8[%get3A_794, %get3A_795, %get3A_796] {strides = array<i32>} : memref<4x200x64xf32, #tpu.memory_space<vmem>>, vector<1x1x16xf32>,
        %get3A_798 = vector.shape_cast %get3A_797 : vector<1x1x16xf32> to vector<16xf32>
        %add3A_799 = arith.addf %add3A_769, %get3A_798 : vector<16xf32>
        %get3A_800 = arith.constant 1 : i32
        %get3A_801 = arith.index_cast %get3A_800 : i32 to index
        %get3A_802 = arith.index_cast %scan3A_785 : i32 to index
        %get3A_803 = arith.constant 32 : index
        %get3A_804 = tpu.vector_load %arg8[%get3A_801, %get3A_802, %get3A_803] {strides = array<i32>} : memref<4x200x64xf32, #tpu.memory_space<vmem>>, vector<1x1x16xf32>,
        %get3A_805 = vector.shape_cast %get3A_804 : vector<1x1x16xf32> to vector<16xf32>
        %add3A_806 = arith.addf %add3A_776, %get3A_805 : vector<16xf32>
        %get3A_807 = arith.constant 1 : i32
        %get3A_808 = arith.index_cast %get3A_807 : i32 to index
        %get3A_809 = arith.index_cast %scan3A_785 : i32 to index
        %get3A_810 = arith.constant 48 : index
        %get3A_811 = tpu.vector_load %arg8[%get3A_808, %get3A_809, %get3A_810] {strides = array<i32>} : memref<4x200x64xf32, #tpu.memory_space<vmem>>, vector<1x1x16xf32>,
        %get3A_812 = vector.shape_cast %get3A_811 : vector<1x1x16xf32> to vector<16xf32>
        %add3A_813 = arith.addf %add3A_783, %get3A_812 : vector<16xf32>
        %scan3A_814 = arith.constant 8 : i32
        %scan3A_815 = arith.addi %scan3A_571, %scan3A_814 : i32
        %get3A_816 = arith.constant 1 : i32
        %get3A_817 = arith.index_cast %get3A_816 : i32 to index
        %get3A_818 = arith.index_cast %scan3A_815 : i32 to index
        %get3A_819 = arith.constant 0 : index
        %get3A_820 = tpu.vector_load %arg8[%get3A_817, %get3A_818, %get3A_819] {strides = array<i32>} : memref<4x200x64xf32, #tpu.memory_space<vmem>>, vector<1x1x16xf32>,
        %get3A_821 = vector.shape_cast %get3A_820 : vector<1x1x16xf32> to vector<16xf32>
        %add3A_822 = arith.addf %add3A_792, %get3A_821 : vector<16xf32>
        %get3A_823 = arith.constant 1 : i32
        %get3A_824 = arith.index_cast %get3A_823 : i32 to index
        %get3A_825 = arith.index_cast %scan3A_815 : i32 to index
        %get3A_826 = arith.constant 16 : index
        %get3A_827 = tpu.vector_load %arg8[%get3A_824, %get3A_825, %get3A_826] {strides = array<i32>} : memref<4x200x64xf32, #tpu.memory_space<vmem>>, vector<1x1x16xf32>,
        %get3A_828 = vector.shape_cast %get3A_827 : vector<1x1x16xf32> to vector<16xf32>
        %add3A_829 = arith.addf %add3A_799, %get3A_828 : vector<16xf32>
        %get3A_830 = arith.constant 1 : i32
        %get3A_831 = arith.index_cast %get3A_830 : i32 to index
        %get3A_832 = arith.index_cast %scan3A_815 : i32 to index
        %get3A_833 = arith.constant 32 : index
        %get3A_834 = tpu.vector_load %arg8[%get3A_831, %get3A_832, %get3A_833] {strides = array<i32>} : memref<4x200x64xf32, #tpu.memory_space<vmem>>, vector<1x1x16xf32>,
        %get3A_835 = vector.shape_cast %get3A_834 : vector<1x1x16xf32> to vector<16xf32>
        %add3A_836 = arith.addf %add3A_806, %get3A_835 : vector<16xf32>
        %get3A_837 = arith.constant 1 : i32
        %get3A_838 = arith.index_cast %get3A_837 : i32 to index
        %get3A_839 = arith.index_cast %scan3A_815 : i32 to index
        %get3A_840 = arith.constant 48 : index
        %get3A_841 = tpu.vector_load %arg8[%get3A_838, %get3A_839, %get3A_840] {strides = array<i32>} : memref<4x200x64xf32, #tpu.memory_space<vmem>>, vector<1x1x16xf32>,
        %get3A_842 = vector.shape_cast %get3A_841 : vector<1x1x16xf32> to vector<16xf32>
        %add3A_843 = arith.addf %add3A_813, %get3A_842 : vector<16xf32>
        %scan3A_844 = arith.constant 9 : i32
        %scan3A_845 = arith.addi %scan3A_571, %scan3A_844 : i32
        %get3A_846 = arith.constant 1 : i32
        %get3A_847 = arith.index_cast %get3A_846 : i32 to index
        %get3A_848 = arith.index_cast %scan3A_845 : i32 to index
        %get3A_849 = arith.constant 0 : index
        %get3A_850 = tpu.vector_load %arg8[%get3A_847, %get3A_848, %get3A_849] {strides = array<i32>} : memref<4x200x64xf32, #tpu.memory_space<vmem>>, vector<1x1x16xf32>,
        %get3A_851 = vector.shape_cast %get3A_850 : vector<1x1x16xf32> to vector<16xf32>
        %add3A_852 = arith.addf %add3A_822, %get3A_851 : vector<16xf32>
        %get3A_853 = arith.constant 1 : i32
        %get3A_854 = arith.index_cast %get3A_853 : i32 to index
        %get3A_855 = arith.index_cast %scan3A_845 : i32 to index
        %get3A_856 = arith.constant 16 : index
        %get3A_857 = tpu.vector_load %arg8[%get3A_854, %get3A_855, %get3A_856] {strides = array<i32>} : memref<4x200x64xf32, #tpu.memory_space<vmem>>, vector<1x1x16xf32>,
        %get3A_858 = vector.shape_cast %get3A_857 : vector<1x1x16xf32> to vector<16xf32>
        %add3A_859 = arith.addf %add3A_829, %get3A_858 : vector<16xf32>
        %get3A_860 = arith.constant 1 : i32
        %get3A_861 = arith.index_cast %get3A_860 : i32 to index
        %get3A_862 = arith.index_cast %scan3A_845 : i32 to index
        %get3A_863 = arith.constant 32 : index
        %get3A_864 = tpu.vector_load %arg8[%get3A_861, %get3A_862, %get3A_863] {strides = array<i32>} : memref<4x200x64xf32, #tpu.memory_space<vmem>>, vector<1x1x16xf32>,
        %get3A_865 = vector.shape_cast %get3A_864 : vector<1x1x16xf32> to vector<16xf32>
        %add3A_866 = arith.addf %add3A_836, %get3A_865 : vector<16xf32>
        %get3A_867 = arith.constant 1 : i32
        %get3A_868 = arith.index_cast %get3A_867 : i32 to index
        %get3A_869 = arith.index_cast %scan3A_845 : i32 to index
        %get3A_870 = arith.constant 48 : index
        %get3A_871 = tpu.vector_load %arg8[%get3A_868, %get3A_869, %get3A_870] {strides = array<i32>} : memref<4x200x64xf32, #tpu.memory_space<vmem>>, vector<1x1x16xf32>,
        %get3A_872 = vector.shape_cast %get3A_871 : vector<1x1x16xf32> to vector<16xf32>
        %add3A_873 = arith.addf %add3A_843, %get3A_872 : vector<16xf32>
        %scan3A_874 = arith.constant 10 : i32
        %scan3A_875 = arith.addi %scan3A_571, %scan3A_874 : i32
        %get3A_876 = arith.constant 1 : i32
        %get3A_877 = arith.index_cast %get3A_876 : i32 to index
        %get3A_878 = arith.index_cast %scan3A_875 : i32 to index
        %get3A_879 = arith.constant 0 : index
        %get3A_880 = tpu.vector_load %arg8[%get3A_877, %get3A_878, %get3A_879] {strides = array<i32>} : memref<4x200x64xf32, #tpu.memory_space<vmem>>, vector<1x1x16xf32>,
        %get3A_881 = vector.shape_cast %get3A_880 : vector<1x1x16xf32> to vector<16xf32>
        %add3A_882 = arith.addf %add3A_852, %get3A_881 : vector<16xf32>
        %get3A_883 = arith.constant 1 : i32
        %get3A_884 = arith.index_cast %get3A_883 : i32 to index
        %get3A_885 = arith.index_cast %scan3A_875 : i32 to index
        %get3A_886 = arith.constant 16 : index
        %get3A_887 = tpu.vector_load %arg8[%get3A_884, %get3A_885, %get3A_886] {strides = array<i32>} : memref<4x200x64xf32, #tpu.memory_space<vmem>>, vector<1x1x16xf32>,
        %get3A_888 = vector.shape_cast %get3A_887 : vector<1x1x16xf32> to vector<16xf32>
        %add3A_889 = arith.addf %add3A_859, %get3A_888 : vector<16xf32>
        %get3A_890 = arith.constant 1 : i32
        %get3A_891 = arith.index_cast %get3A_890 : i32 to index
        %get3A_892 = arith.index_cast %scan3A_875 : i32 to index
        %get3A_893 = arith.constant 32 : index
        %get3A_894 = tpu.vector_load %arg8[%get3A_891, %get3A_892, %get3A_893] {strides = array<i32>} : memref<4x200x64xf32, #tpu.memory_space<vmem>>, vector<1x1x16xf32>,
        %get3A_895 = vector.shape_cast %get3A_894 : vector<1x1x16xf32> to vector<16xf32>
        %add3A_896 = arith.addf %add3A_866, %get3A_895 : vector<16xf32>
        %get3A_897 = arith.constant 1 : i32
        %get3A_898 = arith.index_cast %get3A_897 : i32 to index
        %get3A_899 = arith.index_cast %scan3A_875 : i32 to index
        %get3A_900 = arith.constant 48 : index
        %get3A_901 = tpu.vector_load %arg8[%get3A_898, %get3A_899, %get3A_900] {strides = array<i32>} : memref<4x200x64xf32, #tpu.memory_space<vmem>>, vector<1x1x16xf32>,
        %get3A_902 = vector.shape_cast %get3A_901 : vector<1x1x16xf32> to vector<16xf32>
        %add3A_903 = arith.addf %add3A_873, %get3A_902 : vector<16xf32>
        %scan3A_904 = arith.constant 11 : i32
        %scan3A_905 = arith.addi %scan3A_571, %scan3A_904 : i32
        %get3A_906 = arith.constant 1 : i32
        %get3A_907 = arith.index_cast %get3A_906 : i32 to index
        %get3A_908 = arith.index_cast %scan3A_905 : i32 to index
        %get3A_909 = arith.constant 0 : index
        %get3A_910 = tpu.vector_load %arg8[%get3A_907, %get3A_908, %get3A_909] {strides = array<i32>} : memref<4x200x64xf32, #tpu.memory_space<vmem>>, vector<1x1x16xf32>,
        %get3A_911 = vector.shape_cast %get3A_910 : vector<1x1x16xf32> to vector<16xf32>
        %add3A_912 = arith.addf %add3A_882, %get3A_911 : vector<16xf32>
        %get3A_913 = arith.constant 1 : i32
        %get3A_914 = arith.index_cast %get3A_913 : i32 to index
        %get3A_915 = arith.index_cast %scan3A_905 : i32 to index
        %get3A_916 = arith.constant 16 : index
        %get3A_917 = tpu.vector_load %arg8[%get3A_914, %get3A_915, %get3A_916] {strides = array<i32>} : memref<4x200x64xf32, #tpu.memory_space<vmem>>, vector<1x1x16xf32>,
        %get3A_918 = vector.shape_cast %get3A_917 : vector<1x1x16xf32> to vector<16xf32>
        %add3A_919 = arith.addf %add3A_889, %get3A_918 : vector<16xf32>
        %get3A_920 = arith.constant 1 : i32
        %get3A_921 = arith.index_cast %get3A_920 : i32 to index
        %get3A_922 = arith.index_cast %scan3A_905 : i32 to index
        %get3A_923 = arith.constant 32 : index
        %get3A_924 = tpu.vector_load %arg8[%get3A_921, %get3A_922, %get3A_923] {strides = array<i32>} : memref<4x200x64xf32, #tpu.memory_space<vmem>>, vector<1x1x16xf32>,
        %get3A_925 = vector.shape_cast %get3A_924 : vector<1x1x16xf32> to vector<16xf32>
        %add3A_926 = arith.addf %add3A_896, %get3A_925 : vector<16xf32>
        %get3A_927 = arith.constant 1 : i32
        %get3A_928 = arith.index_cast %get3A_927 : i32 to index
        %get3A_929 = arith.index_cast %scan3A_905 : i32 to index
        %get3A_930 = arith.constant 48 : index
        %get3A_931 = tpu.vector_load %arg8[%get3A_928, %get3A_929, %get3A_930] {strides = array<i32>} : memref<4x200x64xf32, #tpu.memory_space<vmem>>, vector<1x1x16xf32>,
        %get3A_932 = vector.shape_cast %get3A_931 : vector<1x1x16xf32> to vector<16xf32>
        %add3A_933 = arith.addf %add3A_903, %get3A_932 : vector<16xf32>
        %scan3A_934 = arith.constant 12 : i32
        %scan3A_935 = arith.addi %scan3A_571, %scan3A_934 : i32
        %get3A_936 = arith.constant 1 : i32
        %get3A_937 = arith.index_cast %get3A_936 : i32 to index
        %get3A_938 = arith.index_cast %scan3A_935 : i32 to index
        %get3A_939 = arith.constant 0 : index
        %get3A_940 = tpu.vector_load %arg8[%get3A_937, %get3A_938, %get3A_939] {strides = array<i32>} : memref<4x200x64xf32, #tpu.memory_space<vmem>>, vector<1x1x16xf32>,
        %get3A_941 = vector.shape_cast %get3A_940 : vector<1x1x16xf32> to vector<16xf32>
        %add3A_942 = arith.addf %add3A_912, %get3A_941 : vector<16xf32>
        %get3A_943 = arith.constant 1 : i32
        %get3A_944 = arith.index_cast %get3A_943 : i32 to index
        %get3A_945 = arith.index_cast %scan3A_935 : i32 to index
        %get3A_946 = arith.constant 16 : index
        %get3A_947 = tpu.vector_load %arg8[%get3A_944, %get3A_945, %get3A_946] {strides = array<i32>} : memref<4x200x64xf32, #tpu.memory_space<vmem>>, vector<1x1x16xf32>,
        %get3A_948 = vector.shape_cast %get3A_947 : vector<1x1x16xf32> to vector<16xf32>
        %add3A_949 = arith.addf %add3A_919, %get3A_948 : vector<16xf32>
        %get3A_950 = arith.constant 1 : i32
        %get3A_951 = arith.index_cast %get3A_950 : i32 to index
        %get3A_952 = arith.index_cast %scan3A_935 : i32 to index
        %get3A_953 = arith.constant 32 : index
        %get3A_954 = tpu.vector_load %arg8[%get3A_951, %get3A_952, %get3A_953] {strides = array<i32>} : memref<4x200x64xf32, #tpu.memory_space<vmem>>, vector<1x1x16xf32>,
        %get3A_955 = vector.shape_cast %get3A_954 : vector<1x1x16xf32> to vector<16xf32>
        %add3A_956 = arith.addf %add3A_926, %get3A_955 : vector<16xf32>
        %get3A_957 = arith.constant 1 : i32
        %get3A_958 = arith.index_cast %get3A_957 : i32 to index
        %get3A_959 = arith.index_cast %scan3A_935 : i32 to index
        %get3A_960 = arith.constant 48 : index
        %get3A_961 = tpu.vector_load %arg8[%get3A_958, %get3A_959, %get3A_960] {strides = array<i32>} : memref<4x200x64xf32, #tpu.memory_space<vmem>>, vector<1x1x16xf32>,
        %get3A_962 = vector.shape_cast %get3A_961 : vector<1x1x16xf32> to vector<16xf32>
        %add3A_963 = arith.addf %add3A_933, %get3A_962 : vector<16xf32>
        %scan3A_964 = arith.constant 13 : i32
        %scan3A_965 = arith.addi %scan3A_571, %scan3A_964 : i32
        %get3A_966 = arith.constant 1 : i32
        %get3A_967 = arith.index_cast %get3A_966 : i32 to index
        %get3A_968 = arith.index_cast %scan3A_965 : i32 to index
        %get3A_969 = arith.constant 0 : index
        %get3A_970 = tpu.vector_load %arg8[%get3A_967, %get3A_968, %get3A_969] {strides = array<i32>} : memref<4x200x64xf32, #tpu.memory_space<vmem>>, vector<1x1x16xf32>,
        %get3A_971 = vector.shape_cast %get3A_970 : vector<1x1x16xf32> to vector<16xf32>
        %add3A_972 = arith.addf %add3A_942, %get3A_971 : vector<16xf32>
        %get3A_973 = arith.constant 1 : i32
        %get3A_974 = arith.index_cast %get3A_973 : i32 to index
        %get3A_975 = arith.index_cast %scan3A_965 : i32 to index
        %get3A_976 = arith.constant 16 : index
        %get3A_977 = tpu.vector_load %arg8[%get3A_974, %get3A_975, %get3A_976] {strides = array<i32>} : memref<4x200x64xf32, #tpu.memory_space<vmem>>, vector<1x1x16xf32>,
        %get3A_978 = vector.shape_cast %get3A_977 : vector<1x1x16xf32> to vector<16xf32>
        %add3A_979 = arith.addf %add3A_949, %get3A_978 : vector<16xf32>
        %get3A_980 = arith.constant 1 : i32
        %get3A_981 = arith.index_cast %get3A_980 : i32 to index
        %get3A_982 = arith.index_cast %scan3A_965 : i32 to index
        %get3A_983 = arith.constant 32 : index
        %get3A_984 = tpu.vector_load %arg8[%get3A_981, %get3A_982, %get3A_983] {strides = array<i32>} : memref<4x200x64xf32, #tpu.memory_space<vmem>>, vector<1x1x16xf32>,
        %get3A_985 = vector.shape_cast %get3A_984 : vector<1x1x16xf32> to vector<16xf32>
        %add3A_986 = arith.addf %add3A_956, %get3A_985 : vector<16xf32>
        %get3A_987 = arith.constant 1 : i32
        %get3A_988 = arith.index_cast %get3A_987 : i32 to index
        %get3A_989 = arith.index_cast %scan3A_965 : i32 to index
        %get3A_990 = arith.constant 48 : index
        %get3A_991 = tpu.vector_load %arg8[%get3A_988, %get3A_989, %get3A_990] {strides = array<i32>} : memref<4x200x64xf32, #tpu.memory_space<vmem>>, vector<1x1x16xf32>,
        %get3A_992 = vector.shape_cast %get3A_991 : vector<1x1x16xf32> to vector<16xf32>
        %add3A_993 = arith.addf %add3A_963, %get3A_992 : vector<16xf32>
        %scan3A_994 = arith.constant 14 : i32
        %scan3A_995 = arith.addi %scan3A_571, %scan3A_994 : i32
        %get3A_996 = arith.constant 1 : i32
        %get3A_997 = arith.index_cast %get3A_996 : i32 to index
        %get3A_998 = arith.index_cast %scan3A_995 : i32 to index
        %get3A_999 = arith.constant 0 : index
        %get3A_1000 = tpu.vector_load %arg8[%get3A_997, %get3A_998, %get3A_999] {strides = array<i32>} : memref<4x200x64xf32, #tpu.memory_space<vmem>>, vector<1x1x16xf32>,
        %get3A_1001 = vector.shape_cast %get3A_1000 : vector<1x1x16xf32> to vector<16xf32>
        %add3A_1002 = arith.addf %add3A_972, %get3A_1001 : vector<16xf32>
        %get3A_1003 = arith.constant 1 : i32
        %get3A_1004 = arith.index_cast %get3A_1003 : i32 to index
        %get3A_1005 = arith.index_cast %scan3A_995 : i32 to index
        %get3A_1006 = arith.constant 16 : index
        %get3A_1007 = tpu.vector_load %arg8[%get3A_1004, %get3A_1005, %get3A_1006] {strides = array<i32>} : memref<4x200x64xf32, #tpu.memory_space<vmem>>, vector<1x1x16xf32>,
        %get3A_1008 = vector.shape_cast %get3A_1007 : vector<1x1x16xf32> to vector<16xf32>
        %add3A_1009 = arith.addf %add3A_979, %get3A_1008 : vector<16xf32>
        %get3A_1010 = arith.constant 1 : i32
        %get3A_1011 = arith.index_cast %get3A_1010 : i32 to index
        %get3A_1012 = arith.index_cast %scan3A_995 : i32 to index
        %get3A_1013 = arith.constant 32 : index
        %get3A_1014 = tpu.vector_load %arg8[%get3A_1011, %get3A_1012, %get3A_1013] {strides = array<i32>} : memref<4x200x64xf32, #tpu.memory_space<vmem>>, vector<1x1x16xf32>,
        %get3A_1015 = vector.shape_cast %get3A_1014 : vector<1x1x16xf32> to vector<16xf32>
        %add3A_1016 = arith.addf %add3A_986, %get3A_1015 : vector<16xf32>
        %get3A_1017 = arith.constant 1 : i32
        %get3A_1018 = arith.index_cast %get3A_1017 : i32 to index
        %get3A_1019 = arith.index_cast %scan3A_995 : i32 to index
        %get3A_1020 = arith.constant 48 : index
        %get3A_1021 = tpu.vector_load %arg8[%get3A_1018, %get3A_1019, %get3A_1020] {strides = array<i32>} : memref<4x200x64xf32, #tpu.memory_space<vmem>>, vector<1x1x16xf32>,
        %get3A_1022 = vector.shape_cast %get3A_1021 : vector<1x1x16xf32> to vector<16xf32>
        %add3A_1023 = arith.addf %add3A_993, %get3A_1022 : vector<16xf32>
        %scan3A_1024 = arith.constant 15 : i32
        %scan3A_1025 = arith.addi %scan3A_571, %scan3A_1024 : i32
        %get3A_1026 = arith.constant 1 : i32
        %get3A_1027 = arith.index_cast %get3A_1026 : i32 to index
        %get3A_1028 = arith.index_cast %scan3A_1025 : i32 to index
        %get3A_1029 = arith.constant 0 : index
        %get3A_1030 = tpu.vector_load %arg8[%get3A_1027, %get3A_1028, %get3A_1029] {strides = array<i32>} : memref<4x200x64xf32, #tpu.memory_space<vmem>>, vector<1x1x16xf32>,
        %get3A_1031 = vector.shape_cast %get3A_1030 : vector<1x1x16xf32> to vector<16xf32>
        %add3A_1032 = arith.addf %add3A_1002, %get3A_1031 : vector<16xf32>
        %get3A_1033 = arith.constant 1 : i32
        %get3A_1034 = arith.index_cast %get3A_1033 : i32 to index
        %get3A_1035 = arith.index_cast %scan3A_1025 : i32 to index
        %get3A_1036 = arith.constant 16 : index
        %get3A_1037 = tpu.vector_load %arg8[%get3A_1034, %get3A_1035, %get3A_1036] {strides = array<i32>} : memref<4x200x64xf32, #tpu.memory_space<vmem>>, vector<1x1x16xf32>,
        %get3A_1038 = vector.shape_cast %get3A_1037 : vector<1x1x16xf32> to vector<16xf32>
        %add3A_1039 = arith.addf %add3A_1009, %get3A_1038 : vector<16xf32>
        %get3A_1040 = arith.constant 1 : i32
        %get3A_1041 = arith.index_cast %get3A_1040 : i32 to index
        %get3A_1042 = arith.index_cast %scan3A_1025 : i32 to index
        %get3A_1043 = arith.constant 32 : index
        %get3A_1044 = tpu.vector_load %arg8[%get3A_1041, %get3A_1042, %get3A_1043] {strides = array<i32>} : memref<4x200x64xf32, #tpu.memory_space<vmem>>, vector<1x1x16xf32>,
        %get3A_1045 = vector.shape_cast %get3A_1044 : vector<1x1x16xf32> to vector<16xf32>
        %add3A_1046 = arith.addf %add3A_1016, %get3A_1045 : vector<16xf32>
        %get3A_1047 = arith.constant 1 : i32
        %get3A_1048 = arith.index_cast %get3A_1047 : i32 to index
        %get3A_1049 = arith.index_cast %scan3A_1025 : i32 to index
        %get3A_1050 = arith.constant 48 : index
        %get3A_1051 = tpu.vector_load %arg8[%get3A_1048, %get3A_1049, %get3A_1050] {strides = array<i32>} : memref<4x200x64xf32, #tpu.memory_space<vmem>>, vector<1x1x16xf32>,
        %get3A_1052 = vector.shape_cast %get3A_1051 : vector<1x1x16xf32> to vector<16xf32>
        %add3A_1053 = arith.addf %add3A_1023, %get3A_1052 : vector<16xf32>
        %scan3A_1054 = arith.constant 16 : i32
        %scan3A_1055 = arith.addi %scan3A_571, %scan3A_1054 : i32
        %get3A_1056 = arith.constant 1 : i32
        %get3A_1057 = arith.index_cast %get3A_1056 : i32 to index
        %get3A_1058 = arith.index_cast %scan3A_1055 : i32 to index
        %get3A_1059 = arith.constant 0 : index
        %get3A_1060 = tpu.vector_load %arg8[%get3A_1057, %get3A_1058, %get3A_1059] {strides = array<i32>} : memref<4x200x64xf32, #tpu.memory_space<vmem>>, vector<1x1x16xf32>,
        %get3A_1061 = vector.shape_cast %get3A_1060 : vector<1x1x16xf32> to vector<16xf32>
        %add3A_1062 = arith.addf %add3A_1032, %get3A_1061 : vector<16xf32>
        %get3A_1063 = arith.constant 1 : i32
        %get3A_1064 = arith.index_cast %get3A_1063 : i32 to index
        %get3A_1065 = arith.index_cast %scan3A_1055 : i32 to index
        %get3A_1066 = arith.constant 16 : index
        %get3A_1067 = tpu.vector_load %arg8[%get3A_1064, %get3A_1065, %get3A_1066] {strides = array<i32>} : memref<4x200x64xf32, #tpu.memory_space<vmem>>, vector<1x1x16xf32>,
        %get3A_1068 = vector.shape_cast %get3A_1067 : vector<1x1x16xf32> to vector<16xf32>
        %add3A_1069 = arith.addf %add3A_1039, %get3A_1068 : vector<16xf32>
        %get3A_1070 = arith.constant 1 : i32
        %get3A_1071 = arith.index_cast %get3A_1070 : i32 to index
        %get3A_1072 = arith.index_cast %scan3A_1055 : i32 to index
        %get3A_1073 = arith.constant 32 : index
        %get3A_1074 = tpu.vector_load %arg8[%get3A_1071, %get3A_1072, %get3A_1073] {strides = array<i32>} : memref<4x200x64xf32, #tpu.memory_space<vmem>>, vector<1x1x16xf32>,
        %get3A_1075 = vector.shape_cast %get3A_1074 : vector<1x1x16xf32> to vector<16xf32>
        %add3A_1076 = arith.addf %add3A_1046, %get3A_1075 : vector<16xf32>
        %get3A_1077 = arith.constant 1 : i32
        %get3A_1078 = arith.index_cast %get3A_1077 : i32 to index
        %get3A_1079 = arith.index_cast %scan3A_1055 : i32 to index
        %get3A_1080 = arith.constant 48 : index
        %get3A_1081 = tpu.vector_load %arg8[%get3A_1078, %get3A_1079, %get3A_1080] {strides = array<i32>} : memref<4x200x64xf32, #tpu.memory_space<vmem>>, vector<1x1x16xf32>,
        %get3A_1082 = vector.shape_cast %get3A_1081 : vector<1x1x16xf32> to vector<16xf32>
        %add3A_1083 = arith.addf %add3A_1053, %get3A_1082 : vector<16xf32>
        %scan3A_1084 = arith.constant 17 : i32
        %scan3A_1085 = arith.addi %scan3A_571, %scan3A_1084 : i32
        %get3A_1086 = arith.constant 1 : i32
        %get3A_1087 = arith.index_cast %get3A_1086 : i32 to index
        %get3A_1088 = arith.index_cast %scan3A_1085 : i32 to index
        %get3A_1089 = arith.constant 0 : index
        %get3A_1090 = tpu.vector_load %arg8[%get3A_1087, %get3A_1088, %get3A_1089] {strides = array<i32>} : memref<4x200x64xf32, #tpu.memory_space<vmem>>, vector<1x1x16xf32>,
        %get3A_1091 = vector.shape_cast %get3A_1090 : vector<1x1x16xf32> to vector<16xf32>
        %add3A_1092 = arith.addf %add3A_1062, %get3A_1091 : vector<16xf32>
        %get3A_1093 = arith.constant 1 : i32
        %get3A_1094 = arith.index_cast %get3A_1093 : i32 to index
        %get3A_1095 = arith.index_cast %scan3A_1085 : i32 to index
        %get3A_1096 = arith.constant 16 : index
        %get3A_1097 = tpu.vector_load %arg8[%get3A_1094, %get3A_1095, %get3A_1096] {strides = array<i32>} : memref<4x200x64xf32, #tpu.memory_space<vmem>>, vector<1x1x16xf32>,
        %get3A_1098 = vector.shape_cast %get3A_1097 : vector<1x1x16xf32> to vector<16xf32>
        %add3A_1099 = arith.addf %add3A_1069, %get3A_1098 : vector<16xf32>
        %get3A_1100 = arith.constant 1 : i32
        %get3A_1101 = arith.index_cast %get3A_1100 : i32 to index
        %get3A_1102 = arith.index_cast %scan3A_1085 : i32 to index
        %get3A_1103 = arith.constant 32 : index
        %get3A_1104 = tpu.vector_load %arg8[%get3A_1101, %get3A_1102, %get3A_1103] {strides = array<i32>} : memref<4x200x64xf32, #tpu.memory_space<vmem>>, vector<1x1x16xf32>,
        %get3A_1105 = vector.shape_cast %get3A_1104 : vector<1x1x16xf32> to vector<16xf32>
        %add3A_1106 = arith.addf %add3A_1076, %get3A_1105 : vector<16xf32>
        %get3A_1107 = arith.constant 1 : i32
        %get3A_1108 = arith.index_cast %get3A_1107 : i32 to index
        %get3A_1109 = arith.index_cast %scan3A_1085 : i32 to index
        %get3A_1110 = arith.constant 48 : index
        %get3A_1111 = tpu.vector_load %arg8[%get3A_1108, %get3A_1109, %get3A_1110] {strides = array<i32>} : memref<4x200x64xf32, #tpu.memory_space<vmem>>, vector<1x1x16xf32>,
        %get3A_1112 = vector.shape_cast %get3A_1111 : vector<1x1x16xf32> to vector<16xf32>
        %add3A_1113 = arith.addf %add3A_1083, %get3A_1112 : vector<16xf32>
        %scan3A_1114 = arith.constant 18 : i32
        %scan3A_1115 = arith.addi %scan3A_571, %scan3A_1114 : i32
        %get3A_1116 = arith.constant 1 : i32
        %get3A_1117 = arith.index_cast %get3A_1116 : i32 to index
        %get3A_1118 = arith.index_cast %scan3A_1115 : i32 to index
        %get3A_1119 = arith.constant 0 : index
        %get3A_1120 = tpu.vector_load %arg8[%get3A_1117, %get3A_1118, %get3A_1119] {strides = array<i32>} : memref<4x200x64xf32, #tpu.memory_space<vmem>>, vector<1x1x16xf32>,
        %get3A_1121 = vector.shape_cast %get3A_1120 : vector<1x1x16xf32> to vector<16xf32>
        %add3A_1122 = arith.addf %add3A_1092, %get3A_1121 : vector<16xf32>
        %get3A_1123 = arith.constant 1 : i32
        %get3A_1124 = arith.index_cast %get3A_1123 : i32 to index
        %get3A_1125 = arith.index_cast %scan3A_1115 : i32 to index
        %get3A_1126 = arith.constant 16 : index
        %get3A_1127 = tpu.vector_load %arg8[%get3A_1124, %get3A_1125, %get3A_1126] {strides = array<i32>} : memref<4x200x64xf32, #tpu.memory_space<vmem>>, vector<1x1x16xf32>,
        %get3A_1128 = vector.shape_cast %get3A_1127 : vector<1x1x16xf32> to vector<16xf32>
        %add3A_1129 = arith.addf %add3A_1099, %get3A_1128 : vector<16xf32>
        %get3A_1130 = arith.constant 1 : i32
        %get3A_1131 = arith.index_cast %get3A_1130 : i32 to index
        %get3A_1132 = arith.index_cast %scan3A_1115 : i32 to index
        %get3A_1133 = arith.constant 32 : index
        %get3A_1134 = tpu.vector_load %arg8[%get3A_1131, %get3A_1132, %get3A_1133] {strides = array<i32>} : memref<4x200x64xf32, #tpu.memory_space<vmem>>, vector<1x1x16xf32>,
        %get3A_1135 = vector.shape_cast %get3A_1134 : vector<1x1x16xf32> to vector<16xf32>
        %add3A_1136 = arith.addf %add3A_1106, %get3A_1135 : vector<16xf32>
        %get3A_1137 = arith.constant 1 : i32
        %get3A_1138 = arith.index_cast %get3A_1137 : i32 to index
        %get3A_1139 = arith.index_cast %scan3A_1115 : i32 to index
        %get3A_1140 = arith.constant 48 : index
        %get3A_1141 = tpu.vector_load %arg8[%get3A_1138, %get3A_1139, %get3A_1140] {strides = array<i32>} : memref<4x200x64xf32, #tpu.memory_space<vmem>>, vector<1x1x16xf32>,
        %get3A_1142 = vector.shape_cast %get3A_1141 : vector<1x1x16xf32> to vector<16xf32>
        %add3A_1143 = arith.addf %add3A_1113, %get3A_1142 : vector<16xf32>
        %scan3A_1144 = arith.constant 19 : i32
        %scan3A_1145 = arith.addi %scan3A_571, %scan3A_1144 : i32
        %get3A_1146 = arith.constant 1 : i32
        %get3A_1147 = arith.index_cast %get3A_1146 : i32 to index
        %get3A_1148 = arith.index_cast %scan3A_1145 : i32 to index
        %get3A_1149 = arith.constant 0 : index
        %get3A_1150 = tpu.vector_load %arg8[%get3A_1147, %get3A_1148, %get3A_1149] {strides = array<i32>} : memref<4x200x64xf32, #tpu.memory_space<vmem>>, vector<1x1x16xf32>,
        %get3A_1151 = vector.shape_cast %get3A_1150 : vector<1x1x16xf32> to vector<16xf32>
        %add3A_1152 = arith.addf %add3A_1122, %get3A_1151 : vector<16xf32>
        %get3A_1153 = arith.constant 1 : i32
        %get3A_1154 = arith.index_cast %get3A_1153 : i32 to index
        %get3A_1155 = arith.index_cast %scan3A_1145 : i32 to index
        %get3A_1156 = arith.constant 16 : index
        %get3A_1157 = tpu.vector_load %arg8[%get3A_1154, %get3A_1155, %get3A_1156] {strides = array<i32>} : memref<4x200x64xf32, #tpu.memory_space<vmem>>, vector<1x1x16xf32>,
        %get3A_1158 = vector.shape_cast %get3A_1157 : vector<1x1x16xf32> to vector<16xf32>
        %add3A_1159 = arith.addf %add3A_1129, %get3A_1158 : vector<16xf32>
        %get3A_1160 = arith.constant 1 : i32
        %get3A_1161 = arith.index_cast %get3A_1160 : i32 to index
        %get3A_1162 = arith.index_cast %scan3A_1145 : i32 to index
        %get3A_1163 = arith.constant 32 : index
        %get3A_1164 = tpu.vector_load %arg8[%get3A_1161, %get3A_1162, %get3A_1163] {strides = array<i32>} : memref<4x200x64xf32, #tpu.memory_space<vmem>>, vector<1x1x16xf32>,
        %get3A_1165 = vector.shape_cast %get3A_1164 : vector<1x1x16xf32> to vector<16xf32>
        %add3A_1166 = arith.addf %add3A_1136, %get3A_1165 : vector<16xf32>
        %get3A_1167 = arith.constant 1 : i32
        %get3A_1168 = arith.index_cast %get3A_1167 : i32 to index
        %get3A_1169 = arith.index_cast %scan3A_1145 : i32 to index
        %get3A_1170 = arith.constant 48 : index
        %get3A_1171 = tpu.vector_load %arg8[%get3A_1168, %get3A_1169, %get3A_1170] {strides = array<i32>} : memref<4x200x64xf32, #tpu.memory_space<vmem>>, vector<1x1x16xf32>,
        %get3A_1172 = vector.shape_cast %get3A_1171 : vector<1x1x16xf32> to vector<16xf32>
        %add3A_1173 = arith.addf %add3A_1143, %get3A_1172 : vector<16xf32>
        %scan3A_1174 = arith.constant 20 : i32
        %scan3A_1175 = arith.addi %scan3A_571, %scan3A_1174 : i32
        %get3A_1176 = arith.constant 1 : i32
        %get3A_1177 = arith.index_cast %get3A_1176 : i32 to index
        %get3A_1178 = arith.index_cast %scan3A_1175 : i32 to index
        %get3A_1179 = arith.constant 0 : index
        %get3A_1180 = tpu.vector_load %arg8[%get3A_1177, %get3A_1178, %get3A_1179] {strides = array<i32>} : memref<4x200x64xf32, #tpu.memory_space<vmem>>, vector<1x1x16xf32>,
        %get3A_1181 = vector.shape_cast %get3A_1180 : vector<1x1x16xf32> to vector<16xf32>
        %add3A_1182 = arith.addf %add3A_1152, %get3A_1181 : vector<16xf32>
        %get3A_1183 = arith.constant 1 : i32
        %get3A_1184 = arith.index_cast %get3A_1183 : i32 to index
        %get3A_1185 = arith.index_cast %scan3A_1175 : i32 to index
        %get3A_1186 = arith.constant 16 : index
        %get3A_1187 = tpu.vector_load %arg8[%get3A_1184, %get3A_1185, %get3A_1186] {strides = array<i32>} : memref<4x200x64xf32, #tpu.memory_space<vmem>>, vector<1x1x16xf32>,
        %get3A_1188 = vector.shape_cast %get3A_1187 : vector<1x1x16xf32> to vector<16xf32>
        %add3A_1189 = arith.addf %add3A_1159, %get3A_1188 : vector<16xf32>
        %get3A_1190 = arith.constant 1 : i32
        %get3A_1191 = arith.index_cast %get3A_1190 : i32 to index
        %get3A_1192 = arith.index_cast %scan3A_1175 : i32 to index
        %get3A_1193 = arith.constant 32 : index
        %get3A_1194 = tpu.vector_load %arg8[%get3A_1191, %get3A_1192, %get3A_1193] {strides = array<i32>} : memref<4x200x64xf32, #tpu.memory_space<vmem>>, vector<1x1x16xf32>,
        %get3A_1195 = vector.shape_cast %get3A_1194 : vector<1x1x16xf32> to vector<16xf32>
        %add3A_1196 = arith.addf %add3A_1166, %get3A_1195 : vector<16xf32>
        %get3A_1197 = arith.constant 1 : i32
        %get3A_1198 = arith.index_cast %get3A_1197 : i32 to index
        %get3A_1199 = arith.index_cast %scan3A_1175 : i32 to index
        %get3A_1200 = arith.constant 48 : index
        %get3A_1201 = tpu.vector_load %arg8[%get3A_1198, %get3A_1199, %get3A_1200] {strides = array<i32>} : memref<4x200x64xf32, #tpu.memory_space<vmem>>, vector<1x1x16xf32>,
        %get3A_1202 = vector.shape_cast %get3A_1201 : vector<1x1x16xf32> to vector<16xf32>
        %add3A_1203 = arith.addf %add3A_1173, %get3A_1202 : vector<16xf32>
        %scan3A_1204 = arith.constant 21 : i32
        %scan3A_1205 = arith.addi %scan3A_571, %scan3A_1204 : i32
        %get3A_1206 = arith.constant 1 : i32
        %get3A_1207 = arith.index_cast %get3A_1206 : i32 to index
        %get3A_1208 = arith.index_cast %scan3A_1205 : i32 to index
        %get3A_1209 = arith.constant 0 : index
        %get3A_1210 = tpu.vector_load %arg8[%get3A_1207, %get3A_1208, %get3A_1209] {strides = array<i32>} : memref<4x200x64xf32, #tpu.memory_space<vmem>>, vector<1x1x16xf32>,
        %get3A_1211 = vector.shape_cast %get3A_1210 : vector<1x1x16xf32> to vector<16xf32>
        %add3A_1212 = arith.addf %add3A_1182, %get3A_1211 : vector<16xf32>
        %get3A_1213 = arith.constant 1 : i32
        %get3A_1214 = arith.index_cast %get3A_1213 : i32 to index
        %get3A_1215 = arith.index_cast %scan3A_1205 : i32 to index
        %get3A_1216 = arith.constant 16 : index
        %get3A_1217 = tpu.vector_load %arg8[%get3A_1214, %get3A_1215, %get3A_1216] {strides = array<i32>} : memref<4x200x64xf32, #tpu.memory_space<vmem>>, vector<1x1x16xf32>,
        %get3A_1218 = vector.shape_cast %get3A_1217 : vector<1x1x16xf32> to vector<16xf32>
        %add3A_1219 = arith.addf %add3A_1189, %get3A_1218 : vector<16xf32>
        %get3A_1220 = arith.constant 1 : i32
        %get3A_1221 = arith.index_cast %get3A_1220 : i32 to index
        %get3A_1222 = arith.index_cast %scan3A_1205 : i32 to index
        %get3A_1223 = arith.constant 32 : index
        %get3A_1224 = tpu.vector_load %arg8[%get3A_1221, %get3A_1222, %get3A_1223] {strides = array<i32>} : memref<4x200x64xf32, #tpu.memory_space<vmem>>, vector<1x1x16xf32>,
        %get3A_1225 = vector.shape_cast %get3A_1224 : vector<1x1x16xf32> to vector<16xf32>
        %add3A_1226 = arith.addf %add3A_1196, %get3A_1225 : vector<16xf32>
        %get3A_1227 = arith.constant 1 : i32
        %get3A_1228 = arith.index_cast %get3A_1227 : i32 to index
        %get3A_1229 = arith.index_cast %scan3A_1205 : i32 to index
        %get3A_1230 = arith.constant 48 : index
        %get3A_1231 = tpu.vector_load %arg8[%get3A_1228, %get3A_1229, %get3A_1230] {strides = array<i32>} : memref<4x200x64xf32, #tpu.memory_space<vmem>>, vector<1x1x16xf32>,
        %get3A_1232 = vector.shape_cast %get3A_1231 : vector<1x1x16xf32> to vector<16xf32>
        %add3A_1233 = arith.addf %add3A_1203, %get3A_1232 : vector<16xf32>
        %scan3A_1234 = arith.constant 22 : i32
        %scan3A_1235 = arith.addi %scan3A_571, %scan3A_1234 : i32
        %get3A_1236 = arith.constant 1 : i32
        %get3A_1237 = arith.index_cast %get3A_1236 : i32 to index
        %get3A_1238 = arith.index_cast %scan3A_1235 : i32 to index
        %get3A_1239 = arith.constant 0 : index
        %get3A_1240 = tpu.vector_load %arg8[%get3A_1237, %get3A_1238, %get3A_1239] {strides = array<i32>} : memref<4x200x64xf32, #tpu.memory_space<vmem>>, vector<1x1x16xf32>,
        %get3A_1241 = vector.shape_cast %get3A_1240 : vector<1x1x16xf32> to vector<16xf32>
        %add3A_1242 = arith.addf %add3A_1212, %get3A_1241 : vector<16xf32>
        %get3A_1243 = arith.constant 1 : i32
        %get3A_1244 = arith.index_cast %get3A_1243 : i32 to index
        %get3A_1245 = arith.index_cast %scan3A_1235 : i32 to index
        %get3A_1246 = arith.constant 16 : index
        %get3A_1247 = tpu.vector_load %arg8[%get3A_1244, %get3A_1245, %get3A_1246] {strides = array<i32>} : memref<4x200x64xf32, #tpu.memory_space<vmem>>, vector<1x1x16xf32>,
        %get3A_1248 = vector.shape_cast %get3A_1247 : vector<1x1x16xf32> to vector<16xf32>
        %add3A_1249 = arith.addf %add3A_1219, %get3A_1248 : vector<16xf32>
        %get3A_1250 = arith.constant 1 : i32
        %get3A_1251 = arith.index_cast %get3A_1250 : i32 to index
        %get3A_1252 = arith.index_cast %scan3A_1235 : i32 to index
        %get3A_1253 = arith.constant 32 : index
        %get3A_1254 = tpu.vector_load %arg8[%get3A_1251, %get3A_1252, %get3A_1253] {strides = array<i32>} : memref<4x200x64xf32, #tpu.memory_space<vmem>>, vector<1x1x16xf32>,
        %get3A_1255 = vector.shape_cast %get3A_1254 : vector<1x1x16xf32> to vector<16xf32>
        %add3A_1256 = arith.addf %add3A_1226, %get3A_1255 : vector<16xf32>
        %get3A_1257 = arith.constant 1 : i32
        %get3A_1258 = arith.index_cast %get3A_1257 : i32 to index
        %get3A_1259 = arith.index_cast %scan3A_1235 : i32 to index
        %get3A_1260 = arith.constant 48 : index
        %get3A_1261 = tpu.vector_load %arg8[%get3A_1258, %get3A_1259, %get3A_1260] {strides = array<i32>} : memref<4x200x64xf32, #tpu.memory_space<vmem>>, vector<1x1x16xf32>,
        %get3A_1262 = vector.shape_cast %get3A_1261 : vector<1x1x16xf32> to vector<16xf32>
        %add3A_1263 = arith.addf %add3A_1233, %get3A_1262 : vector<16xf32>
        %scan3A_1264 = arith.constant 23 : i32
        %scan3A_1265 = arith.addi %scan3A_571, %scan3A_1264 : i32
        %get3A_1266 = arith.constant 1 : i32
        %get3A_1267 = arith.index_cast %get3A_1266 : i32 to index
        %get3A_1268 = arith.index_cast %scan3A_1265 : i32 to index
        %get3A_1269 = arith.constant 0 : index
        %get3A_1270 = tpu.vector_load %arg8[%get3A_1267, %get3A_1268, %get3A_1269] {strides = array<i32>} : memref<4x200x64xf32, #tpu.memory_space<vmem>>, vector<1x1x16xf32>,
        %get3A_1271 = vector.shape_cast %get3A_1270 : vector<1x1x16xf32> to vector<16xf32>
        %add3A_1272 = arith.addf %add3A_1242, %get3A_1271 : vector<16xf32>
        %get3A_1273 = arith.constant 1 : i32
        %get3A_1274 = arith.index_cast %get3A_1273 : i32 to index
        %get3A_1275 = arith.index_cast %scan3A_1265 : i32 to index
        %get3A_1276 = arith.constant 16 : index
        %get3A_1277 = tpu.vector_load %arg8[%get3A_1274, %get3A_1275, %get3A_1276] {strides = array<i32>} : memref<4x200x64xf32, #tpu.memory_space<vmem>>, vector<1x1x16xf32>,
        %get3A_1278 = vector.shape_cast %get3A_1277 : vector<1x1x16xf32> to vector<16xf32>
        %add3A_1279 = arith.addf %add3A_1249, %get3A_1278 : vector<16xf32>
        %get3A_1280 = arith.constant 1 : i32
        %get3A_1281 = arith.index_cast %get3A_1280 : i32 to index
        %get3A_1282 = arith.index_cast %scan3A_1265 : i32 to index
        %get3A_1283 = arith.constant 32 : index
        %get3A_1284 = tpu.vector_load %arg8[%get3A_1281, %get3A_1282, %get3A_1283] {strides = array<i32>} : memref<4x200x64xf32, #tpu.memory_space<vmem>>, vector<1x1x16xf32>,
        %get3A_1285 = vector.shape_cast %get3A_1284 : vector<1x1x16xf32> to vector<16xf32>
        %add3A_1286 = arith.addf %add3A_1256, %get3A_1285 : vector<16xf32>
        %get3A_1287 = arith.constant 1 : i32
        %get3A_1288 = arith.index_cast %get3A_1287 : i32 to index
        %get3A_1289 = arith.index_cast %scan3A_1265 : i32 to index
        %get3A_1290 = arith.constant 48 : index
        %get3A_1291 = tpu.vector_load %arg8[%get3A_1288, %get3A_1289, %get3A_1290] {strides = array<i32>} : memref<4x200x64xf32, #tpu.memory_space<vmem>>, vector<1x1x16xf32>,
        %get3A_1292 = vector.shape_cast %get3A_1291 : vector<1x1x16xf32> to vector<16xf32>
        %add3A_1293 = arith.addf %add3A_1263, %get3A_1292 : vector<16xf32>
        %scan3A_1294 = arith.constant 24 : i32
        %scan3A_1295 = arith.addi %scan3A_571, %scan3A_1294 : i32
        %get3A_1296 = arith.constant 1 : i32
        %get3A_1297 = arith.index_cast %get3A_1296 : i32 to index
        %get3A_1298 = arith.index_cast %scan3A_1295 : i32 to index
        %get3A_1299 = arith.constant 0 : index
        %get3A_1300 = tpu.vector_load %arg8[%get3A_1297, %get3A_1298, %get3A_1299] {strides = array<i32>} : memref<4x200x64xf32, #tpu.memory_space<vmem>>, vector<1x1x16xf32>,
        %get3A_1301 = vector.shape_cast %get3A_1300 : vector<1x1x16xf32> to vector<16xf32>
        %add3A_1302 = arith.addf %add3A_1272, %get3A_1301 : vector<16xf32>
        %get3A_1303 = arith.constant 1 : i32
        %get3A_1304 = arith.index_cast %get3A_1303 : i32 to index
        %get3A_1305 = arith.index_cast %scan3A_1295 : i32 to index
        %get3A_1306 = arith.constant 16 : index
        %get3A_1307 = tpu.vector_load %arg8[%get3A_1304, %get3A_1305, %get3A_1306] {strides = array<i32>} : memref<4x200x64xf32, #tpu.memory_space<vmem>>, vector<1x1x16xf32>,
        %get3A_1308 = vector.shape_cast %get3A_1307 : vector<1x1x16xf32> to vector<16xf32>
        %add3A_1309 = arith.addf %add3A_1279, %get3A_1308 : vector<16xf32>
        %get3A_1310 = arith.constant 1 : i32
        %get3A_1311 = arith.index_cast %get3A_1310 : i32 to index
        %get3A_1312 = arith.index_cast %scan3A_1295 : i32 to index
        %get3A_1313 = arith.constant 32 : index
        %get3A_1314 = tpu.vector_load %arg8[%get3A_1311, %get3A_1312, %get3A_1313] {strides = array<i32>} : memref<4x200x64xf32, #tpu.memory_space<vmem>>, vector<1x1x16xf32>,
        %get3A_1315 = vector.shape_cast %get3A_1314 : vector<1x1x16xf32> to vector<16xf32>
        %add3A_1316 = arith.addf %add3A_1286, %get3A_1315 : vector<16xf32>
        %get3A_1317 = arith.constant 1 : i32
        %get3A_1318 = arith.index_cast %get3A_1317 : i32 to index
        %get3A_1319 = arith.index_cast %scan3A_1295 : i32 to index
        %get3A_1320 = arith.constant 48 : index
        %get3A_1321 = tpu.vector_load %arg8[%get3A_1318, %get3A_1319, %get3A_1320] {strides = array<i32>} : memref<4x200x64xf32, #tpu.memory_space<vmem>>, vector<1x1x16xf32>,
        %get3A_1322 = vector.shape_cast %get3A_1321 : vector<1x1x16xf32> to vector<16xf32>
        %add3A_1323 = arith.addf %add3A_1293, %get3A_1322 : vector<16xf32>
        scf.yield %add3A_1302, %add3A_1309, %add3A_1316, %add3A_1323 : vector<16xf32>, vector<16xf32>, vector<16xf32>, vector<16xf32>
      }
      %scan3A_356 = arith.constant 200 : i32
      %get3A_357 = arith.index_cast %add3A_293 : i32 to index
      %get3A_358 = arith.constant 0 : index
      %get3A_359 = tpu.vector_load %arg7[%get3A_357, %get3A_358] {strides = array<i32>} : memref<128x16xf32, #tpu.memory_space<vmem>>, vector<1x16xf32>,
      %get3A_360 = vector.shape_cast %get3A_359 : vector<1x16xf32> to vector<16xf32>
      %mul3A_361 = arith.mulf %scan3A_355#0, %get3A_360 : vector<16xf32>
      %swap3A_362 = arith.index_cast %add3A_293 : i32 to index
      %swap3A_363 = arith.constant 0 : index
      %swap3A_364 = tpu.vector_load %arg9[%swap3A_362, %swap3A_363] {strides = array<i32>} : memref<128x64xf32, #tpu.memory_space<vmem>>, vector<1x16xf32>,
      %swap3A_365 = vector.shape_cast %swap3A_364 : vector<1x16xf32> to vector<16xf32>
      %swap3A_366 = vector.shape_cast %mul3A_361 : vector<16xf32> to vector<1x16xf32>
      tpu.vector_store %arg9[%swap3A_362, %swap3A_363], %swap3A_366 {strides = array<i32>} : memref<128x64xf32, #tpu.memory_space<vmem>>, vector<1x16xf32>,
      %mul3A_367 = arith.mulf %scan3A_355#1, %get3A_360 : vector<16xf32>
      %swap3A_368 = arith.index_cast %add3A_293 : i32 to index
      %swap3A_369 = arith.constant 16 : index
      %swap3A_370 = tpu.vector_load %arg9[%swap3A_368, %swap3A_369] {strides = array<i32>} : memref<128x64xf32, #tpu.memory_space<vmem>>, vector<1x16xf32>,
      %swap3A_371 = vector.shape_cast %swap3A_370 : vector<1x16xf32> to vector<16xf32>
      %swap3A_372 = vector.shape_cast %mul3A_367 : vector<16xf32> to vector<1x16xf32>
      tpu.vector_store %arg9[%swap3A_368, %swap3A_369], %swap3A_372 {strides = array<i32>} : memref<128x64xf32, #tpu.memory_space<vmem>>, vector<1x16xf32>,
      %mul3A_373 = arith.mulf %scan3A_355#2, %get3A_360 : vector<16xf32>
      %swap3A_374 = arith.index_cast %add3A_293 : i32 to index
      %swap3A_375 = arith.constant 32 : index
      %swap3A_376 = tpu.vector_load %arg9[%swap3A_374, %swap3A_375] {strides = array<i32>} : memref<128x64xf32, #tpu.memory_space<vmem>>, vector<1x16xf32>,
      %swap3A_377 = vector.shape_cast %swap3A_376 : vector<1x16xf32> to vector<16xf32>
      %swap3A_378 = vector.shape_cast %mul3A_373 : vector<16xf32> to vector<1x16xf32>
      tpu.vector_store %arg9[%swap3A_374, %swap3A_375], %swap3A_378 {strides = array<i32>} : memref<128x64xf32, #tpu.memory_space<vmem>>, vector<1x16xf32>,
      %mul3A_379 = arith.mulf %scan3A_355#3, %get3A_360 : vector<16xf32>
      %swap3A_380 = arith.index_cast %add3A_293 : i32 to index
      %swap3A_381 = arith.constant 48 : index
      %swap3A_382 = tpu.vector_load %arg9[%swap3A_380, %swap3A_381] {strides = array<i32>} : memref<128x64xf32, #tpu.memory_space<vmem>>, vector<1x16xf32>,
      %swap3A_383 = vector.shape_cast %swap3A_382 : vector<1x16xf32> to vector<16xf32>
      %swap3A_384 = vector.shape_cast %mul3A_379 : vector<16xf32> to vector<1x16xf32>
      tpu.vector_store %arg9[%swap3A_380, %swap3A_381], %swap3A_384 {strides = array<i32>} : memref<128x64xf32, #tpu.memory_space<vmem>>, vector<1x16xf32>,
      %add3A_385 = arith.constant 2 : i32
      %add3A_386 = arith.addi %mul3A_205, %add3A_385 : i32
      %dma_wait3A_387 = arith.constant 0 : i32
      %dma_wait3A_388 = arith.constant 2 : i32
      %dma_wait3A_389 = arith.constant 0 : i32
      %dma_wait3A_390 = arith.constant 0 : i32
      %dma_wait3A_391 = tpu.memref_slice %arg8[%dma_wait3A_388, %dma_wait3A_389, %dma_wait3A_390] : memref<4x200x64xf32, #tpu.memory_space<vmem>> -> memref<1x50x64xf32, #tpu.memory_space<vmem>>
      %dma_wait3A_392 = tpu.memref_squeeze %dma_wait3A_391 : memref<1x50x64xf32, #tpu.memory_space<vmem>> -> memref<50x64xf32, #tpu.memory_space<vmem>>
      %dma_wait3A_393 = arith.constant 0 : i32
      %dma_wait3A_394 = tpu.memref_slice %arg6[%dma_wait3A_387, %dma_wait3A_393] : memref<512x50xi32, #tpu.memory_space<vmem>> -> memref<1x50xi32, #tpu.memory_space<vmem>>
      %dma_wait3A_395 = tpu.memref_squeeze %dma_wait3A_394 : memref<1x50xi32, #tpu.memory_space<vmem>> -> memref<50xi32, #tpu.memory_space<vmem>>
      %dma_wait3A_396 = arith.constant 0 : i32
      %dma_wait3A_397 = arith.constant 0 : i32
      %dma_wait3A_398 = tpu.memref_slice %arg2[%dma_wait3A_396, %dma_wait3A_397] : memref<1000000x64xf32, #tpu.memory_space<hbm>> -> memref<1000000x64xf32, #tpu.memory_space<hbm>>
      tpu.wait_indirect_dma semaphore(%arg12 : memref<!tpu.dma_semaphore, #tpu.memory_space<semaphore_mem>>) src(%dma_wait3A_398 : memref<1000000x64xf32, #tpu.memory_space<hbm>>) dst(%dma_wait3A_392 : memref<50x64xf32, #tpu.memory_space<vmem>>)
      %dma_wait3A_399 = arith.constant 0 : i32
      %dma_wait3A_400 = arith.constant 2 : i32
      %dma_wait3A_401 = arith.constant 50 : i32
      %dma_wait3A_402 = arith.constant 0 : i32
      %dma_wait3A_403 = tpu.memref_slice %arg8[%dma_wait3A_400, %dma_wait3A_401, %dma_wait3A_402] : memref<4x200x64xf32, #tpu.memory_space<vmem>> -> memref<1x50x64xf32, #tpu.memory_space<vmem>>
      %dma_wait3A_404 = tpu.memref_squeeze %dma_wait3A_403 : memref<1x50x64xf32, #tpu.memory_space<vmem>> -> memref<50x64xf32, #tpu.memory_space<vmem>>
      %dma_wait3A_405 = arith.constant 0 : i32
      %dma_wait3A_406 = tpu.memref_slice %arg6[%dma_wait3A_399, %dma_wait3A_405] : memref<512x50xi32, #tpu.memory_space<vmem>> -> memref<1x50xi32, #tpu.memory_space<vmem>>
      %dma_wait3A_407 = tpu.memref_squeeze %dma_wait3A_406 : memref<1x50xi32, #tpu.memory_space<vmem>> -> memref<50xi32, #tpu.memory_space<vmem>>
      %dma_wait3A_408 = arith.constant 0 : i32
      %dma_wait3A_409 = arith.constant 0 : i32
      %dma_wait3A_410 = tpu.memref_slice %arg2[%dma_wait3A_408, %dma_wait3A_409] : memref<1000000x64xf32, #tpu.memory_space<hbm>> -> memref<1000000x64xf32, #tpu.memory_space<hbm>>
      tpu.wait_indirect_dma semaphore(%arg12 : memref<!tpu.dma_semaphore, #tpu.memory_space<semaphore_mem>>) src(%dma_wait3A_410 : memref<1000000x64xf32, #tpu.memory_space<hbm>>) dst(%dma_wait3A_404 : memref<50x64xf32, #tpu.memory_space<vmem>>)
      %dma_wait3A_411 = arith.constant 0 : i32
      %dma_wait3A_412 = arith.constant 2 : i32
      %dma_wait3A_413 = arith.constant 100 : i32
      %dma_wait3A_414 = arith.constant 0 : i32
      %dma_wait3A_415 = tpu.memref_slice %arg8[%dma_wait3A_412, %dma_wait3A_413, %dma_wait3A_414] : memref<4x200x64xf32, #tpu.memory_space<vmem>> -> memref<1x50x64xf32, #tpu.memory_space<vmem>>
      %dma_wait3A_416 = tpu.memref_squeeze %dma_wait3A_415 : memref<1x50x64xf32, #tpu.memory_space<vmem>> -> memref<50x64xf32, #tpu.memory_space<vmem>>
      %dma_wait3A_417 = arith.constant 0 : i32
      %dma_wait3A_418 = tpu.memref_slice %arg6[%dma_wait3A_411, %dma_wait3A_417] : memref<512x50xi32, #tpu.memory_space<vmem>> -> memref<1x50xi32, #tpu.memory_space<vmem>>
      %dma_wait3A_419 = tpu.memref_squeeze %dma_wait3A_418 : memref<1x50xi32, #tpu.memory_space<vmem>> -> memref<50xi32, #tpu.memory_space<vmem>>
      %dma_wait3A_420 = arith.constant 0 : i32
      %dma_wait3A_421 = arith.constant 0 : i32
      %dma_wait3A_422 = tpu.memref_slice %arg2[%dma_wait3A_420, %dma_wait3A_421] : memref<1000000x64xf32, #tpu.memory_space<hbm>> -> memref<1000000x64xf32, #tpu.memory_space<hbm>>
      tpu.wait_indirect_dma semaphore(%arg12 : memref<!tpu.dma_semaphore, #tpu.memory_space<semaphore_mem>>) src(%dma_wait3A_422 : memref<1000000x64xf32, #tpu.memory_space<hbm>>) dst(%dma_wait3A_416 : memref<50x64xf32, #tpu.memory_space<vmem>>)
      %dma_wait3A_423 = arith.constant 0 : i32
      %dma_wait3A_424 = arith.constant 2 : i32
      %dma_wait3A_425 = arith.constant 150 : i32
      %dma_wait3A_426 = arith.constant 0 : i32
      %dma_wait3A_427 = tpu.memref_slice %arg8[%dma_wait3A_424, %dma_wait3A_425, %dma_wait3A_426] : memref<4x200x64xf32, #tpu.memory_space<vmem>> -> memref<1x50x64xf32, #tpu.memory_space<vmem>>
      %dma_wait3A_428 = tpu.memref_squeeze %dma_wait3A_427 : memref<1x50x64xf32, #tpu.memory_space<vmem>> -> memref<50x64xf32, #tpu.memory_space<vmem>>
      %dma_wait3A_429 = arith.constant 0 : i32
      %dma_wait3A_430 = tpu.memref_slice %arg6[%dma_wait3A_423, %dma_wait3A_429] : memref<512x50xi32, #tpu.memory_space<vmem>> -> memref<1x50xi32, #tpu.memory_space<vmem>>
      %dma_wait3A_431 = tpu.memref_squeeze %dma_wait3A_430 : memref<1x50xi32, #tpu.memory_space<vmem>> -> memref<50xi32, #tpu.memory_space<vmem>>
      %dma_wait3A_432 = arith.constant 0 : i32
      %dma_wait3A_433 = arith.constant 0 : i32
      %dma_wait3A_434 = tpu.memref_slice %arg2[%dma_wait3A_432, %dma_wait3A_433] : memref<1000000x64xf32, #tpu.memory_space<hbm>> -> memref<1000000x64xf32, #tpu.memory_space<hbm>>
      tpu.wait_indirect_dma semaphore(%arg12 : memref<!tpu.dma_semaphore, #tpu.memory_space<semaphore_mem>>) src(%dma_wait3A_434 : memref<1000000x64xf32, #tpu.memory_space<hbm>>) dst(%dma_wait3A_428 : memref<50x64xf32, #tpu.memory_space<vmem>>)
      %add3A_435 = arith.constant 3 : i32
      %add3A_436 = arith.addi %add3A_386, %add3A_435 : i32
      %lt3A_437 = arith.constant 128 : i32
      %lt3A_438 = arith.cmpi slt, %add3A_436, %lt3A_437 : i32
      %convert_element_type3A_439 = arith.extui %lt3A_438 : i1 to i32
      %cond3A_440 = arith.constant 0 : i32
      %cond3A_441 = arith.cmpi ne, %convert_element_type3A_439, %cond3A_440 : i32
      scf.if %cond3A_441 {
        %mul3A_571 = arith.constant 4 : i32
        %mul3A_572 = arith.muli %mul3A_571, %add3A_436 : i32
        %add3A_573 = arith.constant 0 : i32
        %add3A_574 = arith.addi %mul3A_572, %add3A_573 : i32
        %dma_start3A_575 = arith.constant 1 : i32
        %dma_start3A_576 = arith.constant 0 : i32
        %dma_start3A_577 = arith.constant 0 : i32
        %dma_start3A_578 = tpu.memref_slice %arg8[%dma_start3A_575, %dma_start3A_576, %dma_start3A_577] : memref<4x200x64xf32, #tpu.memory_space<vmem>> -> memref<1x50x64xf32, #tpu.memory_space<vmem>>
        %dma_start3A_579 = tpu.memref_squeeze %dma_start3A_578 : memref<1x50x64xf32, #tpu.memory_space<vmem>> -> memref<50x64xf32, #tpu.memory_space<vmem>>
        %dma_start3A_580 = arith.constant 0 : i32
        %dma_start3A_581 = tpu.memref_slice %arg6[%add3A_574, %dma_start3A_580] : memref<512x50xi32, #tpu.memory_space<vmem>> -> memref<1x50xi32, #tpu.memory_space<vmem>>
        %dma_start3A_582 = tpu.memref_squeeze %dma_start3A_581 : memref<1x50xi32, #tpu.memory_space<vmem>> -> memref<50xi32, #tpu.memory_space<vmem>>
        %dma_start3A_583 = arith.constant 0 : i32
        %dma_start3A_584 = arith.constant 0 : i32
        %dma_start3A_585 = tpu.memref_slice %arg2[%dma_start3A_583, %dma_start3A_584] : memref<1000000x64xf32, #tpu.memory_space<hbm>> -> memref<1000000x64xf32, #tpu.memory_space<hbm>>
        tpu.enqueue_indirect_dma source(%dma_start3A_585 : memref<1000000x64xf32, #tpu.memory_space<hbm>>) target(%dma_start3A_579 : memref<50x64xf32, #tpu.memory_space<vmem>>) offsets(%dma_start3A_582 : memref<50xi32, #tpu.memory_space<vmem>>) semaphore(%arg11 : memref<!tpu.dma_semaphore, #tpu.memory_space<semaphore_mem>>)
        %mul3A_586 = arith.constant 4 : i32
        %mul3A_587 = arith.muli %mul3A_586, %add3A_436 : i32
        %add3A_588 = arith.constant 1 : i32
        %add3A_589 = arith.addi %mul3A_587, %add3A_588 : i32
        %dma_start3A_590 = arith.constant 1 : i32
        %dma_start3A_591 = arith.constant 50 : i32
        %dma_start3A_592 = arith.constant 0 : i32
        %dma_start3A_593 = tpu.memref_slice %arg8[%dma_start3A_590, %dma_start3A_591, %dma_start3A_592] : memref<4x200x64xf32, #tpu.memory_space<vmem>> -> memref<1x50x64xf32, #tpu.memory_space<vmem>>
        %dma_start3A_594 = tpu.memref_squeeze %dma_start3A_593 : memref<1x50x64xf32, #tpu.memory_space<vmem>> -> memref<50x64xf32, #tpu.memory_space<vmem>>
        %dma_start3A_595 = arith.constant 0 : i32
        %dma_start3A_596 = tpu.memref_slice %arg6[%add3A_589, %dma_start3A_595] : memref<512x50xi32, #tpu.memory_space<vmem>> -> memref<1x50xi32, #tpu.memory_space<vmem>>
        %dma_start3A_597 = tpu.memref_squeeze %dma_start3A_596 : memref<1x50xi32, #tpu.memory_space<vmem>> -> memref<50xi32, #tpu.memory_space<vmem>>
        %dma_start3A_598 = arith.constant 0 : i32
        %dma_start3A_599 = arith.constant 0 : i32
        %dma_start3A_600 = tpu.memref_slice %arg2[%dma_start3A_598, %dma_start3A_599] : memref<1000000x64xf32, #tpu.memory_space<hbm>> -> memref<1000000x64xf32, #tpu.memory_space<hbm>>
        tpu.enqueue_indirect_dma source(%dma_start3A_600 : memref<1000000x64xf32, #tpu.memory_space<hbm>>) target(%dma_start3A_594 : memref<50x64xf32, #tpu.memory_space<vmem>>) offsets(%dma_start3A_597 : memref<50xi32, #tpu.memory_space<vmem>>) semaphore(%arg11 : memref<!tpu.dma_semaphore, #tpu.memory_space<semaphore_mem>>)
        %mul3A_601 = arith.constant 4 : i32
        %mul3A_602 = arith.muli %mul3A_601, %add3A_436 : i32
        %add3A_603 = arith.constant 2 : i32
        %add3A_604 = arith.addi %mul3A_602, %add3A_603 : i32
        %dma_start3A_605 = arith.constant 1 : i32
        %dma_start3A_606 = arith.constant 100 : i32
        %dma_start3A_607 = arith.constant 0 : i32
        %dma_start3A_608 = tpu.memref_slice %arg8[%dma_start3A_605, %dma_start3A_606, %dma_start3A_607] : memref<4x200x64xf32, #tpu.memory_space<vmem>> -> memref<1x50x64xf32, #tpu.memory_space<vmem>>
        %dma_start3A_609 = tpu.memref_squeeze %dma_start3A_608 : memref<1x50x64xf32, #tpu.memory_space<vmem>> -> memref<50x64xf32, #tpu.memory_space<vmem>>
        %dma_start3A_610 = arith.constant 0 : i32
        %dma_start3A_611 = tpu.memref_slice %arg6[%add3A_604, %dma_start3A_610] : memref<512x50xi32, #tpu.memory_space<vmem>> -> memref<1x50xi32, #tpu.memory_space<vmem>>
        %dma_start3A_612 = tpu.memref_squeeze %dma_start3A_611 : memref<1x50xi32, #tpu.memory_space<vmem>> -> memref<50xi32, #tpu.memory_space<vmem>>
        %dma_start3A_613 = arith.constant 0 : i32
        %dma_start3A_614 = arith.constant 0 : i32
        %dma_start3A_615 = tpu.memref_slice %arg2[%dma_start3A_613, %dma_start3A_614] : memref<1000000x64xf32, #tpu.memory_space<hbm>> -> memref<1000000x64xf32, #tpu.memory_space<hbm>>
        tpu.enqueue_indirect_dma source(%dma_start3A_615 : memref<1000000x64xf32, #tpu.memory_space<hbm>>) target(%dma_start3A_609 : memref<50x64xf32, #tpu.memory_space<vmem>>) offsets(%dma_start3A_612 : memref<50xi32, #tpu.memory_space<vmem>>) semaphore(%arg11 : memref<!tpu.dma_semaphore, #tpu.memory_space<semaphore_mem>>)
        %mul3A_616 = arith.constant 4 : i32
        %mul3A_617 = arith.muli %mul3A_616, %add3A_436 : i32
        %add3A_618 = arith.constant 3 : i32
        %add3A_619 = arith.addi %mul3A_617, %add3A_618 : i32
        %dma_start3A_620 = arith.constant 1 : i32
        %dma_start3A_621 = arith.constant 150 : i32
        %dma_start3A_622 = arith.constant 0 : i32
        %dma_start3A_623 = tpu.memref_slice %arg8[%dma_start3A_620, %dma_start3A_621, %dma_start3A_622] : memref<4x200x64xf32, #tpu.memory_space<vmem>> -> memref<1x50x64xf32, #tpu.memory_space<vmem>>
        %dma_start3A_624 = tpu.memref_squeeze %dma_start3A_623 : memref<1x50x64xf32, #tpu.memory_space<vmem>> -> memref<50x64xf32, #tpu.memory_space<vmem>>
        %dma_start3A_625 = arith.constant 0 : i32
        %dma_start3A_626 = tpu.memref_slice %arg6[%add3A_619, %dma_start3A_625] : memref<512x50xi32, #tpu.memory_space<vmem>> -> memref<1x50xi32, #tpu.memory_space<vmem>>
        %dma_start3A_627 = tpu.memref_squeeze %dma_start3A_626 : memref<1x50xi32, #tpu.memory_space<vmem>> -> memref<50xi32, #tpu.memory_space<vmem>>
        %dma_start3A_628 = arith.constant 0 : i32
        %dma_start3A_629 = arith.constant 0 : i32
        %dma_start3A_630 = tpu.memref_slice %arg2[%dma_start3A_628, %dma_start3A_629] : memref<1000000x64xf32, #tpu.memory_space<hbm>> -> memref<1000000x64xf32, #tpu.memory_space<hbm>>
        tpu.enqueue_indirect_dma source(%dma_start3A_630 : memref<1000000x64xf32, #tpu.memory_space<hbm>>) target(%dma_start3A_624 : memref<50x64xf32, #tpu.memory_space<vmem>>) offsets(%dma_start3A_627 : memref<50xi32, #tpu.memory_space<vmem>>) semaphore(%arg11 : memref<!tpu.dma_semaphore, #tpu.memory_space<semaphore_mem>>)
      } else {
      }
      %broadcast_in_dim3A_442 = arith.constant 0.000000e+00 : f32
      %broadcast_in_dim3A_443 = vector.broadcast %broadcast_in_dim3A_442 : f32 to vector<16xf32>
      %scan3A_444 = arith.constant 0 : i32
      %scan3A_445 = arith.constant 200 : i32
      %scan3A_446 = arith.addi %scan3A_444, %scan3A_445 : i32
      %scan3A_447 = arith.constant 25 : i32
      %scan3A_448:4 = scf.for %scan3A_571 = %scan3A_444 to %scan3A_446 step %scan3A_447 iter_args(%scan3A_572 = %broadcast_in_dim3A_443, %scan3A_573 = %broadcast_in_dim3A_443, %scan3A_574 = %broadcast_in_dim3A_443, %scan3A_575 = %broadcast_in_dim3A_443) -> (vector<16xf32>, vector<16xf32>, vector<16xf32>, vector<16xf32>)  : i32 {
        %get3A_576 = arith.constant 2 : i32
        %get3A_577 = arith.index_cast %get3A_576 : i32 to index
        %get3A_578 = arith.index_cast %scan3A_571 : i32 to index
        %get3A_579 = arith.constant 0 : index
        %get3A_580 = tpu.vector_load %arg8[%get3A_577, %get3A_578, %get3A_579] {strides = array<i32>} : memref<4x200x64xf32, #tpu.memory_space<vmem>>, vector<1x1x16xf32>,
        %get3A_581 = vector.shape_cast %get3A_580 : vector<1x1x16xf32> to vector<16xf32>
        %add3A_582 = arith.addf %scan3A_572, %get3A_581 : vector<16xf32>
        %get3A_583 = arith.constant 2 : i32
        %get3A_584 = arith.index_cast %get3A_583 : i32 to index
        %get3A_585 = arith.index_cast %scan3A_571 : i32 to index
        %get3A_586 = arith.constant 16 : index
        %get3A_587 = tpu.vector_load %arg8[%get3A_584, %get3A_585, %get3A_586] {strides = array<i32>} : memref<4x200x64xf32, #tpu.memory_space<vmem>>, vector<1x1x16xf32>,
        %get3A_588 = vector.shape_cast %get3A_587 : vector<1x1x16xf32> to vector<16xf32>
        %add3A_589 = arith.addf %scan3A_573, %get3A_588 : vector<16xf32>
        %get3A_590 = arith.constant 2 : i32
        %get3A_591 = arith.index_cast %get3A_590 : i32 to index
        %get3A_592 = arith.index_cast %scan3A_571 : i32 to index
        %get3A_593 = arith.constant 32 : index
        %get3A_594 = tpu.vector_load %arg8[%get3A_591, %get3A_592, %get3A_593] {strides = array<i32>} : memref<4x200x64xf32, #tpu.memory_space<vmem>>, vector<1x1x16xf32>,
        %get3A_595 = vector.shape_cast %get3A_594 : vector<1x1x16xf32> to vector<16xf32>
        %add3A_596 = arith.addf %scan3A_574, %get3A_595 : vector<16xf32>
        %get3A_597 = arith.constant 2 : i32
        %get3A_598 = arith.index_cast %get3A_597 : i32 to index
        %get3A_599 = arith.index_cast %scan3A_571 : i32 to index
        %get3A_600 = arith.constant 48 : index
        %get3A_601 = tpu.vector_load %arg8[%get3A_598, %get3A_599, %get3A_600] {strides = array<i32>} : memref<4x200x64xf32, #tpu.memory_space<vmem>>, vector<1x1x16xf32>,
        %get3A_602 = vector.shape_cast %get3A_601 : vector<1x1x16xf32> to vector<16xf32>
        %add3A_603 = arith.addf %scan3A_575, %get3A_602 : vector<16xf32>
        %scan3A_604 = arith.constant 1 : i32
        %scan3A_605 = arith.addi %scan3A_571, %scan3A_604 : i32
        %get3A_606 = arith.constant 2 : i32
        %get3A_607 = arith.index_cast %get3A_606 : i32 to index
        %get3A_608 = arith.index_cast %scan3A_605 : i32 to index
        %get3A_609 = arith.constant 0 : index
        %get3A_610 = tpu.vector_load %arg8[%get3A_607, %get3A_608, %get3A_609] {strides = array<i32>} : memref<4x200x64xf32, #tpu.memory_space<vmem>>, vector<1x1x16xf32>,
        %get3A_611 = vector.shape_cast %get3A_610 : vector<1x1x16xf32> to vector<16xf32>
        %add3A_612 = arith.addf %add3A_582, %get3A_611 : vector<16xf32>
        %get3A_613 = arith.constant 2 : i32
        %get3A_614 = arith.index_cast %get3A_613 : i32 to index
        %get3A_615 = arith.index_cast %scan3A_605 : i32 to index
        %get3A_616 = arith.constant 16 : index
        %get3A_617 = tpu.vector_load %arg8[%get3A_614, %get3A_615, %get3A_616] {strides = array<i32>} : memref<4x200x64xf32, #tpu.memory_space<vmem>>, vector<1x1x16xf32>,
        %get3A_618 = vector.shape_cast %get3A_617 : vector<1x1x16xf32> to vector<16xf32>
        %add3A_619 = arith.addf %add3A_589, %get3A_618 : vector<16xf32>
        %get3A_620 = arith.constant 2 : i32
        %get3A_621 = arith.index_cast %get3A_620 : i32 to index
        %get3A_622 = arith.index_cast %scan3A_605 : i32 to index
        %get3A_623 = arith.constant 32 : index
        %get3A_624 = tpu.vector_load %arg8[%get3A_621, %get3A_622, %get3A_623] {strides = array<i32>} : memref<4x200x64xf32, #tpu.memory_space<vmem>>, vector<1x1x16xf32>,
        %get3A_625 = vector.shape_cast %get3A_624 : vector<1x1x16xf32> to vector<16xf32>
        %add3A_626 = arith.addf %add3A_596, %get3A_625 : vector<16xf32>
        %get3A_627 = arith.constant 2 : i32
        %get3A_628 = arith.index_cast %get3A_627 : i32 to index
        %get3A_629 = arith.index_cast %scan3A_605 : i32 to index
        %get3A_630 = arith.constant 48 : index
        %get3A_631 = tpu.vector_load %arg8[%get3A_628, %get3A_629, %get3A_630] {strides = array<i32>} : memref<4x200x64xf32, #tpu.memory_space<vmem>>, vector<1x1x16xf32>,
        %get3A_632 = vector.shape_cast %get3A_631 : vector<1x1x16xf32> to vector<16xf32>
        %add3A_633 = arith.addf %add3A_603, %get3A_632 : vector<16xf32>
        %scan3A_634 = arith.constant 2 : i32
        %scan3A_635 = arith.addi %scan3A_571, %scan3A_634 : i32
        %get3A_636 = arith.constant 2 : i32
        %get3A_637 = arith.index_cast %get3A_636 : i32 to index
        %get3A_638 = arith.index_cast %scan3A_635 : i32 to index
        %get3A_639 = arith.constant 0 : index
        %get3A_640 = tpu.vector_load %arg8[%get3A_637, %get3A_638, %get3A_639] {strides = array<i32>} : memref<4x200x64xf32, #tpu.memory_space<vmem>>, vector<1x1x16xf32>,
        %get3A_641 = vector.shape_cast %get3A_640 : vector<1x1x16xf32> to vector<16xf32>
        %add3A_642 = arith.addf %add3A_612, %get3A_641 : vector<16xf32>
        %get3A_643 = arith.constant 2 : i32
        %get3A_644 = arith.index_cast %get3A_643 : i32 to index
        %get3A_645 = arith.index_cast %scan3A_635 : i32 to index
        %get3A_646 = arith.constant 16 : index
        %get3A_647 = tpu.vector_load %arg8[%get3A_644, %get3A_645, %get3A_646] {strides = array<i32>} : memref<4x200x64xf32, #tpu.memory_space<vmem>>, vector<1x1x16xf32>,
        %get3A_648 = vector.shape_cast %get3A_647 : vector<1x1x16xf32> to vector<16xf32>
        %add3A_649 = arith.addf %add3A_619, %get3A_648 : vector<16xf32>
        %get3A_650 = arith.constant 2 : i32
        %get3A_651 = arith.index_cast %get3A_650 : i32 to index
        %get3A_652 = arith.index_cast %scan3A_635 : i32 to index
        %get3A_653 = arith.constant 32 : index
        %get3A_654 = tpu.vector_load %arg8[%get3A_651, %get3A_652, %get3A_653] {strides = array<i32>} : memref<4x200x64xf32, #tpu.memory_space<vmem>>, vector<1x1x16xf32>,
        %get3A_655 = vector.shape_cast %get3A_654 : vector<1x1x16xf32> to vector<16xf32>
        %add3A_656 = arith.addf %add3A_626, %get3A_655 : vector<16xf32>
        %get3A_657 = arith.constant 2 : i32
        %get3A_658 = arith.index_cast %get3A_657 : i32 to index
        %get3A_659 = arith.index_cast %scan3A_635 : i32 to index
        %get3A_660 = arith.constant 48 : index
        %get3A_661 = tpu.vector_load %arg8[%get3A_658, %get3A_659, %get3A_660] {strides = array<i32>} : memref<4x200x64xf32, #tpu.memory_space<vmem>>, vector<1x1x16xf32>,
        %get3A_662 = vector.shape_cast %get3A_661 : vector<1x1x16xf32> to vector<16xf32>
        %add3A_663 = arith.addf %add3A_633, %get3A_662 : vector<16xf32>
        %scan3A_664 = arith.constant 3 : i32
        %scan3A_665 = arith.addi %scan3A_571, %scan3A_664 : i32
        %get3A_666 = arith.constant 2 : i32
        %get3A_667 = arith.index_cast %get3A_666 : i32 to index
        %get3A_668 = arith.index_cast %scan3A_665 : i32 to index
        %get3A_669 = arith.constant 0 : index
        %get3A_670 = tpu.vector_load %arg8[%get3A_667, %get3A_668, %get3A_669] {strides = array<i32>} : memref<4x200x64xf32, #tpu.memory_space<vmem>>, vector<1x1x16xf32>,
        %get3A_671 = vector.shape_cast %get3A_670 : vector<1x1x16xf32> to vector<16xf32>
        %add3A_672 = arith.addf %add3A_642, %get3A_671 : vector<16xf32>
        %get3A_673 = arith.constant 2 : i32
        %get3A_674 = arith.index_cast %get3A_673 : i32 to index
        %get3A_675 = arith.index_cast %scan3A_665 : i32 to index
        %get3A_676 = arith.constant 16 : index
        %get3A_677 = tpu.vector_load %arg8[%get3A_674, %get3A_675, %get3A_676] {strides = array<i32>} : memref<4x200x64xf32, #tpu.memory_space<vmem>>, vector<1x1x16xf32>,
        %get3A_678 = vector.shape_cast %get3A_677 : vector<1x1x16xf32> to vector<16xf32>
        %add3A_679 = arith.addf %add3A_649, %get3A_678 : vector<16xf32>
        %get3A_680 = arith.constant 2 : i32
        %get3A_681 = arith.index_cast %get3A_680 : i32 to index
        %get3A_682 = arith.index_cast %scan3A_665 : i32 to index
        %get3A_683 = arith.constant 32 : index
        %get3A_684 = tpu.vector_load %arg8[%get3A_681, %get3A_682, %get3A_683] {strides = array<i32>} : memref<4x200x64xf32, #tpu.memory_space<vmem>>, vector<1x1x16xf32>,
        %get3A_685 = vector.shape_cast %get3A_684 : vector<1x1x16xf32> to vector<16xf32>
        %add3A_686 = arith.addf %add3A_656, %get3A_685 : vector<16xf32>
        %get3A_687 = arith.constant 2 : i32
        %get3A_688 = arith.index_cast %get3A_687 : i32 to index
        %get3A_689 = arith.index_cast %scan3A_665 : i32 to index
        %get3A_690 = arith.constant 48 : index
        %get3A_691 = tpu.vector_load %arg8[%get3A_688, %get3A_689, %get3A_690] {strides = array<i32>} : memref<4x200x64xf32, #tpu.memory_space<vmem>>, vector<1x1x16xf32>,
        %get3A_692 = vector.shape_cast %get3A_691 : vector<1x1x16xf32> to vector<16xf32>
        %add3A_693 = arith.addf %add3A_663, %get3A_692 : vector<16xf32>
        %scan3A_694 = arith.constant 4 : i32
        %scan3A_695 = arith.addi %scan3A_571, %scan3A_694 : i32
        %get3A_696 = arith.constant 2 : i32
        %get3A_697 = arith.index_cast %get3A_696 : i32 to index
        %get3A_698 = arith.index_cast %scan3A_695 : i32 to index
        %get3A_699 = arith.constant 0 : index
        %get3A_700 = tpu.vector_load %arg8[%get3A_697, %get3A_698, %get3A_699] {strides = array<i32>} : memref<4x200x64xf32, #tpu.memory_space<vmem>>, vector<1x1x16xf32>,
        %get3A_701 = vector.shape_cast %get3A_700 : vector<1x1x16xf32> to vector<16xf32>
        %add3A_702 = arith.addf %add3A_672, %get3A_701 : vector<16xf32>
        %get3A_703 = arith.constant 2 : i32
        %get3A_704 = arith.index_cast %get3A_703 : i32 to index
        %get3A_705 = arith.index_cast %scan3A_695 : i32 to index
        %get3A_706 = arith.constant 16 : index
        %get3A_707 = tpu.vector_load %arg8[%get3A_704, %get3A_705, %get3A_706] {strides = array<i32>} : memref<4x200x64xf32, #tpu.memory_space<vmem>>, vector<1x1x16xf32>,
        %get3A_708 = vector.shape_cast %get3A_707 : vector<1x1x16xf32> to vector<16xf32>
        %add3A_709 = arith.addf %add3A_679, %get3A_708 : vector<16xf32>
        %get3A_710 = arith.constant 2 : i32
        %get3A_711 = arith.index_cast %get3A_710 : i32 to index
        %get3A_712 = arith.index_cast %scan3A_695 : i32 to index
        %get3A_713 = arith.constant 32 : index
        %get3A_714 = tpu.vector_load %arg8[%get3A_711, %get3A_712, %get3A_713] {strides = array<i32>} : memref<4x200x64xf32, #tpu.memory_space<vmem>>, vector<1x1x16xf32>,
        %get3A_715 = vector.shape_cast %get3A_714 : vector<1x1x16xf32> to vector<16xf32>
        %add3A_716 = arith.addf %add3A_686, %get3A_715 : vector<16xf32>
        %get3A_717 = arith.constant 2 : i32
        %get3A_718 = arith.index_cast %get3A_717 : i32 to index
        %get3A_719 = arith.index_cast %scan3A_695 : i32 to index
        %get3A_720 = arith.constant 48 : index
        %get3A_721 = tpu.vector_load %arg8[%get3A_718, %get3A_719, %get3A_720] {strides = array<i32>} : memref<4x200x64xf32, #tpu.memory_space<vmem>>, vector<1x1x16xf32>,
        %get3A_722 = vector.shape_cast %get3A_721 : vector<1x1x16xf32> to vector<16xf32>
        %add3A_723 = arith.addf %add3A_693, %get3A_722 : vector<16xf32>
        %scan3A_724 = arith.constant 5 : i32
        %scan3A_725 = arith.addi %scan3A_571, %scan3A_724 : i32
        %get3A_726 = arith.constant 2 : i32
        %get3A_727 = arith.index_cast %get3A_726 : i32 to index
        %get3A_728 = arith.index_cast %scan3A_725 : i32 to index
        %get3A_729 = arith.constant 0 : index
        %get3A_730 = tpu.vector_load %arg8[%get3A_727, %get3A_728, %get3A_729] {strides = array<i32>} : memref<4x200x64xf32, #tpu.memory_space<vmem>>, vector<1x1x16xf32>,
        %get3A_731 = vector.shape_cast %get3A_730 : vector<1x1x16xf32> to vector<16xf32>
        %add3A_732 = arith.addf %add3A_702, %get3A_731 : vector<16xf32>
        %get3A_733 = arith.constant 2 : i32
        %get3A_734 = arith.index_cast %get3A_733 : i32 to index
        %get3A_735 = arith.index_cast %scan3A_725 : i32 to index
        %get3A_736 = arith.constant 16 : index
        %get3A_737 = tpu.vector_load %arg8[%get3A_734, %get3A_735, %get3A_736] {strides = array<i32>} : memref<4x200x64xf32, #tpu.memory_space<vmem>>, vector<1x1x16xf32>,
        %get3A_738 = vector.shape_cast %get3A_737 : vector<1x1x16xf32> to vector<16xf32>
        %add3A_739 = arith.addf %add3A_709, %get3A_738 : vector<16xf32>
        %get3A_740 = arith.constant 2 : i32
        %get3A_741 = arith.index_cast %get3A_740 : i32 to index
        %get3A_742 = arith.index_cast %scan3A_725 : i32 to index
        %get3A_743 = arith.constant 32 : index
        %get3A_744 = tpu.vector_load %arg8[%get3A_741, %get3A_742, %get3A_743] {strides = array<i32>} : memref<4x200x64xf32, #tpu.memory_space<vmem>>, vector<1x1x16xf32>,
        %get3A_745 = vector.shape_cast %get3A_744 : vector<1x1x16xf32> to vector<16xf32>
        %add3A_746 = arith.addf %add3A_716, %get3A_745 : vector<16xf32>
        %get3A_747 = arith.constant 2 : i32
        %get3A_748 = arith.index_cast %get3A_747 : i32 to index
        %get3A_749 = arith.index_cast %scan3A_725 : i32 to index
        %get3A_750 = arith.constant 48 : index
        %get3A_751 = tpu.vector_load %arg8[%get3A_748, %get3A_749, %get3A_750] {strides = array<i32>} : memref<4x200x64xf32, #tpu.memory_space<vmem>>, vector<1x1x16xf32>,
        %get3A_752 = vector.shape_cast %get3A_751 : vector<1x1x16xf32> to vector<16xf32>
        %add3A_753 = arith.addf %add3A_723, %get3A_752 : vector<16xf32>
        %scan3A_754 = arith.constant 6 : i32
        %scan3A_755 = arith.addi %scan3A_571, %scan3A_754 : i32
        %get3A_756 = arith.constant 2 : i32
        %get3A_757 = arith.index_cast %get3A_756 : i32 to index
        %get3A_758 = arith.index_cast %scan3A_755 : i32 to index
        %get3A_759 = arith.constant 0 : index
        %get3A_760 = tpu.vector_load %arg8[%get3A_757, %get3A_758, %get3A_759] {strides = array<i32>} : memref<4x200x64xf32, #tpu.memory_space<vmem>>, vector<1x1x16xf32>,
        %get3A_761 = vector.shape_cast %get3A_760 : vector<1x1x16xf32> to vector<16xf32>
        %add3A_762 = arith.addf %add3A_732, %get3A_761 : vector<16xf32>
        %get3A_763 = arith.constant 2 : i32
        %get3A_764 = arith.index_cast %get3A_763 : i32 to index
        %get3A_765 = arith.index_cast %scan3A_755 : i32 to index
        %get3A_766 = arith.constant 16 : index
        %get3A_767 = tpu.vector_load %arg8[%get3A_764, %get3A_765, %get3A_766] {strides = array<i32>} : memref<4x200x64xf32, #tpu.memory_space<vmem>>, vector<1x1x16xf32>,
        %get3A_768 = vector.shape_cast %get3A_767 : vector<1x1x16xf32> to vector<16xf32>
        %add3A_769 = arith.addf %add3A_739, %get3A_768 : vector<16xf32>
        %get3A_770 = arith.constant 2 : i32
        %get3A_771 = arith.index_cast %get3A_770 : i32 to index
        %get3A_772 = arith.index_cast %scan3A_755 : i32 to index
        %get3A_773 = arith.constant 32 : index
        %get3A_774 = tpu.vector_load %arg8[%get3A_771, %get3A_772, %get3A_773] {strides = array<i32>} : memref<4x200x64xf32, #tpu.memory_space<vmem>>, vector<1x1x16xf32>,
        %get3A_775 = vector.shape_cast %get3A_774 : vector<1x1x16xf32> to vector<16xf32>
        %add3A_776 = arith.addf %add3A_746, %get3A_775 : vector<16xf32>
        %get3A_777 = arith.constant 2 : i32
        %get3A_778 = arith.index_cast %get3A_777 : i32 to index
        %get3A_779 = arith.index_cast %scan3A_755 : i32 to index
        %get3A_780 = arith.constant 48 : index
        %get3A_781 = tpu.vector_load %arg8[%get3A_778, %get3A_779, %get3A_780] {strides = array<i32>} : memref<4x200x64xf32, #tpu.memory_space<vmem>>, vector<1x1x16xf32>,
        %get3A_782 = vector.shape_cast %get3A_781 : vector<1x1x16xf32> to vector<16xf32>
        %add3A_783 = arith.addf %add3A_753, %get3A_782 : vector<16xf32>
        %scan3A_784 = arith.constant 7 : i32
        %scan3A_785 = arith.addi %scan3A_571, %scan3A_784 : i32
        %get3A_786 = arith.constant 2 : i32
        %get3A_787 = arith.index_cast %get3A_786 : i32 to index
        %get3A_788 = arith.index_cast %scan3A_785 : i32 to index
        %get3A_789 = arith.constant 0 : index
        %get3A_790 = tpu.vector_load %arg8[%get3A_787, %get3A_788, %get3A_789] {strides = array<i32>} : memref<4x200x64xf32, #tpu.memory_space<vmem>>, vector<1x1x16xf32>,
        %get3A_791 = vector.shape_cast %get3A_790 : vector<1x1x16xf32> to vector<16xf32>
        %add3A_792 = arith.addf %add3A_762, %get3A_791 : vector<16xf32>
        %get3A_793 = arith.constant 2 : i32
        %get3A_794 = arith.index_cast %get3A_793 : i32 to index
        %get3A_795 = arith.index_cast %scan3A_785 : i32 to index
        %get3A_796 = arith.constant 16 : index
        %get3A_797 = tpu.vector_load %arg8[%get3A_794, %get3A_795, %get3A_796] {strides = array<i32>} : memref<4x200x64xf32, #tpu.memory_space<vmem>>, vector<1x1x16xf32>,
        %get3A_798 = vector.shape_cast %get3A_797 : vector<1x1x16xf32> to vector<16xf32>
        %add3A_799 = arith.addf %add3A_769, %get3A_798 : vector<16xf32>
        %get3A_800 = arith.constant 2 : i32
        %get3A_801 = arith.index_cast %get3A_800 : i32 to index
        %get3A_802 = arith.index_cast %scan3A_785 : i32 to index
        %get3A_803 = arith.constant 32 : index
        %get3A_804 = tpu.vector_load %arg8[%get3A_801, %get3A_802, %get3A_803] {strides = array<i32>} : memref<4x200x64xf32, #tpu.memory_space<vmem>>, vector<1x1x16xf32>,
        %get3A_805 = vector.shape_cast %get3A_804 : vector<1x1x16xf32> to vector<16xf32>
        %add3A_806 = arith.addf %add3A_776, %get3A_805 : vector<16xf32>
        %get3A_807 = arith.constant 2 : i32
        %get3A_808 = arith.index_cast %get3A_807 : i32 to index
        %get3A_809 = arith.index_cast %scan3A_785 : i32 to index
        %get3A_810 = arith.constant 48 : index
        %get3A_811 = tpu.vector_load %arg8[%get3A_808, %get3A_809, %get3A_810] {strides = array<i32>} : memref<4x200x64xf32, #tpu.memory_space<vmem>>, vector<1x1x16xf32>,
        %get3A_812 = vector.shape_cast %get3A_811 : vector<1x1x16xf32> to vector<16xf32>
        %add3A_813 = arith.addf %add3A_783, %get3A_812 : vector<16xf32>
        %scan3A_814 = arith.constant 8 : i32
        %scan3A_815 = arith.addi %scan3A_571, %scan3A_814 : i32
        %get3A_816 = arith.constant 2 : i32
        %get3A_817 = arith.index_cast %get3A_816 : i32 to index
        %get3A_818 = arith.index_cast %scan3A_815 : i32 to index
        %get3A_819 = arith.constant 0 : index
        %get3A_820 = tpu.vector_load %arg8[%get3A_817, %get3A_818, %get3A_819] {strides = array<i32>} : memref<4x200x64xf32, #tpu.memory_space<vmem>>, vector<1x1x16xf32>,
        %get3A_821 = vector.shape_cast %get3A_820 : vector<1x1x16xf32> to vector<16xf32>
        %add3A_822 = arith.addf %add3A_792, %get3A_821 : vector<16xf32>
        %get3A_823 = arith.constant 2 : i32
        %get3A_824 = arith.index_cast %get3A_823 : i32 to index
        %get3A_825 = arith.index_cast %scan3A_815 : i32 to index
        %get3A_826 = arith.constant 16 : index
        %get3A_827 = tpu.vector_load %arg8[%get3A_824, %get3A_825, %get3A_826] {strides = array<i32>} : memref<4x200x64xf32, #tpu.memory_space<vmem>>, vector<1x1x16xf32>,
        %get3A_828 = vector.shape_cast %get3A_827 : vector<1x1x16xf32> to vector<16xf32>
        %add3A_829 = arith.addf %add3A_799, %get3A_828 : vector<16xf32>
        %get3A_830 = arith.constant 2 : i32
        %get3A_831 = arith.index_cast %get3A_830 : i32 to index
        %get3A_832 = arith.index_cast %scan3A_815 : i32 to index
        %get3A_833 = arith.constant 32 : index
        %get3A_834 = tpu.vector_load %arg8[%get3A_831, %get3A_832, %get3A_833] {strides = array<i32>} : memref<4x200x64xf32, #tpu.memory_space<vmem>>, vector<1x1x16xf32>,
        %get3A_835 = vector.shape_cast %get3A_834 : vector<1x1x16xf32> to vector<16xf32>
        %add3A_836 = arith.addf %add3A_806, %get3A_835 : vector<16xf32>
        %get3A_837 = arith.constant 2 : i32
        %get3A_838 = arith.index_cast %get3A_837 : i32 to index
        %get3A_839 = arith.index_cast %scan3A_815 : i32 to index
        %get3A_840 = arith.constant 48 : index
        %get3A_841 = tpu.vector_load %arg8[%get3A_838, %get3A_839, %get3A_840] {strides = array<i32>} : memref<4x200x64xf32, #tpu.memory_space<vmem>>, vector<1x1x16xf32>,
        %get3A_842 = vector.shape_cast %get3A_841 : vector<1x1x16xf32> to vector<16xf32>
        %add3A_843 = arith.addf %add3A_813, %get3A_842 : vector<16xf32>
        %scan3A_844 = arith.constant 9 : i32
        %scan3A_845 = arith.addi %scan3A_571, %scan3A_844 : i32
        %get3A_846 = arith.constant 2 : i32
        %get3A_847 = arith.index_cast %get3A_846 : i32 to index
        %get3A_848 = arith.index_cast %scan3A_845 : i32 to index
        %get3A_849 = arith.constant 0 : index
        %get3A_850 = tpu.vector_load %arg8[%get3A_847, %get3A_848, %get3A_849] {strides = array<i32>} : memref<4x200x64xf32, #tpu.memory_space<vmem>>, vector<1x1x16xf32>,
        %get3A_851 = vector.shape_cast %get3A_850 : vector<1x1x16xf32> to vector<16xf32>
        %add3A_852 = arith.addf %add3A_822, %get3A_851 : vector<16xf32>
        %get3A_853 = arith.constant 2 : i32
        %get3A_854 = arith.index_cast %get3A_853 : i32 to index
        %get3A_855 = arith.index_cast %scan3A_845 : i32 to index
        %get3A_856 = arith.constant 16 : index
        %get3A_857 = tpu.vector_load %arg8[%get3A_854, %get3A_855, %get3A_856] {strides = array<i32>} : memref<4x200x64xf32, #tpu.memory_space<vmem>>, vector<1x1x16xf32>,
        %get3A_858 = vector.shape_cast %get3A_857 : vector<1x1x16xf32> to vector<16xf32>
        %add3A_859 = arith.addf %add3A_829, %get3A_858 : vector<16xf32>
        %get3A_860 = arith.constant 2 : i32
        %get3A_861 = arith.index_cast %get3A_860 : i32 to index
        %get3A_862 = arith.index_cast %scan3A_845 : i32 to index
        %get3A_863 = arith.constant 32 : index
        %get3A_864 = tpu.vector_load %arg8[%get3A_861, %get3A_862, %get3A_863] {strides = array<i32>} : memref<4x200x64xf32, #tpu.memory_space<vmem>>, vector<1x1x16xf32>,
        %get3A_865 = vector.shape_cast %get3A_864 : vector<1x1x16xf32> to vector<16xf32>
        %add3A_866 = arith.addf %add3A_836, %get3A_865 : vector<16xf32>
        %get3A_867 = arith.constant 2 : i32
        %get3A_868 = arith.index_cast %get3A_867 : i32 to index
        %get3A_869 = arith.index_cast %scan3A_845 : i32 to index
        %get3A_870 = arith.constant 48 : index
        %get3A_871 = tpu.vector_load %arg8[%get3A_868, %get3A_869, %get3A_870] {strides = array<i32>} : memref<4x200x64xf32, #tpu.memory_space<vmem>>, vector<1x1x16xf32>,
        %get3A_872 = vector.shape_cast %get3A_871 : vector<1x1x16xf32> to vector<16xf32>
        %add3A_873 = arith.addf %add3A_843, %get3A_872 : vector<16xf32>
        %scan3A_874 = arith.constant 10 : i32
        %scan3A_875 = arith.addi %scan3A_571, %scan3A_874 : i32
        %get3A_876 = arith.constant 2 : i32
        %get3A_877 = arith.index_cast %get3A_876 : i32 to index
        %get3A_878 = arith.index_cast %scan3A_875 : i32 to index
        %get3A_879 = arith.constant 0 : index
        %get3A_880 = tpu.vector_load %arg8[%get3A_877, %get3A_878, %get3A_879] {strides = array<i32>} : memref<4x200x64xf32, #tpu.memory_space<vmem>>, vector<1x1x16xf32>,
        %get3A_881 = vector.shape_cast %get3A_880 : vector<1x1x16xf32> to vector<16xf32>
        %add3A_882 = arith.addf %add3A_852, %get3A_881 : vector<16xf32>
        %get3A_883 = arith.constant 2 : i32
        %get3A_884 = arith.index_cast %get3A_883 : i32 to index
        %get3A_885 = arith.index_cast %scan3A_875 : i32 to index
        %get3A_886 = arith.constant 16 : index
        %get3A_887 = tpu.vector_load %arg8[%get3A_884, %get3A_885, %get3A_886] {strides = array<i32>} : memref<4x200x64xf32, #tpu.memory_space<vmem>>, vector<1x1x16xf32>,
        %get3A_888 = vector.shape_cast %get3A_887 : vector<1x1x16xf32> to vector<16xf32>
        %add3A_889 = arith.addf %add3A_859, %get3A_888 : vector<16xf32>
        %get3A_890 = arith.constant 2 : i32
        %get3A_891 = arith.index_cast %get3A_890 : i32 to index
        %get3A_892 = arith.index_cast %scan3A_875 : i32 to index
        %get3A_893 = arith.constant 32 : index
        %get3A_894 = tpu.vector_load %arg8[%get3A_891, %get3A_892, %get3A_893] {strides = array<i32>} : memref<4x200x64xf32, #tpu.memory_space<vmem>>, vector<1x1x16xf32>,
        %get3A_895 = vector.shape_cast %get3A_894 : vector<1x1x16xf32> to vector<16xf32>
        %add3A_896 = arith.addf %add3A_866, %get3A_895 : vector<16xf32>
        %get3A_897 = arith.constant 2 : i32
        %get3A_898 = arith.index_cast %get3A_897 : i32 to index
        %get3A_899 = arith.index_cast %scan3A_875 : i32 to index
        %get3A_900 = arith.constant 48 : index
        %get3A_901 = tpu.vector_load %arg8[%get3A_898, %get3A_899, %get3A_900] {strides = array<i32>} : memref<4x200x64xf32, #tpu.memory_space<vmem>>, vector<1x1x16xf32>,
        %get3A_902 = vector.shape_cast %get3A_901 : vector<1x1x16xf32> to vector<16xf32>
        %add3A_903 = arith.addf %add3A_873, %get3A_902 : vector<16xf32>
        %scan3A_904 = arith.constant 11 : i32
        %scan3A_905 = arith.addi %scan3A_571, %scan3A_904 : i32
        %get3A_906 = arith.constant 2 : i32
        %get3A_907 = arith.index_cast %get3A_906 : i32 to index
        %get3A_908 = arith.index_cast %scan3A_905 : i32 to index
        %get3A_909 = arith.constant 0 : index
        %get3A_910 = tpu.vector_load %arg8[%get3A_907, %get3A_908, %get3A_909] {strides = array<i32>} : memref<4x200x64xf32, #tpu.memory_space<vmem>>, vector<1x1x16xf32>,
        %get3A_911 = vector.shape_cast %get3A_910 : vector<1x1x16xf32> to vector<16xf32>
        %add3A_912 = arith.addf %add3A_882, %get3A_911 : vector<16xf32>
        %get3A_913 = arith.constant 2 : i32
        %get3A_914 = arith.index_cast %get3A_913 : i32 to index
        %get3A_915 = arith.index_cast %scan3A_905 : i32 to index
        %get3A_916 = arith.constant 16 : index
        %get3A_917 = tpu.vector_load %arg8[%get3A_914, %get3A_915, %get3A_916] {strides = array<i32>} : memref<4x200x64xf32, #tpu.memory_space<vmem>>, vector<1x1x16xf32>,
        %get3A_918 = vector.shape_cast %get3A_917 : vector<1x1x16xf32> to vector<16xf32>
        %add3A_919 = arith.addf %add3A_889, %get3A_918 : vector<16xf32>
        %get3A_920 = arith.constant 2 : i32
        %get3A_921 = arith.index_cast %get3A_920 : i32 to index
        %get3A_922 = arith.index_cast %scan3A_905 : i32 to index
        %get3A_923 = arith.constant 32 : index
        %get3A_924 = tpu.vector_load %arg8[%get3A_921, %get3A_922, %get3A_923] {strides = array<i32>} : memref<4x200x64xf32, #tpu.memory_space<vmem>>, vector<1x1x16xf32>,
        %get3A_925 = vector.shape_cast %get3A_924 : vector<1x1x16xf32> to vector<16xf32>
        %add3A_926 = arith.addf %add3A_896, %get3A_925 : vector<16xf32>
        %get3A_927 = arith.constant 2 : i32
        %get3A_928 = arith.index_cast %get3A_927 : i32 to index
        %get3A_929 = arith.index_cast %scan3A_905 : i32 to index
        %get3A_930 = arith.constant 48 : index
        %get3A_931 = tpu.vector_load %arg8[%get3A_928, %get3A_929, %get3A_930] {strides = array<i32>} : memref<4x200x64xf32, #tpu.memory_space<vmem>>, vector<1x1x16xf32>,
        %get3A_932 = vector.shape_cast %get3A_931 : vector<1x1x16xf32> to vector<16xf32>
        %add3A_933 = arith.addf %add3A_903, %get3A_932 : vector<16xf32>
        %scan3A_934 = arith.constant 12 : i32
        %scan3A_935 = arith.addi %scan3A_571, %scan3A_934 : i32
        %get3A_936 = arith.constant 2 : i32
        %get3A_937 = arith.index_cast %get3A_936 : i32 to index
        %get3A_938 = arith.index_cast %scan3A_935 : i32 to index
        %get3A_939 = arith.constant 0 : index
        %get3A_940 = tpu.vector_load %arg8[%get3A_937, %get3A_938, %get3A_939] {strides = array<i32>} : memref<4x200x64xf32, #tpu.memory_space<vmem>>, vector<1x1x16xf32>,
        %get3A_941 = vector.shape_cast %get3A_940 : vector<1x1x16xf32> to vector<16xf32>
        %add3A_942 = arith.addf %add3A_912, %get3A_941 : vector<16xf32>
        %get3A_943 = arith.constant 2 : i32
        %get3A_944 = arith.index_cast %get3A_943 : i32 to index
        %get3A_945 = arith.index_cast %scan3A_935 : i32 to index
        %get3A_946 = arith.constant 16 : index
        %get3A_947 = tpu.vector_load %arg8[%get3A_944, %get3A_945, %get3A_946] {strides = array<i32>} : memref<4x200x64xf32, #tpu.memory_space<vmem>>, vector<1x1x16xf32>,
        %get3A_948 = vector.shape_cast %get3A_947 : vector<1x1x16xf32> to vector<16xf32>
        %add3A_949 = arith.addf %add3A_919, %get3A_948 : vector<16xf32>
        %get3A_950 = arith.constant 2 : i32
        %get3A_951 = arith.index_cast %get3A_950 : i32 to index
        %get3A_952 = arith.index_cast %scan3A_935 : i32 to index
        %get3A_953 = arith.constant 32 : index
        %get3A_954 = tpu.vector_load %arg8[%get3A_951, %get3A_952, %get3A_953] {strides = array<i32>} : memref<4x200x64xf32, #tpu.memory_space<vmem>>, vector<1x1x16xf32>,
        %get3A_955 = vector.shape_cast %get3A_954 : vector<1x1x16xf32> to vector<16xf32>
        %add3A_956 = arith.addf %add3A_926, %get3A_955 : vector<16xf32>
        %get3A_957 = arith.constant 2 : i32
        %get3A_958 = arith.index_cast %get3A_957 : i32 to index
        %get3A_959 = arith.index_cast %scan3A_935 : i32 to index
        %get3A_960 = arith.constant 48 : index
        %get3A_961 = tpu.vector_load %arg8[%get3A_958, %get3A_959, %get3A_960] {strides = array<i32>} : memref<4x200x64xf32, #tpu.memory_space<vmem>>, vector<1x1x16xf32>,
        %get3A_962 = vector.shape_cast %get3A_961 : vector<1x1x16xf32> to vector<16xf32>
        %add3A_963 = arith.addf %add3A_933, %get3A_962 : vector<16xf32>
        %scan3A_964 = arith.constant 13 : i32
        %scan3A_965 = arith.addi %scan3A_571, %scan3A_964 : i32
        %get3A_966 = arith.constant 2 : i32
        %get3A_967 = arith.index_cast %get3A_966 : i32 to index
        %get3A_968 = arith.index_cast %scan3A_965 : i32 to index
        %get3A_969 = arith.constant 0 : index
        %get3A_970 = tpu.vector_load %arg8[%get3A_967, %get3A_968, %get3A_969] {strides = array<i32>} : memref<4x200x64xf32, #tpu.memory_space<vmem>>, vector<1x1x16xf32>,
        %get3A_971 = vector.shape_cast %get3A_970 : vector<1x1x16xf32> to vector<16xf32>
        %add3A_972 = arith.addf %add3A_942, %get3A_971 : vector<16xf32>
        %get3A_973 = arith.constant 2 : i32
        %get3A_974 = arith.index_cast %get3A_973 : i32 to index
        %get3A_975 = arith.index_cast %scan3A_965 : i32 to index
        %get3A_976 = arith.constant 16 : index
        %get3A_977 = tpu.vector_load %arg8[%get3A_974, %get3A_975, %get3A_976] {strides = array<i32>} : memref<4x200x64xf32, #tpu.memory_space<vmem>>, vector<1x1x16xf32>,
        %get3A_978 = vector.shape_cast %get3A_977 : vector<1x1x16xf32> to vector<16xf32>
        %add3A_979 = arith.addf %add3A_949, %get3A_978 : vector<16xf32>
        %get3A_980 = arith.constant 2 : i32
        %get3A_981 = arith.index_cast %get3A_980 : i32 to index
        %get3A_982 = arith.index_cast %scan3A_965 : i32 to index
        %get3A_983 = arith.constant 32 : index
        %get3A_984 = tpu.vector_load %arg8[%get3A_981, %get3A_982, %get3A_983] {strides = array<i32>} : memref<4x200x64xf32, #tpu.memory_space<vmem>>, vector<1x1x16xf32>,
        %get3A_985 = vector.shape_cast %get3A_984 : vector<1x1x16xf32> to vector<16xf32>
        %add3A_986 = arith.addf %add3A_956, %get3A_985 : vector<16xf32>
        %get3A_987 = arith.constant 2 : i32
        %get3A_988 = arith.index_cast %get3A_987 : i32 to index
        %get3A_989 = arith.index_cast %scan3A_965 : i32 to index
        %get3A_990 = arith.constant 48 : index
        %get3A_991 = tpu.vector_load %arg8[%get3A_988, %get3A_989, %get3A_990] {strides = array<i32>} : memref<4x200x64xf32, #tpu.memory_space<vmem>>, vector<1x1x16xf32>,
        %get3A_992 = vector.shape_cast %get3A_991 : vector<1x1x16xf32> to vector<16xf32>
        %add3A_993 = arith.addf %add3A_963, %get3A_992 : vector<16xf32>
        %scan3A_994 = arith.constant 14 : i32
        %scan3A_995 = arith.addi %scan3A_571, %scan3A_994 : i32
        %get3A_996 = arith.constant 2 : i32
        %get3A_997 = arith.index_cast %get3A_996 : i32 to index
        %get3A_998 = arith.index_cast %scan3A_995 : i32 to index
        %get3A_999 = arith.constant 0 : index
        %get3A_1000 = tpu.vector_load %arg8[%get3A_997, %get3A_998, %get3A_999] {strides = array<i32>} : memref<4x200x64xf32, #tpu.memory_space<vmem>>, vector<1x1x16xf32>,
        %get3A_1001 = vector.shape_cast %get3A_1000 : vector<1x1x16xf32> to vector<16xf32>
        %add3A_1002 = arith.addf %add3A_972, %get3A_1001 : vector<16xf32>
        %get3A_1003 = arith.constant 2 : i32
        %get3A_1004 = arith.index_cast %get3A_1003 : i32 to index
        %get3A_1005 = arith.index_cast %scan3A_995 : i32 to index
        %get3A_1006 = arith.constant 16 : index
        %get3A_1007 = tpu.vector_load %arg8[%get3A_1004, %get3A_1005, %get3A_1006] {strides = array<i32>} : memref<4x200x64xf32, #tpu.memory_space<vmem>>, vector<1x1x16xf32>,
        %get3A_1008 = vector.shape_cast %get3A_1007 : vector<1x1x16xf32> to vector<16xf32>
        %add3A_1009 = arith.addf %add3A_979, %get3A_1008 : vector<16xf32>
        %get3A_1010 = arith.constant 2 : i32
        %get3A_1011 = arith.index_cast %get3A_1010 : i32 to index
        %get3A_1012 = arith.index_cast %scan3A_995 : i32 to index
        %get3A_1013 = arith.constant 32 : index
        %get3A_1014 = tpu.vector_load %arg8[%get3A_1011, %get3A_1012, %get3A_1013] {strides = array<i32>} : memref<4x200x64xf32, #tpu.memory_space<vmem>>, vector<1x1x16xf32>,
        %get3A_1015 = vector.shape_cast %get3A_1014 : vector<1x1x16xf32> to vector<16xf32>
        %add3A_1016 = arith.addf %add3A_986, %get3A_1015 : vector<16xf32>
        %get3A_1017 = arith.constant 2 : i32
        %get3A_1018 = arith.index_cast %get3A_1017 : i32 to index
        %get3A_1019 = arith.index_cast %scan3A_995 : i32 to index
        %get3A_1020 = arith.constant 48 : index
        %get3A_1021 = tpu.vector_load %arg8[%get3A_1018, %get3A_1019, %get3A_1020] {strides = array<i32>} : memref<4x200x64xf32, #tpu.memory_space<vmem>>, vector<1x1x16xf32>,
        %get3A_1022 = vector.shape_cast %get3A_1021 : vector<1x1x16xf32> to vector<16xf32>
        %add3A_1023 = arith.addf %add3A_993, %get3A_1022 : vector<16xf32>
        %scan3A_1024 = arith.constant 15 : i32
        %scan3A_1025 = arith.addi %scan3A_571, %scan3A_1024 : i32
        %get3A_1026 = arith.constant 2 : i32
        %get3A_1027 = arith.index_cast %get3A_1026 : i32 to index
        %get3A_1028 = arith.index_cast %scan3A_1025 : i32 to index
        %get3A_1029 = arith.constant 0 : index
        %get3A_1030 = tpu.vector_load %arg8[%get3A_1027, %get3A_1028, %get3A_1029] {strides = array<i32>} : memref<4x200x64xf32, #tpu.memory_space<vmem>>, vector<1x1x16xf32>,
        %get3A_1031 = vector.shape_cast %get3A_1030 : vector<1x1x16xf32> to vector<16xf32>
        %add3A_1032 = arith.addf %add3A_1002, %get3A_1031 : vector<16xf32>
        %get3A_1033 = arith.constant 2 : i32
        %get3A_1034 = arith.index_cast %get3A_1033 : i32 to index
        %get3A_1035 = arith.index_cast %scan3A_1025 : i32 to index
        %get3A_1036 = arith.constant 16 : index
        %get3A_1037 = tpu.vector_load %arg8[%get3A_1034, %get3A_1035, %get3A_1036] {strides = array<i32>} : memref<4x200x64xf32, #tpu.memory_space<vmem>>, vector<1x1x16xf32>,
        %get3A_1038 = vector.shape_cast %get3A_1037 : vector<1x1x16xf32> to vector<16xf32>
        %add3A_1039 = arith.addf %add3A_1009, %get3A_1038 : vector<16xf32>
        %get3A_1040 = arith.constant 2 : i32
        %get3A_1041 = arith.index_cast %get3A_1040 : i32 to index
        %get3A_1042 = arith.index_cast %scan3A_1025 : i32 to index
        %get3A_1043 = arith.constant 32 : index
        %get3A_1044 = tpu.vector_load %arg8[%get3A_1041, %get3A_1042, %get3A_1043] {strides = array<i32>} : memref<4x200x64xf32, #tpu.memory_space<vmem>>, vector<1x1x16xf32>,
        %get3A_1045 = vector.shape_cast %get3A_1044 : vector<1x1x16xf32> to vector<16xf32>
        %add3A_1046 = arith.addf %add3A_1016, %get3A_1045 : vector<16xf32>
        %get3A_1047 = arith.constant 2 : i32
        %get3A_1048 = arith.index_cast %get3A_1047 : i32 to index
        %get3A_1049 = arith.index_cast %scan3A_1025 : i32 to index
        %get3A_1050 = arith.constant 48 : index
        %get3A_1051 = tpu.vector_load %arg8[%get3A_1048, %get3A_1049, %get3A_1050] {strides = array<i32>} : memref<4x200x64xf32, #tpu.memory_space<vmem>>, vector<1x1x16xf32>,
        %get3A_1052 = vector.shape_cast %get3A_1051 : vector<1x1x16xf32> to vector<16xf32>
        %add3A_1053 = arith.addf %add3A_1023, %get3A_1052 : vector<16xf32>
        %scan3A_1054 = arith.constant 16 : i32
        %scan3A_1055 = arith.addi %scan3A_571, %scan3A_1054 : i32
        %get3A_1056 = arith.constant 2 : i32
        %get3A_1057 = arith.index_cast %get3A_1056 : i32 to index
        %get3A_1058 = arith.index_cast %scan3A_1055 : i32 to index
        %get3A_1059 = arith.constant 0 : index
        %get3A_1060 = tpu.vector_load %arg8[%get3A_1057, %get3A_1058, %get3A_1059] {strides = array<i32>} : memref<4x200x64xf32, #tpu.memory_space<vmem>>, vector<1x1x16xf32>,
        %get3A_1061 = vector.shape_cast %get3A_1060 : vector<1x1x16xf32> to vector<16xf32>
        %add3A_1062 = arith.addf %add3A_1032, %get3A_1061 : vector<16xf32>
        %get3A_1063 = arith.constant 2 : i32
        %get3A_1064 = arith.index_cast %get3A_1063 : i32 to index
        %get3A_1065 = arith.index_cast %scan3A_1055 : i32 to index
        %get3A_1066 = arith.constant 16 : index
        %get3A_1067 = tpu.vector_load %arg8[%get3A_1064, %get3A_1065, %get3A_1066] {strides = array<i32>} : memref<4x200x64xf32, #tpu.memory_space<vmem>>, vector<1x1x16xf32>,
        %get3A_1068 = vector.shape_cast %get3A_1067 : vector<1x1x16xf32> to vector<16xf32>
        %add3A_1069 = arith.addf %add3A_1039, %get3A_1068 : vector<16xf32>
        %get3A_1070 = arith.constant 2 : i32
        %get3A_1071 = arith.index_cast %get3A_1070 : i32 to index
        %get3A_1072 = arith.index_cast %scan3A_1055 : i32 to index
        %get3A_1073 = arith.constant 32 : index
        %get3A_1074 = tpu.vector_load %arg8[%get3A_1071, %get3A_1072, %get3A_1073] {strides = array<i32>} : memref<4x200x64xf32, #tpu.memory_space<vmem>>, vector<1x1x16xf32>,
        %get3A_1075 = vector.shape_cast %get3A_1074 : vector<1x1x16xf32> to vector<16xf32>
        %add3A_1076 = arith.addf %add3A_1046, %get3A_1075 : vector<16xf32>
        %get3A_1077 = arith.constant 2 : i32
        %get3A_1078 = arith.index_cast %get3A_1077 : i32 to index
        %get3A_1079 = arith.index_cast %scan3A_1055 : i32 to index
        %get3A_1080 = arith.constant 48 : index
        %get3A_1081 = tpu.vector_load %arg8[%get3A_1078, %get3A_1079, %get3A_1080] {strides = array<i32>} : memref<4x200x64xf32, #tpu.memory_space<vmem>>, vector<1x1x16xf32>,
        %get3A_1082 = vector.shape_cast %get3A_1081 : vector<1x1x16xf32> to vector<16xf32>
        %add3A_1083 = arith.addf %add3A_1053, %get3A_1082 : vector<16xf32>
        %scan3A_1084 = arith.constant 17 : i32
        %scan3A_1085 = arith.addi %scan3A_571, %scan3A_1084 : i32
        %get3A_1086 = arith.constant 2 : i32
        %get3A_1087 = arith.index_cast %get3A_1086 : i32 to index
        %get3A_1088 = arith.index_cast %scan3A_1085 : i32 to index
        %get3A_1089 = arith.constant 0 : index
        %get3A_1090 = tpu.vector_load %arg8[%get3A_1087, %get3A_1088, %get3A_1089] {strides = array<i32>} : memref<4x200x64xf32, #tpu.memory_space<vmem>>, vector<1x1x16xf32>,
        %get3A_1091 = vector.shape_cast %get3A_1090 : vector<1x1x16xf32> to vector<16xf32>
        %add3A_1092 = arith.addf %add3A_1062, %get3A_1091 : vector<16xf32>
        %get3A_1093 = arith.constant 2 : i32
        %get3A_1094 = arith.index_cast %get3A_1093 : i32 to index
        %get3A_1095 = arith.index_cast %scan3A_1085 : i32 to index
        %get3A_1096 = arith.constant 16 : index
        %get3A_1097 = tpu.vector_load %arg8[%get3A_1094, %get3A_1095, %get3A_1096] {strides = array<i32>} : memref<4x200x64xf32, #tpu.memory_space<vmem>>, vector<1x1x16xf32>,
        %get3A_1098 = vector.shape_cast %get3A_1097 : vector<1x1x16xf32> to vector<16xf32>
        %add3A_1099 = arith.addf %add3A_1069, %get3A_1098 : vector<16xf32>
        %get3A_1100 = arith.constant 2 : i32
        %get3A_1101 = arith.index_cast %get3A_1100 : i32 to index
        %get3A_1102 = arith.index_cast %scan3A_1085 : i32 to index
        %get3A_1103 = arith.constant 32 : index
        %get3A_1104 = tpu.vector_load %arg8[%get3A_1101, %get3A_1102, %get3A_1103] {strides = array<i32>} : memref<4x200x64xf32, #tpu.memory_space<vmem>>, vector<1x1x16xf32>,
        %get3A_1105 = vector.shape_cast %get3A_1104 : vector<1x1x16xf32> to vector<16xf32>
        %add3A_1106 = arith.addf %add3A_1076, %get3A_1105 : vector<16xf32>
        %get3A_1107 = arith.constant 2 : i32
        %get3A_1108 = arith.index_cast %get3A_1107 : i32 to index
        %get3A_1109 = arith.index_cast %scan3A_1085 : i32 to index
        %get3A_1110 = arith.constant 48 : index
        %get3A_1111 = tpu.vector_load %arg8[%get3A_1108, %get3A_1109, %get3A_1110] {strides = array<i32>} : memref<4x200x64xf32, #tpu.memory_space<vmem>>, vector<1x1x16xf32>,
        %get3A_1112 = vector.shape_cast %get3A_1111 : vector<1x1x16xf32> to vector<16xf32>
        %add3A_1113 = arith.addf %add3A_1083, %get3A_1112 : vector<16xf32>
        %scan3A_1114 = arith.constant 18 : i32
        %scan3A_1115 = arith.addi %scan3A_571, %scan3A_1114 : i32
        %get3A_1116 = arith.constant 2 : i32
        %get3A_1117 = arith.index_cast %get3A_1116 : i32 to index
        %get3A_1118 = arith.index_cast %scan3A_1115 : i32 to index
        %get3A_1119 = arith.constant 0 : index
        %get3A_1120 = tpu.vector_load %arg8[%get3A_1117, %get3A_1118, %get3A_1119] {strides = array<i32>} : memref<4x200x64xf32, #tpu.memory_space<vmem>>, vector<1x1x16xf32>,
        %get3A_1121 = vector.shape_cast %get3A_1120 : vector<1x1x16xf32> to vector<16xf32>
        %add3A_1122 = arith.addf %add3A_1092, %get3A_1121 : vector<16xf32>
        %get3A_1123 = arith.constant 2 : i32
        %get3A_1124 = arith.index_cast %get3A_1123 : i32 to index
        %get3A_1125 = arith.index_cast %scan3A_1115 : i32 to index
        %get3A_1126 = arith.constant 16 : index
        %get3A_1127 = tpu.vector_load %arg8[%get3A_1124, %get3A_1125, %get3A_1126] {strides = array<i32>} : memref<4x200x64xf32, #tpu.memory_space<vmem>>, vector<1x1x16xf32>,
        %get3A_1128 = vector.shape_cast %get3A_1127 : vector<1x1x16xf32> to vector<16xf32>
        %add3A_1129 = arith.addf %add3A_1099, %get3A_1128 : vector<16xf32>
        %get3A_1130 = arith.constant 2 : i32
        %get3A_1131 = arith.index_cast %get3A_1130 : i32 to index
        %get3A_1132 = arith.index_cast %scan3A_1115 : i32 to index
        %get3A_1133 = arith.constant 32 : index
        %get3A_1134 = tpu.vector_load %arg8[%get3A_1131, %get3A_1132, %get3A_1133] {strides = array<i32>} : memref<4x200x64xf32, #tpu.memory_space<vmem>>, vector<1x1x16xf32>,
        %get3A_1135 = vector.shape_cast %get3A_1134 : vector<1x1x16xf32> to vector<16xf32>
        %add3A_1136 = arith.addf %add3A_1106, %get3A_1135 : vector<16xf32>
        %get3A_1137 = arith.constant 2 : i32
        %get3A_1138 = arith.index_cast %get3A_1137 : i32 to index
        %get3A_1139 = arith.index_cast %scan3A_1115 : i32 to index
        %get3A_1140 = arith.constant 48 : index
        %get3A_1141 = tpu.vector_load %arg8[%get3A_1138, %get3A_1139, %get3A_1140] {strides = array<i32>} : memref<4x200x64xf32, #tpu.memory_space<vmem>>, vector<1x1x16xf32>,
        %get3A_1142 = vector.shape_cast %get3A_1141 : vector<1x1x16xf32> to vector<16xf32>
        %add3A_1143 = arith.addf %add3A_1113, %get3A_1142 : vector<16xf32>
        %scan3A_1144 = arith.constant 19 : i32
        %scan3A_1145 = arith.addi %scan3A_571, %scan3A_1144 : i32
        %get3A_1146 = arith.constant 2 : i32
        %get3A_1147 = arith.index_cast %get3A_1146 : i32 to index
        %get3A_1148 = arith.index_cast %scan3A_1145 : i32 to index
        %get3A_1149 = arith.constant 0 : index
        %get3A_1150 = tpu.vector_load %arg8[%get3A_1147, %get3A_1148, %get3A_1149] {strides = array<i32>} : memref<4x200x64xf32, #tpu.memory_space<vmem>>, vector<1x1x16xf32>,
        %get3A_1151 = vector.shape_cast %get3A_1150 : vector<1x1x16xf32> to vector<16xf32>
        %add3A_1152 = arith.addf %add3A_1122, %get3A_1151 : vector<16xf32>
        %get3A_1153 = arith.constant 2 : i32
        %get3A_1154 = arith.index_cast %get3A_1153 : i32 to index
        %get3A_1155 = arith.index_cast %scan3A_1145 : i32 to index
        %get3A_1156 = arith.constant 16 : index
        %get3A_1157 = tpu.vector_load %arg8[%get3A_1154, %get3A_1155, %get3A_1156] {strides = array<i32>} : memref<4x200x64xf32, #tpu.memory_space<vmem>>, vector<1x1x16xf32>,
        %get3A_1158 = vector.shape_cast %get3A_1157 : vector<1x1x16xf32> to vector<16xf32>
        %add3A_1159 = arith.addf %add3A_1129, %get3A_1158 : vector<16xf32>
        %get3A_1160 = arith.constant 2 : i32
        %get3A_1161 = arith.index_cast %get3A_1160 : i32 to index
        %get3A_1162 = arith.index_cast %scan3A_1145 : i32 to index
        %get3A_1163 = arith.constant 32 : index
        %get3A_1164 = tpu.vector_load %arg8[%get3A_1161, %get3A_1162, %get3A_1163] {strides = array<i32>} : memref<4x200x64xf32, #tpu.memory_space<vmem>>, vector<1x1x16xf32>,
        %get3A_1165 = vector.shape_cast %get3A_1164 : vector<1x1x16xf32> to vector<16xf32>
        %add3A_1166 = arith.addf %add3A_1136, %get3A_1165 : vector<16xf32>
        %get3A_1167 = arith.constant 2 : i32
        %get3A_1168 = arith.index_cast %get3A_1167 : i32 to index
        %get3A_1169 = arith.index_cast %scan3A_1145 : i32 to index
        %get3A_1170 = arith.constant 48 : index
        %get3A_1171 = tpu.vector_load %arg8[%get3A_1168, %get3A_1169, %get3A_1170] {strides = array<i32>} : memref<4x200x64xf32, #tpu.memory_space<vmem>>, vector<1x1x16xf32>,
        %get3A_1172 = vector.shape_cast %get3A_1171 : vector<1x1x16xf32> to vector<16xf32>
        %add3A_1173 = arith.addf %add3A_1143, %get3A_1172 : vector<16xf32>
        %scan3A_1174 = arith.constant 20 : i32
        %scan3A_1175 = arith.addi %scan3A_571, %scan3A_1174 : i32
        %get3A_1176 = arith.constant 2 : i32
        %get3A_1177 = arith.index_cast %get3A_1176 : i32 to index
        %get3A_1178 = arith.index_cast %scan3A_1175 : i32 to index
        %get3A_1179 = arith.constant 0 : index
        %get3A_1180 = tpu.vector_load %arg8[%get3A_1177, %get3A_1178, %get3A_1179] {strides = array<i32>} : memref<4x200x64xf32, #tpu.memory_space<vmem>>, vector<1x1x16xf32>,
        %get3A_1181 = vector.shape_cast %get3A_1180 : vector<1x1x16xf32> to vector<16xf32>
        %add3A_1182 = arith.addf %add3A_1152, %get3A_1181 : vector<16xf32>
        %get3A_1183 = arith.constant 2 : i32
        %get3A_1184 = arith.index_cast %get3A_1183 : i32 to index
        %get3A_1185 = arith.index_cast %scan3A_1175 : i32 to index
        %get3A_1186 = arith.constant 16 : index
        %get3A_1187 = tpu.vector_load %arg8[%get3A_1184, %get3A_1185, %get3A_1186] {strides = array<i32>} : memref<4x200x64xf32, #tpu.memory_space<vmem>>, vector<1x1x16xf32>,
        %get3A_1188 = vector.shape_cast %get3A_1187 : vector<1x1x16xf32> to vector<16xf32>
        %add3A_1189 = arith.addf %add3A_1159, %get3A_1188 : vector<16xf32>
        %get3A_1190 = arith.constant 2 : i32
        %get3A_1191 = arith.index_cast %get3A_1190 : i32 to index
        %get3A_1192 = arith.index_cast %scan3A_1175 : i32 to index
        %get3A_1193 = arith.constant 32 : index
        %get3A_1194 = tpu.vector_load %arg8[%get3A_1191, %get3A_1192, %get3A_1193] {strides = array<i32>} : memref<4x200x64xf32, #tpu.memory_space<vmem>>, vector<1x1x16xf32>,
        %get3A_1195 = vector.shape_cast %get3A_1194 : vector<1x1x16xf32> to vector<16xf32>
        %add3A_1196 = arith.addf %add3A_1166, %get3A_1195 : vector<16xf32>
        %get3A_1197 = arith.constant 2 : i32
        %get3A_1198 = arith.index_cast %get3A_1197 : i32 to index
        %get3A_1199 = arith.index_cast %scan3A_1175 : i32 to index
        %get3A_1200 = arith.constant 48 : index
        %get3A_1201 = tpu.vector_load %arg8[%get3A_1198, %get3A_1199, %get3A_1200] {strides = array<i32>} : memref<4x200x64xf32, #tpu.memory_space<vmem>>, vector<1x1x16xf32>,
        %get3A_1202 = vector.shape_cast %get3A_1201 : vector<1x1x16xf32> to vector<16xf32>
        %add3A_1203 = arith.addf %add3A_1173, %get3A_1202 : vector<16xf32>
        %scan3A_1204 = arith.constant 21 : i32
        %scan3A_1205 = arith.addi %scan3A_571, %scan3A_1204 : i32
        %get3A_1206 = arith.constant 2 : i32
        %get3A_1207 = arith.index_cast %get3A_1206 : i32 to index
        %get3A_1208 = arith.index_cast %scan3A_1205 : i32 to index
        %get3A_1209 = arith.constant 0 : index
        %get3A_1210 = tpu.vector_load %arg8[%get3A_1207, %get3A_1208, %get3A_1209] {strides = array<i32>} : memref<4x200x64xf32, #tpu.memory_space<vmem>>, vector<1x1x16xf32>,
        %get3A_1211 = vector.shape_cast %get3A_1210 : vector<1x1x16xf32> to vector<16xf32>
        %add3A_1212 = arith.addf %add3A_1182, %get3A_1211 : vector<16xf32>
        %get3A_1213 = arith.constant 2 : i32
        %get3A_1214 = arith.index_cast %get3A_1213 : i32 to index
        %get3A_1215 = arith.index_cast %scan3A_1205 : i32 to index
        %get3A_1216 = arith.constant 16 : index
        %get3A_1217 = tpu.vector_load %arg8[%get3A_1214, %get3A_1215, %get3A_1216] {strides = array<i32>} : memref<4x200x64xf32, #tpu.memory_space<vmem>>, vector<1x1x16xf32>,
        %get3A_1218 = vector.shape_cast %get3A_1217 : vector<1x1x16xf32> to vector<16xf32>
        %add3A_1219 = arith.addf %add3A_1189, %get3A_1218 : vector<16xf32>
        %get3A_1220 = arith.constant 2 : i32
        %get3A_1221 = arith.index_cast %get3A_1220 : i32 to index
        %get3A_1222 = arith.index_cast %scan3A_1205 : i32 to index
        %get3A_1223 = arith.constant 32 : index
        %get3A_1224 = tpu.vector_load %arg8[%get3A_1221, %get3A_1222, %get3A_1223] {strides = array<i32>} : memref<4x200x64xf32, #tpu.memory_space<vmem>>, vector<1x1x16xf32>,
        %get3A_1225 = vector.shape_cast %get3A_1224 : vector<1x1x16xf32> to vector<16xf32>
        %add3A_1226 = arith.addf %add3A_1196, %get3A_1225 : vector<16xf32>
        %get3A_1227 = arith.constant 2 : i32
        %get3A_1228 = arith.index_cast %get3A_1227 : i32 to index
        %get3A_1229 = arith.index_cast %scan3A_1205 : i32 to index
        %get3A_1230 = arith.constant 48 : index
        %get3A_1231 = tpu.vector_load %arg8[%get3A_1228, %get3A_1229, %get3A_1230] {strides = array<i32>} : memref<4x200x64xf32, #tpu.memory_space<vmem>>, vector<1x1x16xf32>,
        %get3A_1232 = vector.shape_cast %get3A_1231 : vector<1x1x16xf32> to vector<16xf32>
        %add3A_1233 = arith.addf %add3A_1203, %get3A_1232 : vector<16xf32>
        %scan3A_1234 = arith.constant 22 : i32
        %scan3A_1235 = arith.addi %scan3A_571, %scan3A_1234 : i32
        %get3A_1236 = arith.constant 2 : i32
        %get3A_1237 = arith.index_cast %get3A_1236 : i32 to index
        %get3A_1238 = arith.index_cast %scan3A_1235 : i32 to index
        %get3A_1239 = arith.constant 0 : index
        %get3A_1240 = tpu.vector_load %arg8[%get3A_1237, %get3A_1238, %get3A_1239] {strides = array<i32>} : memref<4x200x64xf32, #tpu.memory_space<vmem>>, vector<1x1x16xf32>,
        %get3A_1241 = vector.shape_cast %get3A_1240 : vector<1x1x16xf32> to vector<16xf32>
        %add3A_1242 = arith.addf %add3A_1212, %get3A_1241 : vector<16xf32>
        %get3A_1243 = arith.constant 2 : i32
        %get3A_1244 = arith.index_cast %get3A_1243 : i32 to index
        %get3A_1245 = arith.index_cast %scan3A_1235 : i32 to index
        %get3A_1246 = arith.constant 16 : index
        %get3A_1247 = tpu.vector_load %arg8[%get3A_1244, %get3A_1245, %get3A_1246] {strides = array<i32>} : memref<4x200x64xf32, #tpu.memory_space<vmem>>, vector<1x1x16xf32>,
        %get3A_1248 = vector.shape_cast %get3A_1247 : vector<1x1x16xf32> to vector<16xf32>
        %add3A_1249 = arith.addf %add3A_1219, %get3A_1248 : vector<16xf32>
        %get3A_1250 = arith.constant 2 : i32
        %get3A_1251 = arith.index_cast %get3A_1250 : i32 to index
        %get3A_1252 = arith.index_cast %scan3A_1235 : i32 to index
        %get3A_1253 = arith.constant 32 : index
        %get3A_1254 = tpu.vector_load %arg8[%get3A_1251, %get3A_1252, %get3A_1253] {strides = array<i32>} : memref<4x200x64xf32, #tpu.memory_space<vmem>>, vector<1x1x16xf32>,
        %get3A_1255 = vector.shape_cast %get3A_1254 : vector<1x1x16xf32> to vector<16xf32>
        %add3A_1256 = arith.addf %add3A_1226, %get3A_1255 : vector<16xf32>
        %get3A_1257 = arith.constant 2 : i32
        %get3A_1258 = arith.index_cast %get3A_1257 : i32 to index
        %get3A_1259 = arith.index_cast %scan3A_1235 : i32 to index
        %get3A_1260 = arith.constant 48 : index
        %get3A_1261 = tpu.vector_load %arg8[%get3A_1258, %get3A_1259, %get3A_1260] {strides = array<i32>} : memref<4x200x64xf32, #tpu.memory_space<vmem>>, vector<1x1x16xf32>,
        %get3A_1262 = vector.shape_cast %get3A_1261 : vector<1x1x16xf32> to vector<16xf32>
        %add3A_1263 = arith.addf %add3A_1233, %get3A_1262 : vector<16xf32>
        %scan3A_1264 = arith.constant 23 : i32
        %scan3A_1265 = arith.addi %scan3A_571, %scan3A_1264 : i32
        %get3A_1266 = arith.constant 2 : i32
        %get3A_1267 = arith.index_cast %get3A_1266 : i32 to index
        %get3A_1268 = arith.index_cast %scan3A_1265 : i32 to index
        %get3A_1269 = arith.constant 0 : index
        %get3A_1270 = tpu.vector_load %arg8[%get3A_1267, %get3A_1268, %get3A_1269] {strides = array<i32>} : memref<4x200x64xf32, #tpu.memory_space<vmem>>, vector<1x1x16xf32>,
        %get3A_1271 = vector.shape_cast %get3A_1270 : vector<1x1x16xf32> to vector<16xf32>
        %add3A_1272 = arith.addf %add3A_1242, %get3A_1271 : vector<16xf32>
        %get3A_1273 = arith.constant 2 : i32
        %get3A_1274 = arith.index_cast %get3A_1273 : i32 to index
        %get3A_1275 = arith.index_cast %scan3A_1265 : i32 to index
        %get3A_1276 = arith.constant 16 : index
        %get3A_1277 = tpu.vector_load %arg8[%get3A_1274, %get3A_1275, %get3A_1276] {strides = array<i32>} : memref<4x200x64xf32, #tpu.memory_space<vmem>>, vector<1x1x16xf32>,
        %get3A_1278 = vector.shape_cast %get3A_1277 : vector<1x1x16xf32> to vector<16xf32>
        %add3A_1279 = arith.addf %add3A_1249, %get3A_1278 : vector<16xf32>
        %get3A_1280 = arith.constant 2 : i32
        %get3A_1281 = arith.index_cast %get3A_1280 : i32 to index
        %get3A_1282 = arith.index_cast %scan3A_1265 : i32 to index
        %get3A_1283 = arith.constant 32 : index
        %get3A_1284 = tpu.vector_load %arg8[%get3A_1281, %get3A_1282, %get3A_1283] {strides = array<i32>} : memref<4x200x64xf32, #tpu.memory_space<vmem>>, vector<1x1x16xf32>,
        %get3A_1285 = vector.shape_cast %get3A_1284 : vector<1x1x16xf32> to vector<16xf32>
        %add3A_1286 = arith.addf %add3A_1256, %get3A_1285 : vector<16xf32>
        %get3A_1287 = arith.constant 2 : i32
        %get3A_1288 = arith.index_cast %get3A_1287 : i32 to index
        %get3A_1289 = arith.index_cast %scan3A_1265 : i32 to index
        %get3A_1290 = arith.constant 48 : index
        %get3A_1291 = tpu.vector_load %arg8[%get3A_1288, %get3A_1289, %get3A_1290] {strides = array<i32>} : memref<4x200x64xf32, #tpu.memory_space<vmem>>, vector<1x1x16xf32>,
        %get3A_1292 = vector.shape_cast %get3A_1291 : vector<1x1x16xf32> to vector<16xf32>
        %add3A_1293 = arith.addf %add3A_1263, %get3A_1292 : vector<16xf32>
        %scan3A_1294 = arith.constant 24 : i32
        %scan3A_1295 = arith.addi %scan3A_571, %scan3A_1294 : i32
        %get3A_1296 = arith.constant 2 : i32
        %get3A_1297 = arith.index_cast %get3A_1296 : i32 to index
        %get3A_1298 = arith.index_cast %scan3A_1295 : i32 to index
        %get3A_1299 = arith.constant 0 : index
        %get3A_1300 = tpu.vector_load %arg8[%get3A_1297, %get3A_1298, %get3A_1299] {strides = array<i32>} : memref<4x200x64xf32, #tpu.memory_space<vmem>>, vector<1x1x16xf32>,
        %get3A_1301 = vector.shape_cast %get3A_1300 : vector<1x1x16xf32> to vector<16xf32>
        %add3A_1302 = arith.addf %add3A_1272, %get3A_1301 : vector<16xf32>
        %get3A_1303 = arith.constant 2 : i32
        %get3A_1304 = arith.index_cast %get3A_1303 : i32 to index
        %get3A_1305 = arith.index_cast %scan3A_1295 : i32 to index
        %get3A_1306 = arith.constant 16 : index
        %get3A_1307 = tpu.vector_load %arg8[%get3A_1304, %get3A_1305, %get3A_1306] {strides = array<i32>} : memref<4x200x64xf32, #tpu.memory_space<vmem>>, vector<1x1x16xf32>,
        %get3A_1308 = vector.shape_cast %get3A_1307 : vector<1x1x16xf32> to vector<16xf32>
        %add3A_1309 = arith.addf %add3A_1279, %get3A_1308 : vector<16xf32>
        %get3A_1310 = arith.constant 2 : i32
        %get3A_1311 = arith.index_cast %get3A_1310 : i32 to index
        %get3A_1312 = arith.index_cast %scan3A_1295 : i32 to index
        %get3A_1313 = arith.constant 32 : index
        %get3A_1314 = tpu.vector_load %arg8[%get3A_1311, %get3A_1312, %get3A_1313] {strides = array<i32>} : memref<4x200x64xf32, #tpu.memory_space<vmem>>, vector<1x1x16xf32>,
        %get3A_1315 = vector.shape_cast %get3A_1314 : vector<1x1x16xf32> to vector<16xf32>
        %add3A_1316 = arith.addf %add3A_1286, %get3A_1315 : vector<16xf32>
        %get3A_1317 = arith.constant 2 : i32
        %get3A_1318 = arith.index_cast %get3A_1317 : i32 to index
        %get3A_1319 = arith.index_cast %scan3A_1295 : i32 to index
        %get3A_1320 = arith.constant 48 : index
        %get3A_1321 = tpu.vector_load %arg8[%get3A_1318, %get3A_1319, %get3A_1320] {strides = array<i32>} : memref<4x200x64xf32, #tpu.memory_space<vmem>>, vector<1x1x16xf32>,
        %get3A_1322 = vector.shape_cast %get3A_1321 : vector<1x1x16xf32> to vector<16xf32>
        %add3A_1323 = arith.addf %add3A_1293, %get3A_1322 : vector<16xf32>
        scf.yield %add3A_1302, %add3A_1309, %add3A_1316, %add3A_1323 : vector<16xf32>, vector<16xf32>, vector<16xf32>, vector<16xf32>
      }
      %scan3A_449 = arith.constant 200 : i32
      %get3A_450 = arith.index_cast %add3A_386 : i32 to index
      %get3A_451 = arith.constant 0 : index
      %get3A_452 = tpu.vector_load %arg7[%get3A_450, %get3A_451] {strides = array<i32>} : memref<128x16xf32, #tpu.memory_space<vmem>>, vector<1x16xf32>,
      %get3A_453 = vector.shape_cast %get3A_452 : vector<1x16xf32> to vector<16xf32>
      %mul3A_454 = arith.mulf %scan3A_448#0, %get3A_453 : vector<16xf32>
      %swap3A_455 = arith.index_cast %add3A_386 : i32 to index
      %swap3A_456 = arith.constant 0 : index
      %swap3A_457 = tpu.vector_load %arg9[%swap3A_455, %swap3A_456] {strides = array<i32>} : memref<128x64xf32, #tpu.memory_space<vmem>>, vector<1x16xf32>,
      %swap3A_458 = vector.shape_cast %swap3A_457 : vector<1x16xf32> to vector<16xf32>
      %swap3A_459 = vector.shape_cast %mul3A_454 : vector<16xf32> to vector<1x16xf32>
      tpu.vector_store %arg9[%swap3A_455, %swap3A_456], %swap3A_459 {strides = array<i32>} : memref<128x64xf32, #tpu.memory_space<vmem>>, vector<1x16xf32>,
      %mul3A_460 = arith.mulf %scan3A_448#1, %get3A_453 : vector<16xf32>
      %swap3A_461 = arith.index_cast %add3A_386 : i32 to index
      %swap3A_462 = arith.constant 16 : index
      %swap3A_463 = tpu.vector_load %arg9[%swap3A_461, %swap3A_462] {strides = array<i32>} : memref<128x64xf32, #tpu.memory_space<vmem>>, vector<1x16xf32>,
      %swap3A_464 = vector.shape_cast %swap3A_463 : vector<1x16xf32> to vector<16xf32>
      %swap3A_465 = vector.shape_cast %mul3A_460 : vector<16xf32> to vector<1x16xf32>
      tpu.vector_store %arg9[%swap3A_461, %swap3A_462], %swap3A_465 {strides = array<i32>} : memref<128x64xf32, #tpu.memory_space<vmem>>, vector<1x16xf32>,
      %mul3A_466 = arith.mulf %scan3A_448#2, %get3A_453 : vector<16xf32>
      %swap3A_467 = arith.index_cast %add3A_386 : i32 to index
      %swap3A_468 = arith.constant 32 : index
      %swap3A_469 = tpu.vector_load %arg9[%swap3A_467, %swap3A_468] {strides = array<i32>} : memref<128x64xf32, #tpu.memory_space<vmem>>, vector<1x16xf32>,
      %swap3A_470 = vector.shape_cast %swap3A_469 : vector<1x16xf32> to vector<16xf32>
      %swap3A_471 = vector.shape_cast %mul3A_466 : vector<16xf32> to vector<1x16xf32>
      tpu.vector_store %arg9[%swap3A_467, %swap3A_468], %swap3A_471 {strides = array<i32>} : memref<128x64xf32, #tpu.memory_space<vmem>>, vector<1x16xf32>,
      %mul3A_472 = arith.mulf %scan3A_448#3, %get3A_453 : vector<16xf32>
      %swap3A_473 = arith.index_cast %add3A_386 : i32 to index
      %swap3A_474 = arith.constant 48 : index
      %swap3A_475 = tpu.vector_load %arg9[%swap3A_473, %swap3A_474] {strides = array<i32>} : memref<128x64xf32, #tpu.memory_space<vmem>>, vector<1x16xf32>,
      %swap3A_476 = vector.shape_cast %swap3A_475 : vector<1x16xf32> to vector<16xf32>
      %swap3A_477 = vector.shape_cast %mul3A_472 : vector<16xf32> to vector<1x16xf32>
      tpu.vector_store %arg9[%swap3A_473, %swap3A_474], %swap3A_477 {strides = array<i32>} : memref<128x64xf32, #tpu.memory_space<vmem>>, vector<1x16xf32>,
      %add3A_478 = arith.constant 3 : i32
      %add3A_479 = arith.addi %mul3A_205, %add3A_478 : i32
      %dma_wait3A_480 = arith.constant 0 : i32
      %dma_wait3A_481 = arith.constant 3 : i32
      %dma_wait3A_482 = arith.constant 0 : i32
      %dma_wait3A_483 = arith.constant 0 : i32
      %dma_wait3A_484 = tpu.memref_slice %arg8[%dma_wait3A_481, %dma_wait3A_482, %dma_wait3A_483] : memref<4x200x64xf32, #tpu.memory_space<vmem>> -> memref<1x50x64xf32, #tpu.memory_space<vmem>>
      %dma_wait3A_485 = tpu.memref_squeeze %dma_wait3A_484 : memref<1x50x64xf32, #tpu.memory_space<vmem>> -> memref<50x64xf32, #tpu.memory_space<vmem>>
      %dma_wait3A_486 = arith.constant 0 : i32
      %dma_wait3A_487 = tpu.memref_slice %arg6[%dma_wait3A_480, %dma_wait3A_486] : memref<512x50xi32, #tpu.memory_space<vmem>> -> memref<1x50xi32, #tpu.memory_space<vmem>>
      %dma_wait3A_488 = tpu.memref_squeeze %dma_wait3A_487 : memref<1x50xi32, #tpu.memory_space<vmem>> -> memref<50xi32, #tpu.memory_space<vmem>>
      %dma_wait3A_489 = arith.constant 0 : i32
      %dma_wait3A_490 = arith.constant 0 : i32
      %dma_wait3A_491 = tpu.memref_slice %arg2[%dma_wait3A_489, %dma_wait3A_490] : memref<1000000x64xf32, #tpu.memory_space<hbm>> -> memref<1000000x64xf32, #tpu.memory_space<hbm>>
      tpu.wait_indirect_dma semaphore(%arg13 : memref<!tpu.dma_semaphore, #tpu.memory_space<semaphore_mem>>) src(%dma_wait3A_491 : memref<1000000x64xf32, #tpu.memory_space<hbm>>) dst(%dma_wait3A_485 : memref<50x64xf32, #tpu.memory_space<vmem>>)
      %dma_wait3A_492 = arith.constant 0 : i32
      %dma_wait3A_493 = arith.constant 3 : i32
      %dma_wait3A_494 = arith.constant 50 : i32
      %dma_wait3A_495 = arith.constant 0 : i32
      %dma_wait3A_496 = tpu.memref_slice %arg8[%dma_wait3A_493, %dma_wait3A_494, %dma_wait3A_495] : memref<4x200x64xf32, #tpu.memory_space<vmem>> -> memref<1x50x64xf32, #tpu.memory_space<vmem>>
      %dma_wait3A_497 = tpu.memref_squeeze %dma_wait3A_496 : memref<1x50x64xf32, #tpu.memory_space<vmem>> -> memref<50x64xf32, #tpu.memory_space<vmem>>
      %dma_wait3A_498 = arith.constant 0 : i32
      %dma_wait3A_499 = tpu.memref_slice %arg6[%dma_wait3A_492, %dma_wait3A_498] : memref<512x50xi32, #tpu.memory_space<vmem>> -> memref<1x50xi32, #tpu.memory_space<vmem>>
      %dma_wait3A_500 = tpu.memref_squeeze %dma_wait3A_499 : memref<1x50xi32, #tpu.memory_space<vmem>> -> memref<50xi32, #tpu.memory_space<vmem>>
      %dma_wait3A_501 = arith.constant 0 : i32
      %dma_wait3A_502 = arith.constant 0 : i32
      %dma_wait3A_503 = tpu.memref_slice %arg2[%dma_wait3A_501, %dma_wait3A_502] : memref<1000000x64xf32, #tpu.memory_space<hbm>> -> memref<1000000x64xf32, #tpu.memory_space<hbm>>
      tpu.wait_indirect_dma semaphore(%arg13 : memref<!tpu.dma_semaphore, #tpu.memory_space<semaphore_mem>>) src(%dma_wait3A_503 : memref<1000000x64xf32, #tpu.memory_space<hbm>>) dst(%dma_wait3A_497 : memref<50x64xf32, #tpu.memory_space<vmem>>)
      %dma_wait3A_504 = arith.constant 0 : i32
      %dma_wait3A_505 = arith.constant 3 : i32
      %dma_wait3A_506 = arith.constant 100 : i32
      %dma_wait3A_507 = arith.constant 0 : i32
      %dma_wait3A_508 = tpu.memref_slice %arg8[%dma_wait3A_505, %dma_wait3A_506, %dma_wait3A_507] : memref<4x200x64xf32, #tpu.memory_space<vmem>> -> memref<1x50x64xf32, #tpu.memory_space<vmem>>
      %dma_wait3A_509 = tpu.memref_squeeze %dma_wait3A_508 : memref<1x50x64xf32, #tpu.memory_space<vmem>> -> memref<50x64xf32, #tpu.memory_space<vmem>>
      %dma_wait3A_510 = arith.constant 0 : i32
      %dma_wait3A_511 = tpu.memref_slice %arg6[%dma_wait3A_504, %dma_wait3A_510] : memref<512x50xi32, #tpu.memory_space<vmem>> -> memref<1x50xi32, #tpu.memory_space<vmem>>
      %dma_wait3A_512 = tpu.memref_squeeze %dma_wait3A_511 : memref<1x50xi32, #tpu.memory_space<vmem>> -> memref<50xi32, #tpu.memory_space<vmem>>
      %dma_wait3A_513 = arith.constant 0 : i32
      %dma_wait3A_514 = arith.constant 0 : i32
      %dma_wait3A_515 = tpu.memref_slice %arg2[%dma_wait3A_513, %dma_wait3A_514] : memref<1000000x64xf32, #tpu.memory_space<hbm>> -> memref<1000000x64xf32, #tpu.memory_space<hbm>>
      tpu.wait_indirect_dma semaphore(%arg13 : memref<!tpu.dma_semaphore, #tpu.memory_space<semaphore_mem>>) src(%dma_wait3A_515 : memref<1000000x64xf32, #tpu.memory_space<hbm>>) dst(%dma_wait3A_509 : memref<50x64xf32, #tpu.memory_space<vmem>>)
      %dma_wait3A_516 = arith.constant 0 : i32
      %dma_wait3A_517 = arith.constant 3 : i32
      %dma_wait3A_518 = arith.constant 150 : i32
      %dma_wait3A_519 = arith.constant 0 : i32
      %dma_wait3A_520 = tpu.memref_slice %arg8[%dma_wait3A_517, %dma_wait3A_518, %dma_wait3A_519] : memref<4x200x64xf32, #tpu.memory_space<vmem>> -> memref<1x50x64xf32, #tpu.memory_space<vmem>>
      %dma_wait3A_521 = tpu.memref_squeeze %dma_wait3A_520 : memref<1x50x64xf32, #tpu.memory_space<vmem>> -> memref<50x64xf32, #tpu.memory_space<vmem>>
      %dma_wait3A_522 = arith.constant 0 : i32
      %dma_wait3A_523 = tpu.memref_slice %arg6[%dma_wait3A_516, %dma_wait3A_522] : memref<512x50xi32, #tpu.memory_space<vmem>> -> memref<1x50xi32, #tpu.memory_space<vmem>>
      %dma_wait3A_524 = tpu.memref_squeeze %dma_wait3A_523 : memref<1x50xi32, #tpu.memory_space<vmem>> -> memref<50xi32, #tpu.memory_space<vmem>>
      %dma_wait3A_525 = arith.constant 0 : i32
      %dma_wait3A_526 = arith.constant 0 : i32
      %dma_wait3A_527 = tpu.memref_slice %arg2[%dma_wait3A_525, %dma_wait3A_526] : memref<1000000x64xf32, #tpu.memory_space<hbm>> -> memref<1000000x64xf32, #tpu.memory_space<hbm>>
      tpu.wait_indirect_dma semaphore(%arg13 : memref<!tpu.dma_semaphore, #tpu.memory_space<semaphore_mem>>) src(%dma_wait3A_527 : memref<1000000x64xf32, #tpu.memory_space<hbm>>) dst(%dma_wait3A_521 : memref<50x64xf32, #tpu.memory_space<vmem>>)
      %add3A_528 = arith.constant 3 : i32
      %add3A_529 = arith.addi %add3A_479, %add3A_528 : i32
      %lt3A_530 = arith.constant 128 : i32
      %lt3A_531 = arith.cmpi slt, %add3A_529, %lt3A_530 : i32
      %convert_element_type3A_532 = arith.extui %lt3A_531 : i1 to i32
      %cond3A_533 = arith.constant 0 : i32
      %cond3A_534 = arith.cmpi ne, %convert_element_type3A_532, %cond3A_533 : i32
      scf.if %cond3A_534 {
        %mul3A_571 = arith.constant 4 : i32
        %mul3A_572 = arith.muli %mul3A_571, %add3A_529 : i32
        %add3A_573 = arith.constant 0 : i32
        %add3A_574 = arith.addi %mul3A_572, %add3A_573 : i32
        %dma_start3A_575 = arith.constant 2 : i32
        %dma_start3A_576 = arith.constant 0 : i32
        %dma_start3A_577 = arith.constant 0 : i32
        %dma_start3A_578 = tpu.memref_slice %arg8[%dma_start3A_575, %dma_start3A_576, %dma_start3A_577] : memref<4x200x64xf32, #tpu.memory_space<vmem>> -> memref<1x50x64xf32, #tpu.memory_space<vmem>>
        %dma_start3A_579 = tpu.memref_squeeze %dma_start3A_578 : memref<1x50x64xf32, #tpu.memory_space<vmem>> -> memref<50x64xf32, #tpu.memory_space<vmem>>
        %dma_start3A_580 = arith.constant 0 : i32
        %dma_start3A_581 = tpu.memref_slice %arg6[%add3A_574, %dma_start3A_580] : memref<512x50xi32, #tpu.memory_space<vmem>> -> memref<1x50xi32, #tpu.memory_space<vmem>>
        %dma_start3A_582 = tpu.memref_squeeze %dma_start3A_581 : memref<1x50xi32, #tpu.memory_space<vmem>> -> memref<50xi32, #tpu.memory_space<vmem>>
        %dma_start3A_583 = arith.constant 0 : i32
        %dma_start3A_584 = arith.constant 0 : i32
        %dma_start3A_585 = tpu.memref_slice %arg2[%dma_start3A_583, %dma_start3A_584] : memref<1000000x64xf32, #tpu.memory_space<hbm>> -> memref<1000000x64xf32, #tpu.memory_space<hbm>>
        tpu.enqueue_indirect_dma source(%dma_start3A_585 : memref<1000000x64xf32, #tpu.memory_space<hbm>>) target(%dma_start3A_579 : memref<50x64xf32, #tpu.memory_space<vmem>>) offsets(%dma_start3A_582 : memref<50xi32, #tpu.memory_space<vmem>>) semaphore(%arg12 : memref<!tpu.dma_semaphore, #tpu.memory_space<semaphore_mem>>)
        %mul3A_586 = arith.constant 4 : i32
        %mul3A_587 = arith.muli %mul3A_586, %add3A_529 : i32
        %add3A_588 = arith.constant 1 : i32
        %add3A_589 = arith.addi %mul3A_587, %add3A_588 : i32
        %dma_start3A_590 = arith.constant 2 : i32
        %dma_start3A_591 = arith.constant 50 : i32
        %dma_start3A_592 = arith.constant 0 : i32
        %dma_start3A_593 = tpu.memref_slice %arg8[%dma_start3A_590, %dma_start3A_591, %dma_start3A_592] : memref<4x200x64xf32, #tpu.memory_space<vmem>> -> memref<1x50x64xf32, #tpu.memory_space<vmem>>
        %dma_start3A_594 = tpu.memref_squeeze %dma_start3A_593 : memref<1x50x64xf32, #tpu.memory_space<vmem>> -> memref<50x64xf32, #tpu.memory_space<vmem>>
        %dma_start3A_595 = arith.constant 0 : i32
        %dma_start3A_596 = tpu.memref_slice %arg6[%add3A_589, %dma_start3A_595] : memref<512x50xi32, #tpu.memory_space<vmem>> -> memref<1x50xi32, #tpu.memory_space<vmem>>
        %dma_start3A_597 = tpu.memref_squeeze %dma_start3A_596 : memref<1x50xi32, #tpu.memory_space<vmem>> -> memref<50xi32, #tpu.memory_space<vmem>>
        %dma_start3A_598 = arith.constant 0 : i32
        %dma_start3A_599 = arith.constant 0 : i32
        %dma_start3A_600 = tpu.memref_slice %arg2[%dma_start3A_598, %dma_start3A_599] : memref<1000000x64xf32, #tpu.memory_space<hbm>> -> memref<1000000x64xf32, #tpu.memory_space<hbm>>
        tpu.enqueue_indirect_dma source(%dma_start3A_600 : memref<1000000x64xf32, #tpu.memory_space<hbm>>) target(%dma_start3A_594 : memref<50x64xf32, #tpu.memory_space<vmem>>) offsets(%dma_start3A_597 : memref<50xi32, #tpu.memory_space<vmem>>) semaphore(%arg12 : memref<!tpu.dma_semaphore, #tpu.memory_space<semaphore_mem>>)
        %mul3A_601 = arith.constant 4 : i32
        %mul3A_602 = arith.muli %mul3A_601, %add3A_529 : i32
        %add3A_603 = arith.constant 2 : i32
        %add3A_604 = arith.addi %mul3A_602, %add3A_603 : i32
        %dma_start3A_605 = arith.constant 2 : i32
        %dma_start3A_606 = arith.constant 100 : i32
        %dma_start3A_607 = arith.constant 0 : i32
        %dma_start3A_608 = tpu.memref_slice %arg8[%dma_start3A_605, %dma_start3A_606, %dma_start3A_607] : memref<4x200x64xf32, #tpu.memory_space<vmem>> -> memref<1x50x64xf32, #tpu.memory_space<vmem>>
        %dma_start3A_609 = tpu.memref_squeeze %dma_start3A_608 : memref<1x50x64xf32, #tpu.memory_space<vmem>> -> memref<50x64xf32, #tpu.memory_space<vmem>>
        %dma_start3A_610 = arith.constant 0 : i32
        %dma_start3A_611 = tpu.memref_slice %arg6[%add3A_604, %dma_start3A_610] : memref<512x50xi32, #tpu.memory_space<vmem>> -> memref<1x50xi32, #tpu.memory_space<vmem>>
        %dma_start3A_612 = tpu.memref_squeeze %dma_start3A_611 : memref<1x50xi32, #tpu.memory_space<vmem>> -> memref<50xi32, #tpu.memory_space<vmem>>
        %dma_start3A_613 = arith.constant 0 : i32
        %dma_start3A_614 = arith.constant 0 : i32
        %dma_start3A_615 = tpu.memref_slice %arg2[%dma_start3A_613, %dma_start3A_614] : memref<1000000x64xf32, #tpu.memory_space<hbm>> -> memref<1000000x64xf32, #tpu.memory_space<hbm>>
        tpu.enqueue_indirect_dma source(%dma_start3A_615 : memref<1000000x64xf32, #tpu.memory_space<hbm>>) target(%dma_start3A_609 : memref<50x64xf32, #tpu.memory_space<vmem>>) offsets(%dma_start3A_612 : memref<50xi32, #tpu.memory_space<vmem>>) semaphore(%arg12 : memref<!tpu.dma_semaphore, #tpu.memory_space<semaphore_mem>>)
        %mul3A_616 = arith.constant 4 : i32
        %mul3A_617 = arith.muli %mul3A_616, %add3A_529 : i32
        %add3A_618 = arith.constant 3 : i32
        %add3A_619 = arith.addi %mul3A_617, %add3A_618 : i32
        %dma_start3A_620 = arith.constant 2 : i32
        %dma_start3A_621 = arith.constant 150 : i32
        %dma_start3A_622 = arith.constant 0 : i32
        %dma_start3A_623 = tpu.memref_slice %arg8[%dma_start3A_620, %dma_start3A_621, %dma_start3A_622] : memref<4x200x64xf32, #tpu.memory_space<vmem>> -> memref<1x50x64xf32, #tpu.memory_space<vmem>>
        %dma_start3A_624 = tpu.memref_squeeze %dma_start3A_623 : memref<1x50x64xf32, #tpu.memory_space<vmem>> -> memref<50x64xf32, #tpu.memory_space<vmem>>
        %dma_start3A_625 = arith.constant 0 : i32
        %dma_start3A_626 = tpu.memref_slice %arg6[%add3A_619, %dma_start3A_625] : memref<512x50xi32, #tpu.memory_space<vmem>> -> memref<1x50xi32, #tpu.memory_space<vmem>>
        %dma_start3A_627 = tpu.memref_squeeze %dma_start3A_626 : memref<1x50xi32, #tpu.memory_space<vmem>> -> memref<50xi32, #tpu.memory_space<vmem>>
        %dma_start3A_628 = arith.constant 0 : i32
        %dma_start3A_629 = arith.constant 0 : i32
        %dma_start3A_630 = tpu.memref_slice %arg2[%dma_start3A_628, %dma_start3A_629] : memref<1000000x64xf32, #tpu.memory_space<hbm>> -> memref<1000000x64xf32, #tpu.memory_space<hbm>>
        tpu.enqueue_indirect_dma source(%dma_start3A_630 : memref<1000000x64xf32, #tpu.memory_space<hbm>>) target(%dma_start3A_624 : memref<50x64xf32, #tpu.memory_space<vmem>>) offsets(%dma_start3A_627 : memref<50xi32, #tpu.memory_space<vmem>>) semaphore(%arg12 : memref<!tpu.dma_semaphore, #tpu.memory_space<semaphore_mem>>)
      } else {
      }
      %broadcast_in_dim3A_535 = arith.constant 0.000000e+00 : f32
      %broadcast_in_dim3A_536 = vector.broadcast %broadcast_in_dim3A_535 : f32 to vector<16xf32>
      %scan3A_537 = arith.constant 0 : i32
      %scan3A_538 = arith.constant 200 : i32
      %scan3A_539 = arith.addi %scan3A_537, %scan3A_538 : i32
      %scan3A_540 = arith.constant 25 : i32
      %scan3A_541:4 = scf.for %scan3A_571 = %scan3A_537 to %scan3A_539 step %scan3A_540 iter_args(%scan3A_572 = %broadcast_in_dim3A_536, %scan3A_573 = %broadcast_in_dim3A_536, %scan3A_574 = %broadcast_in_dim3A_536, %scan3A_575 = %broadcast_in_dim3A_536) -> (vector<16xf32>, vector<16xf32>, vector<16xf32>, vector<16xf32>)  : i32 {
        %get3A_576 = arith.constant 3 : i32
        %get3A_577 = arith.index_cast %get3A_576 : i32 to index
        %get3A_578 = arith.index_cast %scan3A_571 : i32 to index
        %get3A_579 = arith.constant 0 : index
        %get3A_580 = tpu.vector_load %arg8[%get3A_577, %get3A_578, %get3A_579] {strides = array<i32>} : memref<4x200x64xf32, #tpu.memory_space<vmem>>, vector<1x1x16xf32>,
        %get3A_581 = vector.shape_cast %get3A_580 : vector<1x1x16xf32> to vector<16xf32>
        %add3A_582 = arith.addf %scan3A_572, %get3A_581 : vector<16xf32>
        %get3A_583 = arith.constant 3 : i32
        %get3A_584 = arith.index_cast %get3A_583 : i32 to index
        %get3A_585 = arith.index_cast %scan3A_571 : i32 to index
        %get3A_586 = arith.constant 16 : index
        %get3A_587 = tpu.vector_load %arg8[%get3A_584, %get3A_585, %get3A_586] {strides = array<i32>} : memref<4x200x64xf32, #tpu.memory_space<vmem>>, vector<1x1x16xf32>,
        %get3A_588 = vector.shape_cast %get3A_587 : vector<1x1x16xf32> to vector<16xf32>
        %add3A_589 = arith.addf %scan3A_573, %get3A_588 : vector<16xf32>
        %get3A_590 = arith.constant 3 : i32
        %get3A_591 = arith.index_cast %get3A_590 : i32 to index
        %get3A_592 = arith.index_cast %scan3A_571 : i32 to index
        %get3A_593 = arith.constant 32 : index
        %get3A_594 = tpu.vector_load %arg8[%get3A_591, %get3A_592, %get3A_593] {strides = array<i32>} : memref<4x200x64xf32, #tpu.memory_space<vmem>>, vector<1x1x16xf32>,
        %get3A_595 = vector.shape_cast %get3A_594 : vector<1x1x16xf32> to vector<16xf32>
        %add3A_596 = arith.addf %scan3A_574, %get3A_595 : vector<16xf32>
        %get3A_597 = arith.constant 3 : i32
        %get3A_598 = arith.index_cast %get3A_597 : i32 to index
        %get3A_599 = arith.index_cast %scan3A_571 : i32 to index
        %get3A_600 = arith.constant 48 : index
        %get3A_601 = tpu.vector_load %arg8[%get3A_598, %get3A_599, %get3A_600] {strides = array<i32>} : memref<4x200x64xf32, #tpu.memory_space<vmem>>, vector<1x1x16xf32>,
        %get3A_602 = vector.shape_cast %get3A_601 : vector<1x1x16xf32> to vector<16xf32>
        %add3A_603 = arith.addf %scan3A_575, %get3A_602 : vector<16xf32>
        %scan3A_604 = arith.constant 1 : i32
        %scan3A_605 = arith.addi %scan3A_571, %scan3A_604 : i32
        %get3A_606 = arith.constant 3 : i32
        %get3A_607 = arith.index_cast %get3A_606 : i32 to index
        %get3A_608 = arith.index_cast %scan3A_605 : i32 to index
        %get3A_609 = arith.constant 0 : index
        %get3A_610 = tpu.vector_load %arg8[%get3A_607, %get3A_608, %get3A_609] {strides = array<i32>} : memref<4x200x64xf32, #tpu.memory_space<vmem>>, vector<1x1x16xf32>,
        %get3A_611 = vector.shape_cast %get3A_610 : vector<1x1x16xf32> to vector<16xf32>
        %add3A_612 = arith.addf %add3A_582, %get3A_611 : vector<16xf32>
        %get3A_613 = arith.constant 3 : i32
        %get3A_614 = arith.index_cast %get3A_613 : i32 to index
        %get3A_615 = arith.index_cast %scan3A_605 : i32 to index
        %get3A_616 = arith.constant 16 : index
        %get3A_617 = tpu.vector_load %arg8[%get3A_614, %get3A_615, %get3A_616] {strides = array<i32>} : memref<4x200x64xf32, #tpu.memory_space<vmem>>, vector<1x1x16xf32>,
        %get3A_618 = vector.shape_cast %get3A_617 : vector<1x1x16xf32> to vector<16xf32>
        %add3A_619 = arith.addf %add3A_589, %get3A_618 : vector<16xf32>
        %get3A_620 = arith.constant 3 : i32
        %get3A_621 = arith.index_cast %get3A_620 : i32 to index
        %get3A_622 = arith.index_cast %scan3A_605 : i32 to index
        %get3A_623 = arith.constant 32 : index
        %get3A_624 = tpu.vector_load %arg8[%get3A_621, %get3A_622, %get3A_623] {strides = array<i32>} : memref<4x200x64xf32, #tpu.memory_space<vmem>>, vector<1x1x16xf32>,
        %get3A_625 = vector.shape_cast %get3A_624 : vector<1x1x16xf32> to vector<16xf32>
        %add3A_626 = arith.addf %add3A_596, %get3A_625 : vector<16xf32>
        %get3A_627 = arith.constant 3 : i32
        %get3A_628 = arith.index_cast %get3A_627 : i32 to index
        %get3A_629 = arith.index_cast %scan3A_605 : i32 to index
        %get3A_630 = arith.constant 48 : index
        %get3A_631 = tpu.vector_load %arg8[%get3A_628, %get3A_629, %get3A_630] {strides = array<i32>} : memref<4x200x64xf32, #tpu.memory_space<vmem>>, vector<1x1x16xf32>,
        %get3A_632 = vector.shape_cast %get3A_631 : vector<1x1x16xf32> to vector<16xf32>
        %add3A_633 = arith.addf %add3A_603, %get3A_632 : vector<16xf32>
        %scan3A_634 = arith.constant 2 : i32
        %scan3A_635 = arith.addi %scan3A_571, %scan3A_634 : i32
        %get3A_636 = arith.constant 3 : i32
        %get3A_637 = arith.index_cast %get3A_636 : i32 to index
        %get3A_638 = arith.index_cast %scan3A_635 : i32 to index
        %get3A_639 = arith.constant 0 : index
        %get3A_640 = tpu.vector_load %arg8[%get3A_637, %get3A_638, %get3A_639] {strides = array<i32>} : memref<4x200x64xf32, #tpu.memory_space<vmem>>, vector<1x1x16xf32>,
        %get3A_641 = vector.shape_cast %get3A_640 : vector<1x1x16xf32> to vector<16xf32>
        %add3A_642 = arith.addf %add3A_612, %get3A_641 : vector<16xf32>
        %get3A_643 = arith.constant 3 : i32
        %get3A_644 = arith.index_cast %get3A_643 : i32 to index
        %get3A_645 = arith.index_cast %scan3A_635 : i32 to index
        %get3A_646 = arith.constant 16 : index
        %get3A_647 = tpu.vector_load %arg8[%get3A_644, %get3A_645, %get3A_646] {strides = array<i32>} : memref<4x200x64xf32, #tpu.memory_space<vmem>>, vector<1x1x16xf32>,
        %get3A_648 = vector.shape_cast %get3A_647 : vector<1x1x16xf32> to vector<16xf32>
        %add3A_649 = arith.addf %add3A_619, %get3A_648 : vector<16xf32>
        %get3A_650 = arith.constant 3 : i32
        %get3A_651 = arith.index_cast %get3A_650 : i32 to index
        %get3A_652 = arith.index_cast %scan3A_635 : i32 to index
        %get3A_653 = arith.constant 32 : index
        %get3A_654 = tpu.vector_load %arg8[%get3A_651, %get3A_652, %get3A_653] {strides = array<i32>} : memref<4x200x64xf32, #tpu.memory_space<vmem>>, vector<1x1x16xf32>,
        %get3A_655 = vector.shape_cast %get3A_654 : vector<1x1x16xf32> to vector<16xf32>
        %add3A_656 = arith.addf %add3A_626, %get3A_655 : vector<16xf32>
        %get3A_657 = arith.constant 3 : i32
        %get3A_658 = arith.index_cast %get3A_657 : i32 to index
        %get3A_659 = arith.index_cast %scan3A_635 : i32 to index
        %get3A_660 = arith.constant 48 : index
        %get3A_661 = tpu.vector_load %arg8[%get3A_658, %get3A_659, %get3A_660] {strides = array<i32>} : memref<4x200x64xf32, #tpu.memory_space<vmem>>, vector<1x1x16xf32>,
        %get3A_662 = vector.shape_cast %get3A_661 : vector<1x1x16xf32> to vector<16xf32>
        %add3A_663 = arith.addf %add3A_633, %get3A_662 : vector<16xf32>
        %scan3A_664 = arith.constant 3 : i32
        %scan3A_665 = arith.addi %scan3A_571, %scan3A_664 : i32
        %get3A_666 = arith.constant 3 : i32
        %get3A_667 = arith.index_cast %get3A_666 : i32 to index
        %get3A_668 = arith.index_cast %scan3A_665 : i32 to index
        %get3A_669 = arith.constant 0 : index
        %get3A_670 = tpu.vector_load %arg8[%get3A_667, %get3A_668, %get3A_669] {strides = array<i32>} : memref<4x200x64xf32, #tpu.memory_space<vmem>>, vector<1x1x16xf32>,
        %get3A_671 = vector.shape_cast %get3A_670 : vector<1x1x16xf32> to vector<16xf32>
        %add3A_672 = arith.addf %add3A_642, %get3A_671 : vector<16xf32>
        %get3A_673 = arith.constant 3 : i32
        %get3A_674 = arith.index_cast %get3A_673 : i32 to index
        %get3A_675 = arith.index_cast %scan3A_665 : i32 to index
        %get3A_676 = arith.constant 16 : index
        %get3A_677 = tpu.vector_load %arg8[%get3A_674, %get3A_675, %get3A_676] {strides = array<i32>} : memref<4x200x64xf32, #tpu.memory_space<vmem>>, vector<1x1x16xf32>,
        %get3A_678 = vector.shape_cast %get3A_677 : vector<1x1x16xf32> to vector<16xf32>
        %add3A_679 = arith.addf %add3A_649, %get3A_678 : vector<16xf32>
        %get3A_680 = arith.constant 3 : i32
        %get3A_681 = arith.index_cast %get3A_680 : i32 to index
        %get3A_682 = arith.index_cast %scan3A_665 : i32 to index
        %get3A_683 = arith.constant 32 : index
        %get3A_684 = tpu.vector_load %arg8[%get3A_681, %get3A_682, %get3A_683] {strides = array<i32>} : memref<4x200x64xf32, #tpu.memory_space<vmem>>, vector<1x1x16xf32>,
        %get3A_685 = vector.shape_cast %get3A_684 : vector<1x1x16xf32> to vector<16xf32>
        %add3A_686 = arith.addf %add3A_656, %get3A_685 : vector<16xf32>
        %get3A_687 = arith.constant 3 : i32
        %get3A_688 = arith.index_cast %get3A_687 : i32 to index
        %get3A_689 = arith.index_cast %scan3A_665 : i32 to index
        %get3A_690 = arith.constant 48 : index
        %get3A_691 = tpu.vector_load %arg8[%get3A_688, %get3A_689, %get3A_690] {strides = array<i32>} : memref<4x200x64xf32, #tpu.memory_space<vmem>>, vector<1x1x16xf32>,
        %get3A_692 = vector.shape_cast %get3A_691 : vector<1x1x16xf32> to vector<16xf32>
        %add3A_693 = arith.addf %add3A_663, %get3A_692 : vector<16xf32>
        %scan3A_694 = arith.constant 4 : i32
        %scan3A_695 = arith.addi %scan3A_571, %scan3A_694 : i32
        %get3A_696 = arith.constant 3 : i32
        %get3A_697 = arith.index_cast %get3A_696 : i32 to index
        %get3A_698 = arith.index_cast %scan3A_695 : i32 to index
        %get3A_699 = arith.constant 0 : index
        %get3A_700 = tpu.vector_load %arg8[%get3A_697, %get3A_698, %get3A_699] {strides = array<i32>} : memref<4x200x64xf32, #tpu.memory_space<vmem>>, vector<1x1x16xf32>,
        %get3A_701 = vector.shape_cast %get3A_700 : vector<1x1x16xf32> to vector<16xf32>
        %add3A_702 = arith.addf %add3A_672, %get3A_701 : vector<16xf32>
        %get3A_703 = arith.constant 3 : i32
        %get3A_704 = arith.index_cast %get3A_703 : i32 to index
        %get3A_705 = arith.index_cast %scan3A_695 : i32 to index
        %get3A_706 = arith.constant 16 : index
        %get3A_707 = tpu.vector_load %arg8[%get3A_704, %get3A_705, %get3A_706] {strides = array<i32>} : memref<4x200x64xf32, #tpu.memory_space<vmem>>, vector<1x1x16xf32>,
        %get3A_708 = vector.shape_cast %get3A_707 : vector<1x1x16xf32> to vector<16xf32>
        %add3A_709 = arith.addf %add3A_679, %get3A_708 : vector<16xf32>
        %get3A_710 = arith.constant 3 : i32
        %get3A_711 = arith.index_cast %get3A_710 : i32 to index
        %get3A_712 = arith.index_cast %scan3A_695 : i32 to index
        %get3A_713 = arith.constant 32 : index
        %get3A_714 = tpu.vector_load %arg8[%get3A_711, %get3A_712, %get3A_713] {strides = array<i32>} : memref<4x200x64xf32, #tpu.memory_space<vmem>>, vector<1x1x16xf32>,
        %get3A_715 = vector.shape_cast %get3A_714 : vector<1x1x16xf32> to vector<16xf32>
        %add3A_716 = arith.addf %add3A_686, %get3A_715 : vector<16xf32>
        %get3A_717 = arith.constant 3 : i32
        %get3A_718 = arith.index_cast %get3A_717 : i32 to index
        %get3A_719 = arith.index_cast %scan3A_695 : i32 to index
        %get3A_720 = arith.constant 48 : index
        %get3A_721 = tpu.vector_load %arg8[%get3A_718, %get3A_719, %get3A_720] {strides = array<i32>} : memref<4x200x64xf32, #tpu.memory_space<vmem>>, vector<1x1x16xf32>,
        %get3A_722 = vector.shape_cast %get3A_721 : vector<1x1x16xf32> to vector<16xf32>
        %add3A_723 = arith.addf %add3A_693, %get3A_722 : vector<16xf32>
        %scan3A_724 = arith.constant 5 : i32
        %scan3A_725 = arith.addi %scan3A_571, %scan3A_724 : i32
        %get3A_726 = arith.constant 3 : i32
        %get3A_727 = arith.index_cast %get3A_726 : i32 to index
        %get3A_728 = arith.index_cast %scan3A_725 : i32 to index
        %get3A_729 = arith.constant 0 : index
        %get3A_730 = tpu.vector_load %arg8[%get3A_727, %get3A_728, %get3A_729] {strides = array<i32>} : memref<4x200x64xf32, #tpu.memory_space<vmem>>, vector<1x1x16xf32>,
        %get3A_731 = vector.shape_cast %get3A_730 : vector<1x1x16xf32> to vector<16xf32>
        %add3A_732 = arith.addf %add3A_702, %get3A_731 : vector<16xf32>
        %get3A_733 = arith.constant 3 : i32
        %get3A_734 = arith.index_cast %get3A_733 : i32 to index
        %get3A_735 = arith.index_cast %scan3A_725 : i32 to index
        %get3A_736 = arith.constant 16 : index
        %get3A_737 = tpu.vector_load %arg8[%get3A_734, %get3A_735, %get3A_736] {strides = array<i32>} : memref<4x200x64xf32, #tpu.memory_space<vmem>>, vector<1x1x16xf32>,
        %get3A_738 = vector.shape_cast %get3A_737 : vector<1x1x16xf32> to vector<16xf32>
        %add3A_739 = arith.addf %add3A_709, %get3A_738 : vector<16xf32>
        %get3A_740 = arith.constant 3 : i32
        %get3A_741 = arith.index_cast %get3A_740 : i32 to index
        %get3A_742 = arith.index_cast %scan3A_725 : i32 to index
        %get3A_743 = arith.constant 32 : index
        %get3A_744 = tpu.vector_load %arg8[%get3A_741, %get3A_742, %get3A_743] {strides = array<i32>} : memref<4x200x64xf32, #tpu.memory_space<vmem>>, vector<1x1x16xf32>,
        %get3A_745 = vector.shape_cast %get3A_744 : vector<1x1x16xf32> to vector<16xf32>
        %add3A_746 = arith.addf %add3A_716, %get3A_745 : vector<16xf32>
        %get3A_747 = arith.constant 3 : i32
        %get3A_748 = arith.index_cast %get3A_747 : i32 to index
        %get3A_749 = arith.index_cast %scan3A_725 : i32 to index
        %get3A_750 = arith.constant 48 : index
        %get3A_751 = tpu.vector_load %arg8[%get3A_748, %get3A_749, %get3A_750] {strides = array<i32>} : memref<4x200x64xf32, #tpu.memory_space<vmem>>, vector<1x1x16xf32>,
        %get3A_752 = vector.shape_cast %get3A_751 : vector<1x1x16xf32> to vector<16xf32>
        %add3A_753 = arith.addf %add3A_723, %get3A_752 : vector<16xf32>
        %scan3A_754 = arith.constant 6 : i32
        %scan3A_755 = arith.addi %scan3A_571, %scan3A_754 : i32
        %get3A_756 = arith.constant 3 : i32
        %get3A_757 = arith.index_cast %get3A_756 : i32 to index
        %get3A_758 = arith.index_cast %scan3A_755 : i32 to index
        %get3A_759 = arith.constant 0 : index
        %get3A_760 = tpu.vector_load %arg8[%get3A_757, %get3A_758, %get3A_759] {strides = array<i32>} : memref<4x200x64xf32, #tpu.memory_space<vmem>>, vector<1x1x16xf32>,
        %get3A_761 = vector.shape_cast %get3A_760 : vector<1x1x16xf32> to vector<16xf32>
        %add3A_762 = arith.addf %add3A_732, %get3A_761 : vector<16xf32>
        %get3A_763 = arith.constant 3 : i32
        %get3A_764 = arith.index_cast %get3A_763 : i32 to index
        %get3A_765 = arith.index_cast %scan3A_755 : i32 to index
        %get3A_766 = arith.constant 16 : index
        %get3A_767 = tpu.vector_load %arg8[%get3A_764, %get3A_765, %get3A_766] {strides = array<i32>} : memref<4x200x64xf32, #tpu.memory_space<vmem>>, vector<1x1x16xf32>,
        %get3A_768 = vector.shape_cast %get3A_767 : vector<1x1x16xf32> to vector<16xf32>
        %add3A_769 = arith.addf %add3A_739, %get3A_768 : vector<16xf32>
        %get3A_770 = arith.constant 3 : i32
        %get3A_771 = arith.index_cast %get3A_770 : i32 to index
        %get3A_772 = arith.index_cast %scan3A_755 : i32 to index
        %get3A_773 = arith.constant 32 : index
        %get3A_774 = tpu.vector_load %arg8[%get3A_771, %get3A_772, %get3A_773] {strides = array<i32>} : memref<4x200x64xf32, #tpu.memory_space<vmem>>, vector<1x1x16xf32>,
        %get3A_775 = vector.shape_cast %get3A_774 : vector<1x1x16xf32> to vector<16xf32>
        %add3A_776 = arith.addf %add3A_746, %get3A_775 : vector<16xf32>
        %get3A_777 = arith.constant 3 : i32
        %get3A_778 = arith.index_cast %get3A_777 : i32 to index
        %get3A_779 = arith.index_cast %scan3A_755 : i32 to index
        %get3A_780 = arith.constant 48 : index
        %get3A_781 = tpu.vector_load %arg8[%get3A_778, %get3A_779, %get3A_780] {strides = array<i32>} : memref<4x200x64xf32, #tpu.memory_space<vmem>>, vector<1x1x16xf32>,
        %get3A_782 = vector.shape_cast %get3A_781 : vector<1x1x16xf32> to vector<16xf32>
        %add3A_783 = arith.addf %add3A_753, %get3A_782 : vector<16xf32>
        %scan3A_784 = arith.constant 7 : i32
        %scan3A_785 = arith.addi %scan3A_571, %scan3A_784 : i32
        %get3A_786 = arith.constant 3 : i32
        %get3A_787 = arith.index_cast %get3A_786 : i32 to index
        %get3A_788 = arith.index_cast %scan3A_785 : i32 to index
        %get3A_789 = arith.constant 0 : index
        %get3A_790 = tpu.vector_load %arg8[%get3A_787, %get3A_788, %get3A_789] {strides = array<i32>} : memref<4x200x64xf32, #tpu.memory_space<vmem>>, vector<1x1x16xf32>,
        %get3A_791 = vector.shape_cast %get3A_790 : vector<1x1x16xf32> to vector<16xf32>
        %add3A_792 = arith.addf %add3A_762, %get3A_791 : vector<16xf32>
        %get3A_793 = arith.constant 3 : i32
        %get3A_794 = arith.index_cast %get3A_793 : i32 to index
        %get3A_795 = arith.index_cast %scan3A_785 : i32 to index
        %get3A_796 = arith.constant 16 : index
        %get3A_797 = tpu.vector_load %arg8[%get3A_794, %get3A_795, %get3A_796] {strides = array<i32>} : memref<4x200x64xf32, #tpu.memory_space<vmem>>, vector<1x1x16xf32>,
        %get3A_798 = vector.shape_cast %get3A_797 : vector<1x1x16xf32> to vector<16xf32>
        %add3A_799 = arith.addf %add3A_769, %get3A_798 : vector<16xf32>
        %get3A_800 = arith.constant 3 : i32
        %get3A_801 = arith.index_cast %get3A_800 : i32 to index
        %get3A_802 = arith.index_cast %scan3A_785 : i32 to index
        %get3A_803 = arith.constant 32 : index
        %get3A_804 = tpu.vector_load %arg8[%get3A_801, %get3A_802, %get3A_803] {strides = array<i32>} : memref<4x200x64xf32, #tpu.memory_space<vmem>>, vector<1x1x16xf32>,
        %get3A_805 = vector.shape_cast %get3A_804 : vector<1x1x16xf32> to vector<16xf32>
        %add3A_806 = arith.addf %add3A_776, %get3A_805 : vector<16xf32>
        %get3A_807 = arith.constant 3 : i32
        %get3A_808 = arith.index_cast %get3A_807 : i32 to index
        %get3A_809 = arith.index_cast %scan3A_785 : i32 to index
        %get3A_810 = arith.constant 48 : index
        %get3A_811 = tpu.vector_load %arg8[%get3A_808, %get3A_809, %get3A_810] {strides = array<i32>} : memref<4x200x64xf32, #tpu.memory_space<vmem>>, vector<1x1x16xf32>,
        %get3A_812 = vector.shape_cast %get3A_811 : vector<1x1x16xf32> to vector<16xf32>
        %add3A_813 = arith.addf %add3A_783, %get3A_812 : vector<16xf32>
        %scan3A_814 = arith.constant 8 : i32
        %scan3A_815 = arith.addi %scan3A_571, %scan3A_814 : i32
        %get3A_816 = arith.constant 3 : i32
        %get3A_817 = arith.index_cast %get3A_816 : i32 to index
        %get3A_818 = arith.index_cast %scan3A_815 : i32 to index
        %get3A_819 = arith.constant 0 : index
        %get3A_820 = tpu.vector_load %arg8[%get3A_817, %get3A_818, %get3A_819] {strides = array<i32>} : memref<4x200x64xf32, #tpu.memory_space<vmem>>, vector<1x1x16xf32>,
        %get3A_821 = vector.shape_cast %get3A_820 : vector<1x1x16xf32> to vector<16xf32>
        %add3A_822 = arith.addf %add3A_792, %get3A_821 : vector<16xf32>
        %get3A_823 = arith.constant 3 : i32
        %get3A_824 = arith.index_cast %get3A_823 : i32 to index
        %get3A_825 = arith.index_cast %scan3A_815 : i32 to index
        %get3A_826 = arith.constant 16 : index
        %get3A_827 = tpu.vector_load %arg8[%get3A_824, %get3A_825, %get3A_826] {strides = array<i32>} : memref<4x200x64xf32, #tpu.memory_space<vmem>>, vector<1x1x16xf32>,
        %get3A_828 = vector.shape_cast %get3A_827 : vector<1x1x16xf32> to vector<16xf32>
        %add3A_829 = arith.addf %add3A_799, %get3A_828 : vector<16xf32>
        %get3A_830 = arith.constant 3 : i32
        %get3A_831 = arith.index_cast %get3A_830 : i32 to index
        %get3A_832 = arith.index_cast %scan3A_815 : i32 to index
        %get3A_833 = arith.constant 32 : index
        %get3A_834 = tpu.vector_load %arg8[%get3A_831, %get3A_832, %get3A_833] {strides = array<i32>} : memref<4x200x64xf32, #tpu.memory_space<vmem>>, vector<1x1x16xf32>,
        %get3A_835 = vector.shape_cast %get3A_834 : vector<1x1x16xf32> to vector<16xf32>
        %add3A_836 = arith.addf %add3A_806, %get3A_835 : vector<16xf32>
        %get3A_837 = arith.constant 3 : i32
        %get3A_838 = arith.index_cast %get3A_837 : i32 to index
        %get3A_839 = arith.index_cast %scan3A_815 : i32 to index
        %get3A_840 = arith.constant 48 : index
        %get3A_841 = tpu.vector_load %arg8[%get3A_838, %get3A_839, %get3A_840] {strides = array<i32>} : memref<4x200x64xf32, #tpu.memory_space<vmem>>, vector<1x1x16xf32>,
        %get3A_842 = vector.shape_cast %get3A_841 : vector<1x1x16xf32> to vector<16xf32>
        %add3A_843 = arith.addf %add3A_813, %get3A_842 : vector<16xf32>
        %scan3A_844 = arith.constant 9 : i32
        %scan3A_845 = arith.addi %scan3A_571, %scan3A_844 : i32
        %get3A_846 = arith.constant 3 : i32
        %get3A_847 = arith.index_cast %get3A_846 : i32 to index
        %get3A_848 = arith.index_cast %scan3A_845 : i32 to index
        %get3A_849 = arith.constant 0 : index
        %get3A_850 = tpu.vector_load %arg8[%get3A_847, %get3A_848, %get3A_849] {strides = array<i32>} : memref<4x200x64xf32, #tpu.memory_space<vmem>>, vector<1x1x16xf32>,
        %get3A_851 = vector.shape_cast %get3A_850 : vector<1x1x16xf32> to vector<16xf32>
        %add3A_852 = arith.addf %add3A_822, %get3A_851 : vector<16xf32>
        %get3A_853 = arith.constant 3 : i32
        %get3A_854 = arith.index_cast %get3A_853 : i32 to index
        %get3A_855 = arith.index_cast %scan3A_845 : i32 to index
        %get3A_856 = arith.constant 16 : index
        %get3A_857 = tpu.vector_load %arg8[%get3A_854, %get3A_855, %get3A_856] {strides = array<i32>} : memref<4x200x64xf32, #tpu.memory_space<vmem>>, vector<1x1x16xf32>,
        %get3A_858 = vector.shape_cast %get3A_857 : vector<1x1x16xf32> to vector<16xf32>
        %add3A_859 = arith.addf %add3A_829, %get3A_858 : vector<16xf32>
        %get3A_860 = arith.constant 3 : i32
        %get3A_861 = arith.index_cast %get3A_860 : i32 to index
        %get3A_862 = arith.index_cast %scan3A_845 : i32 to index
        %get3A_863 = arith.constant 32 : index
        %get3A_864 = tpu.vector_load %arg8[%get3A_861, %get3A_862, %get3A_863] {strides = array<i32>} : memref<4x200x64xf32, #tpu.memory_space<vmem>>, vector<1x1x16xf32>,
        %get3A_865 = vector.shape_cast %get3A_864 : vector<1x1x16xf32> to vector<16xf32>
        %add3A_866 = arith.addf %add3A_836, %get3A_865 : vector<16xf32>
        %get3A_867 = arith.constant 3 : i32
        %get3A_868 = arith.index_cast %get3A_867 : i32 to index
        %get3A_869 = arith.index_cast %scan3A_845 : i32 to index
        %get3A_870 = arith.constant 48 : index
        %get3A_871 = tpu.vector_load %arg8[%get3A_868, %get3A_869, %get3A_870] {strides = array<i32>} : memref<4x200x64xf32, #tpu.memory_space<vmem>>, vector<1x1x16xf32>,
        %get3A_872 = vector.shape_cast %get3A_871 : vector<1x1x16xf32> to vector<16xf32>
        %add3A_873 = arith.addf %add3A_843, %get3A_872 : vector<16xf32>
        %scan3A_874 = arith.constant 10 : i32
        %scan3A_875 = arith.addi %scan3A_571, %scan3A_874 : i32
        %get3A_876 = arith.constant 3 : i32
        %get3A_877 = arith.index_cast %get3A_876 : i32 to index
        %get3A_878 = arith.index_cast %scan3A_875 : i32 to index
        %get3A_879 = arith.constant 0 : index
        %get3A_880 = tpu.vector_load %arg8[%get3A_877, %get3A_878, %get3A_879] {strides = array<i32>} : memref<4x200x64xf32, #tpu.memory_space<vmem>>, vector<1x1x16xf32>,
        %get3A_881 = vector.shape_cast %get3A_880 : vector<1x1x16xf32> to vector<16xf32>
        %add3A_882 = arith.addf %add3A_852, %get3A_881 : vector<16xf32>
        %get3A_883 = arith.constant 3 : i32
        %get3A_884 = arith.index_cast %get3A_883 : i32 to index
        %get3A_885 = arith.index_cast %scan3A_875 : i32 to index
        %get3A_886 = arith.constant 16 : index
        %get3A_887 = tpu.vector_load %arg8[%get3A_884, %get3A_885, %get3A_886] {strides = array<i32>} : memref<4x200x64xf32, #tpu.memory_space<vmem>>, vector<1x1x16xf32>,
        %get3A_888 = vector.shape_cast %get3A_887 : vector<1x1x16xf32> to vector<16xf32>
        %add3A_889 = arith.addf %add3A_859, %get3A_888 : vector<16xf32>
        %get3A_890 = arith.constant 3 : i32
        %get3A_891 = arith.index_cast %get3A_890 : i32 to index
        %get3A_892 = arith.index_cast %scan3A_875 : i32 to index
        %get3A_893 = arith.constant 32 : index
        %get3A_894 = tpu.vector_load %arg8[%get3A_891, %get3A_892, %get3A_893] {strides = array<i32>} : memref<4x200x64xf32, #tpu.memory_space<vmem>>, vector<1x1x16xf32>,
        %get3A_895 = vector.shape_cast %get3A_894 : vector<1x1x16xf32> to vector<16xf32>
        %add3A_896 = arith.addf %add3A_866, %get3A_895 : vector<16xf32>
        %get3A_897 = arith.constant 3 : i32
        %get3A_898 = arith.index_cast %get3A_897 : i32 to index
        %get3A_899 = arith.index_cast %scan3A_875 : i32 to index
        %get3A_900 = arith.constant 48 : index
        %get3A_901 = tpu.vector_load %arg8[%get3A_898, %get3A_899, %get3A_900] {strides = array<i32>} : memref<4x200x64xf32, #tpu.memory_space<vmem>>, vector<1x1x16xf32>,
        %get3A_902 = vector.shape_cast %get3A_901 : vector<1x1x16xf32> to vector<16xf32>
        %add3A_903 = arith.addf %add3A_873, %get3A_902 : vector<16xf32>
        %scan3A_904 = arith.constant 11 : i32
        %scan3A_905 = arith.addi %scan3A_571, %scan3A_904 : i32
        %get3A_906 = arith.constant 3 : i32
        %get3A_907 = arith.index_cast %get3A_906 : i32 to index
        %get3A_908 = arith.index_cast %scan3A_905 : i32 to index
        %get3A_909 = arith.constant 0 : index
        %get3A_910 = tpu.vector_load %arg8[%get3A_907, %get3A_908, %get3A_909] {strides = array<i32>} : memref<4x200x64xf32, #tpu.memory_space<vmem>>, vector<1x1x16xf32>,
        %get3A_911 = vector.shape_cast %get3A_910 : vector<1x1x16xf32> to vector<16xf32>
        %add3A_912 = arith.addf %add3A_882, %get3A_911 : vector<16xf32>
        %get3A_913 = arith.constant 3 : i32
        %get3A_914 = arith.index_cast %get3A_913 : i32 to index
        %get3A_915 = arith.index_cast %scan3A_905 : i32 to index
        %get3A_916 = arith.constant 16 : index
        %get3A_917 = tpu.vector_load %arg8[%get3A_914, %get3A_915, %get3A_916] {strides = array<i32>} : memref<4x200x64xf32, #tpu.memory_space<vmem>>, vector<1x1x16xf32>,
        %get3A_918 = vector.shape_cast %get3A_917 : vector<1x1x16xf32> to vector<16xf32>
        %add3A_919 = arith.addf %add3A_889, %get3A_918 : vector<16xf32>
        %get3A_920 = arith.constant 3 : i32
        %get3A_921 = arith.index_cast %get3A_920 : i32 to index
        %get3A_922 = arith.index_cast %scan3A_905 : i32 to index
        %get3A_923 = arith.constant 32 : index
        %get3A_924 = tpu.vector_load %arg8[%get3A_921, %get3A_922, %get3A_923] {strides = array<i32>} : memref<4x200x64xf32, #tpu.memory_space<vmem>>, vector<1x1x16xf32>,
        %get3A_925 = vector.shape_cast %get3A_924 : vector<1x1x16xf32> to vector<16xf32>
        %add3A_926 = arith.addf %add3A_896, %get3A_925 : vector<16xf32>
        %get3A_927 = arith.constant 3 : i32
        %get3A_928 = arith.index_cast %get3A_927 : i32 to index
        %get3A_929 = arith.index_cast %scan3A_905 : i32 to index
        %get3A_930 = arith.constant 48 : index
        %get3A_931 = tpu.vector_load %arg8[%get3A_928, %get3A_929, %get3A_930] {strides = array<i32>} : memref<4x200x64xf32, #tpu.memory_space<vmem>>, vector<1x1x16xf32>,
        %get3A_932 = vector.shape_cast %get3A_931 : vector<1x1x16xf32> to vector<16xf32>
        %add3A_933 = arith.addf %add3A_903, %get3A_932 : vector<16xf32>
        %scan3A_934 = arith.constant 12 : i32
        %scan3A_935 = arith.addi %scan3A_571, %scan3A_934 : i32
        %get3A_936 = arith.constant 3 : i32
        %get3A_937 = arith.index_cast %get3A_936 : i32 to index
        %get3A_938 = arith.index_cast %scan3A_935 : i32 to index
        %get3A_939 = arith.constant 0 : index
        %get3A_940 = tpu.vector_load %arg8[%get3A_937, %get3A_938, %get3A_939] {strides = array<i32>} : memref<4x200x64xf32, #tpu.memory_space<vmem>>, vector<1x1x16xf32>,
        %get3A_941 = vector.shape_cast %get3A_940 : vector<1x1x16xf32> to vector<16xf32>
        %add3A_942 = arith.addf %add3A_912, %get3A_941 : vector<16xf32>
        %get3A_943 = arith.constant 3 : i32
        %get3A_944 = arith.index_cast %get3A_943 : i32 to index
        %get3A_945 = arith.index_cast %scan3A_935 : i32 to index
        %get3A_946 = arith.constant 16 : index
        %get3A_947 = tpu.vector_load %arg8[%get3A_944, %get3A_945, %get3A_946] {strides = array<i32>} : memref<4x200x64xf32, #tpu.memory_space<vmem>>, vector<1x1x16xf32>,
        %get3A_948 = vector.shape_cast %get3A_947 : vector<1x1x16xf32> to vector<16xf32>
        %add3A_949 = arith.addf %add3A_919, %get3A_948 : vector<16xf32>
        %get3A_950 = arith.constant 3 : i32
        %get3A_951 = arith.index_cast %get3A_950 : i32 to index
        %get3A_952 = arith.index_cast %scan3A_935 : i32 to index
        %get3A_953 = arith.constant 32 : index
        %get3A_954 = tpu.vector_load %arg8[%get3A_951, %get3A_952, %get3A_953] {strides = array<i32>} : memref<4x200x64xf32, #tpu.memory_space<vmem>>, vector<1x1x16xf32>,
        %get3A_955 = vector.shape_cast %get3A_954 : vector<1x1x16xf32> to vector<16xf32>
        %add3A_956 = arith.addf %add3A_926, %get3A_955 : vector<16xf32>
        %get3A_957 = arith.constant 3 : i32
        %get3A_958 = arith.index_cast %get3A_957 : i32 to index
        %get3A_959 = arith.index_cast %scan3A_935 : i32 to index
        %get3A_960 = arith.constant 48 : index
        %get3A_961 = tpu.vector_load %arg8[%get3A_958, %get3A_959, %get3A_960] {strides = array<i32>} : memref<4x200x64xf32, #tpu.memory_space<vmem>>, vector<1x1x16xf32>,
        %get3A_962 = vector.shape_cast %get3A_961 : vector<1x1x16xf32> to vector<16xf32>
        %add3A_963 = arith.addf %add3A_933, %get3A_962 : vector<16xf32>
        %scan3A_964 = arith.constant 13 : i32
        %scan3A_965 = arith.addi %scan3A_571, %scan3A_964 : i32
        %get3A_966 = arith.constant 3 : i32
        %get3A_967 = arith.index_cast %get3A_966 : i32 to index
        %get3A_968 = arith.index_cast %scan3A_965 : i32 to index
        %get3A_969 = arith.constant 0 : index
        %get3A_970 = tpu.vector_load %arg8[%get3A_967, %get3A_968, %get3A_969] {strides = array<i32>} : memref<4x200x64xf32, #tpu.memory_space<vmem>>, vector<1x1x16xf32>,
        %get3A_971 = vector.shape_cast %get3A_970 : vector<1x1x16xf32> to vector<16xf32>
        %add3A_972 = arith.addf %add3A_942, %get3A_971 : vector<16xf32>
        %get3A_973 = arith.constant 3 : i32
        %get3A_974 = arith.index_cast %get3A_973 : i32 to index
        %get3A_975 = arith.index_cast %scan3A_965 : i32 to index
        %get3A_976 = arith.constant 16 : index
        %get3A_977 = tpu.vector_load %arg8[%get3A_974, %get3A_975, %get3A_976] {strides = array<i32>} : memref<4x200x64xf32, #tpu.memory_space<vmem>>, vector<1x1x16xf32>,
        %get3A_978 = vector.shape_cast %get3A_977 : vector<1x1x16xf32> to vector<16xf32>
        %add3A_979 = arith.addf %add3A_949, %get3A_978 : vector<16xf32>
        %get3A_980 = arith.constant 3 : i32
        %get3A_981 = arith.index_cast %get3A_980 : i32 to index
        %get3A_982 = arith.index_cast %scan3A_965 : i32 to index
        %get3A_983 = arith.constant 32 : index
        %get3A_984 = tpu.vector_load %arg8[%get3A_981, %get3A_982, %get3A_983] {strides = array<i32>} : memref<4x200x64xf32, #tpu.memory_space<vmem>>, vector<1x1x16xf32>,
        %get3A_985 = vector.shape_cast %get3A_984 : vector<1x1x16xf32> to vector<16xf32>
        %add3A_986 = arith.addf %add3A_956, %get3A_985 : vector<16xf32>
        %get3A_987 = arith.constant 3 : i32
        %get3A_988 = arith.index_cast %get3A_987 : i32 to index
        %get3A_989 = arith.index_cast %scan3A_965 : i32 to index
        %get3A_990 = arith.constant 48 : index
        %get3A_991 = tpu.vector_load %arg8[%get3A_988, %get3A_989, %get3A_990] {strides = array<i32>} : memref<4x200x64xf32, #tpu.memory_space<vmem>>, vector<1x1x16xf32>,
        %get3A_992 = vector.shape_cast %get3A_991 : vector<1x1x16xf32> to vector<16xf32>
        %add3A_993 = arith.addf %add3A_963, %get3A_992 : vector<16xf32>
        %scan3A_994 = arith.constant 14 : i32
        %scan3A_995 = arith.addi %scan3A_571, %scan3A_994 : i32
        %get3A_996 = arith.constant 3 : i32
        %get3A_997 = arith.index_cast %get3A_996 : i32 to index
        %get3A_998 = arith.index_cast %scan3A_995 : i32 to index
        %get3A_999 = arith.constant 0 : index
        %get3A_1000 = tpu.vector_load %arg8[%get3A_997, %get3A_998, %get3A_999] {strides = array<i32>} : memref<4x200x64xf32, #tpu.memory_space<vmem>>, vector<1x1x16xf32>,
        %get3A_1001 = vector.shape_cast %get3A_1000 : vector<1x1x16xf32> to vector<16xf32>
        %add3A_1002 = arith.addf %add3A_972, %get3A_1001 : vector<16xf32>
        %get3A_1003 = arith.constant 3 : i32
        %get3A_1004 = arith.index_cast %get3A_1003 : i32 to index
        %get3A_1005 = arith.index_cast %scan3A_995 : i32 to index
        %get3A_1006 = arith.constant 16 : index
        %get3A_1007 = tpu.vector_load %arg8[%get3A_1004, %get3A_1005, %get3A_1006] {strides = array<i32>} : memref<4x200x64xf32, #tpu.memory_space<vmem>>, vector<1x1x16xf32>,
        %get3A_1008 = vector.shape_cast %get3A_1007 : vector<1x1x16xf32> to vector<16xf32>
        %add3A_1009 = arith.addf %add3A_979, %get3A_1008 : vector<16xf32>
        %get3A_1010 = arith.constant 3 : i32
        %get3A_1011 = arith.index_cast %get3A_1010 : i32 to index
        %get3A_1012 = arith.index_cast %scan3A_995 : i32 to index
        %get3A_1013 = arith.constant 32 : index
        %get3A_1014 = tpu.vector_load %arg8[%get3A_1011, %get3A_1012, %get3A_1013] {strides = array<i32>} : memref<4x200x64xf32, #tpu.memory_space<vmem>>, vector<1x1x16xf32>,
        %get3A_1015 = vector.shape_cast %get3A_1014 : vector<1x1x16xf32> to vector<16xf32>
        %add3A_1016 = arith.addf %add3A_986, %get3A_1015 : vector<16xf32>
        %get3A_1017 = arith.constant 3 : i32
        %get3A_1018 = arith.index_cast %get3A_1017 : i32 to index
        %get3A_1019 = arith.index_cast %scan3A_995 : i32 to index
        %get3A_1020 = arith.constant 48 : index
        %get3A_1021 = tpu.vector_load %arg8[%get3A_1018, %get3A_1019, %get3A_1020] {strides = array<i32>} : memref<4x200x64xf32, #tpu.memory_space<vmem>>, vector<1x1x16xf32>,
        %get3A_1022 = vector.shape_cast %get3A_1021 : vector<1x1x16xf32> to vector<16xf32>
        %add3A_1023 = arith.addf %add3A_993, %get3A_1022 : vector<16xf32>
        %scan3A_1024 = arith.constant 15 : i32
        %scan3A_1025 = arith.addi %scan3A_571, %scan3A_1024 : i32
        %get3A_1026 = arith.constant 3 : i32
        %get3A_1027 = arith.index_cast %get3A_1026 : i32 to index
        %get3A_1028 = arith.index_cast %scan3A_1025 : i32 to index
        %get3A_1029 = arith.constant 0 : index
        %get3A_1030 = tpu.vector_load %arg8[%get3A_1027, %get3A_1028, %get3A_1029] {strides = array<i32>} : memref<4x200x64xf32, #tpu.memory_space<vmem>>, vector<1x1x16xf32>,
        %get3A_1031 = vector.shape_cast %get3A_1030 : vector<1x1x16xf32> to vector<16xf32>
        %add3A_1032 = arith.addf %add3A_1002, %get3A_1031 : vector<16xf32>
        %get3A_1033 = arith.constant 3 : i32
        %get3A_1034 = arith.index_cast %get3A_1033 : i32 to index
        %get3A_1035 = arith.index_cast %scan3A_1025 : i32 to index
        %get3A_1036 = arith.constant 16 : index
        %get3A_1037 = tpu.vector_load %arg8[%get3A_1034, %get3A_1035, %get3A_1036] {strides = array<i32>} : memref<4x200x64xf32, #tpu.memory_space<vmem>>, vector<1x1x16xf32>,
        %get3A_1038 = vector.shape_cast %get3A_1037 : vector<1x1x16xf32> to vector<16xf32>
        %add3A_1039 = arith.addf %add3A_1009, %get3A_1038 : vector<16xf32>
        %get3A_1040 = arith.constant 3 : i32
        %get3A_1041 = arith.index_cast %get3A_1040 : i32 to index
        %get3A_1042 = arith.index_cast %scan3A_1025 : i32 to index
        %get3A_1043 = arith.constant 32 : index
        %get3A_1044 = tpu.vector_load %arg8[%get3A_1041, %get3A_1042, %get3A_1043] {strides = array<i32>} : memref<4x200x64xf32, #tpu.memory_space<vmem>>, vector<1x1x16xf32>,
        %get3A_1045 = vector.shape_cast %get3A_1044 : vector<1x1x16xf32> to vector<16xf32>
        %add3A_1046 = arith.addf %add3A_1016, %get3A_1045 : vector<16xf32>
        %get3A_1047 = arith.constant 3 : i32
        %get3A_1048 = arith.index_cast %get3A_1047 : i32 to index
        %get3A_1049 = arith.index_cast %scan3A_1025 : i32 to index
        %get3A_1050 = arith.constant 48 : index
        %get3A_1051 = tpu.vector_load %arg8[%get3A_1048, %get3A_1049, %get3A_1050] {strides = array<i32>} : memref<4x200x64xf32, #tpu.memory_space<vmem>>, vector<1x1x16xf32>,
        %get3A_1052 = vector.shape_cast %get3A_1051 : vector<1x1x16xf32> to vector<16xf32>
        %add3A_1053 = arith.addf %add3A_1023, %get3A_1052 : vector<16xf32>
        %scan3A_1054 = arith.constant 16 : i32
        %scan3A_1055 = arith.addi %scan3A_571, %scan3A_1054 : i32
        %get3A_1056 = arith.constant 3 : i32
        %get3A_1057 = arith.index_cast %get3A_1056 : i32 to index
        %get3A_1058 = arith.index_cast %scan3A_1055 : i32 to index
        %get3A_1059 = arith.constant 0 : index
        %get3A_1060 = tpu.vector_load %arg8[%get3A_1057, %get3A_1058, %get3A_1059] {strides = array<i32>} : memref<4x200x64xf32, #tpu.memory_space<vmem>>, vector<1x1x16xf32>,
        %get3A_1061 = vector.shape_cast %get3A_1060 : vector<1x1x16xf32> to vector<16xf32>
        %add3A_1062 = arith.addf %add3A_1032, %get3A_1061 : vector<16xf32>
        %get3A_1063 = arith.constant 3 : i32
        %get3A_1064 = arith.index_cast %get3A_1063 : i32 to index
        %get3A_1065 = arith.index_cast %scan3A_1055 : i32 to index
        %get3A_1066 = arith.constant 16 : index
        %get3A_1067 = tpu.vector_load %arg8[%get3A_1064, %get3A_1065, %get3A_1066] {strides = array<i32>} : memref<4x200x64xf32, #tpu.memory_space<vmem>>, vector<1x1x16xf32>,
        %get3A_1068 = vector.shape_cast %get3A_1067 : vector<1x1x16xf32> to vector<16xf32>
        %add3A_1069 = arith.addf %add3A_1039, %get3A_1068 : vector<16xf32>
        %get3A_1070 = arith.constant 3 : i32
        %get3A_1071 = arith.index_cast %get3A_1070 : i32 to index
        %get3A_1072 = arith.index_cast %scan3A_1055 : i32 to index
        %get3A_1073 = arith.constant 32 : index
        %get3A_1074 = tpu.vector_load %arg8[%get3A_1071, %get3A_1072, %get3A_1073] {strides = array<i32>} : memref<4x200x64xf32, #tpu.memory_space<vmem>>, vector<1x1x16xf32>,
        %get3A_1075 = vector.shape_cast %get3A_1074 : vector<1x1x16xf32> to vector<16xf32>
        %add3A_1076 = arith.addf %add3A_1046, %get3A_1075 : vector<16xf32>
        %get3A_1077 = arith.constant 3 : i32
        %get3A_1078 = arith.index_cast %get3A_1077 : i32 to index
        %get3A_1079 = arith.index_cast %scan3A_1055 : i32 to index
        %get3A_1080 = arith.constant 48 : index
        %get3A_1081 = tpu.vector_load %arg8[%get3A_1078, %get3A_1079, %get3A_1080] {strides = array<i32>} : memref<4x200x64xf32, #tpu.memory_space<vmem>>, vector<1x1x16xf32>,
        %get3A_1082 = vector.shape_cast %get3A_1081 : vector<1x1x16xf32> to vector<16xf32>
        %add3A_1083 = arith.addf %add3A_1053, %get3A_1082 : vector<16xf32>
        %scan3A_1084 = arith.constant 17 : i32
        %scan3A_1085 = arith.addi %scan3A_571, %scan3A_1084 : i32
        %get3A_1086 = arith.constant 3 : i32
        %get3A_1087 = arith.index_cast %get3A_1086 : i32 to index
        %get3A_1088 = arith.index_cast %scan3A_1085 : i32 to index
        %get3A_1089 = arith.constant 0 : index
        %get3A_1090 = tpu.vector_load %arg8[%get3A_1087, %get3A_1088, %get3A_1089] {strides = array<i32>} : memref<4x200x64xf32, #tpu.memory_space<vmem>>, vector<1x1x16xf32>,
        %get3A_1091 = vector.shape_cast %get3A_1090 : vector<1x1x16xf32> to vector<16xf32>
        %add3A_1092 = arith.addf %add3A_1062, %get3A_1091 : vector<16xf32>
        %get3A_1093 = arith.constant 3 : i32
        %get3A_1094 = arith.index_cast %get3A_1093 : i32 to index
        %get3A_1095 = arith.index_cast %scan3A_1085 : i32 to index
        %get3A_1096 = arith.constant 16 : index
        %get3A_1097 = tpu.vector_load %arg8[%get3A_1094, %get3A_1095, %get3A_1096] {strides = array<i32>} : memref<4x200x64xf32, #tpu.memory_space<vmem>>, vector<1x1x16xf32>,
        %get3A_1098 = vector.shape_cast %get3A_1097 : vector<1x1x16xf32> to vector<16xf32>
        %add3A_1099 = arith.addf %add3A_1069, %get3A_1098 : vector<16xf32>
        %get3A_1100 = arith.constant 3 : i32
        %get3A_1101 = arith.index_cast %get3A_1100 : i32 to index
        %get3A_1102 = arith.index_cast %scan3A_1085 : i32 to index
        %get3A_1103 = arith.constant 32 : index
        %get3A_1104 = tpu.vector_load %arg8[%get3A_1101, %get3A_1102, %get3A_1103] {strides = array<i32>} : memref<4x200x64xf32, #tpu.memory_space<vmem>>, vector<1x1x16xf32>,
        %get3A_1105 = vector.shape_cast %get3A_1104 : vector<1x1x16xf32> to vector<16xf32>
        %add3A_1106 = arith.addf %add3A_1076, %get3A_1105 : vector<16xf32>
        %get3A_1107 = arith.constant 3 : i32
        %get3A_1108 = arith.index_cast %get3A_1107 : i32 to index
        %get3A_1109 = arith.index_cast %scan3A_1085 : i32 to index
        %get3A_1110 = arith.constant 48 : index
        %get3A_1111 = tpu.vector_load %arg8[%get3A_1108, %get3A_1109, %get3A_1110] {strides = array<i32>} : memref<4x200x64xf32, #tpu.memory_space<vmem>>, vector<1x1x16xf32>,
        %get3A_1112 = vector.shape_cast %get3A_1111 : vector<1x1x16xf32> to vector<16xf32>
        %add3A_1113 = arith.addf %add3A_1083, %get3A_1112 : vector<16xf32>
        %scan3A_1114 = arith.constant 18 : i32
        %scan3A_1115 = arith.addi %scan3A_571, %scan3A_1114 : i32
        %get3A_1116 = arith.constant 3 : i32
        %get3A_1117 = arith.index_cast %get3A_1116 : i32 to index
        %get3A_1118 = arith.index_cast %scan3A_1115 : i32 to index
        %get3A_1119 = arith.constant 0 : index
        %get3A_1120 = tpu.vector_load %arg8[%get3A_1117, %get3A_1118, %get3A_1119] {strides = array<i32>} : memref<4x200x64xf32, #tpu.memory_space<vmem>>, vector<1x1x16xf32>,
        %get3A_1121 = vector.shape_cast %get3A_1120 : vector<1x1x16xf32> to vector<16xf32>
        %add3A_1122 = arith.addf %add3A_1092, %get3A_1121 : vector<16xf32>
        %get3A_1123 = arith.constant 3 : i32
        %get3A_1124 = arith.index_cast %get3A_1123 : i32 to index
        %get3A_1125 = arith.index_cast %scan3A_1115 : i32 to index
        %get3A_1126 = arith.constant 16 : index
        %get3A_1127 = tpu.vector_load %arg8[%get3A_1124, %get3A_1125, %get3A_1126] {strides = array<i32>} : memref<4x200x64xf32, #tpu.memory_space<vmem>>, vector<1x1x16xf32>,
        %get3A_1128 = vector.shape_cast %get3A_1127 : vector<1x1x16xf32> to vector<16xf32>
        %add3A_1129 = arith.addf %add3A_1099, %get3A_1128 : vector<16xf32>
        %get3A_1130 = arith.constant 3 : i32
        %get3A_1131 = arith.index_cast %get3A_1130 : i32 to index
        %get3A_1132 = arith.index_cast %scan3A_1115 : i32 to index
        %get3A_1133 = arith.constant 32 : index
        %get3A_1134 = tpu.vector_load %arg8[%get3A_1131, %get3A_1132, %get3A_1133] {strides = array<i32>} : memref<4x200x64xf32, #tpu.memory_space<vmem>>, vector<1x1x16xf32>,
        %get3A_1135 = vector.shape_cast %get3A_1134 : vector<1x1x16xf32> to vector<16xf32>
        %add3A_1136 = arith.addf %add3A_1106, %get3A_1135 : vector<16xf32>
        %get3A_1137 = arith.constant 3 : i32
        %get3A_1138 = arith.index_cast %get3A_1137 : i32 to index
        %get3A_1139 = arith.index_cast %scan3A_1115 : i32 to index
        %get3A_1140 = arith.constant 48 : index
        %get3A_1141 = tpu.vector_load %arg8[%get3A_1138, %get3A_1139, %get3A_1140] {strides = array<i32>} : memref<4x200x64xf32, #tpu.memory_space<vmem>>, vector<1x1x16xf32>,
        %get3A_1142 = vector.shape_cast %get3A_1141 : vector<1x1x16xf32> to vector<16xf32>
        %add3A_1143 = arith.addf %add3A_1113, %get3A_1142 : vector<16xf32>
        %scan3A_1144 = arith.constant 19 : i32
        %scan3A_1145 = arith.addi %scan3A_571, %scan3A_1144 : i32
        %get3A_1146 = arith.constant 3 : i32
        %get3A_1147 = arith.index_cast %get3A_1146 : i32 to index
        %get3A_1148 = arith.index_cast %scan3A_1145 : i32 to index
        %get3A_1149 = arith.constant 0 : index
        %get3A_1150 = tpu.vector_load %arg8[%get3A_1147, %get3A_1148, %get3A_1149] {strides = array<i32>} : memref<4x200x64xf32, #tpu.memory_space<vmem>>, vector<1x1x16xf32>,
        %get3A_1151 = vector.shape_cast %get3A_1150 : vector<1x1x16xf32> to vector<16xf32>
        %add3A_1152 = arith.addf %add3A_1122, %get3A_1151 : vector<16xf32>
        %get3A_1153 = arith.constant 3 : i32
        %get3A_1154 = arith.index_cast %get3A_1153 : i32 to index
        %get3A_1155 = arith.index_cast %scan3A_1145 : i32 to index
        %get3A_1156 = arith.constant 16 : index
        %get3A_1157 = tpu.vector_load %arg8[%get3A_1154, %get3A_1155, %get3A_1156] {strides = array<i32>} : memref<4x200x64xf32, #tpu.memory_space<vmem>>, vector<1x1x16xf32>,
        %get3A_1158 = vector.shape_cast %get3A_1157 : vector<1x1x16xf32> to vector<16xf32>
        %add3A_1159 = arith.addf %add3A_1129, %get3A_1158 : vector<16xf32>
        %get3A_1160 = arith.constant 3 : i32
        %get3A_1161 = arith.index_cast %get3A_1160 : i32 to index
        %get3A_1162 = arith.index_cast %scan3A_1145 : i32 to index
        %get3A_1163 = arith.constant 32 : index
        %get3A_1164 = tpu.vector_load %arg8[%get3A_1161, %get3A_1162, %get3A_1163] {strides = array<i32>} : memref<4x200x64xf32, #tpu.memory_space<vmem>>, vector<1x1x16xf32>,
        %get3A_1165 = vector.shape_cast %get3A_1164 : vector<1x1x16xf32> to vector<16xf32>
        %add3A_1166 = arith.addf %add3A_1136, %get3A_1165 : vector<16xf32>
        %get3A_1167 = arith.constant 3 : i32
        %get3A_1168 = arith.index_cast %get3A_1167 : i32 to index
        %get3A_1169 = arith.index_cast %scan3A_1145 : i32 to index
        %get3A_1170 = arith.constant 48 : index
        %get3A_1171 = tpu.vector_load %arg8[%get3A_1168, %get3A_1169, %get3A_1170] {strides = array<i32>} : memref<4x200x64xf32, #tpu.memory_space<vmem>>, vector<1x1x16xf32>,
        %get3A_1172 = vector.shape_cast %get3A_1171 : vector<1x1x16xf32> to vector<16xf32>
        %add3A_1173 = arith.addf %add3A_1143, %get3A_1172 : vector<16xf32>
        %scan3A_1174 = arith.constant 20 : i32
        %scan3A_1175 = arith.addi %scan3A_571, %scan3A_1174 : i32
        %get3A_1176 = arith.constant 3 : i32
        %get3A_1177 = arith.index_cast %get3A_1176 : i32 to index
        %get3A_1178 = arith.index_cast %scan3A_1175 : i32 to index
        %get3A_1179 = arith.constant 0 : index
        %get3A_1180 = tpu.vector_load %arg8[%get3A_1177, %get3A_1178, %get3A_1179] {strides = array<i32>} : memref<4x200x64xf32, #tpu.memory_space<vmem>>, vector<1x1x16xf32>,
        %get3A_1181 = vector.shape_cast %get3A_1180 : vector<1x1x16xf32> to vector<16xf32>
        %add3A_1182 = arith.addf %add3A_1152, %get3A_1181 : vector<16xf32>
        %get3A_1183 = arith.constant 3 : i32
        %get3A_1184 = arith.index_cast %get3A_1183 : i32 to index
        %get3A_1185 = arith.index_cast %scan3A_1175 : i32 to index
        %get3A_1186 = arith.constant 16 : index
        %get3A_1187 = tpu.vector_load %arg8[%get3A_1184, %get3A_1185, %get3A_1186] {strides = array<i32>} : memref<4x200x64xf32, #tpu.memory_space<vmem>>, vector<1x1x16xf32>,
        %get3A_1188 = vector.shape_cast %get3A_1187 : vector<1x1x16xf32> to vector<16xf32>
        %add3A_1189 = arith.addf %add3A_1159, %get3A_1188 : vector<16xf32>
        %get3A_1190 = arith.constant 3 : i32
        %get3A_1191 = arith.index_cast %get3A_1190 : i32 to index
        %get3A_1192 = arith.index_cast %scan3A_1175 : i32 to index
        %get3A_1193 = arith.constant 32 : index
        %get3A_1194 = tpu.vector_load %arg8[%get3A_1191, %get3A_1192, %get3A_1193] {strides = array<i32>} : memref<4x200x64xf32, #tpu.memory_space<vmem>>, vector<1x1x16xf32>,
        %get3A_1195 = vector.shape_cast %get3A_1194 : vector<1x1x16xf32> to vector<16xf32>
        %add3A_1196 = arith.addf %add3A_1166, %get3A_1195 : vector<16xf32>
        %get3A_1197 = arith.constant 3 : i32
        %get3A_1198 = arith.index_cast %get3A_1197 : i32 to index
        %get3A_1199 = arith.index_cast %scan3A_1175 : i32 to index
        %get3A_1200 = arith.constant 48 : index
        %get3A_1201 = tpu.vector_load %arg8[%get3A_1198, %get3A_1199, %get3A_1200] {strides = array<i32>} : memref<4x200x64xf32, #tpu.memory_space<vmem>>, vector<1x1x16xf32>,
        %get3A_1202 = vector.shape_cast %get3A_1201 : vector<1x1x16xf32> to vector<16xf32>
        %add3A_1203 = arith.addf %add3A_1173, %get3A_1202 : vector<16xf32>
        %scan3A_1204 = arith.constant 21 : i32
        %scan3A_1205 = arith.addi %scan3A_571, %scan3A_1204 : i32
        %get3A_1206 = arith.constant 3 : i32
        %get3A_1207 = arith.index_cast %get3A_1206 : i32 to index
        %get3A_1208 = arith.index_cast %scan3A_1205 : i32 to index
        %get3A_1209 = arith.constant 0 : index
        %get3A_1210 = tpu.vector_load %arg8[%get3A_1207, %get3A_1208, %get3A_1209] {strides = array<i32>} : memref<4x200x64xf32, #tpu.memory_space<vmem>>, vector<1x1x16xf32>,
        %get3A_1211 = vector.shape_cast %get3A_1210 : vector<1x1x16xf32> to vector<16xf32>
        %add3A_1212 = arith.addf %add3A_1182, %get3A_1211 : vector<16xf32>
        %get3A_1213 = arith.constant 3 : i32
        %get3A_1214 = arith.index_cast %get3A_1213 : i32 to index
        %get3A_1215 = arith.index_cast %scan3A_1205 : i32 to index
        %get3A_1216 = arith.constant 16 : index
        %get3A_1217 = tpu.vector_load %arg8[%get3A_1214, %get3A_1215, %get3A_1216] {strides = array<i32>} : memref<4x200x64xf32, #tpu.memory_space<vmem>>, vector<1x1x16xf32>,
        %get3A_1218 = vector.shape_cast %get3A_1217 : vector<1x1x16xf32> to vector<16xf32>
        %add3A_1219 = arith.addf %add3A_1189, %get3A_1218 : vector<16xf32>
        %get3A_1220 = arith.constant 3 : i32
        %get3A_1221 = arith.index_cast %get3A_1220 : i32 to index
        %get3A_1222 = arith.index_cast %scan3A_1205 : i32 to index
        %get3A_1223 = arith.constant 32 : index
        %get3A_1224 = tpu.vector_load %arg8[%get3A_1221, %get3A_1222, %get3A_1223] {strides = array<i32>} : memref<4x200x64xf32, #tpu.memory_space<vmem>>, vector<1x1x16xf32>,
        %get3A_1225 = vector.shape_cast %get3A_1224 : vector<1x1x16xf32> to vector<16xf32>
        %add3A_1226 = arith.addf %add3A_1196, %get3A_1225 : vector<16xf32>
        %get3A_1227 = arith.constant 3 : i32
        %get3A_1228 = arith.index_cast %get3A_1227 : i32 to index
        %get3A_1229 = arith.index_cast %scan3A_1205 : i32 to index
        %get3A_1230 = arith.constant 48 : index
        %get3A_1231 = tpu.vector_load %arg8[%get3A_1228, %get3A_1229, %get3A_1230] {strides = array<i32>} : memref<4x200x64xf32, #tpu.memory_space<vmem>>, vector<1x1x16xf32>,
        %get3A_1232 = vector.shape_cast %get3A_1231 : vector<1x1x16xf32> to vector<16xf32>
        %add3A_1233 = arith.addf %add3A_1203, %get3A_1232 : vector<16xf32>
        %scan3A_1234 = arith.constant 22 : i32
        %scan3A_1235 = arith.addi %scan3A_571, %scan3A_1234 : i32
        %get3A_1236 = arith.constant 3 : i32
        %get3A_1237 = arith.index_cast %get3A_1236 : i32 to index
        %get3A_1238 = arith.index_cast %scan3A_1235 : i32 to index
        %get3A_1239 = arith.constant 0 : index
        %get3A_1240 = tpu.vector_load %arg8[%get3A_1237, %get3A_1238, %get3A_1239] {strides = array<i32>} : memref<4x200x64xf32, #tpu.memory_space<vmem>>, vector<1x1x16xf32>,
        %get3A_1241 = vector.shape_cast %get3A_1240 : vector<1x1x16xf32> to vector<16xf32>
        %add3A_1242 = arith.addf %add3A_1212, %get3A_1241 : vector<16xf32>
        %get3A_1243 = arith.constant 3 : i32
        %get3A_1244 = arith.index_cast %get3A_1243 : i32 to index
        %get3A_1245 = arith.index_cast %scan3A_1235 : i32 to index
        %get3A_1246 = arith.constant 16 : index
        %get3A_1247 = tpu.vector_load %arg8[%get3A_1244, %get3A_1245, %get3A_1246] {strides = array<i32>} : memref<4x200x64xf32, #tpu.memory_space<vmem>>, vector<1x1x16xf32>,
        %get3A_1248 = vector.shape_cast %get3A_1247 : vector<1x1x16xf32> to vector<16xf32>
        %add3A_1249 = arith.addf %add3A_1219, %get3A_1248 : vector<16xf32>
        %get3A_1250 = arith.constant 3 : i32
        %get3A_1251 = arith.index_cast %get3A_1250 : i32 to index
        %get3A_1252 = arith.index_cast %scan3A_1235 : i32 to index
        %get3A_1253 = arith.constant 32 : index
        %get3A_1254 = tpu.vector_load %arg8[%get3A_1251, %get3A_1252, %get3A_1253] {strides = array<i32>} : memref<4x200x64xf32, #tpu.memory_space<vmem>>, vector<1x1x16xf32>,
        %get3A_1255 = vector.shape_cast %get3A_1254 : vector<1x1x16xf32> to vector<16xf32>
        %add3A_1256 = arith.addf %add3A_1226, %get3A_1255 : vector<16xf32>
        %get3A_1257 = arith.constant 3 : i32
        %get3A_1258 = arith.index_cast %get3A_1257 : i32 to index
        %get3A_1259 = arith.index_cast %scan3A_1235 : i32 to index
        %get3A_1260 = arith.constant 48 : index
        %get3A_1261 = tpu.vector_load %arg8[%get3A_1258, %get3A_1259, %get3A_1260] {strides = array<i32>} : memref<4x200x64xf32, #tpu.memory_space<vmem>>, vector<1x1x16xf32>,
        %get3A_1262 = vector.shape_cast %get3A_1261 : vector<1x1x16xf32> to vector<16xf32>
        %add3A_1263 = arith.addf %add3A_1233, %get3A_1262 : vector<16xf32>
        %scan3A_1264 = arith.constant 23 : i32
        %scan3A_1265 = arith.addi %scan3A_571, %scan3A_1264 : i32
        %get3A_1266 = arith.constant 3 : i32
        %get3A_1267 = arith.index_cast %get3A_1266 : i32 to index
        %get3A_1268 = arith.index_cast %scan3A_1265 : i32 to index
        %get3A_1269 = arith.constant 0 : index
        %get3A_1270 = tpu.vector_load %arg8[%get3A_1267, %get3A_1268, %get3A_1269] {strides = array<i32>} : memref<4x200x64xf32, #tpu.memory_space<vmem>>, vector<1x1x16xf32>,
        %get3A_1271 = vector.shape_cast %get3A_1270 : vector<1x1x16xf32> to vector<16xf32>
        %add3A_1272 = arith.addf %add3A_1242, %get3A_1271 : vector<16xf32>
        %get3A_1273 = arith.constant 3 : i32
        %get3A_1274 = arith.index_cast %get3A_1273 : i32 to index
        %get3A_1275 = arith.index_cast %scan3A_1265 : i32 to index
        %get3A_1276 = arith.constant 16 : index
        %get3A_1277 = tpu.vector_load %arg8[%get3A_1274, %get3A_1275, %get3A_1276] {strides = array<i32>} : memref<4x200x64xf32, #tpu.memory_space<vmem>>, vector<1x1x16xf32>,
        %get3A_1278 = vector.shape_cast %get3A_1277 : vector<1x1x16xf32> to vector<16xf32>
        %add3A_1279 = arith.addf %add3A_1249, %get3A_1278 : vector<16xf32>
        %get3A_1280 = arith.constant 3 : i32
        %get3A_1281 = arith.index_cast %get3A_1280 : i32 to index
        %get3A_1282 = arith.index_cast %scan3A_1265 : i32 to index
        %get3A_1283 = arith.constant 32 : index
        %get3A_1284 = tpu.vector_load %arg8[%get3A_1281, %get3A_1282, %get3A_1283] {strides = array<i32>} : memref<4x200x64xf32, #tpu.memory_space<vmem>>, vector<1x1x16xf32>,
        %get3A_1285 = vector.shape_cast %get3A_1284 : vector<1x1x16xf32> to vector<16xf32>
        %add3A_1286 = arith.addf %add3A_1256, %get3A_1285 : vector<16xf32>
        %get3A_1287 = arith.constant 3 : i32
        %get3A_1288 = arith.index_cast %get3A_1287 : i32 to index
        %get3A_1289 = arith.index_cast %scan3A_1265 : i32 to index
        %get3A_1290 = arith.constant 48 : index
        %get3A_1291 = tpu.vector_load %arg8[%get3A_1288, %get3A_1289, %get3A_1290] {strides = array<i32>} : memref<4x200x64xf32, #tpu.memory_space<vmem>>, vector<1x1x16xf32>,
        %get3A_1292 = vector.shape_cast %get3A_1291 : vector<1x1x16xf32> to vector<16xf32>
        %add3A_1293 = arith.addf %add3A_1263, %get3A_1292 : vector<16xf32>
        %scan3A_1294 = arith.constant 24 : i32
        %scan3A_1295 = arith.addi %scan3A_571, %scan3A_1294 : i32
        %get3A_1296 = arith.constant 3 : i32
        %get3A_1297 = arith.index_cast %get3A_1296 : i32 to index
        %get3A_1298 = arith.index_cast %scan3A_1295 : i32 to index
        %get3A_1299 = arith.constant 0 : index
        %get3A_1300 = tpu.vector_load %arg8[%get3A_1297, %get3A_1298, %get3A_1299] {strides = array<i32>} : memref<4x200x64xf32, #tpu.memory_space<vmem>>, vector<1x1x16xf32>,
        %get3A_1301 = vector.shape_cast %get3A_1300 : vector<1x1x16xf32> to vector<16xf32>
        %add3A_1302 = arith.addf %add3A_1272, %get3A_1301 : vector<16xf32>
        %get3A_1303 = arith.constant 3 : i32
        %get3A_1304 = arith.index_cast %get3A_1303 : i32 to index
        %get3A_1305 = arith.index_cast %scan3A_1295 : i32 to index
        %get3A_1306 = arith.constant 16 : index
        %get3A_1307 = tpu.vector_load %arg8[%get3A_1304, %get3A_1305, %get3A_1306] {strides = array<i32>} : memref<4x200x64xf32, #tpu.memory_space<vmem>>, vector<1x1x16xf32>,
        %get3A_1308 = vector.shape_cast %get3A_1307 : vector<1x1x16xf32> to vector<16xf32>
        %add3A_1309 = arith.addf %add3A_1279, %get3A_1308 : vector<16xf32>
        %get3A_1310 = arith.constant 3 : i32
        %get3A_1311 = arith.index_cast %get3A_1310 : i32 to index
        %get3A_1312 = arith.index_cast %scan3A_1295 : i32 to index
        %get3A_1313 = arith.constant 32 : index
        %get3A_1314 = tpu.vector_load %arg8[%get3A_1311, %get3A_1312, %get3A_1313] {strides = array<i32>} : memref<4x200x64xf32, #tpu.memory_space<vmem>>, vector<1x1x16xf32>,
        %get3A_1315 = vector.shape_cast %get3A_1314 : vector<1x1x16xf32> to vector<16xf32>
        %add3A_1316 = arith.addf %add3A_1286, %get3A_1315 : vector<16xf32>
        %get3A_1317 = arith.constant 3 : i32
        %get3A_1318 = arith.index_cast %get3A_1317 : i32 to index
        %get3A_1319 = arith.index_cast %scan3A_1295 : i32 to index
        %get3A_1320 = arith.constant 48 : index
        %get3A_1321 = tpu.vector_load %arg8[%get3A_1318, %get3A_1319, %get3A_1320] {strides = array<i32>} : memref<4x200x64xf32, #tpu.memory_space<vmem>>, vector<1x1x16xf32>,
        %get3A_1322 = vector.shape_cast %get3A_1321 : vector<1x1x16xf32> to vector<16xf32>
        %add3A_1323 = arith.addf %add3A_1293, %get3A_1322 : vector<16xf32>
        scf.yield %add3A_1302, %add3A_1309, %add3A_1316, %add3A_1323 : vector<16xf32>, vector<16xf32>, vector<16xf32>, vector<16xf32>
      }
      %scan3A_542 = arith.constant 200 : i32
      %get3A_543 = arith.index_cast %add3A_479 : i32 to index
      %get3A_544 = arith.constant 0 : index
      %get3A_545 = tpu.vector_load %arg7[%get3A_543, %get3A_544] {strides = array<i32>} : memref<128x16xf32, #tpu.memory_space<vmem>>, vector<1x16xf32>,
      %get3A_546 = vector.shape_cast %get3A_545 : vector<1x16xf32> to vector<16xf32>
      %mul3A_547 = arith.mulf %scan3A_541#0, %get3A_546 : vector<16xf32>
      %swap3A_548 = arith.index_cast %add3A_479 : i32 to index
      %swap3A_549 = arith.constant 0 : index
      %swap3A_550 = tpu.vector_load %arg9[%swap3A_548, %swap3A_549] {strides = array<i32>} : memref<128x64xf32, #tpu.memory_space<vmem>>, vector<1x16xf32>,
      %swap3A_551 = vector.shape_cast %swap3A_550 : vector<1x16xf32> to vector<16xf32>
      %swap3A_552 = vector.shape_cast %mul3A_547 : vector<16xf32> to vector<1x16xf32>
      tpu.vector_store %arg9[%swap3A_548, %swap3A_549], %swap3A_552 {strides = array<i32>} : memref<128x64xf32, #tpu.memory_space<vmem>>, vector<1x16xf32>,
      %mul3A_553 = arith.mulf %scan3A_541#1, %get3A_546 : vector<16xf32>
      %swap3A_554 = arith.index_cast %add3A_479 : i32 to index
      %swap3A_555 = arith.constant 16 : index
      %swap3A_556 = tpu.vector_load %arg9[%swap3A_554, %swap3A_555] {strides = array<i32>} : memref<128x64xf32, #tpu.memory_space<vmem>>, vector<1x16xf32>,
      %swap3A_557 = vector.shape_cast %swap3A_556 : vector<1x16xf32> to vector<16xf32>
      %swap3A_558 = vector.shape_cast %mul3A_553 : vector<16xf32> to vector<1x16xf32>
      tpu.vector_store %arg9[%swap3A_554, %swap3A_555], %swap3A_558 {strides = array<i32>} : memref<128x64xf32, #tpu.memory_space<vmem>>, vector<1x16xf32>,
      %mul3A_559 = arith.mulf %scan3A_541#2, %get3A_546 : vector<16xf32>
      %swap3A_560 = arith.index_cast %add3A_479 : i32 to index
      %swap3A_561 = arith.constant 32 : index
      %swap3A_562 = tpu.vector_load %arg9[%swap3A_560, %swap3A_561] {strides = array<i32>} : memref<128x64xf32, #tpu.memory_space<vmem>>, vector<1x16xf32>,
      %swap3A_563 = vector.shape_cast %swap3A_562 : vector<1x16xf32> to vector<16xf32>
      %swap3A_564 = vector.shape_cast %mul3A_559 : vector<16xf32> to vector<1x16xf32>
      tpu.vector_store %arg9[%swap3A_560, %swap3A_561], %swap3A_564 {strides = array<i32>} : memref<128x64xf32, #tpu.memory_space<vmem>>, vector<1x16xf32>,
      %mul3A_565 = arith.mulf %scan3A_541#3, %get3A_546 : vector<16xf32>
      %swap3A_566 = arith.index_cast %add3A_479 : i32 to index
      %swap3A_567 = arith.constant 48 : index
      %swap3A_568 = tpu.vector_load %arg9[%swap3A_566, %swap3A_567] {strides = array<i32>} : memref<128x64xf32, #tpu.memory_space<vmem>>, vector<1x16xf32>,
      %swap3A_569 = vector.shape_cast %swap3A_568 : vector<1x16xf32> to vector<16xf32>
      %swap3A_570 = vector.shape_cast %mul3A_565 : vector<16xf32> to vector<1x16xf32>
      tpu.vector_store %arg9[%swap3A_566, %swap3A_567], %swap3A_570 {strides = array<i32>} : memref<128x64xf32, #tpu.memory_space<vmem>>, vector<1x16xf32>,
    }
    %scan3A_200 = arith.constant 32 : i32
    %mul3A_201 = arith.constant 128 : i32
    %mul3A_202 = arith.muli %add3A, %mul3A_201 : i32
    "tpu.region"() ({
      %run_scoped3A = tpu.sem_alloc : memref<!tpu.dma_semaphore, #tpu.memory_space<semaphore_mem>>
      %dma_start3A_203 = arith.constant 0 : i32
      %dma_start3A_204 = tpu.memref_slice %arg5[%mul3A_202, %dma_start3A_203] : memref<4096x64xf32, #tpu.memory_space<hbm>> -> memref<128x64xf32, #tpu.memory_space<hbm>>
      %dma_start3A_205 = arith.constant 0 : i32
      %dma_start3A_206 = tpu.memref_slice %arg5[%mul3A_202, %dma_start3A_205] : memref<4096x64xf32, #tpu.memory_space<hbm>> -> memref<128x64xf32, #tpu.memory_space<hbm>>
      tpu.enqueue_dma source(%arg9 : memref<128x64xf32, #tpu.memory_space<vmem>>) target(%dma_start3A_206 : memref<128x64xf32, #tpu.memory_space<hbm>>) target_semaphore(%run_scoped3A : memref<!tpu.dma_semaphore, #tpu.memory_space<semaphore_mem>>)
      %dma_wait3A = arith.constant 0 : i32
      %dma_wait3A_207 = tpu.memref_slice %arg5[%mul3A_202, %dma_wait3A] : memref<4096x64xf32, #tpu.memory_space<hbm>> -> memref<128x64xf32, #tpu.memory_space<hbm>>
      %dma_wait3A_208 = arith.constant 0 : i32
      %dma_wait3A_209 = tpu.memref_slice %arg5[%mul3A_202, %dma_wait3A_208] : memref<4096x64xf32, #tpu.memory_space<hbm>> -> memref<128x64xf32, #tpu.memory_space<hbm>>
      tpu.wait_dma2 semaphore(%run_scoped3A : memref<!tpu.dma_semaphore, #tpu.memory_space<semaphore_mem>>) src(%arg9 : memref<128x64xf32, #tpu.memory_space<vmem>>) dst(%dma_wait3A_209 : memref<128x64xf32, #tpu.memory_space<hbm>>)
      tpu.yield
    }) : () -> ()
    return
  }
}

</mosaic_0001>

<sc_bundles>
// kernel: kernel.3.cloned.1.call-start
scs
__scs_entry_jumppad:
0x0: {  	(pc) =	sbr.rel $0x88, $3  }
0x1: {  	(tag) =	ssettag $0x0;
	lr =	simm.s32 $0x1  }
0x2: {  	[smem:$0x3F9E] =	sst lr;
	_ =	strace $0xD0000000  }
0x3: {  	_ = 	snop  }
0x4: {  	_ = 	snop  }
0x5: {  	_ = 	snop  }
0x6: {  	_ = 	snop  }
0x7: {  	_ = 	snop  }
__scs_overlays_trampoline_lowered:
0x8: {  	[smem:$0x3FAD] =	sst s0  }
0x9: {  	[smem:$0x3FAE] =	sst s1  }
0xa: {  	[smem:$0x3FAF] =	sst s2  }
0xb: {  	[smem:$0x3FB0] =	sst s3  }
0xc: {  	[smem:$0x3FB1] =	sst s4  }
0xd: {  	[smem:$0x3FB2] =	sst s5  }
0xe: {  	[smem:$0x3FB3] =	sst s6  }
0xf: {  	[smem:$0x3FB4] =	sst s7  }
0x10: {  	[smem:$0x3FB5] =	sst s8  }
0x11: {  	[smem:$0x3FB6] =	sst s9;
	s0 =	simm.s32 @!p0 $0x0  }
0x12: {  	s1 =	sld [smem:$0x3F9C];
	s0 =	simm.s32 @p0 $0x1  }
0x13: {  	[smem:$0x3FB7] =	sst s0;
	s0 =	simm.s32 @!p1 $0x0  }
0x14: {  	s2 =	sld [smem:$0x3F9B];
	s0 =	simm.s32 @p1 $0x1  }
0x15: {  	[smem:$0x3FB8] =	sst s0;
	s0 =	simm.s32 @!p2 $0x0  }
0x16: {  	s3 =	sld [smem:$0x3FDB];
	s0 =	simm.s32 @p2 $0x1  }
0x17: {  	s4 =	simm.s32 $0x1BF5;
	[smem:$0x3FBA] =	sst s0  }
0x18: {  	s0 =	sld [smem:$0x3F9D];
	_ =	swait.ge [sflag:s4], $0x0  }
0x19: {  	s7 =	sld [smem:$0x3F9E]  }
0x1a: {  	s8 =	sadd.s32 $0xFFFFE003, lr  }
0x1b: {  	s9 =	sadd.s32 $0xFFFFFEF7, lr;
	s5 =	simm.s32 $0xFFFFFFFF;
	p2 =	slt.u32 s8, $0xFFFFF086  }
0x1c: {  	p1 =	slt.u32 s9, $0xF7A;
	s5 =	simm.s32 @!p2 $0x0  }
0x1d: {  	s5 =	simm.s32 @p1 $0x1;
	p0 =	seq.s32 s7, s2  }
0x1e: {  	s7 =	smul.u32 @!p0 $0xF7A, s2;
	p2 =	seq.s32 @!p0 s5, $0x0  }
0x1f: {  	s9 =	smul.u32 $0xF7A, s1;
	s8 =	simm.s32 @!p0 $0x1BF5;
	p2 =	por !p2, p0  }
0x20: {  	[sflag:s8] =	ssyncset.s32 @!p0 $0xFFFFF086;
	s6 =	sadd.s32 @!p0 s3, s7;
	s7 =	simm.s32 @!p0 $0x108  }
0x21: {  	s3 =	sadd.s32 s3, s9;
	s6 =	sadd.s32 @!p0 $0x88, s6;
	s7 =	simm.s32 @p2 $0x1082  }
0x22: {  	[simem:s7], [sflag:s8] =	dma.local @!p0 [hbm:s6], $0xF7A  }
0x23: {  	s9 =	sor.u32 $0xD0000000, s2;
	s6 =	simm.s32 $0x108;
	_ =	swait.ge @!p0 [sflag:s8], $0x0  }
0x24: {  	s3 =	sadd.s32 $0x88, s3;
	s6 =	simm.s32 @!p1 $0x1082;
	[sflag:s4] =	ssyncset.s32 $0xFFFFF086  }
0x25: {  	[simem:s6], [sflag:s4] =	dma.local [hbm:s3], $0xF7A  }
0x26: {  	[smem:$0x3F9E] =	sst s1;
	(tag) =	ssettag s2;
	_ =	strace s9  }
0x27: {  	s1 =	sld [smem:$0x3FAE]  }
0x28: {  	s2 =	sld [smem:$0x3FAF]  }
0x29: {  	s4 =	sld [smem:$0x3FB1]  }
0x2a: {  	p0 =	seq.s32 s5, $0x0;
	s5 =	sld [smem:$0x3FB2]  }
0x2b: {  	s6 =	sld [smem:$0x3FB3]  }
0x2c: {  	s7 =	sld [smem:$0x3FB4]  }
0x2d: {  	s3 =	simm.s32 $0x108;
	s8 =	sld [smem:$0x3FB5]  }
0x2e: {  	s3 =	simm.s32 @!p0 $0x1082;
	s9 =	sld [smem:$0x3FB6]  }
0x2f: {  	lr =	sadd.s32 s0, s3;
	s0 =	sld [smem:$0x3FAD]  }
0x30: {  	s3 =	sld [smem:$0x3FB0]  }
0x31: {  	[smem:$0x3FB9] =	sst s10  }
0x32: {  	s10 =	sld [smem:$0x3FB7];
	_ =	sdelay $0x3  }
0x33: {  	p0 =	seq.s32 s10, $0x1;
	s10 =	sld [smem:$0x3FB9];
	_ =	sdelay $0x3  }
0x34: {  	[smem:$0x3FB9] =	sst s10  }
0x35: {  	s10 =	sld [smem:$0x3FB8];
	_ =	sdelay $0x3  }
0x36: {  	p1 =	seq.s32 s10, $0x1;
	s10 =	sld [smem:$0x3FB9];
	_ =	sdelay $0x3  }
0x37: {  	[smem:$0x3FB9] =	sst s10  }
0x38: {  	s10 =	sld [smem:$0x3FBA]  }
0x39: {  	_ = 	snop;
	(pc) =	sbr.ind lr, $3  }
0x3a: {  	_ = 	snop  }
0x3b: {  	_ = 	snop  }
0x3c: {  	p2 =	seq.s32 s10, $0x1;
	s10 =	sld [smem:$0x3FB9]  }
0x3d: {  	_ =	shalt  }
0x3e: {  	_ =	shalt  }
0x3f: {  	_ =	shalt  }
0x40: {  	_ =	shalt  }
0x41: {  	_ =	shalt  }
0x42: {  	_ =	shalt  }
0x43: {  	_ =	shalt  }
0x44: {  	_ =	shalt  }
0x45: {  	_ =	shalt  }
0x46: {  	_ =	shalt  }
0x47: {  	_ =	shalt  }
0x48: {  	_ =	shalt  }
0x49: {  	_ =	shalt  }
0x4a: {  	_ =	shalt  }
0x4b: {  	_ =	shalt  }
0x4c: {  	_ =	shalt  }
0x4d: {  	_ =	shalt  }
0x4e: {  	_ =	shalt  }
0x4f: {  	_ =	shalt  }
0x50: {  	_ =	shalt  }
0x51: {  	_ =	shalt  }
0x52: {  	_ =	shalt  }
0x53: {  	_ =	shalt  }
0x54: {  	_ =	shalt  }
0x55: {  	_ =	shalt  }
0x56: {  	_ =	shalt  }
0x57: {  	_ =	shalt  }
0x58: {  	_ =	shalt  }
0x59: {  	_ =	shalt  }
0x5a: {  	_ =	shalt  }
0x5b: {  	_ =	shalt  }
0x5c: {  	_ =	shalt  }
0x5d: {  	_ =	shalt  }
0x5e: {  	_ =	shalt  }
0x5f: {  	_ =	shalt  }
0x60: {  	_ =	shalt  }
0x61: {  	_ =	shalt  }
0x62: {  	_ =	shalt  }
0x63: {  	_ =	shalt  }
0x64: {  	_ =	shalt  }
0x65: {  	_ =	shalt  }
0x66: {  	_ =	shalt  }
0x67: {  	_ =	shalt  }
0x68: {  	_ =	shalt  }
0x69: {  	_ =	shalt  }
0x6a: {  	_ =	shalt  }
0x6b: {  	_ =	shalt  }
0x6c: {  	_ =	shalt  }
0x6d: {  	_ =	shalt  }
0x6e: {  	_ =	shalt  }
0x6f: {  	_ =	shalt  }
0x70: {  	_ =	shalt  }
0x71: {  	_ =	shalt  }
0x72: {  	_ =	shalt  }
0x73: {  	_ =	shalt  }
0x74: {  	_ =	shalt  }
0x75: {  	_ =	shalt  }
0x76: {  	_ =	shalt  }
0x77: {  	_ =	shalt  }
0x78: {  	_ =	shalt  }
0x79: {  	_ =	shalt  }
0x7a: {  	_ =	shalt  }
0x7b: {  	_ =	shalt  }
0x7c: {  	_ =	shalt  }
0x7d: {  	_ =	shalt  }
0x7e: {  	_ =	shalt  }
0x7f: {  	_ =	shalt  }
0x80: {  	_ =	shalt  }
0x81: {  	_ =	shalt  }
0x82: {  	_ =	shalt  }
0x83: {  	_ =	shalt  }
0x84: {  	_ =	shalt  }
0x85: {  	_ =	shalt  }
0x86: {  	_ =	shalt  }
0x87: {  	_ =	shalt  }
.Lfunc_end0:
.L_simem_size_0:
called_computation_lowered:
.L_overlay_start_0:
0x88: {  	s2 =	sld [smem:$0x3FD9]  }
0x89: {  	s3 =	sld [smem:$0x3FFE];
	_ =	sdelay $0x1  }
0x8a: {  	s1 =	srdreg.scid  }
0x8b: {  	s0 =	sand.u32 $0x1, s1  }
0x8c: {  	s17 =	sshll.u32 s0, $0xA;
	s2 =	sadd.s32 s3, s2  }
0x8d: {  	s2 =	sadd.s32 s2, s17  }
0x8e: {  	[smem:$0x3FC5] =	sst s2  }
0x8f: {  	_ = 	snop  }
0x90: {  	s2 =	sld [smem:$0x3FD0];
	(tm) =	ssettm $0x1  }
0x91: {  	s18 =	sld [smem:$0x3FFB];
	_ =	sdelay $0x3  }
0x92: {  	_ =	strace s18  }
0x93: {  	s3 =	sld [smem:$0x3FFC];
	_ =	sdelay $0x3  }
0x94: {  	_ =	strace s3  }
0x95: {  	s3 =	sld [smem:$0x3FFD];
	_ =	sdelay $0x3  }
0x96: {  	_ =	strace s3  }
0x97: {  	_ =	strace $0x8FFFFFFF  }
0x98: {  	s19 =	sld [smem:$0x3FDB];
	_ =	sdelay $0x1  }
0x99: {  	s4 =	simm.s32 $_scs_section_size  }
0x9a: {  	s5 =	simm.s32 $_size__tile_overlayer_lowered;
	s6 =	simm.s32 $_tile_overlayer_lowered  }
0x9b: {  	s22 =	simm.s32 $0x1BFF;
	s21 =	sshll.u32 s6, $0x1;
	s3 =	sadd.s32 s4, s19  }
0x9c: {  	s7 =	simm.s32 $0x0;
	s20 =	sshll.u32 s5, $0x1;
	s5 =	sadd.s32 s21, s3  }
0x9d: {  	[timem:s7], [sflag:s22] =	dma.local [hbm:s5], s20  }
0x9e: {  	_ =	swait.ge [sflag:s22], s20  }
0x9f: {  	s4 =	ssub.s32 $0x0, s20;
	[sflag:s22] =	ssyncset.done $0x0  }
0xa0: {  	[sflag:s22] =	ssyncadd.s32 s4;
	_ =	sdelay $0x1  }
0xa1: {  	s23 =	simm.s32 $0x1B8B  }
0xa2: {  	_ =	swait.ge [sflag:s23], $0x1  }
0xa3: {  	[sflag:s23] =	ssyncset.done $0x0  }
0xa4: {  	s25 =	simm.s32 $0x1B8E;
	s24 =	sld [smem:$0x3FFE];
	[sflag:s23] =	ssyncadd.s32 $0xFFFFFFFF  }
0xa5: {  	s26 =	simm.s32 $execute0_lowered;
	[smem:$0x3FD2] =	sst s25  }
0xa6: {  	s5 =	sshll.u32 s26, $0x1;
	_ =	strace $0x80000046;
	[dreg:$0x1] =	wrdreg $0xFFFFFFFF  }
0xa7: {  	s28 =	simm.s32 $_size_execute0_lowered;
	s3 =	sadd.s32 s3, s5;
	[dreg:$0x0] =	wrdreg $0x0  }
0xa8: {  	s5 =	sshll.u32 s28, $0x1;
	[dreg:$0x2] =	wrdreg s3  }
0xa9: {  	[dreg:$0x3] =	wrdreg s5  }
0xaa: {  	[dreg:$0x4] =	wrdreg $0xC0  }
0xab: {  	_ =	task [dreg:s7], $0x5FFFF  }
0xac: {  	[dreg:$0x1] =	wrdreg $0xFFFFFFFF  }
0xad: {  	[dreg:$0x0] =	wrdreg $0x60  }
0xae: {  	[dreg:$0x2] =	wrdreg s24  }
0xaf: {  	[dreg:$0x3] =	wrdreg s2  }
0xb0: {  	[dreg:$0x4] =	wrdreg $0x9  }
0xb1: {  	_ =	task.clear_ibuf [dreg:s7], $0x5FFFF;
	_ =	strace $0x90000046  }
0xb2: {  	s29 =	simm.s32 $0x9;
	_ =	strace $0x80000048  }
0xb3: {  	_ =	swait.ge [sflag:s29], $0x1  }
0xb4: {  	[sflag:s29] =	ssyncadd.s32 $0xFFFFFFFF  }
0xb5: {  	_ =	strace $0x90000048  }
0xb6: {  	_ =	sfence  }
0xb7: {  	s30 =	sld [smem:$0x0];
	_ =	sdelay $0x2  }
0xb8: {  	s31 =	sshll.u32 s1, $0xD;
	s1 =	sshrl.u32 s1, $0x2  }
0xb9: {  	s3 =	sand.u32 $0x4000, s31;
	s1 =	sadd.s32 s1, s30  }
0xba: {  	s0 =	sor.u32 s3, s0;
	s1 =	sshll.u32 s1, $0x11  }
0xbb: {  	s0 =	sor.u32 s1, s0  }
0xbc: {  	s0 =	sadd.s32 $0x8F2B, s0  }
0xbd: {  	[sflag:s0] =	ssyncadd.remote.s32 $0x1  }
0xbe: {  	_ =	sfence.sel $0xFFFF  }
0xbf: {  	[dreg:$0x0] =	wrdreg $0xFFFFFFFF;
	(pc) =	sbr.abs _section_cstart, $3  }
0xc0: {  	[dreg:$0x1] =	wrdreg $0xFFFFFFFF  }
0xc1: {  	_ =	task.clear_ibuf [dreg:s7], $0x2FFFF;
	_ =	strace $0x9FFFFFFF  }
0xc2: {  	(tm) =	ssettm $0x7FFFFFFF  }
0xc3: {  	_ =	shalt  }
tec
execute0_lowered:
.L_overlay_start_1:
0x0: {  	(tag) =	ssettag $0x1  }
0x1: {  	s0 =	rddreg [dreg:$0x0]  }
0x2: {  	s1 =	rddreg [dreg:$0x1]  }
0x3: {  	s3 =	srdreg.scid;
	s5 =	stileid.u32;
	s2 =	simm.s32 $0x0  }
0x4: {  	s8 =	simm.s32 $0x5;
	s10 =	simm.s32 $0x32;
	s29 =	simm.s32 $0x1F8  }
0x5: {  	s30 =	simm.s32 $0xE880;
	s31 =	simm.s32 $0x230;
	s9 =	simm.s32 $0x10180  }
0x6: {  	s11 =	simm.s32 $0x1;
	s12 =	simm.s32 $0x10E00;
	s13 =	simm.s32 $0x11A80  }
0x7: {  	s14 =	simm.s32 $0x12700;
	s15 =	simm.s32 $0x13380;
	s16 =	simm.s32 $0x2  }
0x8: {  	s17 =	simm.s32 $0x3;
	s18 =	simm.s32 $0x4;
	s19 =	simm.s32 $0x14000  }
0x9: {  	s20 =	simm.s32 $0x0;
	s4 =	sand.u32 $0x1, s3;
	s25 =	sshll.u32 s5, $0x1  }
0xa: {  	[smem:$0x7FF] =	sst s2;
	s3 =	sadd.s32 $0xF42C00, s0;
	s5 =	sor.u32 s4, s25  }
0xb: {  	_ =	strace $0x80000047;
	s4 =	ssub.s32 $0x2, s4;
	s6 =	smul.u32 $0xE00, s5  }
0xc: {  	s7 =	sshll.u32 s5, $0x8;
	s26 =	sshrl.u32 s4, $0x1;
	s28 =	sshll.u32 s5, $0xA  }
0xd: {  	s6 =	sadd.s32 s6, s0;
	s0 =	sadd.s32 s7, s0;
	s7 =	ssub.s32 s4, s26  }
0xe: {  	s4 =	sadd.s32 $0x800, s6;
	s5 =	sadd.s32 $0x1C800, s0;
	s6 =	sadd.s32 s1, s28  }
0xf: {  	s7 =	smax.u32 s7, $0x1;
	s0 =	simm.s32 $0xF500;
	s1 =	simm.s32 $0x268  }
.LBB2_1:
0x10: {  	[tilespmem:s2], [sflag:$0x5] =	stream.linear.gather [hbm4b:s4+s2], $0x7000, $0x38;
	[tilespmem:$0x16000] =	vst v63  }
0x11: {  	_ =	swait.ge [sflag:s8], $0x7000  }
0x12: {  	[sflag:s8] =	ssyncset.done $0x0  }
0x13: {  	s21 =	simm.s32 $0x7000;
	[sflag:s8] =	ssyncadd.s32 $0xFFFF9000  }
0x14: {  	[tilespmem:s21], [sflag:$0x5] =	stream.linear.gather [hbm4b:s5+s2], $0x800, $0x38;
	[tilespmem:$0x16000] =	vst v63  }
0x15: {  	_ =	swait.ge [sflag:s8], $0x800  }
0x16: {  	[sflag:s8] =	ssyncset.done $0x0  }
0x17: {  	s24 =	simm.s32 $0x7800;
	[sflag:s8] =	ssyncadd.s32 $0xFFFFF800  }
0x18: {  	[tilespmem:s24], [sflag:$0x1] =	stream.indirect.gather [hbm4b:s3+s10], $0x40, s2, s10, $0xb8;
	[tilespmem:$0x16000] =	vst v63  }
0x19: {  	s25 =	simm.s32 $0x38;
	s22 =	simm.s32 $0x8480  }
0x1a: {  	[tilespmem:s22], [sflag:$0x1] =	stream.indirect.gather [hbm4b:s3+s10], $0x40, s25, s10, $0xb8;
	[tilespmem:$0x16000] =	vst v63  }
0x1b: {  	s26 =	simm.s32 $0x70;
	s28 =	simm.s32 $0x9100  }
0x1c: {  	[tilespmem:s28], [sflag:$0x1] =	stream.indirect.gather [hbm4b:s3+s10], $0x40, s26, s10, $0xb8;
	[tilespmem:$0x16000] =	vst v63  }
0x1d: {  	s23 =	simm.s32 $0x9D80;
	s22 =	simm.s32 $0xA8  }
0x1e: {  	[tilespmem:s23], [sflag:$0x1] =	stream.indirect.gather [hbm4b:s3+s10], $0x40, s22, s10, $0xb8;
	[tilespmem:$0x16000] =	vst v63  }
0x1f: {  	s24 =	simm.s32 $0xE0;
	s25 =	simm.s32 $0xAA00  }
0x20: {  	[tilespmem:s25], [sflag:$0x2] =	stream.indirect.gather [hbm4b:s3+s10], $0x40, s24, s10, $0xb8;
	[tilespmem:$0x16000] =	vst v63  }
0x21: {  	s26 =	simm.s32 $0x118;
	s28 =	simm.s32 $0xB680  }
0x22: {  	[tilespmem:s28], [sflag:$0x2] =	stream.indirect.gather [hbm4b:s3+s10], $0x40, s26, s10, $0xb8;
	[tilespmem:$0x16000] =	vst v63  }
0x23: {  	s22 =	simm.s32 $0x150;
	s23 =	simm.s32 $0xC300  }
0x24: {  	[tilespmem:s23], [sflag:$0x2] =	stream.indirect.gather [hbm4b:s3+s10], $0x40, s22, s10, $0xb8;
	[tilespmem:$0x16000] =	vst v63  }
0x25: {  	s24 =	simm.s32 $0x188;
	s25 =	simm.s32 $0xCF80  }
0x26: {  	[tilespmem:s25], [sflag:$0x2] =	stream.indirect.gather [hbm4b:s3+s10], $0x40, s24, s10, $0xb8;
	[tilespmem:$0x16000] =	vst v63  }
0x27: {  	s26 =	simm.s32 $0x1C0;
	s28 =	simm.s32 $0xDC00  }
0x28: {  	[tilespmem:s28], [sflag:$0x3] =	stream.indirect.gather [hbm4b:s3+s10], $0x40, s26, s10, $0xb8;
	[tilespmem:$0x16000] =	vst v63  }
0x29: {  	_ = 	snop  }
0x2a: {  	[tilespmem:s30], [sflag:$0x3] =	stream.indirect.gather [hbm4b:s3+s10], $0x40, s29, s10, $0xb8;
	[tilespmem:$0x16000] =	vst v63  }
0x2b: {  	_ = 	snop  }
0x2c: {  	[tilespmem:s0], [sflag:$0x3] =	stream.indirect.gather [hbm4b:s3+s10], $0x40, s31, s10, $0xb8;
	[tilespmem:$0x16000] =	vst v63  }
0x2d: {  	s21 =	simm.s32 $0x0  }
0x2e: {  	[tilespmem:s9], [sflag:$0x3] =	stream.indirect.gather [hbm4b:s3+s10], $0x40, s1, s10, $0xb8;
	[tilespmem:$0x16000] =	vst v63  }
.LBB2_2:
0x2f: {  	_ =	swait.ge [sflag:s11], $0xC80  }
0x30: {  	[sflag:s11] =	ssyncset.done $0x0  }
0x31: {  	[sflag:s11] =	ssyncadd.s32 $0xFFFFF380  }
0x32: {  	_ =	swait.ge [sflag:s11], $0xC80  }
0x33: {  	[sflag:s11] =	ssyncset.done $0x0  }
0x34: {  	[sflag:s11] =	ssyncadd.s32 $0xFFFFF380  }
0x35: {  	_ =	swait.ge [sflag:s11], $0xC80  }
0x36: {  	[sflag:s11] =	ssyncset.done $0x0  }
0x37: {  	s22 =	sshllo.u32 s21, $0x2;
	[sflag:s11] =	ssyncadd.s32 $0xFFFFF380  }
0x38: {  	s23 =	smul.u32 $0x380, s22;
	_ =	swait.ge [sflag:s11], $0xC80  }
0x39: {  	[sflag:s11] =	ssyncset.done $0x0  }
0x3a: {  	s23 =	sshra.s32 s23, $0x2;
	[sflag:s11] =	ssyncadd.s32 $0xFFFFF380  }
0x3b: {  	[tilespmem:s12], [sflag:$0x4] =	stream.indirect.gather [hbm4b:s3+s10], $0x40, s23, s10, $0xb8;
	[tilespmem:$0x16000] =	vst v63  }
0x3c: {  	s24 =	sadd.s32 $0x38, s23  }
0x3d: {  	[tilespmem:s13], [sflag:$0x4] =	stream.indirect.gather [hbm4b:s3+s10], $0x40, s24, s10, $0xb8;
	[tilespmem:$0x16000] =	vst v63  }
0x3e: {  	s26 =	sadd.s32 $0x70, s23  }
0x3f: {  	[tilespmem:s14], [sflag:$0x4] =	stream.indirect.gather [hbm4b:s3+s10], $0x40, s26, s10, $0xb8;
	[tilespmem:$0x16000] =	vst v63  }
0x40: {  	s28 =	simm.s32 $0x7B20;
	s23 =	sadd.s32 $0xA8, s23  }
0x41: {  	[tilespmem:s15], [sflag:$0x4] =	stream.indirect.gather [hbm4b:s3+s10], $0x40, s23, s10, $0xb8;
	[tilespmem:$0x16000] =	vst v63  }
0x42: {  	v0 =	vld [tilespmem:s28+$0x2E0]  }
0x43: {  	v1 =	vld [tilespmem:s28+$0x2F0]  }
0x44: {  	v2 =	vld [tilespmem:s28+$0x2A0]  }
0x45: {  	v3 =	vld [tilespmem:s28+$0x2B0]  }
0x46: {  	v4 =	vld [tilespmem:s28+$0x260]  }
0x47: {  	v5 =	vld [tilespmem:s28+$0x270]  }
0x48: {  	v6 =	vld [tilespmem:s28+$0x220]  }
0x49: {  	v7 =	vld [tilespmem:s28+$0x230]  }
0x4a: {  	v8 =	vld [tilespmem:s28+$0x1E0]  }
0x4b: {  	v9 =	vld [tilespmem:s28+$0x1F0]  }
0x4c: {  	v10 =	vld [tilespmem:s28+$0x1A0]  }
0x4d: {  	v11 =	vld [tilespmem:s28+$0x1B0]  }
0x4e: {  	v12 =	vld [tilespmem:s28+$0x160]  }
0x4f: {  	v13 =	vld [tilespmem:s28+$0x170]  }
0x50: {  	v14 =	vld [tilespmem:s28+$0x120]  }
0x51: {  	v15 =	vld [tilespmem:s28+$0x130]  }
0x52: {  	v16 =	vld [tilespmem:s28+$0xE0]  }
0x53: {  	v17 =	vld [tilespmem:s28+$0xF0]  }
0x54: {  	v18 =	vld [tilespmem:s28+$0xA0]  }
0x55: {  	v19 =	vld [tilespmem:s28+$0xB0]  }
0x56: {  	v20 =	vld [tilespmem:s28+$0x60]  }
0x57: {  	v21 =	vld [tilespmem:s28+$0x70]  }
0x58: {  	v22 =	vld [tilespmem:s28+$0x20]  }
0x59: {  	v23 =	vld [tilespmem:s28+$0x30]  }
0x5a: {  	v24 =	vld [tilespmem:s28+$0xFFFFFFE0]  }
0x5b: {  	v25 =	vld [tilespmem:s28+$0xFFFFFFF0]  }
0x5c: {  	v26 =	vld [tilespmem:s28+$0xFFFFFFA0]  }
0x5d: {  	v27 =	vld [tilespmem:s28+$0xFFFFFFB0]  }
0x5e: {  	v28 =	vld [tilespmem:s28+$0xFFFFFF60]  }
0x5f: {  	v29 =	vld [tilespmem:s28+$0xFFFFFF70]  }
0x60: {  	v30 =	vld [tilespmem:s28+$0xFFFFFF20]  }
0x61: {  	v31 =	vld [tilespmem:s28+$0xFFFFFF30]  }
0x62: {  	v32 =	vld [tilespmem:s28+$0xFFFFFEE0]  }
0x63: {  	v33 =	vld [tilespmem:s28+$0xFFFFFEF0]  }
0x64: {  	v34 =	vld [tilespmem:s28+$0xFFFFFEA0]  }
0x65: {  	v35 =	vld [tilespmem:s28+$0xFFFFFEB0]  }
0x66: {  	v36 =	vld [tilespmem:s28+$0xFFFFFE60]  }
0x67: {  	v37 =	vld [tilespmem:s28+$0xFFFFFE70]  }
0x68: {  	v38 =	vld [tilespmem:s28+$0xFFFFFE20]  }
0x69: {  	v39 =	vld [tilespmem:s28+$0xFFFFFE30]  }
0x6a: {  	v40 =	vld [tilespmem:s28+$0xFFFFFDE0]  }
0x6b: {  	v41 =	vld [tilespmem:s28+$0xFFFFFDF0]  }
0x6c: {  	v42 =	vld [tilespmem:s28+$0xFFFFFDA0]  }
0x6d: {  	v43 =	vld [tilespmem:s28+$0xFFFFFDB0]  }
0x6e: {  	v44 =	vld [tilespmem:s28+$0xFFFFFD60]  }
0x6f: {  	v45 =	vld [tilespmem:s28+$0xFFFFFD70]  }
0x70: {  	v46 =	vld [tilespmem:s28+$0xFFFFFD20]  }
0x71: {  	v47 =	vld [tilespmem:s28+$0xFFFFFD30]  }
0x72: {  	v48 =	vld [tilespmem:s28+$0xFFFFFCE0]  }
0x73: {  	v49 =	vld [tilespmem:s28+$0xFFFFFCF0]  }
0x74: {  	v50 =	vld [tilespmem:s28+$0xFFFFFD00]  }
0x75: {  	v51 =	vld [tilespmem:s28+$0xFFFFFD10]  }
0x76: {  	v52 =	vld [tilespmem:s28+$0xFFFFFD40]  }
0x77: {  	v53 =	vld [tilespmem:s28+$0xFFFFFD50]  }
0x78: {  	v54 =	vimm.f32 $0.0e+00;
	v55 =	vld [tilespmem:s28+$0xFFFFFD80]  }
0x79: {  	v56 =	vld [tilespmem:s28+$0xFFFFFD90];
	v48 =	vadd.f32 v48, v54;
	v49 =	vadd.f32 v49, v54  }
0x7a: {  	v61 =	vld [tilespmem:s28+$0xFFFFFDC0];
	v50 =	vadd.f32 v50, v54;
	v51 =	vadd.f32 v51, v54  }
0x7b: {  	v46 =	vadd.f32 v46, v48;
	v47 =	vadd.f32 v47, v49;
	v48 =	vld [tilespmem:s28+$0xFFFFFDD0]  }
0x7c: {  	v62 =	vadd.f32 v52, v50;
	v63 =	vadd.f32 v53, v51;
	v51 =	vld [tilespmem:s28+$0xFFFFFE00]  }
0x7d: {  	v53 =	vld [tilespmem:s28+$0xFFFFFE10];
	v44 =	vadd.f32 v44, v46;
	v45 =	vadd.f32 v45, v47  }
0x7e: {  	v59 =	vld [tilespmem:s28+$0xFFFFFE40];
	v57 =	vadd.f32 v55, v62;
	v58 =	vadd.f32 v56, v63  }
0x7f: {  	v60 =	vld [tilespmem:s28+$0xFFFFFE50];
	v42 =	vadd.f32 v42, v44;
	v43 =	vadd.f32 v43, v45  }
0x80: {  	v49 =	vld [tilespmem:s28+$0xFFFFFE90];
	v61 =	vadd.f32 v61, v57;
	v62 =	vadd.f32 v48, v58  }
0x81: {  	v63 =	vld [tilespmem:s28+$0xFFFFFE80];
	v40 =	vadd.f32 v40, v42;
	v41 =	vadd.f32 v41, v43  }
0x82: {  	v54 =	vld [tilespmem:s28+$0xFFFFFEC0];
	v52 =	vadd.f32 v51, v61;
	v53 =	vadd.f32 v53, v62  }
0x83: {  	v55 =	vld [tilespmem:s28+$0xFFFFFED0];
	v38 =	vadd.f32 v38, v40;
	v39 =	vadd.f32 v39, v41  }
0x84: {  	v58 =	vld [tilespmem:s28+$0xFFFFFF00];
	v56 =	vadd.f32 v59, v52;
	v57 =	vadd.f32 v60, v53  }
0x85: {  	v59 =	vld [tilespmem:s28+$0xFFFFFF10];
	v36 =	vadd.f32 v36, v38;
	v37 =	vadd.f32 v37, v39  }
0x86: {  	v62 =	vld [tilespmem:s28+$0xFFFFFF40];
	v60 =	vadd.f32 v63, v56;
	v61 =	vadd.f32 v49, v57  }
0x87: {  	v63 =	vld [tilespmem:s28+$0xFFFFFF50];
	v34 =	vadd.f32 v34, v36;
	v35 =	vadd.f32 v35, v37  }
0x88: {  	v47 =	vld [tilespmem:s28+$0xFFFFFF80];
	v45 =	vadd.f32 v54, v60;
	v46 =	vadd.f32 v55, v61  }
0x89: {  	v48 =	vld [tilespmem:s28+$0xFFFFFF90];
	v32 =	vadd.f32 v32, v34;
	v33 =	vadd.f32 v33, v35  }
0x8a: {  	v51 =	vld [tilespmem:s28+$0xFFFFFFC0];
	v49 =	vadd.f32 v58, v45;
	v50 =	vadd.f32 v59, v46  }
0x8b: {  	v52 =	vld [tilespmem:s28+$0xFFFFFFD0];
	v30 =	vadd.f32 v30, v32;
	v31 =	vadd.f32 v31, v33  }
0x8c: {  	v56 =	vld [tilespmem:s28+$0x10];
	v53 =	vadd.f32 v62, v49;
	v54 =	vadd.f32 v63, v50  }
0x8d: {  	v55 =	vld [tilespmem:s28+$0x0];
	v28 =	vadd.f32 v28, v30;
	v29 =	vadd.f32 v29, v31  }
0x8e: {  	v60 =	vld [tilespmem:s28+$0x50];
	v57 =	vadd.f32 v47, v53;
	v58 =	vadd.f32 v48, v54  }
0x8f: {  	v59 =	vld [tilespmem:s28+$0x40];
	v26 =	vadd.f32 v26, v28;
	v27 =	vadd.f32 v27, v29  }
0x90: {  	v35 =	vld [tilespmem:s28+$0x90];
	v61 =	vadd.f32 v51, v57;
	v62 =	vadd.f32 v52, v58  }
0x91: {  	v63 =	vld [tilespmem:s28+$0x80];
	v24 =	vadd.f32 v24, v26;
	v25 =	vadd.f32 v25, v27  }
0x92: {  	v40 =	vld [tilespmem:s28+$0xD0];
	v37 =	vadd.f32 v55, v61;
	v38 =	vadd.f32 v56, v62  }
0x93: {  	v39 =	vld [tilespmem:s28+$0xC0];
	v22 =	vadd.f32 v22, v24;
	v23 =	vadd.f32 v23, v25  }
0x94: {  	v44 =	vld [tilespmem:s28+$0x110];
	v41 =	vadd.f32 v59, v37;
	v42 =	vadd.f32 v60, v38  }
0x95: {  	v43 =	vld [tilespmem:s28+$0x100];
	v20 =	vadd.f32 v20, v22;
	v21 =	vadd.f32 v21, v23  }
0x96: {  	v47 =	vld [tilespmem:s28+$0x140];
	v45 =	vadd.f32 v63, v41;
	v46 =	vadd.f32 v35, v42  }
0x97: {  	v48 =	vld [tilespmem:s28+$0x150];
	v18 =	vadd.f32 v18, v20;
	v19 =	vadd.f32 v19, v21  }
0x98: {  	v51 =	vld [tilespmem:s28+$0x180];
	v49 =	vadd.f32 v39, v45;
	v50 =	vadd.f32 v40, v46  }
0x99: {  	v52 =	vld [tilespmem:s28+$0x190];
	v16 =	vadd.f32 v16, v18;
	v17 =	vadd.f32 v17, v19  }
0x9a: {  	v55 =	vld [tilespmem:s28+$0x1C0];
	v53 =	vadd.f32 v43, v49;
	v54 =	vadd.f32 v44, v50  }
0x9b: {  	v56 =	vld [tilespmem:s28+$0x1D0];
	v14 =	vadd.f32 v14, v16;
	v15 =	vadd.f32 v15, v17  }
0x9c: {  	v59 =	vld [tilespmem:s28+$0x200];
	v57 =	vadd.f32 v47, v53;
	v58 =	vadd.f32 v48, v54  }
0x9d: {  	v12 =	vadd.f32 v12, v14;
	v13 =	vadd.f32 v13, v15;
	v14 =	vld [tilespmem:s28+$0x210]  }
0x9e: {  	v61 =	vld [tilespmem:s28+$0x240];
	v15 =	vadd.f32 v51, v57;
	v60 =	vadd.f32 v52, v58  }
0x9f: {  	v12 =	vadd.f32 v10, v12;
	v11 =	vadd.f32 v11, v13;
	v13 =	vld [tilespmem:s28+$0x250]  }
0xa0: {  	v15 =	vadd.f32 v55, v15;
	v10 =	vld [tilespmem:s28+$0x280];
	v16 =	vadd.f32 v56, v60  }
0xa1: {  	v12 =	vadd.f32 v8, v12;
	v11 =	vadd.f32 v9, v11;
	v9 =	vld [tilespmem:s28+$0x290]  }
0xa2: {  	v15 =	vadd.f32 v59, v15;
	v8 =	vld [tilespmem:s28+$0x2C0];
	v14 =	vadd.f32 v14, v16  }
0xa3: {  	v62 =	vadd.f32 v6, v12;
	v63 =	vadd.f32 v7, v11;
	v7 =	vld [tilespmem:s28+$0x2D0]  }
0xa4: {  	v12 =	vadd.f32 v61, v15;
	v6 =	vld [tilespmem:s28+$0x300];
	v11 =	vadd.f32 v13, v14  }
0xa5: {  	s24 =	simm.s32 $0x8160;
	s23 =	simm.s32 $0x0;
	v13 =	vadd.f32 v4, v62;
	v4 =	vadd.f32 v5, v63;
	v5 =	vld [tilespmem:s28+$0x310]  }
.LBB2_3:
0xa6: {  	v14 =	vld [tilespmem:s24+$0x2E0];
	v10 =	vadd.f32 v10, v12;
	v9 =	vadd.f32 v9, v11  }
0xa7: {  	v11 =	vld [tilespmem:s24+$0x2F0];
	v12 =	vadd.f32 v2, v13;
	v4 =	vadd.f32 v3, v4  }
0xa8: {  	v2 =	vld [tilespmem:s24+$0x2A0];
	v8 =	vadd.f32 v8, v10;
	v7 =	vadd.f32 v7, v9  }
0xa9: {  	v3 =	vld [tilespmem:s24+$0x2B0];
	v30 =	vadd.f32 v0, v12;
	v31 =	vadd.f32 v1, v4  }
0xaa: {  	v4 =	vld [tilespmem:s24+$0x260];
	v32 =	vadd.f32 v6, v8;
	v33 =	vadd.f32 v5, v7  }
0xab: {  	v5 =	vld [tilespmem:s24+$0x270];
	v0 =	vmov v14  }
0xac: {  	v6 =	vld [tilespmem:s24+$0x220];
	v1 =	vmov v11  }
0xad: {  	v7 =	vld [tilespmem:s24+$0x230]  }
0xae: {  	v8 =	vld [tilespmem:s24+$0x1E0]  }
0xaf: {  	v9 =	vld [tilespmem:s24+$0x1F0]  }
0xb0: {  	v10 =	vld [tilespmem:s24+$0x1A0]  }
0xb1: {  	v11 =	vld [tilespmem:s24+$0x1B0]  }
0xb2: {  	v12 =	vld [tilespmem:s24+$0x160]  }
0xb3: {  	v13 =	vld [tilespmem:s24+$0x170]  }
0xb4: {  	v14 =	vld [tilespmem:s24+$0x120]  }
0xb5: {  	v15 =	vld [tilespmem:s24+$0x130]  }
0xb6: {  	v16 =	vld [tilespmem:s24+$0xE0]  }
0xb7: {  	v17 =	vld [tilespmem:s24+$0xF0]  }
0xb8: {  	v18 =	vld [tilespmem:s24+$0xA0]  }
0xb9: {  	v19 =	vld [tilespmem:s24+$0xB0]  }
0xba: {  	v20 =	vld [tilespmem:s24+$0x60]  }
0xbb: {  	v21 =	vld [tilespmem:s24+$0x70]  }
0xbc: {  	v22 =	vld [tilespmem:s24+$0x20]  }
0xbd: {  	v23 =	vld [tilespmem:s24+$0x30]  }
0xbe: {  	v24 =	vld [tilespmem:s24+$0xFFFFFFE0]  }
0xbf: {  	v25 =	vld [tilespmem:s24+$0xFFFFFFF0]  }
0xc0: {  	v26 =	vld [tilespmem:s24+$0xFFFFFFA0]  }
0xc1: {  	v27 =	vld [tilespmem:s24+$0xFFFFFFB0]  }
0xc2: {  	v28 =	vld [tilespmem:s24+$0xFFFFFF60]  }
0xc3: {  	v29 =	vld [tilespmem:s24+$0xFFFFFF70]  }
0xc4: {  	v34 =	vld [tilespmem:s24+$0xFFFFFF20]  }
0xc5: {  	v35 =	vld [tilespmem:s24+$0xFFFFFF30]  }
0xc6: {  	v36 =	vld [tilespmem:s24+$0xFFFFFEE0]  }
0xc7: {  	v37 =	vld [tilespmem:s24+$0xFFFFFEF0]  }
0xc8: {  	v38 =	vld [tilespmem:s24+$0xFFFFFEA0]  }
0xc9: {  	v39 =	vld [tilespmem:s24+$0xFFFFFEB0]  }
0xca: {  	v40 =	vld [tilespmem:s24+$0xFFFFFE60]  }
0xcb: {  	v41 =	vld [tilespmem:s24+$0xFFFFFE70]  }
0xcc: {  	v42 =	vld [tilespmem:s24+$0xFFFFFE20]  }
0xcd: {  	v43 =	vld [tilespmem:s24+$0xFFFFFE30]  }
0xce: {  	v44 =	vld [tilespmem:s24+$0xFFFFFDE0]  }
0xcf: {  	v45 =	vld [tilespmem:s24+$0xFFFFFDF0]  }
0xd0: {  	v46 =	vld [tilespmem:s24+$0xFFFFFDA0]  }
0xd1: {  	v47 =	vld [tilespmem:s24+$0xFFFFFDB0]  }
0xd2: {  	v48 =	vld [tilespmem:s24+$0xFFFFFD60]  }
0xd3: {  	v49 =	vld [tilespmem:s24+$0xFFFFFD70]  }
0xd4: {  	v50 =	vld [tilespmem:s24+$0xFFFFFD20]  }
0xd5: {  	v51 =	vld [tilespmem:s24+$0xFFFFFD30]  }
0xd6: {  	v52 =	vld [tilespmem:s24+$0xFFFFFCE0]  }
0xd7: {  	v53 =	vld [tilespmem:s24+$0xFFFFFCF0]  }
0xd8: {  	v54 =	vld [tilespmem:s24+$0xFFFFFD00]  }
0xd9: {  	s23 =	sadd.s32 $0x19, s23;
	v55 =	vld [tilespmem:s24+$0xFFFFFD10]  }
0xda: {  	p0 =	slt.u32 s23, $0xAF;
	v56 =	vld [tilespmem:s24+$0xFFFFFD40]  }
0xdb: {  	v57 =	vld [tilespmem:s24+$0xFFFFFD50]  }
0xdc: {  	v58 =	vld [tilespmem:s24+$0xFFFFFD80]  }
0xdd: {  	v30 =	vadd.f32 v52, v30;
	v31 =	vadd.f32 v53, v31;
	v52 =	vld [tilespmem:s24+$0xFFFFFD90]  }
0xde: {  	v32 =	vadd.f32 v54, v32;
	v33 =	vadd.f32 v55, v33;
	v53 =	vld [tilespmem:s24+$0xFFFFFDC0]  }
0xdf: {  	v30 =	vadd.f32 v50, v30;
	v31 =	vadd.f32 v51, v31;
	v50 =	vld [tilespmem:s24+$0xFFFFFDD0]  }
0xe0: {  	v32 =	vadd.f32 v56, v32;
	v33 =	vadd.f32 v57, v33;
	v51 =	vld [tilespmem:s24+$0xFFFFFE00]  }
0xe1: {  	v30 =	vadd.f32 v48, v30;
	v31 =	vadd.f32 v49, v31;
	v48 =	vld [tilespmem:s24+$0xFFFFFE10]  }
0xe2: {  	v32 =	vadd.f32 v58, v32;
	v33 =	vadd.f32 v52, v33;
	v49 =	vld [tilespmem:s24+$0xFFFFFE40]  }
0xe3: {  	v30 =	vadd.f32 v46, v30;
	v31 =	vadd.f32 v47, v31;
	v46 =	vld [tilespmem:s24+$0xFFFFFE50]  }
0xe4: {  	v32 =	vadd.f32 v53, v32;
	v33 =	vadd.f32 v50, v33;
	v47 =	vld [tilespmem:s24+$0xFFFFFE80]  }
0xe5: {  	v30 =	vadd.f32 v44, v30;
	v31 =	vadd.f32 v45, v31;
	v44 =	vld [tilespmem:s24+$0xFFFFFE90]  }
0xe6: {  	v32 =	vadd.f32 v51, v32;
	v33 =	vadd.f32 v48, v33;
	v45 =	vld [tilespmem:s24+$0xFFFFFEC0]  }
0xe7: {  	v30 =	vadd.f32 v42, v30;
	v31 =	vadd.f32 v43, v31;
	v42 =	vld [tilespmem:s24+$0xFFFFFED0]  }
0xe8: {  	v32 =	vadd.f32 v49, v32;
	v33 =	vadd.f32 v46, v33;
	v43 =	vld [tilespmem:s24+$0xFFFFFF00]  }
0xe9: {  	v30 =	vadd.f32 v40, v30;
	v31 =	vadd.f32 v41, v31;
	v40 =	vld [tilespmem:s24+$0xFFFFFF10]  }
0xea: {  	v32 =	vadd.f32 v47, v32;
	v33 =	vadd.f32 v44, v33;
	v41 =	vld [tilespmem:s24+$0xFFFFFF40]  }
0xeb: {  	v30 =	vadd.f32 v38, v30;
	v31 =	vadd.f32 v39, v31;
	v38 =	vld [tilespmem:s24+$0xFFFFFF50]  }
0xec: {  	v32 =	vadd.f32 v45, v32;
	v33 =	vadd.f32 v42, v33;
	v39 =	vld [tilespmem:s24+$0xFFFFFF80]  }
0xed: {  	v30 =	vadd.f32 v36, v30;
	v31 =	vadd.f32 v37, v31;
	v36 =	vld [tilespmem:s24+$0xFFFFFF90]  }
0xee: {  	v32 =	vadd.f32 v43, v32;
	v33 =	vadd.f32 v40, v33;
	v37 =	vld [tilespmem:s24+$0xFFFFFFC0]  }
0xef: {  	v30 =	vadd.f32 v34, v30;
	v31 =	vadd.f32 v35, v31;
	v34 =	vld [tilespmem:s24+$0xFFFFFFD0]  }
0xf0: {  	v32 =	vadd.f32 v41, v32;
	v33 =	vadd.f32 v38, v33;
	v35 =	vld [tilespmem:s24+$0x0]  }
0xf1: {  	v28 =	vadd.f32 v28, v30;
	v29 =	vadd.f32 v29, v31;
	v30 =	vld [tilespmem:s24+$0x10]  }
0xf2: {  	v31 =	vadd.f32 v39, v32;
	v32 =	vadd.f32 v36, v33;
	v33 =	vld [tilespmem:s24+$0x40]  }
0xf3: {  	v26 =	vadd.f32 v26, v28;
	v27 =	vadd.f32 v27, v29;
	v28 =	vld [tilespmem:s24+$0x50]  }
0xf4: {  	v29 =	vadd.f32 v37, v31;
	v31 =	vadd.f32 v34, v32;
	v32 =	vld [tilespmem:s24+$0x80]  }
0xf5: {  	v24 =	vadd.f32 v24, v26;
	v25 =	vadd.f32 v25, v27;
	v26 =	vld [tilespmem:s24+$0x90]  }
0xf6: {  	v27 =	vadd.f32 v35, v29;
	v29 =	vadd.f32 v30, v31;
	v30 =	vld [tilespmem:s24+$0xC0]  }
0xf7: {  	v22 =	vadd.f32 v22, v24;
	v23 =	vadd.f32 v23, v25;
	v24 =	vld [tilespmem:s24+$0xD0]  }
0xf8: {  	v25 =	vadd.f32 v33, v27;
	v27 =	vadd.f32 v28, v29;
	v28 =	vld [tilespmem:s24+$0x100]  }
0xf9: {  	v20 =	vadd.f32 v20, v22;
	v21 =	vadd.f32 v21, v23;
	v22 =	vld [tilespmem:s24+$0x110]  }
0xfa: {  	v23 =	vadd.f32 v32, v25;
	v25 =	vadd.f32 v26, v27;
	v26 =	vld [tilespmem:s24+$0x140]  }
0xfb: {  	v18 =	vadd.f32 v18, v20;
	v19 =	vadd.f32 v19, v21;
	v20 =	vld [tilespmem:s24+$0x150]  }
0xfc: {  	v21 =	vadd.f32 v30, v23;
	v23 =	vadd.f32 v24, v25;
	v24 =	vld [tilespmem:s24+$0x180]  }
0xfd: {  	v16 =	vadd.f32 v16, v18;
	v17 =	vadd.f32 v17, v19;
	v18 =	vld [tilespmem:s24+$0x190]  }
0xfe: {  	v19 =	vadd.f32 v28, v21;
	v21 =	vadd.f32 v22, v23;
	v22 =	vld [tilespmem:s24+$0x1C0]  }
0xff: {  	v14 =	vadd.f32 v14, v16;
	v15 =	vadd.f32 v15, v17;
	v16 =	vld [tilespmem:s24+$0x1D0]  }
0x100: {  	v17 =	vadd.f32 v26, v19;
	v19 =	vadd.f32 v20, v21;
	v20 =	vld [tilespmem:s24+$0x200]  }
0x101: {  	v12 =	vadd.f32 v12, v14;
	v13 =	vadd.f32 v13, v15;
	v14 =	vld [tilespmem:s24+$0x210]  }
0x102: {  	v15 =	vadd.f32 v24, v17;
	v17 =	vadd.f32 v18, v19;
	v18 =	vld [tilespmem:s24+$0x240]  }
0x103: {  	v12 =	vadd.f32 v10, v12;
	v11 =	vadd.f32 v11, v13;
	v13 =	vld [tilespmem:s24+$0x250]  }
0x104: {  	v15 =	vadd.f32 v22, v15;
	v16 =	vadd.f32 v16, v17;
	v10 =	vld [tilespmem:s24+$0x280]  }
.Ltmp0:
0x105: {  	v12 =	vadd.f32 v8, v12;
	v11 =	vadd.f32 v9, v11;
	v9 =	vld [tilespmem:s24+$0x290];
	(pc) =	sbr.rel @p0 .LBB2_3-.Ltmp0, $4  }
0x106: {  	v15 =	vadd.f32 v20, v15;
	v14 =	vadd.f32 v14, v16;
	v8 =	vld [tilespmem:s24+$0x2C0]  }
0x107: {  	v16 =	vadd.f32 v6, v12;
	v17 =	vadd.f32 v7, v11;
	v7 =	vld [tilespmem:s24+$0x2D0]  }
0x108: {  	v12 =	vadd.f32 v18, v15;
	v11 =	vadd.f32 v13, v14;
	v6 =	vld [tilespmem:s24+$0x300]  }
0x109: {  	v13 =	vadd.f32 v4, v16;
	v4 =	vadd.f32 v5, v17;
	v5 =	vld [tilespmem:s24+$0x310];
	s24 =	sadd.s32 $0x640, s24  }
0x10a: {  	s23 =	sshll.u32 s21, $0x8  }
0x10b: {  	s24 =	sshrl.u32 s23, $0x2  }
0x10c: {  	v14 =	vld [tilespmem:s24+$0x7000]  }
0x10d: {  	v10 =	vadd.f32 v10, v12;
	v2 =	vadd.f32 v2, v13  }
0x10e: {  	v9 =	vadd.f32 v9, v11;
	v3 =	vadd.f32 v3, v4  }
0x10f: {  	v4 =	vadd.f32 v8, v10;
	v0 =	vadd.f32 v0, v2  }
0x110: {  	v2 =	vadd.f32 v7, v9;
	v1 =	vadd.f32 v1, v3  }
0x111: {  	v3 =	vadd.f32 v6, v4;
	v0 =	vmul.f32 v14, v0  }
0x112: {  	v2 =	vadd.f32 v5, v2;
	v1 =	vmul.f32 v14, v1  }
0x113: {  	[tilespmem:s23+$0x14000] =	vst v0;
	v0 =	vmul.f32 v14, v3  }
0x114: {  	[tilespmem:s23+$0x14010] =	vst v1;
	v1 =	vmul.f32 v14, v2  }
0x115: {  	[tilespmem:s23+$0x14020] =	vst v0  }
0x116: {  	[tilespmem:s23+$0x14030] =	vst v1  }
0x117: {  	_ =	swait.ge [sflag:s16], $0xC80  }
0x118: {  	[sflag:s16] =	ssyncset.done $0x0  }
0x119: {  	[sflag:s16] =	ssyncadd.s32 $0xFFFFF380  }
0x11a: {  	_ =	swait.ge [sflag:s16], $0xC80  }
0x11b: {  	[sflag:s16] =	ssyncset.done $0x0  }
0x11c: {  	[sflag:s16] =	ssyncadd.s32 $0xFFFFF380  }
0x11d: {  	_ =	swait.ge [sflag:s16], $0xC80  }
0x11e: {  	p0 =	seq.s32 s21, $0x1F;
	[sflag:s16] =	ssyncset.done $0x0  }
0x11f: {  	s24 =	smul.u32 @!p0 $0xE00, s21;
	[sflag:s16] =	ssyncadd.s32 $0xFFFFF380  }
0x120: {  	_ =	swait.ge [sflag:s16], $0xC80  }
0x121: {  	s26 =	simm.s32 @!p0 $0x32;
	s24 =	sshra.s32 @!p0 s24, $0x2;
	[sflag:s16] =	ssyncset.done $0x0  }
0x122: {  	s28 =	simm.s32 @!p0 $0x7800;
	s25 =	sadd.s32 @!p0 $0x380, s24;
	[sflag:s16] =	ssyncadd.s32 $0xFFFFF380  }
0x123: {  	[tilespmem:s28], [sflag:$0x1] =	stream.indirect.gather @!p0 [hbm4b:s3+s26], $0x40, s25, s26, $0xb8;
	[tilespmem:$0x16000] =	vst v63  }
0x124: {  	s25 =	sadd.s32 @!p0 $0x3B8, s24;
	s28 =	simm.s32 @!p0 $0x8480  }
0x125: {  	[tilespmem:s28], [sflag:$0x1] =	stream.indirect.gather @!p0 [hbm4b:s3+s26], $0x40, s25, s26, $0xb8;
	[tilespmem:$0x16000] =	vst v63  }
0x126: {  	s25 =	sadd.s32 @!p0 $0x3F0, s24;
	s28 =	simm.s32 @!p0 $0x9100  }
0x127: {  	[tilespmem:s28], [sflag:$0x1] =	stream.indirect.gather @!p0 [hbm4b:s3+s26], $0x40, s25, s26, $0xb8;
	[tilespmem:$0x16000] =	vst v63  }
0x128: {  	s25 =	sadd.s32 @!p0 $0x428, s24;
	s28 =	simm.s32 @!p0 $0x9D80  }
0x129: {  	[tilespmem:s28], [sflag:$0x1] =	stream.indirect.gather @!p0 [hbm4b:s3+s26], $0x40, s25, s26, $0xb8;
	[tilespmem:$0x16000] =	vst v63  }
0x12a: {  	s28 =	simm.s32 $0xB030  }
0x12b: {  	v0 =	vld [tilespmem:s28+$0xFFFFFFD0]  }
0x12c: {  	v1 =	vld [tilespmem:s28+$0xFFFFFFE0]  }
0x12d: {  	v2 =	vld [tilespmem:s28+$0xFFFFFF90]  }
0x12e: {  	v3 =	vld [tilespmem:s28+$0xFFFFFFA0]  }
0x12f: {  	v4 =	vld [tilespmem:s28+$0xFFFFFF50]  }
0x130: {  	v5 =	vld [tilespmem:s28+$0xFFFFFF60]  }
0x131: {  	v6 =	vld [tilespmem:s28+$0xFFFFFF10]  }
0x132: {  	v7 =	vld [tilespmem:s28+$0xFFFFFF20]  }
0x133: {  	v8 =	vld [tilespmem:s28+$0xFFFFFED0]  }
0x134: {  	v9 =	vld [tilespmem:s28+$0xFFFFFEE0]  }
0x135: {  	v10 =	vld [tilespmem:s28+$0xFFFFFE90]  }
0x136: {  	v11 =	vld [tilespmem:s28+$0xFFFFFEA0]  }
0x137: {  	v12 =	vld [tilespmem:s28+$0xFFFFFE50]  }
0x138: {  	v13 =	vld [tilespmem:s28+$0xFFFFFE60]  }
0x139: {  	v14 =	vld [tilespmem:s28+$0xFFFFFE10]  }
0x13a: {  	v15 =	vld [tilespmem:s28+$0xFFFFFE20]  }
0x13b: {  	v16 =	vld [tilespmem:s28+$0xFFFFFDD0]  }
0x13c: {  	v17 =	vld [tilespmem:s28+$0xFFFFFDE0]  }
0x13d: {  	v18 =	vld [tilespmem:s28+$0xFFFFFD90]  }
0x13e: {  	v19 =	vld [tilespmem:s28+$0xFFFFFDA0]  }
0x13f: {  	v20 =	vld [tilespmem:s28+$0xFFFFFD50]  }
0x140: {  	v21 =	vld [tilespmem:s28+$0xFFFFFD60]  }
0x141: {  	v22 =	vld [tilespmem:s28+$0xFFFFFD10]  }
0x142: {  	v23 =	vld [tilespmem:s28+$0xFFFFFD20]  }
0x143: {  	v24 =	vld [tilespmem:s28+$0xFFFFFCD0]  }
0x144: {  	v25 =	vld [tilespmem:s28+$0xFFFFFCE0]  }
0x145: {  	v26 =	vld [tilespmem:s28+$0xFFFFFC90]  }
0x146: {  	v27 =	vld [tilespmem:s28+$0xFFFFFCA0]  }
0x147: {  	v28 =	vld [tilespmem:s28+$0xFFFFFC50]  }
0x148: {  	v29 =	vld [tilespmem:s28+$0xFFFFFC60]  }
0x149: {  	v30 =	vld [tilespmem:s28+$0xFFFFFC10]  }
0x14a: {  	v31 =	vld [tilespmem:s28+$0xFFFFFC20]  }
0x14b: {  	v32 =	vld [tilespmem:s28+$0xFFFFFBD0]  }
0x14c: {  	v33 =	vld [tilespmem:s28+$0xFFFFFBE0]  }
0x14d: {  	v34 =	vld [tilespmem:s28+$0xFFFFFB90]  }
0x14e: {  	v35 =	vld [tilespmem:s28+$0xFFFFFBA0]  }
0x14f: {  	v36 =	vld [tilespmem:s28+$0xFFFFFB50]  }
0x150: {  	v37 =	vld [tilespmem:s28+$0xFFFFFB60]  }
0x151: {  	v38 =	vld [tilespmem:s28+$0xFFFFFB10]  }
0x152: {  	v39 =	vld [tilespmem:s28+$0xFFFFFB20]  }
0x153: {  	v40 =	vld [tilespmem:s28+$0xFFFFFAD0]  }
0x154: {  	v41 =	vld [tilespmem:s28+$0xFFFFFAE0]  }
0x155: {  	v42 =	vld [tilespmem:s28+$0xFFFFFA90]  }
0x156: {  	v43 =	vld [tilespmem:s28+$0xFFFFFAA0]  }
0x157: {  	v44 =	vld [tilespmem:s28+$0xFFFFFA50]  }
0x158: {  	v45 =	vld [tilespmem:s28+$0xFFFFFA60]  }
0x159: {  	v46 =	vld [tilespmem:s28+$0xFFFFFA10]  }
0x15a: {  	v47 =	vld [tilespmem:s28+$0xFFFFFA20]  }
0x15b: {  	v48 =	vld [tilespmem:s28+$0xFFFFF9D0]  }
0x15c: {  	v49 =	vld [tilespmem:s28+$0xFFFFF9E0]  }
0x15d: {  	v50 =	vld [tilespmem:s28+$0xFFFFF9F0]  }
0x15e: {  	v51 =	vld [tilespmem:s28+$0xFFFFFA00]  }
0x15f: {  	v52 =	vld [tilespmem:s28+$0xFFFFFA30]  }
0x160: {  	v53 =	vld [tilespmem:s28+$0xFFFFFA40]  }
0x161: {  	v54 =	vimm.f32 $0.0e+00;
	v55 =	vld [tilespmem:s28+$0xFFFFFA70]  }
0x162: {  	v56 =	vld [tilespmem:s28+$0xFFFFFA80];
	v48 =	vadd.f32 v48, v54;
	v49 =	vadd.f32 v49, v54  }
0x163: {  	v61 =	vld [tilespmem:s28+$0xFFFFFAB0];
	v50 =	vadd.f32 v50, v54;
	v51 =	vadd.f32 v51, v54  }
0x164: {  	v46 =	vadd.f32 v46, v48;
	v47 =	vadd.f32 v47, v49;
	v48 =	vld [tilespmem:s28+$0xFFFFFAC0]  }
0x165: {  	v62 =	vadd.f32 v52, v50;
	v63 =	vadd.f32 v53, v51;
	v51 =	vld [tilespmem:s28+$0xFFFFFAF0]  }
0x166: {  	v53 =	vld [tilespmem:s28+$0xFFFFFB00];
	v44 =	vadd.f32 v44, v46;
	v45 =	vadd.f32 v45, v47  }
0x167: {  	v59 =	vld [tilespmem:s28+$0xFFFFFB30];
	v57 =	vadd.f32 v55, v62;
	v58 =	vadd.f32 v56, v63  }
0x168: {  	v60 =	vld [tilespmem:s28+$0xFFFFFB40];
	v42 =	vadd.f32 v42, v44;
	v43 =	vadd.f32 v43, v45  }
0x169: {  	v49 =	vld [tilespmem:s28+$0xFFFFFB80];
	v61 =	vadd.f32 v61, v57;
	v62 =	vadd.f32 v48, v58  }
0x16a: {  	v63 =	vld [tilespmem:s28+$0xFFFFFB70];
	v40 =	vadd.f32 v40, v42;
	v41 =	vadd.f32 v41, v43  }
0x16b: {  	v54 =	vld [tilespmem:s28+$0xFFFFFBB0];
	v52 =	vadd.f32 v51, v61;
	v53 =	vadd.f32 v53, v62  }
0x16c: {  	v55 =	vld [tilespmem:s28+$0xFFFFFBC0];
	v38 =	vadd.f32 v38, v40;
	v39 =	vadd.f32 v39, v41  }
0x16d: {  	v58 =	vld [tilespmem:s28+$0xFFFFFBF0];
	v56 =	vadd.f32 v59, v52;
	v57 =	vadd.f32 v60, v53  }
0x16e: {  	v59 =	vld [tilespmem:s28+$0xFFFFFC00];
	v36 =	vadd.f32 v36, v38;
	v37 =	vadd.f32 v37, v39  }
0x16f: {  	v62 =	vld [tilespmem:s28+$0xFFFFFC30];
	v60 =	vadd.f32 v63, v56;
	v61 =	vadd.f32 v49, v57  }
0x170: {  	v63 =	vld [tilespmem:s28+$0xFFFFFC40];
	v34 =	vadd.f32 v34, v36;
	v35 =	vadd.f32 v35, v37  }
0x171: {  	v47 =	vld [tilespmem:s28+$0xFFFFFC70];
	v45 =	vadd.f32 v54, v60;
	v46 =	vadd.f32 v55, v61  }
0x172: {  	v48 =	vld [tilespmem:s28+$0xFFFFFC80];
	v32 =	vadd.f32 v32, v34;
	v33 =	vadd.f32 v33, v35  }
0x173: {  	v51 =	vld [tilespmem:s28+$0xFFFFFCB0];
	v49 =	vadd.f32 v58, v45;
	v50 =	vadd.f32 v59, v46  }
0x174: {  	v52 =	vld [tilespmem:s28+$0xFFFFFCC0];
	v30 =	vadd.f32 v30, v32;
	v31 =	vadd.f32 v31, v33  }
0x175: {  	v56 =	vld [tilespmem:s28+$0xFFFFFD00];
	v53 =	vadd.f32 v62, v49;
	v54 =	vadd.f32 v63, v50  }
0x176: {  	v55 =	vld [tilespmem:s28+$0xFFFFFCF0];
	v28 =	vadd.f32 v28, v30;
	v29 =	vadd.f32 v29, v31  }
0x177: {  	v60 =	vld [tilespmem:s28+$0xFFFFFD40];
	v57 =	vadd.f32 v47, v53;
	v58 =	vadd.f32 v48, v54  }
0x178: {  	v59 =	vld [tilespmem:s28+$0xFFFFFD30];
	v26 =	vadd.f32 v26, v28;
	v27 =	vadd.f32 v27, v29  }
0x179: {  	v35 =	vld [tilespmem:s28+$0xFFFFFD80];
	v61 =	vadd.f32 v51, v57;
	v62 =	vadd.f32 v52, v58  }
0x17a: {  	v63 =	vld [tilespmem:s28+$0xFFFFFD70];
	v24 =	vadd.f32 v24, v26;
	v25 =	vadd.f32 v25, v27  }
0x17b: {  	v40 =	vld [tilespmem:s28+$0xFFFFFDC0];
	v37 =	vadd.f32 v55, v61;
	v38 =	vadd.f32 v56, v62  }
0x17c: {  	v39 =	vld [tilespmem:s28+$0xFFFFFDB0];
	v22 =	vadd.f32 v22, v24;
	v23 =	vadd.f32 v23, v25  }
0x17d: {  	v44 =	vld [tilespmem:s28+$0xFFFFFE00];
	v41 =	vadd.f32 v59, v37;
	v42 =	vadd.f32 v60, v38  }
0x17e: {  	v43 =	vld [tilespmem:s28+$0xFFFFFDF0];
	v20 =	vadd.f32 v20, v22;
	v21 =	vadd.f32 v21, v23  }
0x17f: {  	v47 =	vld [tilespmem:s28+$0xFFFFFE30];
	v45 =	vadd.f32 v63, v41;
	v46 =	vadd.f32 v35, v42  }
0x180: {  	v48 =	vld [tilespmem:s28+$0xFFFFFE40];
	v18 =	vadd.f32 v18, v20;
	v19 =	vadd.f32 v19, v21  }
0x181: {  	v51 =	vld [tilespmem:s28+$0xFFFFFE70];
	v49 =	vadd.f32 v39, v45;
	v50 =	vadd.f32 v40, v46  }
0x182: {  	v52 =	vld [tilespmem:s28+$0xFFFFFE80];
	v16 =	vadd.f32 v16, v18;
	v17 =	vadd.f32 v17, v19  }
0x183: {  	v55 =	vld [tilespmem:s28+$0xFFFFFEB0];
	v53 =	vadd.f32 v43, v49;
	v54 =	vadd.f32 v44, v50  }
0x184: {  	v56 =	vld [tilespmem:s28+$0xFFFFFEC0];
	v14 =	vadd.f32 v14, v16;
	v15 =	vadd.f32 v15, v17  }
0x185: {  	v59 =	vld [tilespmem:s28+$0xFFFFFEF0];
	v57 =	vadd.f32 v47, v53;
	v58 =	vadd.f32 v48, v54  }
0x186: {  	v12 =	vadd.f32 v12, v14;
	v13 =	vadd.f32 v13, v15;
	v14 =	vld [tilespmem:s28+$0xFFFFFF00]  }
0x187: {  	v61 =	vld [tilespmem:s28+$0xFFFFFF30];
	v15 =	vadd.f32 v51, v57;
	v60 =	vadd.f32 v52, v58  }
0x188: {  	v12 =	vadd.f32 v10, v12;
	v11 =	vadd.f32 v11, v13;
	v13 =	vld [tilespmem:s28+$0xFFFFFF40]  }
0x189: {  	v15 =	vadd.f32 v55, v15;
	v10 =	vld [tilespmem:s28+$0xFFFFFF70];
	v16 =	vadd.f32 v56, v60  }
0x18a: {  	v12 =	vadd.f32 v8, v12;
	v11 =	vadd.f32 v9, v11;
	v9 =	vld [tilespmem:s28+$0xFFFFFF80]  }
0x18b: {  	v15 =	vadd.f32 v59, v15;
	v8 =	vld [tilespmem:s28+$0xFFFFFFB0];
	v14 =	vadd.f32 v14, v16  }
0x18c: {  	v62 =	vadd.f32 v6, v12;
	v63 =	vadd.f32 v7, v11;
	v7 =	vld [tilespmem:s28+$0xFFFFFFC0]  }
0x18d: {  	v12 =	vadd.f32 v61, v15;
	v6 =	vld [tilespmem:s28+$0xFFFFFFF0];
	v11 =	vadd.f32 v13, v14  }
0x18e: {  	s25 =	simm.s32 $0x0;
	s26 =	simm.s32 $0xB670;
	v13 =	vadd.f32 v4, v62;
	v4 =	vadd.f32 v5, v63;
	v5 =	vld [tilespmem:s28+$0x0]  }
.LBB2_5:
0x18f: {  	v14 =	vld [tilespmem:s26+$0xFFFFFFD0];
	v10 =	vadd.f32 v10, v12;
	v9 =	vadd.f32 v9, v11  }
0x190: {  	v11 =	vld [tilespmem:s26+$0xFFFFFFE0];
	v12 =	vadd.f32 v2, v13;
	v4 =	vadd.f32 v3, v4  }
0x191: {  	v2 =	vld [tilespmem:s26+$0xFFFFFF90];
	v8 =	vadd.f32 v8, v10;
	v7 =	vadd.f32 v7, v9  }
0x192: {  	v3 =	vld [tilespmem:s26+$0xFFFFFFA0];
	v30 =	vadd.f32 v0, v12;
	v31 =	vadd.f32 v1, v4  }
0x193: {  	v4 =	vld [tilespmem:s26+$0xFFFFFF50];
	v32 =	vadd.f32 v6, v8;
	v33 =	vadd.f32 v5, v7  }
0x194: {  	v5 =	vld [tilespmem:s26+$0xFFFFFF60];
	v0 =	vmov v14  }
0x195: {  	v6 =	vld [tilespmem:s26+$0xFFFFFF10];
	v1 =	vmov v11  }
0x196: {  	v7 =	vld [tilespmem:s26+$0xFFFFFF20]  }
0x197: {  	v8 =	vld [tilespmem:s26+$0xFFFFFED0]  }
0x198: {  	v9 =	vld [tilespmem:s26+$0xFFFFFEE0]  }
0x199: {  	v10 =	vld [tilespmem:s26+$0xFFFFFE90]  }
0x19a: {  	v11 =	vld [tilespmem:s26+$0xFFFFFEA0]  }
0x19b: {  	v12 =	vld [tilespmem:s26+$0xFFFFFE50]  }
0x19c: {  	v13 =	vld [tilespmem:s26+$0xFFFFFE60]  }
0x19d: {  	v14 =	vld [tilespmem:s26+$0xFFFFFE10]  }
0x19e: {  	v15 =	vld [tilespmem:s26+$0xFFFFFE20]  }
0x19f: {  	v16 =	vld [tilespmem:s26+$0xFFFFFDD0]  }
0x1a0: {  	v17 =	vld [tilespmem:s26+$0xFFFFFDE0]  }
0x1a1: {  	v18 =	vld [tilespmem:s26+$0xFFFFFD90]  }
0x1a2: {  	v19 =	vld [tilespmem:s26+$0xFFFFFDA0]  }
0x1a3: {  	v20 =	vld [tilespmem:s26+$0xFFFFFD50]  }
0x1a4: {  	v21 =	vld [tilespmem:s26+$0xFFFFFD60]  }
0x1a5: {  	v22 =	vld [tilespmem:s26+$0xFFFFFD10]  }
0x1a6: {  	v23 =	vld [tilespmem:s26+$0xFFFFFD20]  }
0x1a7: {  	v24 =	vld [tilespmem:s26+$0xFFFFFCD0]  }
0x1a8: {  	v25 =	vld [tilespmem:s26+$0xFFFFFCE0]  }
0x1a9: {  	v26 =	vld [tilespmem:s26+$0xFFFFFC90]  }
0x1aa: {  	v27 =	vld [tilespmem:s26+$0xFFFFFCA0]  }
0x1ab: {  	v28 =	vld [tilespmem:s26+$0xFFFFFC50]  }
0x1ac: {  	v29 =	vld [tilespmem:s26+$0xFFFFFC60]  }
0x1ad: {  	v34 =	vld [tilespmem:s26+$0xFFFFFC10]  }
0x1ae: {  	v35 =	vld [tilespmem:s26+$0xFFFFFC20]  }
0x1af: {  	v36 =	vld [tilespmem:s26+$0xFFFFFBD0]  }
0x1b0: {  	v37 =	vld [tilespmem:s26+$0xFFFFFBE0]  }
0x1b1: {  	v38 =	vld [tilespmem:s26+$0xFFFFFB90]  }
0x1b2: {  	v39 =	vld [tilespmem:s26+$0xFFFFFBA0]  }
0x1b3: {  	v40 =	vld [tilespmem:s26+$0xFFFFFB50]  }
0x1b4: {  	v41 =	vld [tilespmem:s26+$0xFFFFFB60]  }
0x1b5: {  	v42 =	vld [tilespmem:s26+$0xFFFFFB10]  }
0x1b6: {  	v43 =	vld [tilespmem:s26+$0xFFFFFB20]  }
0x1b7: {  	v44 =	vld [tilespmem:s26+$0xFFFFFAD0]  }
0x1b8: {  	v45 =	vld [tilespmem:s26+$0xFFFFFAE0]  }
0x1b9: {  	v46 =	vld [tilespmem:s26+$0xFFFFFA90]  }
0x1ba: {  	v47 =	vld [tilespmem:s26+$0xFFFFFAA0]  }
0x1bb: {  	v48 =	vld [tilespmem:s26+$0xFFFFFA50]  }
0x1bc: {  	v49 =	vld [tilespmem:s26+$0xFFFFFA60]  }
0x1bd: {  	v50 =	vld [tilespmem:s26+$0xFFFFFA10]  }
0x1be: {  	v51 =	vld [tilespmem:s26+$0xFFFFFA20]  }
0x1bf: {  	v52 =	vld [tilespmem:s26+$0xFFFFF9D0]  }
0x1c0: {  	v53 =	vld [tilespmem:s26+$0xFFFFF9E0]  }
0x1c1: {  	v54 =	vld [tilespmem:s26+$0xFFFFF9F0]  }
0x1c2: {  	s25 =	sadd.s32 $0x19, s25;
	v55 =	vld [tilespmem:s26+$0xFFFFFA00]  }
0x1c3: {  	p1 =	slt.u32 s25, $0xAF;
	v56 =	vld [tilespmem:s26+$0xFFFFFA30]  }
0x1c4: {  	v57 =	vld [tilespmem:s26+$0xFFFFFA40]  }
0x1c5: {  	v58 =	vld [tilespmem:s26+$0xFFFFFA70]  }
0x1c6: {  	v30 =	vadd.f32 v52, v30;
	v31 =	vadd.f32 v53, v31;
	v52 =	vld [tilespmem:s26+$0xFFFFFA80]  }
0x1c7: {  	v32 =	vadd.f32 v54, v32;
	v33 =	vadd.f32 v55, v33;
	v53 =	vld [tilespmem:s26+$0xFFFFFAB0]  }
0x1c8: {  	v30 =	vadd.f32 v50, v30;
	v31 =	vadd.f32 v51, v31;
	v50 =	vld [tilespmem:s26+$0xFFFFFAC0]  }
0x1c9: {  	v32 =	vadd.f32 v56, v32;
	v33 =	vadd.f32 v57, v33;
	v51 =	vld [tilespmem:s26+$0xFFFFFAF0]  }
0x1ca: {  	v30 =	vadd.f32 v48, v30;
	v31 =	vadd.f32 v49, v31;
	v48 =	vld [tilespmem:s26+$0xFFFFFB00]  }
0x1cb: {  	v32 =	vadd.f32 v58, v32;
	v33 =	vadd.f32 v52, v33;
	v49 =	vld [tilespmem:s26+$0xFFFFFB30]  }
0x1cc: {  	v30 =	vadd.f32 v46, v30;
	v31 =	vadd.f32 v47, v31;
	v46 =	vld [tilespmem:s26+$0xFFFFFB40]  }
0x1cd: {  	v32 =	vadd.f32 v53, v32;
	v33 =	vadd.f32 v50, v33;
	v47 =	vld [tilespmem:s26+$0xFFFFFB70]  }
0x1ce: {  	v30 =	vadd.f32 v44, v30;
	v31 =	vadd.f32 v45, v31;
	v44 =	vld [tilespmem:s26+$0xFFFFFB80]  }
0x1cf: {  	v32 =	vadd.f32 v51, v32;
	v33 =	vadd.f32 v48, v33;
	v45 =	vld [tilespmem:s26+$0xFFFFFBB0]  }
0x1d0: {  	v30 =	vadd.f32 v42, v30;
	v31 =	vadd.f32 v43, v31;
	v42 =	vld [tilespmem:s26+$0xFFFFFBC0]  }
0x1d1: {  	v32 =	vadd.f32 v49, v32;
	v33 =	vadd.f32 v46, v33;
	v43 =	vld [tilespmem:s26+$0xFFFFFBF0]  }
0x1d2: {  	v30 =	vadd.f32 v40, v30;
	v31 =	vadd.f32 v41, v31;
	v40 =	vld [tilespmem:s26+$0xFFFFFC00]  }
0x1d3: {  	v32 =	vadd.f32 v47, v32;
	v33 =	vadd.f32 v44, v33;
	v41 =	vld [tilespmem:s26+$0xFFFFFC30]  }
0x1d4: {  	v30 =	vadd.f32 v38, v30;
	v31 =	vadd.f32 v39, v31;
	v38 =	vld [tilespmem:s26+$0xFFFFFC40]  }
0x1d5: {  	v32 =	vadd.f32 v45, v32;
	v33 =	vadd.f32 v42, v33;
	v39 =	vld [tilespmem:s26+$0xFFFFFC70]  }
0x1d6: {  	v30 =	vadd.f32 v36, v30;
	v31 =	vadd.f32 v37, v31;
	v36 =	vld [tilespmem:s26+$0xFFFFFC80]  }
0x1d7: {  	v32 =	vadd.f32 v43, v32;
	v33 =	vadd.f32 v40, v33;
	v37 =	vld [tilespmem:s26+$0xFFFFFCB0]  }
0x1d8: {  	v30 =	vadd.f32 v34, v30;
	v31 =	vadd.f32 v35, v31;
	v34 =	vld [tilespmem:s26+$0xFFFFFCC0]  }
0x1d9: {  	v32 =	vadd.f32 v41, v32;
	v33 =	vadd.f32 v38, v33;
	v35 =	vld [tilespmem:s26+$0xFFFFFCF0]  }
0x1da: {  	v28 =	vadd.f32 v28, v30;
	v29 =	vadd.f32 v29, v31;
	v30 =	vld [tilespmem:s26+$0xFFFFFD00]  }
0x1db: {  	v31 =	vadd.f32 v39, v32;
	v32 =	vadd.f32 v36, v33;
	v33 =	vld [tilespmem:s26+$0xFFFFFD30]  }
0x1dc: {  	v26 =	vadd.f32 v26, v28;
	v27 =	vadd.f32 v27, v29;
	v28 =	vld [tilespmem:s26+$0xFFFFFD40]  }
0x1dd: {  	v29 =	vadd.f32 v37, v31;
	v31 =	vadd.f32 v34, v32;
	v32 =	vld [tilespmem:s26+$0xFFFFFD70]  }
0x1de: {  	v24 =	vadd.f32 v24, v26;
	v25 =	vadd.f32 v25, v27;
	v26 =	vld [tilespmem:s26+$0xFFFFFD80]  }
0x1df: {  	v27 =	vadd.f32 v35, v29;
	v29 =	vadd.f32 v30, v31;
	v30 =	vld [tilespmem:s26+$0xFFFFFDB0]  }
0x1e0: {  	v22 =	vadd.f32 v22, v24;
	v23 =	vadd.f32 v23, v25;
	v24 =	vld [tilespmem:s26+$0xFFFFFDC0]  }
0x1e1: {  	v25 =	vadd.f32 v33, v27;
	v27 =	vadd.f32 v28, v29;
	v28 =	vld [tilespmem:s26+$0xFFFFFDF0]  }
0x1e2: {  	v20 =	vadd.f32 v20, v22;
	v21 =	vadd.f32 v21, v23;
	v22 =	vld [tilespmem:s26+$0xFFFFFE00]  }
0x1e3: {  	v23 =	vadd.f32 v32, v25;
	v25 =	vadd.f32 v26, v27;
	v26 =	vld [tilespmem:s26+$0xFFFFFE30]  }
0x1e4: {  	v18 =	vadd.f32 v18, v20;
	v19 =	vadd.f32 v19, v21;
	v20 =	vld [tilespmem:s26+$0xFFFFFE40]  }
0x1e5: {  	v21 =	vadd.f32 v30, v23;
	v23 =	vadd.f32 v24, v25;
	v24 =	vld [tilespmem:s26+$0xFFFFFE70]  }
0x1e6: {  	v16 =	vadd.f32 v16, v18;
	v17 =	vadd.f32 v17, v19;
	v18 =	vld [tilespmem:s26+$0xFFFFFE80]  }
0x1e7: {  	v19 =	vadd.f32 v28, v21;
	v21 =	vadd.f32 v22, v23;
	v22 =	vld [tilespmem:s26+$0xFFFFFEB0]  }
0x1e8: {  	v14 =	vadd.f32 v14, v16;
	v15 =	vadd.f32 v15, v17;
	v16 =	vld [tilespmem:s26+$0xFFFFFEC0]  }
0x1e9: {  	v17 =	vadd.f32 v26, v19;
	v19 =	vadd.f32 v20, v21;
	v20 =	vld [tilespmem:s26+$0xFFFFFEF0]  }
0x1ea: {  	v12 =	vadd.f32 v12, v14;
	v13 =	vadd.f32 v13, v15;
	v14 =	vld [tilespmem:s26+$0xFFFFFF00]  }
0x1eb: {  	v15 =	vadd.f32 v24, v17;
	v17 =	vadd.f32 v18, v19;
	v18 =	vld [tilespmem:s26+$0xFFFFFF30]  }
0x1ec: {  	v12 =	vadd.f32 v10, v12;
	v11 =	vadd.f32 v11, v13;
	v13 =	vld [tilespmem:s26+$0xFFFFFF40]  }
0x1ed: {  	v15 =	vadd.f32 v22, v15;
	v16 =	vadd.f32 v16, v17;
	v10 =	vld [tilespmem:s26+$0xFFFFFF70]  }
.Ltmp1:
0x1ee: {  	v12 =	vadd.f32 v8, v12;
	v11 =	vadd.f32 v9, v11;
	v9 =	vld [tilespmem:s26+$0xFFFFFF80];
	(pc) =	sbr.rel @p1 .LBB2_5-.Ltmp1, $4  }
0x1ef: {  	v15 =	vadd.f32 v20, v15;
	v14 =	vadd.f32 v14, v16;
	v8 =	vld [tilespmem:s26+$0xFFFFFFB0]  }
0x1f0: {  	v16 =	vadd.f32 v6, v12;
	v17 =	vadd.f32 v7, v11;
	v7 =	vld [tilespmem:s26+$0xFFFFFFC0]  }
0x1f1: {  	v12 =	vadd.f32 v18, v15;
	v11 =	vadd.f32 v13, v14;
	v6 =	vld [tilespmem:s26+$0xFFFFFFF0]  }
0x1f2: {  	v13 =	vadd.f32 v4, v16;
	v4 =	vadd.f32 v5, v17;
	v5 =	vld [tilespmem:s26+$0x0];
	s26 =	sadd.s32 $0x640, s26  }
0x1f3: {  	s25 =	sor.u32 $0x40, s23  }
0x1f4: {  	s25 =	sshrl.u32 s25, $0x2  }
0x1f5: {  	v14 =	vld [tilespmem:s25+$0x7000]  }
0x1f6: {  	v10 =	vadd.f32 v10, v12;
	v2 =	vadd.f32 v2, v13  }
0x1f7: {  	v9 =	vadd.f32 v9, v11;
	v3 =	vadd.f32 v3, v4  }
0x1f8: {  	v4 =	vadd.f32 v8, v10;
	v0 =	vadd.f32 v0, v2  }
0x1f9: {  	v2 =	vadd.f32 v7, v9;
	v1 =	vadd.f32 v1, v3  }
0x1fa: {  	v3 =	vadd.f32 v6, v4;
	v0 =	vmul.f32 v14, v0  }
0x1fb: {  	v2 =	vadd.f32 v5, v2;
	v1 =	vmul.f32 v14, v1  }
0x1fc: {  	[tilespmem:s23+$0x14040] =	vst v0;
	v0 =	vmul.f32 v14, v3  }
0x1fd: {  	[tilespmem:s23+$0x14050] =	vst v1;
	v1 =	vmul.f32 v14, v2  }
0x1fe: {  	[tilespmem:s23+$0x14060] =	vst v0  }
0x1ff: {  	[tilespmem:s23+$0x14070] =	vst v1  }
0x200: {  	_ =	swait.ge [sflag:s17], $0xC80  }
0x201: {  	[sflag:s17] =	ssyncset.done $0x0  }
0x202: {  	[sflag:s17] =	ssyncadd.s32 $0xFFFFF380  }
0x203: {  	_ =	swait.ge [sflag:s17], $0xC80  }
0x204: {  	[sflag:s17] =	ssyncset.done $0x0  }
0x205: {  	[sflag:s17] =	ssyncadd.s32 $0xFFFFF380  }
0x206: {  	_ =	swait.ge [sflag:s17], $0xC80  }
0x207: {  	[sflag:s17] =	ssyncset.done $0x0  }
0x208: {  	[sflag:s17] =	ssyncadd.s32 $0xFFFFF380  }
0x209: {  	_ =	swait.ge [sflag:s17], $0xC80  }
0x20a: {  	s26 =	simm.s32 @!p0 $0x32;
	[sflag:s17] =	ssyncset.done $0x0  }
0x20b: {  	s28 =	simm.s32 @!p0 $0xAA00;
	s25 =	sadd.s32 @!p0 $0x460, s24;
	[sflag:s17] =	ssyncadd.s32 $0xFFFFF380  }
0x20c: {  	[tilespmem:s28], [sflag:$0x2] =	stream.indirect.gather @!p0 [hbm4b:s3+s26], $0x40, s25, s26, $0xb8;
	[tilespmem:$0x16000] =	vst v63  }
0x20d: {  	s25 =	sadd.s32 @!p0 $0x498, s24;
	s28 =	simm.s32 @!p0 $0xB680  }
0x20e: {  	[tilespmem:s28], [sflag:$0x2] =	stream.indirect.gather @!p0 [hbm4b:s3+s26], $0x40, s25, s26, $0xb8;
	[tilespmem:$0x16000] =	vst v63  }
0x20f: {  	s25 =	sadd.s32 @!p0 $0x4D0, s24;
	s28 =	simm.s32 @!p0 $0xC300  }
0x210: {  	[tilespmem:s28], [sflag:$0x2] =	stream.indirect.gather @!p0 [hbm4b:s3+s26], $0x40, s25, s26, $0xb8;
	[tilespmem:$0x16000] =	vst v63  }
0x211: {  	s25 =	sadd.s32 @!p0 $0x508, s24;
	s28 =	simm.s32 @!p0 $0xCF80  }
0x212: {  	[tilespmem:s28], [sflag:$0x2] =	stream.indirect.gather @!p0 [hbm4b:s3+s26], $0x40, s25, s26, $0xb8;
	[tilespmem:$0x16000] =	vst v63  }
0x213: {  	s28 =	simm.s32 $0xDC00  }
0x214: {  	v0 =	vld [tilespmem:s28+$0x600]  }
0x215: {  	v1 =	vld [tilespmem:s28+$0x610]  }
0x216: {  	v2 =	vld [tilespmem:s28+$0x5C0]  }
0x217: {  	v3 =	vld [tilespmem:s28+$0x5D0]  }
0x218: {  	v4 =	vld [tilespmem:s28+$0x580]  }
0x219: {  	v5 =	vld [tilespmem:s28+$0x590]  }
0x21a: {  	v6 =	vld [tilespmem:s28+$0x540]  }
0x21b: {  	v7 =	vld [tilespmem:s28+$0x550]  }
0x21c: {  	v8 =	vld [tilespmem:s28+$0x500]  }
0x21d: {  	v9 =	vld [tilespmem:s28+$0x510]  }
0x21e: {  	v10 =	vld [tilespmem:s28+$0x4C0]  }
0x21f: {  	v11 =	vld [tilespmem:s28+$0x4D0]  }
0x220: {  	v12 =	vld [tilespmem:s28+$0x480]  }
0x221: {  	v13 =	vld [tilespmem:s28+$0x490]  }
0x222: {  	v14 =	vld [tilespmem:s28+$0x440]  }
0x223: {  	v15 =	vld [tilespmem:s28+$0x450]  }
0x224: {  	v16 =	vld [tilespmem:s28+$0x400]  }
0x225: {  	v17 =	vld [tilespmem:s28+$0x410]  }
0x226: {  	v18 =	vld [tilespmem:s28+$0x3C0]  }
0x227: {  	v19 =	vld [tilespmem:s28+$0x3D0]  }
0x228: {  	v20 =	vld [tilespmem:s28+$0x380]  }
0x229: {  	v21 =	vld [tilespmem:s28+$0x390]  }
0x22a: {  	v22 =	vld [tilespmem:s28+$0x340]  }
0x22b: {  	v23 =	vld [tilespmem:s28+$0x350]  }
0x22c: {  	v24 =	vld [tilespmem:s28+$0x300]  }
0x22d: {  	v25 =	vld [tilespmem:s28+$0x310]  }
0x22e: {  	v26 =	vld [tilespmem:s28+$0x2C0]  }
0x22f: {  	v27 =	vld [tilespmem:s28+$0x2D0]  }
0x230: {  	v28 =	vld [tilespmem:s28+$0x280]  }
0x231: {  	v29 =	vld [tilespmem:s28+$0x290]  }
0x232: {  	v30 =	vld [tilespmem:s28+$0x240]  }
0x233: {  	v31 =	vld [tilespmem:s28+$0x250]  }
0x234: {  	v32 =	vld [tilespmem:s28+$0x200]  }
0x235: {  	v33 =	vld [tilespmem:s28+$0x210]  }
0x236: {  	v34 =	vld [tilespmem:s28+$0x1C0]  }
0x237: {  	v35 =	vld [tilespmem:s28+$0x1D0]  }
0x238: {  	v36 =	vld [tilespmem:s28+$0x180]  }
0x239: {  	v37 =	vld [tilespmem:s28+$0x190]  }
0x23a: {  	v38 =	vld [tilespmem:s28+$0x140]  }
0x23b: {  	v39 =	vld [tilespmem:s28+$0x150]  }
0x23c: {  	v40 =	vld [tilespmem:s28+$0x100]  }
0x23d: {  	v41 =	vld [tilespmem:s28+$0x110]  }
0x23e: {  	v42 =	vld [tilespmem:s28+$0xC0]  }
0x23f: {  	v43 =	vld [tilespmem:s28+$0xD0]  }
0x240: {  	v44 =	vld [tilespmem:s28+$0x80]  }
0x241: {  	v45 =	vld [tilespmem:s28+$0x90]  }
0x242: {  	v46 =	vld [tilespmem:s28+$0x40]  }
0x243: {  	v47 =	vld [tilespmem:s28+$0x50]  }
0x244: {  	v48 =	vld [tilespmem:s28+$0x0]  }
0x245: {  	v49 =	vld [tilespmem:s28+$0x10]  }
0x246: {  	v50 =	vld [tilespmem:s28+$0x20]  }
0x247: {  	v51 =	vld [tilespmem:s28+$0x30]  }
0x248: {  	v52 =	vld [tilespmem:s28+$0x60]  }
0x249: {  	v53 =	vld [tilespmem:s28+$0x70]  }
0x24a: {  	v54 =	vimm.f32 $0.0e+00;
	v55 =	vld [tilespmem:s28+$0xA0]  }
0x24b: {  	v56 =	vld [tilespmem:s28+$0xB0];
	v48 =	vadd.f32 v48, v54;
	v49 =	vadd.f32 v49, v54  }
0x24c: {  	v61 =	vld [tilespmem:s28+$0xE0];
	v50 =	vadd.f32 v50, v54;
	v51 =	vadd.f32 v51, v54  }
0x24d: {  	v46 =	vadd.f32 v46, v48;
	v47 =	vadd.f32 v47, v49;
	v48 =	vld [tilespmem:s28+$0xF0]  }
0x24e: {  	v62 =	vadd.f32 v52, v50;
	v63 =	vadd.f32 v53, v51;
	v51 =	vld [tilespmem:s28+$0x120]  }
0x24f: {  	v53 =	vld [tilespmem:s28+$0x130];
	v44 =	vadd.f32 v44, v46;
	v45 =	vadd.f32 v45, v47  }
0x250: {  	v59 =	vld [tilespmem:s28+$0x160];
	v57 =	vadd.f32 v55, v62;
	v58 =	vadd.f32 v56, v63  }
0x251: {  	v60 =	vld [tilespmem:s28+$0x170];
	v42 =	vadd.f32 v42, v44;
	v43 =	vadd.f32 v43, v45  }
0x252: {  	v49 =	vld [tilespmem:s28+$0x1B0];
	v61 =	vadd.f32 v61, v57;
	v62 =	vadd.f32 v48, v58  }
0x253: {  	v63 =	vld [tilespmem:s28+$0x1A0];
	v40 =	vadd.f32 v40, v42;
	v41 =	vadd.f32 v41, v43  }
0x254: {  	v54 =	vld [tilespmem:s28+$0x1E0];
	v52 =	vadd.f32 v51, v61;
	v53 =	vadd.f32 v53, v62  }
0x255: {  	v55 =	vld [tilespmem:s28+$0x1F0];
	v38 =	vadd.f32 v38, v40;
	v39 =	vadd.f32 v39, v41  }
0x256: {  	v58 =	vld [tilespmem:s28+$0x220];
	v56 =	vadd.f32 v59, v52;
	v57 =	vadd.f32 v60, v53  }
0x257: {  	v59 =	vld [tilespmem:s28+$0x230];
	v36 =	vadd.f32 v36, v38;
	v37 =	vadd.f32 v37, v39  }
0x258: {  	v62 =	vld [tilespmem:s28+$0x260];
	v60 =	vadd.f32 v63, v56;
	v61 =	vadd.f32 v49, v57  }
0x259: {  	v63 =	vld [tilespmem:s28+$0x270];
	v34 =	vadd.f32 v34, v36;
	v35 =	vadd.f32 v35, v37  }
0x25a: {  	v47 =	vld [tilespmem:s28+$0x2A0];
	v45 =	vadd.f32 v54, v60;
	v46 =	vadd.f32 v55, v61  }
0x25b: {  	v48 =	vld [tilespmem:s28+$0x2B0];
	v32 =	vadd.f32 v32, v34;
	v33 =	vadd.f32 v33, v35  }
0x25c: {  	v51 =	vld [tilespmem:s28+$0x2E0];
	v49 =	vadd.f32 v58, v45;
	v50 =	vadd.f32 v59, v46  }
0x25d: {  	v52 =	vld [tilespmem:s28+$0x2F0];
	v30 =	vadd.f32 v30, v32;
	v31 =	vadd.f32 v31, v33  }
0x25e: {  	v56 =	vld [tilespmem:s28+$0x330];
	v53 =	vadd.f32 v62, v49;
	v54 =	vadd.f32 v63, v50  }
0x25f: {  	v55 =	vld [tilespmem:s28+$0x320];
	v28 =	vadd.f32 v28, v30;
	v29 =	vadd.f32 v29, v31  }
0x260: {  	v60 =	vld [tilespmem:s28+$0x370];
	v57 =	vadd.f32 v47, v53;
	v58 =	vadd.f32 v48, v54  }
0x261: {  	v59 =	vld [tilespmem:s28+$0x360];
	v26 =	vadd.f32 v26, v28;
	v27 =	vadd.f32 v27, v29  }
0x262: {  	v35 =	vld [tilespmem:s28+$0x3B0];
	v61 =	vadd.f32 v51, v57;
	v62 =	vadd.f32 v52, v58  }
0x263: {  	v63 =	vld [tilespmem:s28+$0x3A0];
	v24 =	vadd.f32 v24, v26;
	v25 =	vadd.f32 v25, v27  }
0x264: {  	v40 =	vld [tilespmem:s28+$0x3F0];
	v37 =	vadd.f32 v55, v61;
	v38 =	vadd.f32 v56, v62  }
0x265: {  	v39 =	vld [tilespmem:s28+$0x3E0];
	v22 =	vadd.f32 v22, v24;
	v23 =	vadd.f32 v23, v25  }
0x266: {  	v44 =	vld [tilespmem:s28+$0x430];
	v41 =	vadd.f32 v59, v37;
	v42 =	vadd.f32 v60, v38  }
0x267: {  	v43 =	vld [tilespmem:s28+$0x420];
	v20 =	vadd.f32 v20, v22;
	v21 =	vadd.f32 v21, v23  }
0x268: {  	v47 =	vld [tilespmem:s28+$0x460];
	v45 =	vadd.f32 v63, v41;
	v46 =	vadd.f32 v35, v42  }
0x269: {  	v48 =	vld [tilespmem:s28+$0x470];
	v18 =	vadd.f32 v18, v20;
	v19 =	vadd.f32 v19, v21  }
0x26a: {  	v51 =	vld [tilespmem:s28+$0x4A0];
	v49 =	vadd.f32 v39, v45;
	v50 =	vadd.f32 v40, v46  }
0x26b: {  	v52 =	vld [tilespmem:s28+$0x4B0];
	v16 =	vadd.f32 v16, v18;
	v17 =	vadd.f32 v17, v19  }
0x26c: {  	v55 =	vld [tilespmem:s28+$0x4E0];
	v53 =	vadd.f32 v43, v49;
	v54 =	vadd.f32 v44, v50  }
0x26d: {  	v56 =	vld [tilespmem:s28+$0x4F0];
	v14 =	vadd.f32 v14, v16;
	v15 =	vadd.f32 v15, v17  }
0x26e: {  	v59 =	vld [tilespmem:s28+$0x520];
	v57 =	vadd.f32 v47, v53;
	v58 =	vadd.f32 v48, v54  }
0x26f: {  	v12 =	vadd.f32 v12, v14;
	v13 =	vadd.f32 v13, v15;
	v14 =	vld [tilespmem:s28+$0x530]  }
0x270: {  	v61 =	vld [tilespmem:s28+$0x560];
	v15 =	vadd.f32 v51, v57;
	v60 =	vadd.f32 v52, v58  }
0x271: {  	v12 =	vadd.f32 v10, v12;
	v11 =	vadd.f32 v11, v13;
	v13 =	vld [tilespmem:s28+$0x570]  }
0x272: {  	v15 =	vadd.f32 v55, v15;
	v10 =	vld [tilespmem:s28+$0x5A0];
	v16 =	vadd.f32 v56, v60  }
0x273: {  	v12 =	vadd.f32 v8, v12;
	v11 =	vadd.f32 v9, v11;
	v9 =	vld [tilespmem:s28+$0x5B0]  }
0x274: {  	v15 =	vadd.f32 v59, v15;
	v8 =	vld [tilespmem:s28+$0x5E0];
	v14 =	vadd.f32 v14, v16  }
0x275: {  	v62 =	vadd.f32 v6, v12;
	v63 =	vadd.f32 v7, v11;
	v7 =	vld [tilespmem:s28+$0x5F0]  }
0x276: {  	v12 =	vadd.f32 v61, v15;
	v6 =	vld [tilespmem:s28+$0x620];
	v11 =	vadd.f32 v13, v14  }
0x277: {  	s25 =	simm.s32 $0x0;
	s26 =	simm.s32 $0xE240;
	v13 =	vadd.f32 v4, v62;
	v4 =	vadd.f32 v5, v63;
	v5 =	vld [tilespmem:s28+$0x630]  }
.LBB2_7:
0x278: {  	v14 =	vld [tilespmem:s26+$0x600];
	v10 =	vadd.f32 v10, v12;
	v9 =	vadd.f32 v9, v11  }
0x279: {  	v11 =	vld [tilespmem:s26+$0x610];
	v12 =	vadd.f32 v2, v13;
	v4 =	vadd.f32 v3, v4  }
0x27a: {  	v2 =	vld [tilespmem:s26+$0x5C0];
	v8 =	vadd.f32 v8, v10;
	v7 =	vadd.f32 v7, v9  }
0x27b: {  	v3 =	vld [tilespmem:s26+$0x5D0];
	v30 =	vadd.f32 v0, v12;
	v31 =	vadd.f32 v1, v4  }
0x27c: {  	v4 =	vld [tilespmem:s26+$0x580];
	v32 =	vadd.f32 v6, v8;
	v33 =	vadd.f32 v5, v7  }
0x27d: {  	v5 =	vld [tilespmem:s26+$0x590];
	v0 =	vmov v14  }
0x27e: {  	v6 =	vld [tilespmem:s26+$0x540];
	v1 =	vmov v11  }
0x27f: {  	v7 =	vld [tilespmem:s26+$0x550]  }
0x280: {  	v8 =	vld [tilespmem:s26+$0x500]  }
0x281: {  	v9 =	vld [tilespmem:s26+$0x510]  }
0x282: {  	v10 =	vld [tilespmem:s26+$0x4C0]  }
0x283: {  	v11 =	vld [tilespmem:s26+$0x4D0]  }
0x284: {  	v12 =	vld [tilespmem:s26+$0x480]  }
0x285: {  	v13 =	vld [tilespmem:s26+$0x490]  }
0x286: {  	v14 =	vld [tilespmem:s26+$0x440]  }
0x287: {  	v15 =	vld [tilespmem:s26+$0x450]  }
0x288: {  	v16 =	vld [tilespmem:s26+$0x400]  }
0x289: {  	v17 =	vld [tilespmem:s26+$0x410]  }
0x28a: {  	v18 =	vld [tilespmem:s26+$0x3C0]  }
0x28b: {  	v19 =	vld [tilespmem:s26+$0x3D0]  }
0x28c: {  	v20 =	vld [tilespmem:s26+$0x380]  }
0x28d: {  	v21 =	vld [tilespmem:s26+$0x390]  }
0x28e: {  	v22 =	vld [tilespmem:s26+$0x340]  }
0x28f: {  	v23 =	vld [tilespmem:s26+$0x350]  }
0x290: {  	v24 =	vld [tilespmem:s26+$0x300]  }
0x291: {  	v25 =	vld [tilespmem:s26+$0x310]  }
0x292: {  	v26 =	vld [tilespmem:s26+$0x2C0]  }
0x293: {  	v27 =	vld [tilespmem:s26+$0x2D0]  }
0x294: {  	v28 =	vld [tilespmem:s26+$0x280]  }
0x295: {  	v29 =	vld [tilespmem:s26+$0x290]  }
0x296: {  	v34 =	vld [tilespmem:s26+$0x240]  }
0x297: {  	v35 =	vld [tilespmem:s26+$0x250]  }
0x298: {  	v36 =	vld [tilespmem:s26+$0x200]  }
0x299: {  	v37 =	vld [tilespmem:s26+$0x210]  }
0x29a: {  	v38 =	vld [tilespmem:s26+$0x1C0]  }
0x29b: {  	v39 =	vld [tilespmem:s26+$0x1D0]  }
0x29c: {  	v40 =	vld [tilespmem:s26+$0x180]  }
0x29d: {  	v41 =	vld [tilespmem:s26+$0x190]  }
0x29e: {  	v42 =	vld [tilespmem:s26+$0x140]  }
0x29f: {  	v43 =	vld [tilespmem:s26+$0x150]  }
0x2a0: {  	v44 =	vld [tilespmem:s26+$0x100]  }
0x2a1: {  	v45 =	vld [tilespmem:s26+$0x110]  }
0x2a2: {  	v46 =	vld [tilespmem:s26+$0xC0]  }
0x2a3: {  	v47 =	vld [tilespmem:s26+$0xD0]  }
0x2a4: {  	v48 =	vld [tilespmem:s26+$0x80]  }
0x2a5: {  	v49 =	vld [tilespmem:s26+$0x90]  }
0x2a6: {  	v50 =	vld [tilespmem:s26+$0x40]  }
0x2a7: {  	v51 =	vld [tilespmem:s26+$0x50]  }
0x2a8: {  	v52 =	vld [tilespmem:s26+$0x0]  }
0x2a9: {  	v53 =	vld [tilespmem:s26+$0x10]  }
0x2aa: {  	v54 =	vld [tilespmem:s26+$0x20]  }
0x2ab: {  	s25 =	sadd.s32 $0x19, s25;
	v55 =	vld [tilespmem:s26+$0x30]  }
0x2ac: {  	p1 =	slt.u32 s25, $0xAF;
	v56 =	vld [tilespmem:s26+$0x60]  }
0x2ad: {  	v57 =	vld [tilespmem:s26+$0x70]  }
0x2ae: {  	v58 =	vld [tilespmem:s26+$0xA0]  }
0x2af: {  	v30 =	vadd.f32 v52, v30;
	v31 =	vadd.f32 v53, v31;
	v52 =	vld [tilespmem:s26+$0xB0]  }
0x2b0: {  	v32 =	vadd.f32 v54, v32;
	v33 =	vadd.f32 v55, v33;
	v53 =	vld [tilespmem:s26+$0xE0]  }
0x2b1: {  	v30 =	vadd.f32 v50, v30;
	v31 =	vadd.f32 v51, v31;
	v50 =	vld [tilespmem:s26+$0xF0]  }
0x2b2: {  	v32 =	vadd.f32 v56, v32;
	v33 =	vadd.f32 v57, v33;
	v51 =	vld [tilespmem:s26+$0x120]  }
0x2b3: {  	v30 =	vadd.f32 v48, v30;
	v31 =	vadd.f32 v49, v31;
	v48 =	vld [tilespmem:s26+$0x130]  }
0x2b4: {  	v32 =	vadd.f32 v58, v32;
	v33 =	vadd.f32 v52, v33;
	v49 =	vld [tilespmem:s26+$0x160]  }
0x2b5: {  	v30 =	vadd.f32 v46, v30;
	v31 =	vadd.f32 v47, v31;
	v46 =	vld [tilespmem:s26+$0x170]  }
0x2b6: {  	v32 =	vadd.f32 v53, v32;
	v33 =	vadd.f32 v50, v33;
	v47 =	vld [tilespmem:s26+$0x1A0]  }
0x2b7: {  	v30 =	vadd.f32 v44, v30;
	v31 =	vadd.f32 v45, v31;
	v44 =	vld [tilespmem:s26+$0x1B0]  }
0x2b8: {  	v32 =	vadd.f32 v51, v32;
	v33 =	vadd.f32 v48, v33;
	v45 =	vld [tilespmem:s26+$0x1E0]  }
0x2b9: {  	v30 =	vadd.f32 v42, v30;
	v31 =	vadd.f32 v43, v31;
	v42 =	vld [tilespmem:s26+$0x1F0]  }
0x2ba: {  	v32 =	vadd.f32 v49, v32;
	v33 =	vadd.f32 v46, v33;
	v43 =	vld [tilespmem:s26+$0x220]  }
0x2bb: {  	v30 =	vadd.f32 v40, v30;
	v31 =	vadd.f32 v41, v31;
	v40 =	vld [tilespmem:s26+$0x230]  }
0x2bc: {  	v32 =	vadd.f32 v47, v32;
	v33 =	vadd.f32 v44, v33;
	v41 =	vld [tilespmem:s26+$0x260]  }
0x2bd: {  	v30 =	vadd.f32 v38, v30;
	v31 =	vadd.f32 v39, v31;
	v38 =	vld [tilespmem:s26+$0x270]  }
0x2be: {  	v32 =	vadd.f32 v45, v32;
	v33 =	vadd.f32 v42, v33;
	v39 =	vld [tilespmem:s26+$0x2A0]  }
0x2bf: {  	v30 =	vadd.f32 v36, v30;
	v31 =	vadd.f32 v37, v31;
	v36 =	vld [tilespmem:s26+$0x2B0]  }
0x2c0: {  	v32 =	vadd.f32 v43, v32;
	v33 =	vadd.f32 v40, v33;
	v37 =	vld [tilespmem:s26+$0x2E0]  }
0x2c1: {  	v30 =	vadd.f32 v34, v30;
	v31 =	vadd.f32 v35, v31;
	v34 =	vld [tilespmem:s26+$0x2F0]  }
0x2c2: {  	v32 =	vadd.f32 v41, v32;
	v33 =	vadd.f32 v38, v33;
	v35 =	vld [tilespmem:s26+$0x320]  }
0x2c3: {  	v28 =	vadd.f32 v28, v30;
	v29 =	vadd.f32 v29, v31;
	v30 =	vld [tilespmem:s26+$0x330]  }
0x2c4: {  	v31 =	vadd.f32 v39, v32;
	v32 =	vadd.f32 v36, v33;
	v33 =	vld [tilespmem:s26+$0x360]  }
0x2c5: {  	v26 =	vadd.f32 v26, v28;
	v27 =	vadd.f32 v27, v29;
	v28 =	vld [tilespmem:s26+$0x370]  }
0x2c6: {  	v29 =	vadd.f32 v37, v31;
	v31 =	vadd.f32 v34, v32;
	v32 =	vld [tilespmem:s26+$0x3A0]  }
0x2c7: {  	v24 =	vadd.f32 v24, v26;
	v25 =	vadd.f32 v25, v27;
	v26 =	vld [tilespmem:s26+$0x3B0]  }
0x2c8: {  	v27 =	vadd.f32 v35, v29;
	v29 =	vadd.f32 v30, v31;
	v30 =	vld [tilespmem:s26+$0x3E0]  }
0x2c9: {  	v22 =	vadd.f32 v22, v24;
	v23 =	vadd.f32 v23, v25;
	v24 =	vld [tilespmem:s26+$0x3F0]  }
0x2ca: {  	v25 =	vadd.f32 v33, v27;
	v27 =	vadd.f32 v28, v29;
	v28 =	vld [tilespmem:s26+$0x420]  }
0x2cb: {  	v20 =	vadd.f32 v20, v22;
	v21 =	vadd.f32 v21, v23;
	v22 =	vld [tilespmem:s26+$0x430]  }
0x2cc: {  	v23 =	vadd.f32 v32, v25;
	v25 =	vadd.f32 v26, v27;
	v26 =	vld [tilespmem:s26+$0x460]  }
0x2cd: {  	v18 =	vadd.f32 v18, v20;
	v19 =	vadd.f32 v19, v21;
	v20 =	vld [tilespmem:s26+$0x470]  }
0x2ce: {  	v21 =	vadd.f32 v30, v23;
	v23 =	vadd.f32 v24, v25;
	v24 =	vld [tilespmem:s26+$0x4A0]  }
0x2cf: {  	v16 =	vadd.f32 v16, v18;
	v17 =	vadd.f32 v17, v19;
	v18 =	vld [tilespmem:s26+$0x4B0]  }
0x2d0: {  	v19 =	vadd.f32 v28, v21;
	v21 =	vadd.f32 v22, v23;
	v22 =	vld [tilespmem:s26+$0x4E0]  }
0x2d1: {  	v14 =	vadd.f32 v14, v16;
	v15 =	vadd.f32 v15, v17;
	v16 =	vld [tilespmem:s26+$0x4F0]  }
0x2d2: {  	v17 =	vadd.f32 v26, v19;
	v19 =	vadd.f32 v20, v21;
	v20 =	vld [tilespmem:s26+$0x520]  }
0x2d3: {  	v12 =	vadd.f32 v12, v14;
	v13 =	vadd.f32 v13, v15;
	v14 =	vld [tilespmem:s26+$0x530]  }
0x2d4: {  	v15 =	vadd.f32 v24, v17;
	v17 =	vadd.f32 v18, v19;
	v18 =	vld [tilespmem:s26+$0x560]  }
0x2d5: {  	v12 =	vadd.f32 v10, v12;
	v11 =	vadd.f32 v11, v13;
	v13 =	vld [tilespmem:s26+$0x570]  }
0x2d6: {  	v15 =	vadd.f32 v22, v15;
	v16 =	vadd.f32 v16, v17;
	v10 =	vld [tilespmem:s26+$0x5A0]  }
.Ltmp2:
0x2d7: {  	v12 =	vadd.f32 v8, v12;
	v11 =	vadd.f32 v9, v11;
	v9 =	vld [tilespmem:s26+$0x5B0];
	(pc) =	sbr.rel @p1 .LBB2_7-.Ltmp2, $4  }
0x2d8: {  	v15 =	vadd.f32 v20, v15;
	v14 =	vadd.f32 v14, v16;
	v8 =	vld [tilespmem:s26+$0x5E0]  }
0x2d9: {  	v16 =	vadd.f32 v6, v12;
	v17 =	vadd.f32 v7, v11;
	v7 =	vld [tilespmem:s26+$0x5F0]  }
0x2da: {  	v12 =	vadd.f32 v18, v15;
	v11 =	vadd.f32 v13, v14;
	v6 =	vld [tilespmem:s26+$0x620]  }
0x2db: {  	v13 =	vadd.f32 v4, v16;
	v4 =	vadd.f32 v5, v17;
	v5 =	vld [tilespmem:s26+$0x630];
	s26 =	sadd.s32 $0x640, s26  }
0x2dc: {  	s25 =	sor.u32 $0x80, s23  }
0x2dd: {  	s25 =	sshrl.u32 s25, $0x2  }
0x2de: {  	v14 =	vld [tilespmem:s25+$0x7000]  }
0x2df: {  	v10 =	vadd.f32 v10, v12;
	v2 =	vadd.f32 v2, v13  }
0x2e0: {  	v9 =	vadd.f32 v9, v11;
	v3 =	vadd.f32 v3, v4  }
0x2e1: {  	v4 =	vadd.f32 v8, v10;
	v0 =	vadd.f32 v0, v2  }
0x2e2: {  	v2 =	vadd.f32 v7, v9;
	v1 =	vadd.f32 v1, v3  }
0x2e3: {  	v3 =	vadd.f32 v6, v4;
	v0 =	vmul.f32 v14, v0  }
0x2e4: {  	v2 =	vadd.f32 v5, v2;
	v1 =	vmul.f32 v14, v1  }
0x2e5: {  	[tilespmem:s23+$0x14080] =	vst v0;
	v0 =	vmul.f32 v14, v3  }
0x2e6: {  	[tilespmem:s23+$0x14090] =	vst v1;
	v1 =	vmul.f32 v14, v2  }
0x2e7: {  	[tilespmem:s23+$0x140A0] =	vst v0  }
0x2e8: {  	[tilespmem:s23+$0x140B0] =	vst v1  }
0x2e9: {  	_ =	swait.ge [sflag:s18], $0xC80  }
0x2ea: {  	[sflag:s18] =	ssyncset.done $0x0  }
0x2eb: {  	[sflag:s18] =	ssyncadd.s32 $0xFFFFF380  }
0x2ec: {  	_ =	swait.ge [sflag:s18], $0xC80  }
0x2ed: {  	[sflag:s18] =	ssyncset.done $0x0  }
0x2ee: {  	[sflag:s18] =	ssyncadd.s32 $0xFFFFF380  }
0x2ef: {  	_ =	swait.ge [sflag:s18], $0xC80  }
0x2f0: {  	[sflag:s18] =	ssyncset.done $0x0  }
0x2f1: {  	[sflag:s18] =	ssyncadd.s32 $0xFFFFF380  }
0x2f2: {  	_ =	swait.ge [sflag:s18], $0xC80  }
0x2f3: {  	s26 =	simm.s32 @!p0 $0xDC00;
	[sflag:s18] =	ssyncset.done $0x0  }
0x2f4: {  	s25 =	simm.s32 @!p0 $0x32;
	s23 =	sadd.s32 @!p0 $0x540, s24;
	[sflag:s18] =	ssyncadd.s32 $0xFFFFF380  }
0x2f5: {  	[tilespmem:s26], [sflag:$0x3] =	stream.indirect.gather @!p0 [hbm4b:s3+s25], $0x40, s23, s25, $0xb8;
	[tilespmem:$0x16000] =	vst v63  }
0x2f6: {  	s23 =	sadd.s32 @!p0 $0x578, s24;
	s26 =	simm.s32 @!p0 $0xE880  }
0x2f7: {  	[tilespmem:s26], [sflag:$0x3] =	stream.indirect.gather @!p0 [hbm4b:s3+s25], $0x40, s23, s25, $0xb8;
	[tilespmem:$0x16000] =	vst v63  }
0x2f8: {  	s23 =	sadd.s32 @!p0 $0x5B0, s24;
	s26 =	simm.s32 @!p0 $0xF500  }
0x2f9: {  	[tilespmem:s26], [sflag:$0x3] =	stream.indirect.gather @!p0 [hbm4b:s3+s25], $0x40, s23, s25, $0xb8;
	[tilespmem:$0x16000] =	vst v63  }
0x2fa: {  	s28 =	simm.s32 $0x10E00;
	s23 =	sadd.s32 @!p0 $0x5E8, s24;
	s24 =	simm.s32 @!p0 $0x10180  }
0x2fb: {  	[tilespmem:s24], [sflag:$0x3] =	stream.indirect.gather @!p0 [hbm4b:s3+s25], $0x40, s23, s25, $0xb8;
	[tilespmem:$0x16000] =	vst v63  }
0x2fc: {  	v0 =	vld [tilespmem:s28+$0x600]  }
0x2fd: {  	v1 =	vld [tilespmem:s28+$0x610]  }
0x2fe: {  	v2 =	vld [tilespmem:s28+$0x5C0]  }
0x2ff: {  	v3 =	vld [tilespmem:s28+$0x5D0]  }
0x300: {  	v4 =	vld [tilespmem:s28+$0x580]  }
0x301: {  	v5 =	vld [tilespmem:s28+$0x590]  }
0x302: {  	v6 =	vld [tilespmem:s28+$0x540]  }
0x303: {  	v7 =	vld [tilespmem:s28+$0x550]  }
0x304: {  	v8 =	vld [tilespmem:s28+$0x500]  }
0x305: {  	v9 =	vld [tilespmem:s28+$0x510]  }
0x306: {  	v10 =	vld [tilespmem:s28+$0x4C0]  }
0x307: {  	v11 =	vld [tilespmem:s28+$0x4D0]  }
0x308: {  	v12 =	vld [tilespmem:s28+$0x480]  }
0x309: {  	v13 =	vld [tilespmem:s28+$0x490]  }
0x30a: {  	v14 =	vld [tilespmem:s28+$0x440]  }
0x30b: {  	v15 =	vld [tilespmem:s28+$0x450]  }
0x30c: {  	v16 =	vld [tilespmem:s28+$0x400]  }
0x30d: {  	v17 =	vld [tilespmem:s28+$0x410]  }
0x30e: {  	v18 =	vld [tilespmem:s28+$0x3C0]  }
0x30f: {  	v19 =	vld [tilespmem:s28+$0x3D0]  }
0x310: {  	v20 =	vld [tilespmem:s28+$0x380]  }
0x311: {  	v21 =	vld [tilespmem:s28+$0x390]  }
0x312: {  	v22 =	vld [tilespmem:s28+$0x340]  }
0x313: {  	v23 =	vld [tilespmem:s28+$0x350]  }
0x314: {  	v24 =	vld [tilespmem:s28+$0x300]  }
0x315: {  	v25 =	vld [tilespmem:s28+$0x310]  }
0x316: {  	v26 =	vld [tilespmem:s28+$0x2C0]  }
0x317: {  	v27 =	vld [tilespmem:s28+$0x2D0]  }
0x318: {  	v28 =	vld [tilespmem:s28+$0x280]  }
0x319: {  	v29 =	vld [tilespmem:s28+$0x290]  }
0x31a: {  	v30 =	vld [tilespmem:s28+$0x240]  }
0x31b: {  	v31 =	vld [tilespmem:s28+$0x250]  }
0x31c: {  	v32 =	vld [tilespmem:s28+$0x200]  }
0x31d: {  	v33 =	vld [tilespmem:s28+$0x210]  }
0x31e: {  	v34 =	vld [tilespmem:s28+$0x1C0]  }
0x31f: {  	v35 =	vld [tilespmem:s28+$0x1D0]  }
0x320: {  	v36 =	vld [tilespmem:s28+$0x180]  }
0x321: {  	v37 =	vld [tilespmem:s28+$0x190]  }
0x322: {  	v38 =	vld [tilespmem:s28+$0x140]  }
0x323: {  	v39 =	vld [tilespmem:s28+$0x150]  }
0x324: {  	v40 =	vld [tilespmem:s28+$0x100]  }
0x325: {  	v41 =	vld [tilespmem:s28+$0x110]  }
0x326: {  	v42 =	vld [tilespmem:s28+$0xC0]  }
0x327: {  	v43 =	vld [tilespmem:s28+$0xD0]  }
0x328: {  	v44 =	vld [tilespmem:s28+$0x80]  }
0x329: {  	v45 =	vld [tilespmem:s28+$0x90]  }
0x32a: {  	v46 =	vld [tilespmem:s28+$0x40]  }
0x32b: {  	v47 =	vld [tilespmem:s28+$0x50]  }
0x32c: {  	v48 =	vld [tilespmem:s28+$0x0]  }
0x32d: {  	v49 =	vld [tilespmem:s28+$0x10]  }
0x32e: {  	v50 =	vld [tilespmem:s28+$0x20]  }
0x32f: {  	v51 =	vld [tilespmem:s28+$0x30]  }
0x330: {  	v52 =	vld [tilespmem:s28+$0x60]  }
0x331: {  	v53 =	vld [tilespmem:s28+$0x70]  }
0x332: {  	v54 =	vimm.f32 $0.0e+00;
	v55 =	vld [tilespmem:s28+$0xA0]  }
0x333: {  	v56 =	vld [tilespmem:s28+$0xB0];
	v48 =	vadd.f32 v48, v54;
	v49 =	vadd.f32 v49, v54  }
0x334: {  	v61 =	vld [tilespmem:s28+$0xE0];
	v50 =	vadd.f32 v50, v54;
	v51 =	vadd.f32 v51, v54  }
0x335: {  	v46 =	vadd.f32 v46, v48;
	v47 =	vadd.f32 v47, v49;
	v48 =	vld [tilespmem:s28+$0xF0]  }
0x336: {  	v62 =	vadd.f32 v52, v50;
	v63 =	vadd.f32 v53, v51;
	v51 =	vld [tilespmem:s28+$0x120]  }
0x337: {  	v53 =	vld [tilespmem:s28+$0x130];
	v44 =	vadd.f32 v44, v46;
	v45 =	vadd.f32 v45, v47  }
0x338: {  	v59 =	vld [tilespmem:s28+$0x160];
	v57 =	vadd.f32 v55, v62;
	v58 =	vadd.f32 v56, v63  }
0x339: {  	v60 =	vld [tilespmem:s28+$0x170];
	v42 =	vadd.f32 v42, v44;
	v43 =	vadd.f32 v43, v45  }
0x33a: {  	v49 =	vld [tilespmem:s28+$0x1B0];
	v61 =	vadd.f32 v61, v57;
	v62 =	vadd.f32 v48, v58  }
0x33b: {  	v63 =	vld [tilespmem:s28+$0x1A0];
	v40 =	vadd.f32 v40, v42;
	v41 =	vadd.f32 v41, v43  }
0x33c: {  	v54 =	vld [tilespmem:s28+$0x1E0];
	v52 =	vadd.f32 v51, v61;
	v53 =	vadd.f32 v53, v62  }
0x33d: {  	v55 =	vld [tilespmem:s28+$0x1F0];
	v38 =	vadd.f32 v38, v40;
	v39 =	vadd.f32 v39, v41  }
0x33e: {  	v58 =	vld [tilespmem:s28+$0x220];
	v56 =	vadd.f32 v59, v52;
	v57 =	vadd.f32 v60, v53  }
0x33f: {  	v59 =	vld [tilespmem:s28+$0x230];
	v36 =	vadd.f32 v36, v38;
	v37 =	vadd.f32 v37, v39  }
0x340: {  	v62 =	vld [tilespmem:s28+$0x260];
	v60 =	vadd.f32 v63, v56;
	v61 =	vadd.f32 v49, v57  }
0x341: {  	v63 =	vld [tilespmem:s28+$0x270];
	v34 =	vadd.f32 v34, v36;
	v35 =	vadd.f32 v35, v37  }
0x342: {  	v47 =	vld [tilespmem:s28+$0x2A0];
	v45 =	vadd.f32 v54, v60;
	v46 =	vadd.f32 v55, v61  }
0x343: {  	v48 =	vld [tilespmem:s28+$0x2B0];
	v32 =	vadd.f32 v32, v34;
	v33 =	vadd.f32 v33, v35  }
0x344: {  	v51 =	vld [tilespmem:s28+$0x2E0];
	v49 =	vadd.f32 v58, v45;
	v50 =	vadd.f32 v59, v46  }
0x345: {  	v52 =	vld [tilespmem:s28+$0x2F0];
	v30 =	vadd.f32 v30, v32;
	v31 =	vadd.f32 v31, v33  }
0x346: {  	v56 =	vld [tilespmem:s28+$0x330];
	v53 =	vadd.f32 v62, v49;
	v54 =	vadd.f32 v63, v50  }
0x347: {  	v55 =	vld [tilespmem:s28+$0x320];
	v28 =	vadd.f32 v28, v30;
	v29 =	vadd.f32 v29, v31  }
0x348: {  	v60 =	vld [tilespmem:s28+$0x370];
	v57 =	vadd.f32 v47, v53;
	v58 =	vadd.f32 v48, v54  }
0x349: {  	v59 =	vld [tilespmem:s28+$0x360];
	v26 =	vadd.f32 v26, v28;
	v27 =	vadd.f32 v27, v29  }
0x34a: {  	v35 =	vld [tilespmem:s28+$0x3B0];
	v61 =	vadd.f32 v51, v57;
	v62 =	vadd.f32 v52, v58  }
0x34b: {  	v63 =	vld [tilespmem:s28+$0x3A0];
	v24 =	vadd.f32 v24, v26;
	v25 =	vadd.f32 v25, v27  }
0x34c: {  	v40 =	vld [tilespmem:s28+$0x3F0];
	v37 =	vadd.f32 v55, v61;
	v38 =	vadd.f32 v56, v62  }
0x34d: {  	v39 =	vld [tilespmem:s28+$0x3E0];
	v22 =	vadd.f32 v22, v24;
	v23 =	vadd.f32 v23, v25  }
0x34e: {  	v44 =	vld [tilespmem:s28+$0x430];
	v41 =	vadd.f32 v59, v37;
	v42 =	vadd.f32 v60, v38  }
0x34f: {  	v43 =	vld [tilespmem:s28+$0x420];
	v20 =	vadd.f32 v20, v22;
	v21 =	vadd.f32 v21, v23  }
0x350: {  	v47 =	vld [tilespmem:s28+$0x460];
	v45 =	vadd.f32 v63, v41;
	v46 =	vadd.f32 v35, v42  }
0x351: {  	v48 =	vld [tilespmem:s28+$0x470];
	v18 =	vadd.f32 v18, v20;
	v19 =	vadd.f32 v19, v21  }
0x352: {  	v51 =	vld [tilespmem:s28+$0x4A0];
	v49 =	vadd.f32 v39, v45;
	v50 =	vadd.f32 v40, v46  }
0x353: {  	v52 =	vld [tilespmem:s28+$0x4B0];
	v16 =	vadd.f32 v16, v18;
	v17 =	vadd.f32 v17, v19  }
0x354: {  	v55 =	vld [tilespmem:s28+$0x4E0];
	v53 =	vadd.f32 v43, v49;
	v54 =	vadd.f32 v44, v50  }
0x355: {  	v56 =	vld [tilespmem:s28+$0x4F0];
	v14 =	vadd.f32 v14, v16;
	v15 =	vadd.f32 v15, v17  }
0x356: {  	v59 =	vld [tilespmem:s28+$0x520];
	v57 =	vadd.f32 v47, v53;
	v58 =	vadd.f32 v48, v54  }
0x357: {  	v12 =	vadd.f32 v12, v14;
	v13 =	vadd.f32 v13, v15;
	v14 =	vld [tilespmem:s28+$0x530]  }
0x358: {  	v61 =	vld [tilespmem:s28+$0x560];
	v15 =	vadd.f32 v51, v57;
	v60 =	vadd.f32 v52, v58  }
0x359: {  	v12 =	vadd.f32 v10, v12;
	v11 =	vadd.f32 v11, v13;
	v13 =	vld [tilespmem:s28+$0x570]  }
0x35a: {  	v15 =	vadd.f32 v55, v15;
	v10 =	vld [tilespmem:s28+$0x5A0];
	v16 =	vadd.f32 v56, v60  }
0x35b: {  	v12 =	vadd.f32 v8, v12;
	v11 =	vadd.f32 v9, v11;
	v9 =	vld [tilespmem:s28+$0x5B0]  }
0x35c: {  	v15 =	vadd.f32 v59, v15;
	v8 =	vld [tilespmem:s28+$0x5E0];
	v14 =	vadd.f32 v14, v16  }
0x35d: {  	v62 =	vadd.f32 v6, v12;
	v63 =	vadd.f32 v7, v11;
	v7 =	vld [tilespmem:s28+$0x5F0]  }
0x35e: {  	v12 =	vadd.f32 v61, v15;
	v6 =	vld [tilespmem:s28+$0x620];
	v11 =	vadd.f32 v13, v14  }
0x35f: {  	s23 =	simm.s32 $0x0;
	s24 =	simm.s32 $0x11440;
	v13 =	vadd.f32 v4, v62;
	v4 =	vadd.f32 v5, v63;
	v5 =	vld [tilespmem:s28+$0x630]  }
.LBB2_9:
0x360: {  	v14 =	vld [tilespmem:s24+$0x600];
	v10 =	vadd.f32 v10, v12;
	v9 =	vadd.f32 v9, v11  }
0x361: {  	v11 =	vld [tilespmem:s24+$0x610];
	v12 =	vadd.f32 v2, v13;
	v4 =	vadd.f32 v3, v4  }
0x362: {  	v2 =	vld [tilespmem:s24+$0x5C0];
	v8 =	vadd.f32 v8, v10;
	v7 =	vadd.f32 v7, v9  }
0x363: {  	v3 =	vld [tilespmem:s24+$0x5D0];
	v30 =	vadd.f32 v0, v12;
	v31 =	vadd.f32 v1, v4  }
0x364: {  	v4 =	vld [tilespmem:s24+$0x580];
	v32 =	vadd.f32 v6, v8;
	v33 =	vadd.f32 v5, v7  }
0x365: {  	v5 =	vld [tilespmem:s24+$0x590];
	v0 =	vmov v14  }
0x366: {  	v6 =	vld [tilespmem:s24+$0x540];
	v1 =	vmov v11  }
0x367: {  	v7 =	vld [tilespmem:s24+$0x550]  }
0x368: {  	v8 =	vld [tilespmem:s24+$0x500]  }
0x369: {  	v9 =	vld [tilespmem:s24+$0x510]  }
0x36a: {  	v10 =	vld [tilespmem:s24+$0x4C0]  }
0x36b: {  	v11 =	vld [tilespmem:s24+$0x4D0]  }
0x36c: {  	v12 =	vld [tilespmem:s24+$0x480]  }
0x36d: {  	v13 =	vld [tilespmem:s24+$0x490]  }
0x36e: {  	v14 =	vld [tilespmem:s24+$0x440]  }
0x36f: {  	v15 =	vld [tilespmem:s24+$0x450]  }
0x370: {  	v16 =	vld [tilespmem:s24+$0x400]  }
0x371: {  	v17 =	vld [tilespmem:s24+$0x410]  }
0x372: {  	v18 =	vld [tilespmem:s24+$0x3C0]  }
0x373: {  	v19 =	vld [tilespmem:s24+$0x3D0]  }
0x374: {  	v20 =	vld [tilespmem:s24+$0x380]  }
0x375: {  	v21 =	vld [tilespmem:s24+$0x390]  }
0x376: {  	v22 =	vld [tilespmem:s24+$0x340]  }
0x377: {  	v23 =	vld [tilespmem:s24+$0x350]  }
0x378: {  	v24 =	vld [tilespmem:s24+$0x300]  }
0x379: {  	v25 =	vld [tilespmem:s24+$0x310]  }
0x37a: {  	v26 =	vld [tilespmem:s24+$0x2C0]  }
0x37b: {  	v27 =	vld [tilespmem:s24+$0x2D0]  }
0x37c: {  	v28 =	vld [tilespmem:s24+$0x280]  }
0x37d: {  	v29 =	vld [tilespmem:s24+$0x290]  }
0x37e: {  	v34 =	vld [tilespmem:s24+$0x240]  }
0x37f: {  	v35 =	vld [tilespmem:s24+$0x250]  }
0x380: {  	v36 =	vld [tilespmem:s24+$0x200]  }
0x381: {  	v37 =	vld [tilespmem:s24+$0x210]  }
0x382: {  	v38 =	vld [tilespmem:s24+$0x1C0]  }
0x383: {  	v39 =	vld [tilespmem:s24+$0x1D0]  }
0x384: {  	v40 =	vld [tilespmem:s24+$0x180]  }
0x385: {  	v41 =	vld [tilespmem:s24+$0x190]  }
0x386: {  	v42 =	vld [tilespmem:s24+$0x140]  }
0x387: {  	v43 =	vld [tilespmem:s24+$0x150]  }
0x388: {  	v44 =	vld [tilespmem:s24+$0x100]  }
0x389: {  	v45 =	vld [tilespmem:s24+$0x110]  }
0x38a: {  	v46 =	vld [tilespmem:s24+$0xC0]  }
0x38b: {  	v47 =	vld [tilespmem:s24+$0xD0]  }
0x38c: {  	v48 =	vld [tilespmem:s24+$0x80]  }
0x38d: {  	v49 =	vld [tilespmem:s24+$0x90]  }
0x38e: {  	v50 =	vld [tilespmem:s24+$0x40]  }
0x38f: {  	v51 =	vld [tilespmem:s24+$0x50]  }
0x390: {  	v52 =	vld [tilespmem:s24+$0x0]  }
0x391: {  	v53 =	vld [tilespmem:s24+$0x10]  }
0x392: {  	v54 =	vld [tilespmem:s24+$0x20]  }
0x393: {  	s23 =	sadd.s32 $0x19, s23;
	v55 =	vld [tilespmem:s24+$0x30]  }
0x394: {  	p0 =	slt.u32 s23, $0xAF;
	v56 =	vld [tilespmem:s24+$0x60]  }
0x395: {  	v57 =	vld [tilespmem:s24+$0x70]  }
0x396: {  	v58 =	vld [tilespmem:s24+$0xA0]  }
0x397: {  	v30 =	vadd.f32 v52, v30;
	v31 =	vadd.f32 v53, v31;
	v52 =	vld [tilespmem:s24+$0xB0]  }
0x398: {  	v32 =	vadd.f32 v54, v32;
	v33 =	vadd.f32 v55, v33;
	v53 =	vld [tilespmem:s24+$0xE0]  }
0x399: {  	v30 =	vadd.f32 v50, v30;
	v31 =	vadd.f32 v51, v31;
	v50 =	vld [tilespmem:s24+$0xF0]  }
0x39a: {  	v32 =	vadd.f32 v56, v32;
	v33 =	vadd.f32 v57, v33;
	v51 =	vld [tilespmem:s24+$0x120]  }
0x39b: {  	v30 =	vadd.f32 v48, v30;
	v31 =	vadd.f32 v49, v31;
	v48 =	vld [tilespmem:s24+$0x130]  }
0x39c: {  	v32 =	vadd.f32 v58, v32;
	v33 =	vadd.f32 v52, v33;
	v49 =	vld [tilespmem:s24+$0x160]  }
0x39d: {  	v30 =	vadd.f32 v46, v30;
	v31 =	vadd.f32 v47, v31;
	v46 =	vld [tilespmem:s24+$0x170]  }
0x39e: {  	v32 =	vadd.f32 v53, v32;
	v33 =	vadd.f32 v50, v33;
	v47 =	vld [tilespmem:s24+$0x1A0]  }
0x39f: {  	v30 =	vadd.f32 v44, v30;
	v31 =	vadd.f32 v45, v31;
	v44 =	vld [tilespmem:s24+$0x1B0]  }
0x3a0: {  	v32 =	vadd.f32 v51, v32;
	v33 =	vadd.f32 v48, v33;
	v45 =	vld [tilespmem:s24+$0x1E0]  }
0x3a1: {  	v30 =	vadd.f32 v42, v30;
	v31 =	vadd.f32 v43, v31;
	v42 =	vld [tilespmem:s24+$0x1F0]  }
0x3a2: {  	v32 =	vadd.f32 v49, v32;
	v33 =	vadd.f32 v46, v33;
	v43 =	vld [tilespmem:s24+$0x220]  }
0x3a3: {  	v30 =	vadd.f32 v40, v30;
	v31 =	vadd.f32 v41, v31;
	v40 =	vld [tilespmem:s24+$0x230]  }
0x3a4: {  	v32 =	vadd.f32 v47, v32;
	v33 =	vadd.f32 v44, v33;
	v41 =	vld [tilespmem:s24+$0x260]  }
0x3a5: {  	v30 =	vadd.f32 v38, v30;
	v31 =	vadd.f32 v39, v31;
	v38 =	vld [tilespmem:s24+$0x270]  }
0x3a6: {  	v32 =	vadd.f32 v45, v32;
	v33 =	vadd.f32 v42, v33;
	v39 =	vld [tilespmem:s24+$0x2A0]  }
0x3a7: {  	v30 =	vadd.f32 v36, v30;
	v31 =	vadd.f32 v37, v31;
	v36 =	vld [tilespmem:s24+$0x2B0]  }
0x3a8: {  	v32 =	vadd.f32 v43, v32;
	v33 =	vadd.f32 v40, v33;
	v37 =	vld [tilespmem:s24+$0x2E0]  }
0x3a9: {  	v30 =	vadd.f32 v34, v30;
	v31 =	vadd.f32 v35, v31;
	v34 =	vld [tilespmem:s24+$0x2F0]  }
0x3aa: {  	v32 =	vadd.f32 v41, v32;
	v33 =	vadd.f32 v38, v33;
	v35 =	vld [tilespmem:s24+$0x320]  }
0x3ab: {  	v28 =	vadd.f32 v28, v30;
	v29 =	vadd.f32 v29, v31;
	v30 =	vld [tilespmem:s24+$0x330]  }
0x3ac: {  	v31 =	vadd.f32 v39, v32;
	v32 =	vadd.f32 v36, v33;
	v33 =	vld [tilespmem:s24+$0x360]  }
0x3ad: {  	v26 =	vadd.f32 v26, v28;
	v27 =	vadd.f32 v27, v29;
	v28 =	vld [tilespmem:s24+$0x370]  }
0x3ae: {  	v29 =	vadd.f32 v37, v31;
	v31 =	vadd.f32 v34, v32;
	v32 =	vld [tilespmem:s24+$0x3A0]  }
0x3af: {  	v24 =	vadd.f32 v24, v26;
	v25 =	vadd.f32 v25, v27;
	v26 =	vld [tilespmem:s24+$0x3B0]  }
0x3b0: {  	v27 =	vadd.f32 v35, v29;
	v29 =	vadd.f32 v30, v31;
	v30 =	vld [tilespmem:s24+$0x3E0]  }
0x3b1: {  	v22 =	vadd.f32 v22, v24;
	v23 =	vadd.f32 v23, v25;
	v24 =	vld [tilespmem:s24+$0x3F0]  }
0x3b2: {  	v25 =	vadd.f32 v33, v27;
	v27 =	vadd.f32 v28, v29;
	v28 =	vld [tilespmem:s24+$0x420]  }
0x3b3: {  	v20 =	vadd.f32 v20, v22;
	v21 =	vadd.f32 v21, v23;
	v22 =	vld [tilespmem:s24+$0x430]  }
0x3b4: {  	v23 =	vadd.f32 v32, v25;
	v25 =	vadd.f32 v26, v27;
	v26 =	vld [tilespmem:s24+$0x460]  }
0x3b5: {  	v18 =	vadd.f32 v18, v20;
	v19 =	vadd.f32 v19, v21;
	v20 =	vld [tilespmem:s24+$0x470]  }
0x3b6: {  	v21 =	vadd.f32 v30, v23;
	v23 =	vadd.f32 v24, v25;
	v24 =	vld [tilespmem:s24+$0x4A0]  }
0x3b7: {  	v16 =	vadd.f32 v16, v18;
	v17 =	vadd.f32 v17, v19;
	v18 =	vld [tilespmem:s24+$0x4B0]  }
0x3b8: {  	v19 =	vadd.f32 v28, v21;
	v21 =	vadd.f32 v22, v23;
	v22 =	vld [tilespmem:s24+$0x4E0]  }
0x3b9: {  	v14 =	vadd.f32 v14, v16;
	v15 =	vadd.f32 v15, v17;
	v16 =	vld [tilespmem:s24+$0x4F0]  }
0x3ba: {  	v17 =	vadd.f32 v26, v19;
	v19 =	vadd.f32 v20, v21;
	v20 =	vld [tilespmem:s24+$0x520]  }
0x3bb: {  	v12 =	vadd.f32 v12, v14;
	v13 =	vadd.f32 v13, v15;
	v14 =	vld [tilespmem:s24+$0x530]  }
0x3bc: {  	v15 =	vadd.f32 v24, v17;
	v17 =	vadd.f32 v18, v19;
	v18 =	vld [tilespmem:s24+$0x560]  }
0x3bd: {  	v12 =	vadd.f32 v10, v12;
	v11 =	vadd.f32 v11, v13;
	v13 =	vld [tilespmem:s24+$0x570]  }
0x3be: {  	v15 =	vadd.f32 v22, v15;
	v16 =	vadd.f32 v16, v17;
	v10 =	vld [tilespmem:s24+$0x5A0]  }
.Ltmp3:
0x3bf: {  	v12 =	vadd.f32 v8, v12;
	v11 =	vadd.f32 v9, v11;
	v9 =	vld [tilespmem:s24+$0x5B0];
	(pc) =	sbr.rel @p0 .LBB2_9-.Ltmp3, $4  }
0x3c0: {  	v15 =	vadd.f32 v20, v15;
	v14 =	vadd.f32 v14, v16;
	v8 =	vld [tilespmem:s24+$0x5E0]  }
0x3c1: {  	v16 =	vadd.f32 v6, v12;
	v17 =	vadd.f32 v7, v11;
	v7 =	vld [tilespmem:s24+$0x5F0]  }
0x3c2: {  	v12 =	vadd.f32 v18, v15;
	v11 =	vadd.f32 v13, v14;
	v6 =	vld [tilespmem:s24+$0x620]  }
0x3c3: {  	v13 =	vadd.f32 v4, v16;
	v4 =	vadd.f32 v5, v17;
	v5 =	vld [tilespmem:s24+$0x630];
	s24 =	sadd.s32 $0x640, s24  }
0x3c4: {  	s22 =	sshll.u32 s22, $0x6  }
0x3c5: {  	s23 =	sshrl.u32 s22, $0x2  }
0x3c6: {  	v14 =	vld [tilespmem:s23+$0x7000]  }
0x3c7: {  	v10 =	vadd.f32 v10, v12;
	v2 =	vadd.f32 v2, v13  }
0x3c8: {  	v9 =	vadd.f32 v9, v11;
	v3 =	vadd.f32 v3, v4  }
0x3c9: {  	v59 =	vadd.f32 v8, v10;
	v0 =	vadd.f32 v0, v2  }
0x3ca: {  	s21 =	sadd.s32 $0x1, s21;
	v60 =	vadd.f32 v7, v9;
	v1 =	vadd.f32 v1, v3  }
0x3cb: {  	p0 =	sne.s32 s21, $0x20;
	v61 =	vadd.f32 v6, v59;
	v0 =	vmul.f32 v14, v0  }
.Ltmp4:
0x3cc: {  	v2 =	vadd.f32 v5, v60;
	v1 =	vmul.f32 v14, v1;
	(pc) =	sbr.rel @p0 .LBB2_2-.Ltmp4, $4  }
0x3cd: {  	v62 =	vmul.f32 v14, v61;
	[tilespmem:s22+$0x14000] =	vst v0  }
0x3ce: {  	v63 =	vmul.f32 v14, v2;
	[tilespmem:s22+$0x14010] =	vst v1  }
0x3cf: {  	[tilespmem:s22+$0x14020] =	vst v62  }
0x3d0: {  	[tilespmem:s22+$0x14030] =	vst v63  }
0x3d1: {  	s20 =	sadd.s32 $0x1, s20  }
0x3d2: {  	p0 =	sne.s32 s20, s7  }
.Ltmp5:
0x3d3: {  	_ = 	snop;
	(pc) =	sbr.rel @p0 .LBB2_1-.Ltmp5, $4  }
0x3d4: {  	[hbm4b:s6+s2] =	stream.linear.scatter [tilespmem:s19], [sflag:$0x5], $0x2000, $0x38;
	[tilespmem:$0x16000] =	vst v63  }
0x3d5: {  	_ =	swait.ge [sflag:s8], $0x2000  }
0x3d6: {  	[sflag:s8] =	ssyncset.done $0x0  }
0x3d7: {  	[sflag:s8] =	ssyncadd.s32 $0xFFFFE000  }
0x3d8: {  	_ =	sfence.sel $0x180000  }
0x3d9: {  	[bflag:$0x0] =	sbarrier.arrive $0xFFFF  }
0x3da: {  	_ =	strace $0x90000047  }
0x3db: {  	s0 =	stileid.u32;
	[bflag:$0x2] =	sbarrier.arrive $0xFFFF  }
0x3dc: {  	p0 =	sne.s32 s0, $0x0;
	s0 =	rddreg [dreg:$0x2]  }
0x3dd: {  	s0 =	sadd.s32 @!p0 $0x100000, s0  }
0x3de: {  	[sflag:s0] =	ssyncadd.tile.s32 @!p0 $0x1;
	_ =	shalt  }
.Lfunc_end2:
_tile_overlayer_lowered:
.L_overlay_start_2:
0x3df: {  	(tag) =	ssettag $0x2  }
0x3e0: {  	s0 =	rddreg [dreg:$0x0];
	s2 =	stileid.u32  }
0x3e1: {  	s1 =	rddreg [dreg:$0x1];
	p0 =	sne.s32 s2, $0x0  }
0x3e2: {  	s3 =	rddreg [dreg:$0x2];
	[bflag:$0x3] =	sbarrier.arrive $0xFFFF;
	s2 =	simm.s32 @!p0 $0x1C05  }
0x3e3: {  	[timem:s3], [sflag:s2] =	dma.local @!p0 [hbm:s0], s1  }
0x3e4: {  	s0 =	simm.s32 @!p0 $0x5  }
0x3e5: {  	_ =	swait.ge @!p0 [sflag:s0], s1  }
0x3e6: {  	s1 =	ssub.s32 @!p0 $0x0, s1;
	[sflag:s0] =	ssyncset.done @!p0 $0x0  }
0x3e7: {  	[sflag:s0] =	ssyncadd.s32 @!p0 s1  }
0x3e8: {  	[bflag:$0x3] =	sbarrier.arrive $0xFFFF  }
0x3e9: {  	_ =	shalt  }

</sc_bundles>
